<compile_context>
chip_gen: v7x
topology: tpu7x:2x2x1
jax: 0.10.2.dev20260603
libtpu: 0.0.44.dev20260713+nightly
codegen_flags: <defaults>
</compile_context>

<pallas_src>
import functools

import jax
import jax.numpy as jnp
from jax import lax
from jax.experimental import pallas as pl
from jax.experimental.pallas import tpu as pltpu
from jax.experimental.pallas import tpu_sc as plsc

B, T, C, D = 16, 128, 16, 2048
L = 21
N = 4
TP = T - (N - 1)
BT = B * T
DC = 2048

_NW = 16
_TW = T // _NW


def _sc_hist_body(inp_hbm, out_hbm, inp_v, cnt_v):
    ci = lax.axis_index("c")
    si = lax.axis_index("s")
    t0 = (ci * 8 + si) * _TW

    @pl.when(si < 8)
    def _():
        pltpu.sync_copy(inp_hbm.at[pl.ds(t0 * C * B, _TW * C * B)], inp_v)
        zero = jnp.zeros((B,), jnp.float32)

        def tstep(tt, carry):
            accs = [zero] * L
            for c in range(C):
                x = inp_v[pl.ds(tt * C * B + c * B, B)]
                lev = (x - 0.0) / 20.0 * 20.0
                t = lev.astype(jnp.int32)
                f = lev - t.astype(jnp.float32)
                up = jnp.where(f > 0.5, 1, jnp.where(f == 0.5, t & 1, 0))
                idx = jnp.clip(t + up, 0, L - 1)
                for l in range(L):
                    accs[l] = accs[l] + jnp.where(idx == l, 1.0, 0.0)
            for l in range(L):
                cnt_v[l, pl.ds(tt * B, B)] = accs[l]
            return carry

        lax.fori_loop(0, _TW, tstep, 0)
        pltpu.sync_copy(cnt_v, out_hbm.at[:, pl.ds(t0 * B, _TW * B)])


def _sc_hist(inp):
    run = functools.partial(
        pl.kernel,
        mesh=plsc.VectorSubcoreMesh(core_axis_name="c", subcore_axis_name="s"),
        out_type=jax.ShapeDtypeStruct((L, BT), jnp.float32),
        scratch_types=[
            pltpu.VMEM((_TW * C * B,), jnp.float32),
            pltpu.VMEM((L, _TW * B), jnp.float32),
        ],
    )(_sc_hist_body)
    return run(inp)


def _tc_body(cnt_ref, sw_ref, tw_ref, pm_ref, out_ref):
    counts_t = cnt_ref[...]
    s = lax.dot_general(counts_t, sw_ref[...],
                        (((0,), (0,)), ((), ())),
                        preferred_element_type=jnp.float32)
    tw = tw_ref[...]
    twf = jnp.broadcast_to(tw[:, None, :], (T, B, DC)).reshape(BT, DC)
    samples = s * twf
    g = (samples[0:TP * B]
         * samples[B:(TP + 1) * B]
         * samples[2 * B:(TP + 2) * B]
         * samples[3 * B:(TP + 3) * B])
    acc = jnp.sum(g.reshape(TP, B, DC), axis=0)
    p = pm_ref[0, :] * pm_ref[1, :] * pm_ref[2, :]
    v = acc * p[None, :]
    out_ref[...] = jnp.where(v > 0, 1.0, -1.0)


def kernel(input, signals_weight, channels_weight, timestamps_weight, permute_hv):
    del channels_weight
    inp3 = input.reshape(B, T * C).T.reshape(T * C * B)
    counts_t = _sc_hist(inp3)
    return pl.pallas_call(
        _tc_body,
        grid=(D // DC,),
        in_specs=[
            pl.BlockSpec((L, BT), lambda d: (0, 0)),
            pl.BlockSpec((L, DC), lambda d: (0, d)),
            pl.BlockSpec((T, DC), lambda d: (0, d)),
            pl.BlockSpec((N - 1, DC), lambda d: (0, d)),
        ],
        out_specs=pl.BlockSpec((B, DC), lambda d: (0, d)),
        out_shape=jax.ShapeDtypeStruct((B, D), jnp.float32),
    )(counts_t, signals_weight, timestamps_weight, permute_hv)

# --- scband reference (transcript-rebuilt; emitter-appended) ---
"""Pipeline reference for scband-encoder-74371653698194 (READ-ONLY COPY).

The authoritative reference and input builder live on the scoring server;
editing this copy changes nothing except your own understanding.
"""

import jax, jax.numpy as jnp
import numpy as np

NUM_LEVELS = 21
N_GRAM_SIZE = 4
LOW, HIGH = 0.0, 20.0
B, T, C, D = 16, 128, 16, 2048


def _rademacher(key, shape):
    return jnp.where(jax.random.bernoulli(key, 0.5, shape), 1.0, -1.0).astype(jnp.float32)


def setup_inputs(seed: int = 0):
    key = jax.random.key(seed)
    k1, k2, k3, k4, k5 = jax.random.split(key, 5)
    inp = jax.random.uniform(k1, (B, T, C), jnp.float32) * (HIGH - LOW) + LOW
    signals_weight = _rademacher(k2, (NUM_LEVELS, D))
    channels_weight = _rademacher(k3, (C, D))
    timestamps_weight = _rademacher(k4, (T, D))
    permute_hv = _rademacher(k5, (N_GRAM_SIZE - 1, D))
    return {"input": inp, "signals_weight": signals_weight, "channels_weight": channels_weight, "timestamps_weight": timestamps_weight, "permute_hv": permute_hv}


def _value_to_index(x):
    idx = jnp.round((x - LOW) / (HIGH - LOW) * (NUM_LEVELS - 1))
    return jnp.clip(idx, 0, NUM_LEVELS - 1).astype(jnp.int32)


def reference(input, signals_weight, channels_weight, timestamps_weight, permute_hv):
    # embeddings.Level lookup: quantize continuous values to level indices, gather hypervectors
    idx = _value_to_index(input)
    signal = jnp.take(signals_weight, idx, axis=0)  # [B, T, C, D]
    # first bind (dead in original torch code: result overwritten) -- kept for faithfulness
    _dead = signal * channels_weight[None, None, :, :]
    # second bind (the one actually used)
    samples = signal * timestamps_weight[None, :, None, :]  # [B, T, C, D]
    samples = jnp.sum(samples, axis=-2)  # multiset over channels -> [B, T, D]
    # ngram(n=4) with circular permute hypervectors
    n = N_GRAM_SIZE
    n_gram = samples[..., :-(n - 1), :] * permute_hv[n - 2][None, None, :]
    for i in range(1, n):
        stop = None if i == n - 1 else -(n - i - 1)
        if n - i - 1 == 0:
            sample = samples[..., i:stop, :]
        else:
            sample = samples[..., i:stop, :] * permute_hv[n - i - 2][None, None, :]
        n_gram = n_gram * sample
    sample_hv = jnp.sum(n_gram, axis=-2)  # multiset over n-gram positions -> [B, D]
    return jnp.where(sample_hv > 0, 1.0, -1.0)  # hard_quantize

if __name__ == "__main__":
    import jax
    _d = setup_inputs()
    print(jax.jit(kernel)(*tuple(_d.values())))

</pallas_src>

<mosaic_0001>
#map = affine_map<(d0, d1) -> (0)>
#map1 = affine_map<(d0, d1) -> (0, 0)>
module attributes {stable_mosaic.version = 14 : i64} {
  func.func @_sc_hist_body(%arg0: i32, %arg1: i32, %arg2: memref<32768xf32, #tpu.memory_space<hbm>>, %arg3: memref<21x2048xf32, #tpu.memory_space<hbm>>, %arg4: memref<2048xf32, #tpu.memory_space<vmem>>, %arg5: memref<21x128xf32, #tpu.memory_space<vmem>>) attributes {dimension_semantics = [#tpu.dimension_semantics<core_parallel>, #tpu.dimension_semantics<subcore_parallel>], iteration_bounds = array<i64: 2, 16>, scalar_prefetch = 0 : i64, scratch_operands = 2 : i64, tpu.core_type = #tpu.core_type<sc_vector_subcore>, window_params = [{transform_indices = #map}, {transform_indices = #map1}]} {
    %mul3A = arith.constant 8 : i32
    %mul3A_0 = arith.muli %arg0, %mul3A : i32
    %add3A = arith.addi %mul3A_0, %arg1 : i32
    %mul3A_1 = arith.constant 8 : i32
    %mul3A_2 = arith.muli %add3A, %mul3A_1 : i32
    %lt3A = arith.constant 8 : i32
    %lt3A_3 = arith.cmpi slt, %arg1, %lt3A : i32
    %convert_element_type3A = arith.extui %lt3A_3 : i1 to i32
    %cond3A = arith.constant 0 : i32
    %cond3A_4 = arith.cmpi ne, %convert_element_type3A, %cond3A : i32
    scf.if %cond3A_4 {
      %mul3A_5 = arith.constant 16 : i32
      %mul3A_6 = arith.muli %mul3A_2, %mul3A_5 : i32
      %mul3A_7 = arith.constant 16 : i32
      %mul3A_8 = arith.muli %mul3A_6, %mul3A_7 : i32
      "tpu.region"() ({
        %run_scoped3A = tpu.sem_alloc : memref<!tpu.dma_semaphore, #tpu.memory_space<semaphore_mem>>
        %dma_start3A = tpu.memref_slice %arg2[%mul3A_8] : memref<32768xf32, #tpu.memory_space<hbm>> -> memref<2048xf32, #tpu.memory_space<hbm>>
        %dma_start3A_17 = tpu.memref_slice %arg2[%mul3A_8] : memref<32768xf32, #tpu.memory_space<hbm>> -> memref<2048xf32, #tpu.memory_space<hbm>>
        tpu.enqueue_dma source(%dma_start3A_17 : memref<2048xf32, #tpu.memory_space<hbm>>) target(%arg4 : memref<2048xf32, #tpu.memory_space<vmem>>) target_semaphore(%run_scoped3A : memref<!tpu.dma_semaphore, #tpu.memory_space<semaphore_mem>>)
        %dma_wait3A = tpu.memref_slice %arg2[%mul3A_8] : memref<32768xf32, #tpu.memory_space<hbm>> -> memref<2048xf32, #tpu.memory_space<hbm>>
        %dma_wait3A_18 = tpu.memref_slice %arg2[%mul3A_8] : memref<32768xf32, #tpu.memory_space<hbm>> -> memref<2048xf32, #tpu.memory_space<hbm>>
        tpu.wait_dma2 semaphore(%run_scoped3A : memref<!tpu.dma_semaphore, #tpu.memory_space<semaphore_mem>>) src(%dma_wait3A_18 : memref<2048xf32, #tpu.memory_space<hbm>>) dst(%arg4 : memref<2048xf32, #tpu.memory_space<vmem>>)
        tpu.yield
      }) : () -> ()
      %broadcast_in_dim3A = arith.constant 0.000000e+00 : f32
      %broadcast_in_dim3A_9 = vector.broadcast %broadcast_in_dim3A : f32 to vector<16xf32>
      %scan3A = arith.constant 0 : i32
      %scan3A_10 = arith.constant 0 : i32
      %scan3A_11 = arith.constant 8 : i32
      %scan3A_12 = arith.addi %scan3A_10, %scan3A_11 : i32
      %scan3A_13 = arith.constant 1 : i32
      scf.for %scan3A_17 = %scan3A_10 to %scan3A_12 step %scan3A_13  : i32 {
        %mul3A_18 = arith.constant 16 : i32
        %mul3A_19 = arith.muli %scan3A_17, %mul3A_18 : i32
        %mul3A_20 = arith.constant 16 : i32
        %mul3A_21 = arith.muli %mul3A_19, %mul3A_20 : i32
        %add3A_22 = arith.constant 0 : i32
        %add3A_23 = arith.addi %mul3A_21, %add3A_22 : i32
        %get3A = arith.index_cast %add3A_23 : i32 to index
        %get3A_24 = tpu.vector_load %arg4[%get3A] {strides = array<i32>} : memref<2048xf32, #tpu.memory_space<vmem>>, vector<16xf32>,
        %get3A_25 = vector.shape_cast %get3A_24 : vector<16xf32> to vector<16xf32>
        %sub3A = arith.constant 0.000000e+00 : f32
        %sub3A_26 = vector.broadcast %sub3A : f32 to vector<16xf32>
        %sub3A_27 = arith.subf %get3A_25, %sub3A_26 : vector<16xf32>
        %div3A = arith.constant 2.000000e+01 : f32
        %div3A_28 = vector.broadcast %div3A : f32 to vector<16xf32>
        %div3A_29 = arith.divf %sub3A_27, %div3A_28 : vector<16xf32>
        %mul3A_30 = arith.constant 2.000000e+01 : f32
        %mul3A_31 = vector.broadcast %mul3A_30 : f32 to vector<16xf32>
        %mul3A_32 = arith.mulf %div3A_29, %mul3A_31 : vector<16xf32>
        %convert_element_type3A_33 = arith.fptosi %mul3A_32 : vector<16xf32> to vector<16xi32>
        %convert_element_type3A_34 = arith.sitofp %convert_element_type3A_33 : vector<16xi32> to vector<16xf32>
        %sub3A_35 = arith.subf %mul3A_32, %convert_element_type3A_34 : vector<16xf32>
        %gt3A = arith.constant 5.000000e-01 : f32
        %gt3A_36 = vector.broadcast %gt3A : f32 to vector<16xf32>
        %gt3A_37 = arith.cmpf ogt, %sub3A_35, %gt3A_36 : vector<16xf32>
        %eq3A = arith.constant 5.000000e-01 : f32
        %eq3A_38 = vector.broadcast %eq3A : f32 to vector<16xf32>
        %eq3A_39 = arith.cmpf oeq, %sub3A_35, %eq3A_38 : vector<16xf32>
        %and3A = arith.constant 1 : i32
        %and3A_40 = vector.broadcast %and3A : i32 to vector<16xi32>
        %and3A_41 = arith.andi %convert_element_type3A_33, %and3A_40 : vector<16xi32>
        %jit3A = arith.constant 0 : i32
        %broadcast_in_dim3A_42 = vector.broadcast %jit3A : i32 to vector<16xi32>
        %select_n3A = arith.select %eq3A_39, %and3A_41, %broadcast_in_dim3A_42 : vector<16xi1>, vector<16xi32>
        %jit3A_43 = arith.constant 1 : i32
        %broadcast_in_dim3A_44 = vector.broadcast %jit3A_43 : i32 to vector<16xi32>
        %select_n3A_45 = arith.select %gt3A_37, %broadcast_in_dim3A_44, %select_n3A : vector<16xi1>, vector<16xi32>
        %add3A_46 = arith.addi %convert_element_type3A_33, %select_n3A_45 : vector<16xi32>
        %jit3A_47 = arith.constant 0 : i32
        %jit3A_48 = arith.constant 20 : i32
        %max3A = vector.broadcast %jit3A_47 : i32 to vector<16xi32>
        %max3A_49 = arith.maxsi %max3A, %add3A_46 : vector<16xi32>
        %min3A = vector.broadcast %jit3A_48 : i32 to vector<16xi32>
        %min3A_50 = arith.minsi %min3A, %max3A_49 : vector<16xi32>
        %eq3A_51 = arith.constant 0 : i32
        %eq3A_52 = vector.broadcast %eq3A_51 : i32 to vector<16xi32>
        %eq3A_53 = arith.cmpi eq, %min3A_50, %eq3A_52 : vector<16xi32>
        %jit3A_54 = arith.constant 1.000000e+00 : f32
        %jit3A_55 = arith.constant 0.000000e+00 : f32
        %broadcast_in_dim3A_56 = vector.broadcast %jit3A_54 : f32 to vector<16xf32>
        %broadcast_in_dim3A_57 = vector.broadcast %jit3A_55 : f32 to vector<16xf32>
        %select_n3A_58 = arith.select %eq3A_53, %broadcast_in_dim3A_56, %broadcast_in_dim3A_57 : vector<16xi1>, vector<16xf32>
        %add3A_59 = arith.addf %broadcast_in_dim3A_9, %select_n3A_58 : vector<16xf32>
        %eq3A_60 = arith.constant 1 : i32
        %eq3A_61 = vector.broadcast %eq3A_60 : i32 to vector<16xi32>
        %eq3A_62 = arith.cmpi eq, %min3A_50, %eq3A_61 : vector<16xi32>
        %jit3A_63 = arith.constant 1.000000e+00 : f32
        %jit3A_64 = arith.constant 0.000000e+00 : f32
        %broadcast_in_dim3A_65 = vector.broadcast %jit3A_63 : f32 to vector<16xf32>
        %broadcast_in_dim3A_66 = vector.broadcast %jit3A_64 : f32 to vector<16xf32>
        %select_n3A_67 = arith.select %eq3A_62, %broadcast_in_dim3A_65, %broadcast_in_dim3A_66 : vector<16xi1>, vector<16xf32>
        %add3A_68 = arith.addf %broadcast_in_dim3A_9, %select_n3A_67 : vector<16xf32>
        %eq3A_69 = arith.constant 2 : i32
        %eq3A_70 = vector.broadcast %eq3A_69 : i32 to vector<16xi32>
        %eq3A_71 = arith.cmpi eq, %min3A_50, %eq3A_70 : vector<16xi32>
        %jit3A_72 = arith.constant 1.000000e+00 : f32
        %jit3A_73 = arith.constant 0.000000e+00 : f32
        %broadcast_in_dim3A_74 = vector.broadcast %jit3A_72 : f32 to vector<16xf32>
        %broadcast_in_dim3A_75 = vector.broadcast %jit3A_73 : f32 to vector<16xf32>
        %select_n3A_76 = arith.select %eq3A_71, %broadcast_in_dim3A_74, %broadcast_in_dim3A_75 : vector<16xi1>, vector<16xf32>
        %add3A_77 = arith.addf %broadcast_in_dim3A_9, %select_n3A_76 : vector<16xf32>
        %eq3A_78 = arith.constant 3 : i32
        %eq3A_79 = vector.broadcast %eq3A_78 : i32 to vector<16xi32>
        %eq3A_80 = arith.cmpi eq, %min3A_50, %eq3A_79 : vector<16xi32>
        %jit3A_81 = arith.constant 1.000000e+00 : f32
        %jit3A_82 = arith.constant 0.000000e+00 : f32
        %broadcast_in_dim3A_83 = vector.broadcast %jit3A_81 : f32 to vector<16xf32>
        %broadcast_in_dim3A_84 = vector.broadcast %jit3A_82 : f32 to vector<16xf32>
        %select_n3A_85 = arith.select %eq3A_80, %broadcast_in_dim3A_83, %broadcast_in_dim3A_84 : vector<16xi1>, vector<16xf32>
        %add3A_86 = arith.addf %broadcast_in_dim3A_9, %select_n3A_85 : vector<16xf32>
        %eq3A_87 = arith.constant 4 : i32
        %eq3A_88 = vector.broadcast %eq3A_87 : i32 to vector<16xi32>
        %eq3A_89 = arith.cmpi eq, %min3A_50, %eq3A_88 : vector<16xi32>
        %jit3A_90 = arith.constant 1.000000e+00 : f32
        %jit3A_91 = arith.constant 0.000000e+00 : f32
        %broadcast_in_dim3A_92 = vector.broadcast %jit3A_90 : f32 to vector<16xf32>
        %broadcast_in_dim3A_93 = vector.broadcast %jit3A_91 : f32 to vector<16xf32>
        %select_n3A_94 = arith.select %eq3A_89, %broadcast_in_dim3A_92, %broadcast_in_dim3A_93 : vector<16xi1>, vector<16xf32>
        %add3A_95 = arith.addf %broadcast_in_dim3A_9, %select_n3A_94 : vector<16xf32>
        %eq3A_96 = arith.constant 5 : i32
        %eq3A_97 = vector.broadcast %eq3A_96 : i32 to vector<16xi32>
        %eq3A_98 = arith.cmpi eq, %min3A_50, %eq3A_97 : vector<16xi32>
        %jit3A_99 = arith.constant 1.000000e+00 : f32
        %jit3A_100 = arith.constant 0.000000e+00 : f32
        %broadcast_in_dim3A_101 = vector.broadcast %jit3A_99 : f32 to vector<16xf32>
        %broadcast_in_dim3A_102 = vector.broadcast %jit3A_100 : f32 to vector<16xf32>
        %select_n3A_103 = arith.select %eq3A_98, %broadcast_in_dim3A_101, %broadcast_in_dim3A_102 : vector<16xi1>, vector<16xf32>
        %add3A_104 = arith.addf %broadcast_in_dim3A_9, %select_n3A_103 : vector<16xf32>
        %eq3A_105 = arith.constant 6 : i32
        %eq3A_106 = vector.broadcast %eq3A_105 : i32 to vector<16xi32>
        %eq3A_107 = arith.cmpi eq, %min3A_50, %eq3A_106 : vector<16xi32>
        %jit3A_108 = arith.constant 1.000000e+00 : f32
        %jit3A_109 = arith.constant 0.000000e+00 : f32
        %broadcast_in_dim3A_110 = vector.broadcast %jit3A_108 : f32 to vector<16xf32>
        %broadcast_in_dim3A_111 = vector.broadcast %jit3A_109 : f32 to vector<16xf32>
        %select_n3A_112 = arith.select %eq3A_107, %broadcast_in_dim3A_110, %broadcast_in_dim3A_111 : vector<16xi1>, vector<16xf32>
        %add3A_113 = arith.addf %broadcast_in_dim3A_9, %select_n3A_112 : vector<16xf32>
        %eq3A_114 = arith.constant 7 : i32
        %eq3A_115 = vector.broadcast %eq3A_114 : i32 to vector<16xi32>
        %eq3A_116 = arith.cmpi eq, %min3A_50, %eq3A_115 : vector<16xi32>
        %jit3A_117 = arith.constant 1.000000e+00 : f32
        %jit3A_118 = arith.constant 0.000000e+00 : f32
        %broadcast_in_dim3A_119 = vector.broadcast %jit3A_117 : f32 to vector<16xf32>
        %broadcast_in_dim3A_120 = vector.broadcast %jit3A_118 : f32 to vector<16xf32>
        %select_n3A_121 = arith.select %eq3A_116, %broadcast_in_dim3A_119, %broadcast_in_dim3A_120 : vector<16xi1>, vector<16xf32>
        %add3A_122 = arith.addf %broadcast_in_dim3A_9, %select_n3A_121 : vector<16xf32>
        %eq3A_123 = arith.constant 8 : i32
        %eq3A_124 = vector.broadcast %eq3A_123 : i32 to vector<16xi32>
        %eq3A_125 = arith.cmpi eq, %min3A_50, %eq3A_124 : vector<16xi32>
        %jit3A_126 = arith.constant 1.000000e+00 : f32
        %jit3A_127 = arith.constant 0.000000e+00 : f32
        %broadcast_in_dim3A_128 = vector.broadcast %jit3A_126 : f32 to vector<16xf32>
        %broadcast_in_dim3A_129 = vector.broadcast %jit3A_127 : f32 to vector<16xf32>
        %select_n3A_130 = arith.select %eq3A_125, %broadcast_in_dim3A_128, %broadcast_in_dim3A_129 : vector<16xi1>, vector<16xf32>
        %add3A_131 = arith.addf %broadcast_in_dim3A_9, %select_n3A_130 : vector<16xf32>
        %eq3A_132 = arith.constant 9 : i32
        %eq3A_133 = vector.broadcast %eq3A_132 : i32 to vector<16xi32>
        %eq3A_134 = arith.cmpi eq, %min3A_50, %eq3A_133 : vector<16xi32>
        %jit3A_135 = arith.constant 1.000000e+00 : f32
        %jit3A_136 = arith.constant 0.000000e+00 : f32
        %broadcast_in_dim3A_137 = vector.broadcast %jit3A_135 : f32 to vector<16xf32>
        %broadcast_in_dim3A_138 = vector.broadcast %jit3A_136 : f32 to vector<16xf32>
        %select_n3A_139 = arith.select %eq3A_134, %broadcast_in_dim3A_137, %broadcast_in_dim3A_138 : vector<16xi1>, vector<16xf32>
        %add3A_140 = arith.addf %broadcast_in_dim3A_9, %select_n3A_139 : vector<16xf32>
        %eq3A_141 = arith.constant 10 : i32
        %eq3A_142 = vector.broadcast %eq3A_141 : i32 to vector<16xi32>
        %eq3A_143 = arith.cmpi eq, %min3A_50, %eq3A_142 : vector<16xi32>
        %jit3A_144 = arith.constant 1.000000e+00 : f32
        %jit3A_145 = arith.constant 0.000000e+00 : f32
        %broadcast_in_dim3A_146 = vector.broadcast %jit3A_144 : f32 to vector<16xf32>
        %broadcast_in_dim3A_147 = vector.broadcast %jit3A_145 : f32 to vector<16xf32>
        %select_n3A_148 = arith.select %eq3A_143, %broadcast_in_dim3A_146, %broadcast_in_dim3A_147 : vector<16xi1>, vector<16xf32>
        %add3A_149 = arith.addf %broadcast_in_dim3A_9, %select_n3A_148 : vector<16xf32>
        %eq3A_150 = arith.constant 11 : i32
        %eq3A_151 = vector.broadcast %eq3A_150 : i32 to vector<16xi32>
        %eq3A_152 = arith.cmpi eq, %min3A_50, %eq3A_151 : vector<16xi32>
        %jit3A_153 = arith.constant 1.000000e+00 : f32
        %jit3A_154 = arith.constant 0.000000e+00 : f32
        %broadcast_in_dim3A_155 = vector.broadcast %jit3A_153 : f32 to vector<16xf32>
        %broadcast_in_dim3A_156 = vector.broadcast %jit3A_154 : f32 to vector<16xf32>
        %select_n3A_157 = arith.select %eq3A_152, %broadcast_in_dim3A_155, %broadcast_in_dim3A_156 : vector<16xi1>, vector<16xf32>
        %add3A_158 = arith.addf %broadcast_in_dim3A_9, %select_n3A_157 : vector<16xf32>
        %eq3A_159 = arith.constant 12 : i32
        %eq3A_160 = vector.broadcast %eq3A_159 : i32 to vector<16xi32>
        %eq3A_161 = arith.cmpi eq, %min3A_50, %eq3A_160 : vector<16xi32>
        %jit3A_162 = arith.constant 1.000000e+00 : f32
        %jit3A_163 = arith.constant 0.000000e+00 : f32
        %broadcast_in_dim3A_164 = vector.broadcast %jit3A_162 : f32 to vector<16xf32>
        %broadcast_in_dim3A_165 = vector.broadcast %jit3A_163 : f32 to vector<16xf32>
        %select_n3A_166 = arith.select %eq3A_161, %broadcast_in_dim3A_164, %broadcast_in_dim3A_165 : vector<16xi1>, vector<16xf32>
        %add3A_167 = arith.addf %broadcast_in_dim3A_9, %select_n3A_166 : vector<16xf32>
        %eq3A_168 = arith.constant 13 : i32
        %eq3A_169 = vector.broadcast %eq3A_168 : i32 to vector<16xi32>
        %eq3A_170 = arith.cmpi eq, %min3A_50, %eq3A_169 : vector<16xi32>
        %jit3A_171 = arith.constant 1.000000e+00 : f32
        %jit3A_172 = arith.constant 0.000000e+00 : f32
        %broadcast_in_dim3A_173 = vector.broadcast %jit3A_171 : f32 to vector<16xf32>
        %broadcast_in_dim3A_174 = vector.broadcast %jit3A_172 : f32 to vector<16xf32>
        %select_n3A_175 = arith.select %eq3A_170, %broadcast_in_dim3A_173, %broadcast_in_dim3A_174 : vector<16xi1>, vector<16xf32>
        %add3A_176 = arith.addf %broadcast_in_dim3A_9, %select_n3A_175 : vector<16xf32>
        %eq3A_177 = arith.constant 14 : i32
        %eq3A_178 = vector.broadcast %eq3A_177 : i32 to vector<16xi32>
        %eq3A_179 = arith.cmpi eq, %min3A_50, %eq3A_178 : vector<16xi32>
        %jit3A_180 = arith.constant 1.000000e+00 : f32
        %jit3A_181 = arith.constant 0.000000e+00 : f32
        %broadcast_in_dim3A_182 = vector.broadcast %jit3A_180 : f32 to vector<16xf32>
        %broadcast_in_dim3A_183 = vector.broadcast %jit3A_181 : f32 to vector<16xf32>
        %select_n3A_184 = arith.select %eq3A_179, %broadcast_in_dim3A_182, %broadcast_in_dim3A_183 : vector<16xi1>, vector<16xf32>
        %add3A_185 = arith.addf %broadcast_in_dim3A_9, %select_n3A_184 : vector<16xf32>
        %eq3A_186 = arith.constant 15 : i32
        %eq3A_187 = vector.broadcast %eq3A_186 : i32 to vector<16xi32>
        %eq3A_188 = arith.cmpi eq, %min3A_50, %eq3A_187 : vector<16xi32>
        %jit3A_189 = arith.constant 1.000000e+00 : f32
        %jit3A_190 = arith.constant 0.000000e+00 : f32
        %broadcast_in_dim3A_191 = vector.broadcast %jit3A_189 : f32 to vector<16xf32>
        %broadcast_in_dim3A_192 = vector.broadcast %jit3A_190 : f32 to vector<16xf32>
        %select_n3A_193 = arith.select %eq3A_188, %broadcast_in_dim3A_191, %broadcast_in_dim3A_192 : vector<16xi1>, vector<16xf32>
        %add3A_194 = arith.addf %broadcast_in_dim3A_9, %select_n3A_193 : vector<16xf32>
        %eq3A_195 = arith.constant 16 : i32
        %eq3A_196 = vector.broadcast %eq3A_195 : i32 to vector<16xi32>
        %eq3A_197 = arith.cmpi eq, %min3A_50, %eq3A_196 : vector<16xi32>
        %jit3A_198 = arith.constant 1.000000e+00 : f32
        %jit3A_199 = arith.constant 0.000000e+00 : f32
        %broadcast_in_dim3A_200 = vector.broadcast %jit3A_198 : f32 to vector<16xf32>
        %broadcast_in_dim3A_201 = vector.broadcast %jit3A_199 : f32 to vector<16xf32>
        %select_n3A_202 = arith.select %eq3A_197, %broadcast_in_dim3A_200, %broadcast_in_dim3A_201 : vector<16xi1>, vector<16xf32>
        %add3A_203 = arith.addf %broadcast_in_dim3A_9, %select_n3A_202 : vector<16xf32>
        %eq3A_204 = arith.constant 17 : i32
        %eq3A_205 = vector.broadcast %eq3A_204 : i32 to vector<16xi32>
        %eq3A_206 = arith.cmpi eq, %min3A_50, %eq3A_205 : vector<16xi32>
        %jit3A_207 = arith.constant 1.000000e+00 : f32
        %jit3A_208 = arith.constant 0.000000e+00 : f32
        %broadcast_in_dim3A_209 = vector.broadcast %jit3A_207 : f32 to vector<16xf32>
        %broadcast_in_dim3A_210 = vector.broadcast %jit3A_208 : f32 to vector<16xf32>
        %select_n3A_211 = arith.select %eq3A_206, %broadcast_in_dim3A_209, %broadcast_in_dim3A_210 : vector<16xi1>, vector<16xf32>
        %add3A_212 = arith.addf %broadcast_in_dim3A_9, %select_n3A_211 : vector<16xf32>
        %eq3A_213 = arith.constant 18 : i32
        %eq3A_214 = vector.broadcast %eq3A_213 : i32 to vector<16xi32>
        %eq3A_215 = arith.cmpi eq, %min3A_50, %eq3A_214 : vector<16xi32>
        %jit3A_216 = arith.constant 1.000000e+00 : f32
        %jit3A_217 = arith.constant 0.000000e+00 : f32
        %broadcast_in_dim3A_218 = vector.broadcast %jit3A_216 : f32 to vector<16xf32>
        %broadcast_in_dim3A_219 = vector.broadcast %jit3A_217 : f32 to vector<16xf32>
        %select_n3A_220 = arith.select %eq3A_215, %broadcast_in_dim3A_218, %broadcast_in_dim3A_219 : vector<16xi1>, vector<16xf32>
        %add3A_221 = arith.addf %broadcast_in_dim3A_9, %select_n3A_220 : vector<16xf32>
        %eq3A_222 = arith.constant 19 : i32
        %eq3A_223 = vector.broadcast %eq3A_222 : i32 to vector<16xi32>
        %eq3A_224 = arith.cmpi eq, %min3A_50, %eq3A_223 : vector<16xi32>
        %jit3A_225 = arith.constant 1.000000e+00 : f32
        %jit3A_226 = arith.constant 0.000000e+00 : f32
        %broadcast_in_dim3A_227 = vector.broadcast %jit3A_225 : f32 to vector<16xf32>
        %broadcast_in_dim3A_228 = vector.broadcast %jit3A_226 : f32 to vector<16xf32>
        %select_n3A_229 = arith.select %eq3A_224, %broadcast_in_dim3A_227, %broadcast_in_dim3A_228 : vector<16xi1>, vector<16xf32>
        %add3A_230 = arith.addf %broadcast_in_dim3A_9, %select_n3A_229 : vector<16xf32>
        %eq3A_231 = arith.constant 20 : i32
        %eq3A_232 = vector.broadcast %eq3A_231 : i32 to vector<16xi32>
        %eq3A_233 = arith.cmpi eq, %min3A_50, %eq3A_232 : vector<16xi32>
        %jit3A_234 = arith.constant 1.000000e+00 : f32
        %jit3A_235 = arith.constant 0.000000e+00 : f32
        %broadcast_in_dim3A_236 = vector.broadcast %jit3A_234 : f32 to vector<16xf32>
        %broadcast_in_dim3A_237 = vector.broadcast %jit3A_235 : f32 to vector<16xf32>
        %select_n3A_238 = arith.select %eq3A_233, %broadcast_in_dim3A_236, %broadcast_in_dim3A_237 : vector<16xi1>, vector<16xf32>
        %add3A_239 = arith.addf %broadcast_in_dim3A_9, %select_n3A_238 : vector<16xf32>
        %mul3A_240 = arith.constant 16 : i32
        %mul3A_241 = arith.muli %scan3A_17, %mul3A_240 : i32
        %mul3A_242 = arith.constant 16 : i32
        %mul3A_243 = arith.muli %mul3A_241, %mul3A_242 : i32
        %add3A_244 = arith.constant 16 : i32
        %add3A_245 = arith.addi %mul3A_243, %add3A_244 : i32
        %get3A_246 = arith.index_cast %add3A_245 : i32 to index
        %get3A_247 = tpu.vector_load %arg4[%get3A_246] {strides = array<i32>} : memref<2048xf32, #tpu.memory_space<vmem>>, vector<16xf32>,
        %get3A_248 = vector.shape_cast %get3A_247 : vector<16xf32> to vector<16xf32>
        %sub3A_249 = arith.constant 0.000000e+00 : f32
        %sub3A_250 = vector.broadcast %sub3A_249 : f32 to vector<16xf32>
        %sub3A_251 = arith.subf %get3A_248, %sub3A_250 : vector<16xf32>
        %div3A_252 = arith.constant 2.000000e+01 : f32
        %div3A_253 = vector.broadcast %div3A_252 : f32 to vector<16xf32>
        %div3A_254 = arith.divf %sub3A_251, %div3A_253 : vector<16xf32>
        %mul3A_255 = arith.constant 2.000000e+01 : f32
        %mul3A_256 = vector.broadcast %mul3A_255 : f32 to vector<16xf32>
        %mul3A_257 = arith.mulf %div3A_254, %mul3A_256 : vector<16xf32>
        %convert_element_type3A_258 = arith.fptosi %mul3A_257 : vector<16xf32> to vector<16xi32>
        %convert_element_type3A_259 = arith.sitofp %convert_element_type3A_258 : vector<16xi32> to vector<16xf32>
        %sub3A_260 = arith.subf %mul3A_257, %convert_element_type3A_259 : vector<16xf32>
        %gt3A_261 = arith.constant 5.000000e-01 : f32
        %gt3A_262 = vector.broadcast %gt3A_261 : f32 to vector<16xf32>
        %gt3A_263 = arith.cmpf ogt, %sub3A_260, %gt3A_262 : vector<16xf32>
        %eq3A_264 = arith.constant 5.000000e-01 : f32
        %eq3A_265 = vector.broadcast %eq3A_264 : f32 to vector<16xf32>
        %eq3A_266 = arith.cmpf oeq, %sub3A_260, %eq3A_265 : vector<16xf32>
        %and3A_267 = arith.constant 1 : i32
        %and3A_268 = vector.broadcast %and3A_267 : i32 to vector<16xi32>
        %and3A_269 = arith.andi %convert_element_type3A_258, %and3A_268 : vector<16xi32>
        %jit3A_270 = arith.constant 0 : i32
        %broadcast_in_dim3A_271 = vector.broadcast %jit3A_270 : i32 to vector<16xi32>
        %select_n3A_272 = arith.select %eq3A_266, %and3A_269, %broadcast_in_dim3A_271 : vector<16xi1>, vector<16xi32>
        %jit3A_273 = arith.constant 1 : i32
        %broadcast_in_dim3A_274 = vector.broadcast %jit3A_273 : i32 to vector<16xi32>
        %select_n3A_275 = arith.select %gt3A_263, %broadcast_in_dim3A_274, %select_n3A_272 : vector<16xi1>, vector<16xi32>
        %add3A_276 = arith.addi %convert_element_type3A_258, %select_n3A_275 : vector<16xi32>
        %jit3A_277 = arith.constant 0 : i32
        %jit3A_278 = arith.constant 20 : i32
        %max3A_279 = vector.broadcast %jit3A_277 : i32 to vector<16xi32>
        %max3A_280 = arith.maxsi %max3A_279, %add3A_276 : vector<16xi32>
        %min3A_281 = vector.broadcast %jit3A_278 : i32 to vector<16xi32>
        %min3A_282 = arith.minsi %min3A_281, %max3A_280 : vector<16xi32>
        %eq3A_283 = arith.constant 0 : i32
        %eq3A_284 = vector.broadcast %eq3A_283 : i32 to vector<16xi32>
        %eq3A_285 = arith.cmpi eq, %min3A_282, %eq3A_284 : vector<16xi32>
        %jit3A_286 = arith.constant 1.000000e+00 : f32
        %jit3A_287 = arith.constant 0.000000e+00 : f32
        %broadcast_in_dim3A_288 = vector.broadcast %jit3A_286 : f32 to vector<16xf32>
        %broadcast_in_dim3A_289 = vector.broadcast %jit3A_287 : f32 to vector<16xf32>
        %select_n3A_290 = arith.select %eq3A_285, %broadcast_in_dim3A_288, %broadcast_in_dim3A_289 : vector<16xi1>, vector<16xf32>
        %add3A_291 = arith.addf %add3A_59, %select_n3A_290 : vector<16xf32>
        %eq3A_292 = arith.constant 1 : i32
        %eq3A_293 = vector.broadcast %eq3A_292 : i32 to vector<16xi32>
        %eq3A_294 = arith.cmpi eq, %min3A_282, %eq3A_293 : vector<16xi32>
        %jit3A_295 = arith.constant 1.000000e+00 : f32
        %jit3A_296 = arith.constant 0.000000e+00 : f32
        %broadcast_in_dim3A_297 = vector.broadcast %jit3A_295 : f32 to vector<16xf32>
        %broadcast_in_dim3A_298 = vector.broadcast %jit3A_296 : f32 to vector<16xf32>
        %select_n3A_299 = arith.select %eq3A_294, %broadcast_in_dim3A_297, %broadcast_in_dim3A_298 : vector<16xi1>, vector<16xf32>
        %add3A_300 = arith.addf %add3A_68, %select_n3A_299 : vector<16xf32>
        %eq3A_301 = arith.constant 2 : i32
        %eq3A_302 = vector.broadcast %eq3A_301 : i32 to vector<16xi32>
        %eq3A_303 = arith.cmpi eq, %min3A_282, %eq3A_302 : vector<16xi32>
        %jit3A_304 = arith.constant 1.000000e+00 : f32
        %jit3A_305 = arith.constant 0.000000e+00 : f32
        %broadcast_in_dim3A_306 = vector.broadcast %jit3A_304 : f32 to vector<16xf32>
        %broadcast_in_dim3A_307 = vector.broadcast %jit3A_305 : f32 to vector<16xf32>
        %select_n3A_308 = arith.select %eq3A_303, %broadcast_in_dim3A_306, %broadcast_in_dim3A_307 : vector<16xi1>, vector<16xf32>
        %add3A_309 = arith.addf %add3A_77, %select_n3A_308 : vector<16xf32>
        %eq3A_310 = arith.constant 3 : i32
        %eq3A_311 = vector.broadcast %eq3A_310 : i32 to vector<16xi32>
        %eq3A_312 = arith.cmpi eq, %min3A_282, %eq3A_311 : vector<16xi32>
        %jit3A_313 = arith.constant 1.000000e+00 : f32
        %jit3A_314 = arith.constant 0.000000e+00 : f32
        %broadcast_in_dim3A_315 = vector.broadcast %jit3A_313 : f32 to vector<16xf32>
        %broadcast_in_dim3A_316 = vector.broadcast %jit3A_314 : f32 to vector<16xf32>
        %select_n3A_317 = arith.select %eq3A_312, %broadcast_in_dim3A_315, %broadcast_in_dim3A_316 : vector<16xi1>, vector<16xf32>
        %add3A_318 = arith.addf %add3A_86, %select_n3A_317 : vector<16xf32>
        %eq3A_319 = arith.constant 4 : i32
        %eq3A_320 = vector.broadcast %eq3A_319 : i32 to vector<16xi32>
        %eq3A_321 = arith.cmpi eq, %min3A_282, %eq3A_320 : vector<16xi32>
        %jit3A_322 = arith.constant 1.000000e+00 : f32
        %jit3A_323 = arith.constant 0.000000e+00 : f32
        %broadcast_in_dim3A_324 = vector.broadcast %jit3A_322 : f32 to vector<16xf32>
        %broadcast_in_dim3A_325 = vector.broadcast %jit3A_323 : f32 to vector<16xf32>
        %select_n3A_326 = arith.select %eq3A_321, %broadcast_in_dim3A_324, %broadcast_in_dim3A_325 : vector<16xi1>, vector<16xf32>
        %add3A_327 = arith.addf %add3A_95, %select_n3A_326 : vector<16xf32>
        %eq3A_328 = arith.constant 5 : i32
        %eq3A_329 = vector.broadcast %eq3A_328 : i32 to vector<16xi32>
        %eq3A_330 = arith.cmpi eq, %min3A_282, %eq3A_329 : vector<16xi32>
        %jit3A_331 = arith.constant 1.000000e+00 : f32
        %jit3A_332 = arith.constant 0.000000e+00 : f32
        %broadcast_in_dim3A_333 = vector.broadcast %jit3A_331 : f32 to vector<16xf32>
        %broadcast_in_dim3A_334 = vector.broadcast %jit3A_332 : f32 to vector<16xf32>
        %select_n3A_335 = arith.select %eq3A_330, %broadcast_in_dim3A_333, %broadcast_in_dim3A_334 : vector<16xi1>, vector<16xf32>
        %add3A_336 = arith.addf %add3A_104, %select_n3A_335 : vector<16xf32>
        %eq3A_337 = arith.constant 6 : i32
        %eq3A_338 = vector.broadcast %eq3A_337 : i32 to vector<16xi32>
        %eq3A_339 = arith.cmpi eq, %min3A_282, %eq3A_338 : vector<16xi32>
        %jit3A_340 = arith.constant 1.000000e+00 : f32
        %jit3A_341 = arith.constant 0.000000e+00 : f32
        %broadcast_in_dim3A_342 = vector.broadcast %jit3A_340 : f32 to vector<16xf32>
        %broadcast_in_dim3A_343 = vector.broadcast %jit3A_341 : f32 to vector<16xf32>
        %select_n3A_344 = arith.select %eq3A_339, %broadcast_in_dim3A_342, %broadcast_in_dim3A_343 : vector<16xi1>, vector<16xf32>
        %add3A_345 = arith.addf %add3A_113, %select_n3A_344 : vector<16xf32>
        %eq3A_346 = arith.constant 7 : i32
        %eq3A_347 = vector.broadcast %eq3A_346 : i32 to vector<16xi32>
        %eq3A_348 = arith.cmpi eq, %min3A_282, %eq3A_347 : vector<16xi32>
        %jit3A_349 = arith.constant 1.000000e+00 : f32
        %jit3A_350 = arith.constant 0.000000e+00 : f32
        %broadcast_in_dim3A_351 = vector.broadcast %jit3A_349 : f32 to vector<16xf32>
        %broadcast_in_dim3A_352 = vector.broadcast %jit3A_350 : f32 to vector<16xf32>
        %select_n3A_353 = arith.select %eq3A_348, %broadcast_in_dim3A_351, %broadcast_in_dim3A_352 : vector<16xi1>, vector<16xf32>
        %add3A_354 = arith.addf %add3A_122, %select_n3A_353 : vector<16xf32>
        %eq3A_355 = arith.constant 8 : i32
        %eq3A_356 = vector.broadcast %eq3A_355 : i32 to vector<16xi32>
        %eq3A_357 = arith.cmpi eq, %min3A_282, %eq3A_356 : vector<16xi32>
        %jit3A_358 = arith.constant 1.000000e+00 : f32
        %jit3A_359 = arith.constant 0.000000e+00 : f32
        %broadcast_in_dim3A_360 = vector.broadcast %jit3A_358 : f32 to vector<16xf32>
        %broadcast_in_dim3A_361 = vector.broadcast %jit3A_359 : f32 to vector<16xf32>
        %select_n3A_362 = arith.select %eq3A_357, %broadcast_in_dim3A_360, %broadcast_in_dim3A_361 : vector<16xi1>, vector<16xf32>
        %add3A_363 = arith.addf %add3A_131, %select_n3A_362 : vector<16xf32>
        %eq3A_364 = arith.constant 9 : i32
        %eq3A_365 = vector.broadcast %eq3A_364 : i32 to vector<16xi32>
        %eq3A_366 = arith.cmpi eq, %min3A_282, %eq3A_365 : vector<16xi32>
        %jit3A_367 = arith.constant 1.000000e+00 : f32
        %jit3A_368 = arith.constant 0.000000e+00 : f32
        %broadcast_in_dim3A_369 = vector.broadcast %jit3A_367 : f32 to vector<16xf32>
        %broadcast_in_dim3A_370 = vector.broadcast %jit3A_368 : f32 to vector<16xf32>
        %select_n3A_371 = arith.select %eq3A_366, %broadcast_in_dim3A_369, %broadcast_in_dim3A_370 : vector<16xi1>, vector<16xf32>
        %add3A_372 = arith.addf %add3A_140, %select_n3A_371 : vector<16xf32>
        %eq3A_373 = arith.constant 10 : i32
        %eq3A_374 = vector.broadcast %eq3A_373 : i32 to vector<16xi32>
        %eq3A_375 = arith.cmpi eq, %min3A_282, %eq3A_374 : vector<16xi32>
        %jit3A_376 = arith.constant 1.000000e+00 : f32
        %jit3A_377 = arith.constant 0.000000e+00 : f32
        %broadcast_in_dim3A_378 = vector.broadcast %jit3A_376 : f32 to vector<16xf32>
        %broadcast_in_dim3A_379 = vector.broadcast %jit3A_377 : f32 to vector<16xf32>
        %select_n3A_380 = arith.select %eq3A_375, %broadcast_in_dim3A_378, %broadcast_in_dim3A_379 : vector<16xi1>, vector<16xf32>
        %add3A_381 = arith.addf %add3A_149, %select_n3A_380 : vector<16xf32>
        %eq3A_382 = arith.constant 11 : i32
        %eq3A_383 = vector.broadcast %eq3A_382 : i32 to vector<16xi32>
        %eq3A_384 = arith.cmpi eq, %min3A_282, %eq3A_383 : vector<16xi32>
        %jit3A_385 = arith.constant 1.000000e+00 : f32
        %jit3A_386 = arith.constant 0.000000e+00 : f32
        %broadcast_in_dim3A_387 = vector.broadcast %jit3A_385 : f32 to vector<16xf32>
        %broadcast_in_dim3A_388 = vector.broadcast %jit3A_386 : f32 to vector<16xf32>
        %select_n3A_389 = arith.select %eq3A_384, %broadcast_in_dim3A_387, %broadcast_in_dim3A_388 : vector<16xi1>, vector<16xf32>
        %add3A_390 = arith.addf %add3A_158, %select_n3A_389 : vector<16xf32>
        %eq3A_391 = arith.constant 12 : i32
        %eq3A_392 = vector.broadcast %eq3A_391 : i32 to vector<16xi32>
        %eq3A_393 = arith.cmpi eq, %min3A_282, %eq3A_392 : vector<16xi32>
        %jit3A_394 = arith.constant 1.000000e+00 : f32
        %jit3A_395 = arith.constant 0.000000e+00 : f32
        %broadcast_in_dim3A_396 = vector.broadcast %jit3A_394 : f32 to vector<16xf32>
        %broadcast_in_dim3A_397 = vector.broadcast %jit3A_395 : f32 to vector<16xf32>
        %select_n3A_398 = arith.select %eq3A_393, %broadcast_in_dim3A_396, %broadcast_in_dim3A_397 : vector<16xi1>, vector<16xf32>
        %add3A_399 = arith.addf %add3A_167, %select_n3A_398 : vector<16xf32>
        %eq3A_400 = arith.constant 13 : i32
        %eq3A_401 = vector.broadcast %eq3A_400 : i32 to vector<16xi32>
        %eq3A_402 = arith.cmpi eq, %min3A_282, %eq3A_401 : vector<16xi32>
        %jit3A_403 = arith.constant 1.000000e+00 : f32
        %jit3A_404 = arith.constant 0.000000e+00 : f32
        %broadcast_in_dim3A_405 = vector.broadcast %jit3A_403 : f32 to vector<16xf32>
        %broadcast_in_dim3A_406 = vector.broadcast %jit3A_404 : f32 to vector<16xf32>
        %select_n3A_407 = arith.select %eq3A_402, %broadcast_in_dim3A_405, %broadcast_in_dim3A_406 : vector<16xi1>, vector<16xf32>
        %add3A_408 = arith.addf %add3A_176, %select_n3A_407 : vector<16xf32>
        %eq3A_409 = arith.constant 14 : i32
        %eq3A_410 = vector.broadcast %eq3A_409 : i32 to vector<16xi32>
        %eq3A_411 = arith.cmpi eq, %min3A_282, %eq3A_410 : vector<16xi32>
        %jit3A_412 = arith.constant 1.000000e+00 : f32
        %jit3A_413 = arith.constant 0.000000e+00 : f32
        %broadcast_in_dim3A_414 = vector.broadcast %jit3A_412 : f32 to vector<16xf32>
        %broadcast_in_dim3A_415 = vector.broadcast %jit3A_413 : f32 to vector<16xf32>
        %select_n3A_416 = arith.select %eq3A_411, %broadcast_in_dim3A_414, %broadcast_in_dim3A_415 : vector<16xi1>, vector<16xf32>
        %add3A_417 = arith.addf %add3A_185, %select_n3A_416 : vector<16xf32>
        %eq3A_418 = arith.constant 15 : i32
        %eq3A_419 = vector.broadcast %eq3A_418 : i32 to vector<16xi32>
        %eq3A_420 = arith.cmpi eq, %min3A_282, %eq3A_419 : vector<16xi32>
        %jit3A_421 = arith.constant 1.000000e+00 : f32
        %jit3A_422 = arith.constant 0.000000e+00 : f32
        %broadcast_in_dim3A_423 = vector.broadcast %jit3A_421 : f32 to vector<16xf32>
        %broadcast_in_dim3A_424 = vector.broadcast %jit3A_422 : f32 to vector<16xf32>
        %select_n3A_425 = arith.select %eq3A_420, %broadcast_in_dim3A_423, %broadcast_in_dim3A_424 : vector<16xi1>, vector<16xf32>
        %add3A_426 = arith.addf %add3A_194, %select_n3A_425 : vector<16xf32>
        %eq3A_427 = arith.constant 16 : i32
        %eq3A_428 = vector.broadcast %eq3A_427 : i32 to vector<16xi32>
        %eq3A_429 = arith.cmpi eq, %min3A_282, %eq3A_428 : vector<16xi32>
        %jit3A_430 = arith.constant 1.000000e+00 : f32
        %jit3A_431 = arith.constant 0.000000e+00 : f32
        %broadcast_in_dim3A_432 = vector.broadcast %jit3A_430 : f32 to vector<16xf32>
        %broadcast_in_dim3A_433 = vector.broadcast %jit3A_431 : f32 to vector<16xf32>
        %select_n3A_434 = arith.select %eq3A_429, %broadcast_in_dim3A_432, %broadcast_in_dim3A_433 : vector<16xi1>, vector<16xf32>
        %add3A_435 = arith.addf %add3A_203, %select_n3A_434 : vector<16xf32>
        %eq3A_436 = arith.constant 17 : i32
        %eq3A_437 = vector.broadcast %eq3A_436 : i32 to vector<16xi32>
        %eq3A_438 = arith.cmpi eq, %min3A_282, %eq3A_437 : vector<16xi32>
        %jit3A_439 = arith.constant 1.000000e+00 : f32
        %jit3A_440 = arith.constant 0.000000e+00 : f32
        %broadcast_in_dim3A_441 = vector.broadcast %jit3A_439 : f32 to vector<16xf32>
        %broadcast_in_dim3A_442 = vector.broadcast %jit3A_440 : f32 to vector<16xf32>
        %select_n3A_443 = arith.select %eq3A_438, %broadcast_in_dim3A_441, %broadcast_in_dim3A_442 : vector<16xi1>, vector<16xf32>
        %add3A_444 = arith.addf %add3A_212, %select_n3A_443 : vector<16xf32>
        %eq3A_445 = arith.constant 18 : i32
        %eq3A_446 = vector.broadcast %eq3A_445 : i32 to vector<16xi32>
        %eq3A_447 = arith.cmpi eq, %min3A_282, %eq3A_446 : vector<16xi32>
        %jit3A_448 = arith.constant 1.000000e+00 : f32
        %jit3A_449 = arith.constant 0.000000e+00 : f32
        %broadcast_in_dim3A_450 = vector.broadcast %jit3A_448 : f32 to vector<16xf32>
        %broadcast_in_dim3A_451 = vector.broadcast %jit3A_449 : f32 to vector<16xf32>
        %select_n3A_452 = arith.select %eq3A_447, %broadcast_in_dim3A_450, %broadcast_in_dim3A_451 : vector<16xi1>, vector<16xf32>
        %add3A_453 = arith.addf %add3A_221, %select_n3A_452 : vector<16xf32>
        %eq3A_454 = arith.constant 19 : i32
        %eq3A_455 = vector.broadcast %eq3A_454 : i32 to vector<16xi32>
        %eq3A_456 = arith.cmpi eq, %min3A_282, %eq3A_455 : vector<16xi32>
        %jit3A_457 = arith.constant 1.000000e+00 : f32
        %jit3A_458 = arith.constant 0.000000e+00 : f32
        %broadcast_in_dim3A_459 = vector.broadcast %jit3A_457 : f32 to vector<16xf32>
        %broadcast_in_dim3A_460 = vector.broadcast %jit3A_458 : f32 to vector<16xf32>
        %select_n3A_461 = arith.select %eq3A_456, %broadcast_in_dim3A_459, %broadcast_in_dim3A_460 : vector<16xi1>, vector<16xf32>
        %add3A_462 = arith.addf %add3A_230, %select_n3A_461 : vector<16xf32>
        %eq3A_463 = arith.constant 20 : i32
        %eq3A_464 = vector.broadcast %eq3A_463 : i32 to vector<16xi32>
        %eq3A_465 = arith.cmpi eq, %min3A_282, %eq3A_464 : vector<16xi32>
        %jit3A_466 = arith.constant 1.000000e+00 : f32
        %jit3A_467 = arith.constant 0.000000e+00 : f32
        %broadcast_in_dim3A_468 = vector.broadcast %jit3A_466 : f32 to vector<16xf32>
        %broadcast_in_dim3A_469 = vector.broadcast %jit3A_467 : f32 to vector<16xf32>
        %select_n3A_470 = arith.select %eq3A_465, %broadcast_in_dim3A_468, %broadcast_in_dim3A_469 : vector<16xi1>, vector<16xf32>
        %add3A_471 = arith.addf %add3A_239, %select_n3A_470 : vector<16xf32>
        %mul3A_472 = arith.constant 16 : i32
        %mul3A_473 = arith.muli %scan3A_17, %mul3A_472 : i32
        %mul3A_474 = arith.constant 16 : i32
        %mul3A_475 = arith.muli %mul3A_473, %mul3A_474 : i32
        %add3A_476 = arith.constant 32 : i32
        %add3A_477 = arith.addi %mul3A_475, %add3A_476 : i32
        %get3A_478 = arith.index_cast %add3A_477 : i32 to index
        %get3A_479 = tpu.vector_load %arg4[%get3A_478] {strides = array<i32>} : memref<2048xf32, #tpu.memory_space<vmem>>, vector<16xf32>,
        %get3A_480 = vector.shape_cast %get3A_479 : vector<16xf32> to vector<16xf32>
        %sub3A_481 = arith.constant 0.000000e+00 : f32
        %sub3A_482 = vector.broadcast %sub3A_481 : f32 to vector<16xf32>
        %sub3A_483 = arith.subf %get3A_480, %sub3A_482 : vector<16xf32>
        %div3A_484 = arith.constant 2.000000e+01 : f32
        %div3A_485 = vector.broadcast %div3A_484 : f32 to vector<16xf32>
        %div3A_486 = arith.divf %sub3A_483, %div3A_485 : vector<16xf32>
        %mul3A_487 = arith.constant 2.000000e+01 : f32
        %mul3A_488 = vector.broadcast %mul3A_487 : f32 to vector<16xf32>
        %mul3A_489 = arith.mulf %div3A_486, %mul3A_488 : vector<16xf32>
        %convert_element_type3A_490 = arith.fptosi %mul3A_489 : vector<16xf32> to vector<16xi32>
        %convert_element_type3A_491 = arith.sitofp %convert_element_type3A_490 : vector<16xi32> to vector<16xf32>
        %sub3A_492 = arith.subf %mul3A_489, %convert_element_type3A_491 : vector<16xf32>
        %gt3A_493 = arith.constant 5.000000e-01 : f32
        %gt3A_494 = vector.broadcast %gt3A_493 : f32 to vector<16xf32>
        %gt3A_495 = arith.cmpf ogt, %sub3A_492, %gt3A_494 : vector<16xf32>
        %eq3A_496 = arith.constant 5.000000e-01 : f32
        %eq3A_497 = vector.broadcast %eq3A_496 : f32 to vector<16xf32>
        %eq3A_498 = arith.cmpf oeq, %sub3A_492, %eq3A_497 : vector<16xf32>
        %and3A_499 = arith.constant 1 : i32
        %and3A_500 = vector.broadcast %and3A_499 : i32 to vector<16xi32>
        %and3A_501 = arith.andi %convert_element_type3A_490, %and3A_500 : vector<16xi32>
        %jit3A_502 = arith.constant 0 : i32
        %broadcast_in_dim3A_503 = vector.broadcast %jit3A_502 : i32 to vector<16xi32>
        %select_n3A_504 = arith.select %eq3A_498, %and3A_501, %broadcast_in_dim3A_503 : vector<16xi1>, vector<16xi32>
        %jit3A_505 = arith.constant 1 : i32
        %broadcast_in_dim3A_506 = vector.broadcast %jit3A_505 : i32 to vector<16xi32>
        %select_n3A_507 = arith.select %gt3A_495, %broadcast_in_dim3A_506, %select_n3A_504 : vector<16xi1>, vector<16xi32>
        %add3A_508 = arith.addi %convert_element_type3A_490, %select_n3A_507 : vector<16xi32>
        %jit3A_509 = arith.constant 0 : i32
        %jit3A_510 = arith.constant 20 : i32
        %max3A_511 = vector.broadcast %jit3A_509 : i32 to vector<16xi32>
        %max3A_512 = arith.maxsi %max3A_511, %add3A_508 : vector<16xi32>
        %min3A_513 = vector.broadcast %jit3A_510 : i32 to vector<16xi32>
        %min3A_514 = arith.minsi %min3A_513, %max3A_512 : vector<16xi32>
        %eq3A_515 = arith.constant 0 : i32
        %eq3A_516 = vector.broadcast %eq3A_515 : i32 to vector<16xi32>
        %eq3A_517 = arith.cmpi eq, %min3A_514, %eq3A_516 : vector<16xi32>
        %jit3A_518 = arith.constant 1.000000e+00 : f32
        %jit3A_519 = arith.constant 0.000000e+00 : f32
        %broadcast_in_dim3A_520 = vector.broadcast %jit3A_518 : f32 to vector<16xf32>
        %broadcast_in_dim3A_521 = vector.broadcast %jit3A_519 : f32 to vector<16xf32>
        %select_n3A_522 = arith.select %eq3A_517, %broadcast_in_dim3A_520, %broadcast_in_dim3A_521 : vector<16xi1>, vector<16xf32>
        %add3A_523 = arith.addf %add3A_291, %select_n3A_522 : vector<16xf32>
        %eq3A_524 = arith.constant 1 : i32
        %eq3A_525 = vector.broadcast %eq3A_524 : i32 to vector<16xi32>
        %eq3A_526 = arith.cmpi eq, %min3A_514, %eq3A_525 : vector<16xi32>
        %jit3A_527 = arith.constant 1.000000e+00 : f32
        %jit3A_528 = arith.constant 0.000000e+00 : f32
        %broadcast_in_dim3A_529 = vector.broadcast %jit3A_527 : f32 to vector<16xf32>
        %broadcast_in_dim3A_530 = vector.broadcast %jit3A_528 : f32 to vector<16xf32>
        %select_n3A_531 = arith.select %eq3A_526, %broadcast_in_dim3A_529, %broadcast_in_dim3A_530 : vector<16xi1>, vector<16xf32>
        %add3A_532 = arith.addf %add3A_300, %select_n3A_531 : vector<16xf32>
        %eq3A_533 = arith.constant 2 : i32
        %eq3A_534 = vector.broadcast %eq3A_533 : i32 to vector<16xi32>
        %eq3A_535 = arith.cmpi eq, %min3A_514, %eq3A_534 : vector<16xi32>
        %jit3A_536 = arith.constant 1.000000e+00 : f32
        %jit3A_537 = arith.constant 0.000000e+00 : f32
        %broadcast_in_dim3A_538 = vector.broadcast %jit3A_536 : f32 to vector<16xf32>
        %broadcast_in_dim3A_539 = vector.broadcast %jit3A_537 : f32 to vector<16xf32>
        %select_n3A_540 = arith.select %eq3A_535, %broadcast_in_dim3A_538, %broadcast_in_dim3A_539 : vector<16xi1>, vector<16xf32>
        %add3A_541 = arith.addf %add3A_309, %select_n3A_540 : vector<16xf32>
        %eq3A_542 = arith.constant 3 : i32
        %eq3A_543 = vector.broadcast %eq3A_542 : i32 to vector<16xi32>
        %eq3A_544 = arith.cmpi eq, %min3A_514, %eq3A_543 : vector<16xi32>
        %jit3A_545 = arith.constant 1.000000e+00 : f32
        %jit3A_546 = arith.constant 0.000000e+00 : f32
        %broadcast_in_dim3A_547 = vector.broadcast %jit3A_545 : f32 to vector<16xf32>
        %broadcast_in_dim3A_548 = vector.broadcast %jit3A_546 : f32 to vector<16xf32>
        %select_n3A_549 = arith.select %eq3A_544, %broadcast_in_dim3A_547, %broadcast_in_dim3A_548 : vector<16xi1>, vector<16xf32>
        %add3A_550 = arith.addf %add3A_318, %select_n3A_549 : vector<16xf32>
        %eq3A_551 = arith.constant 4 : i32
        %eq3A_552 = vector.broadcast %eq3A_551 : i32 to vector<16xi32>
        %eq3A_553 = arith.cmpi eq, %min3A_514, %eq3A_552 : vector<16xi32>
        %jit3A_554 = arith.constant 1.000000e+00 : f32
        %jit3A_555 = arith.constant 0.000000e+00 : f32
        %broadcast_in_dim3A_556 = vector.broadcast %jit3A_554 : f32 to vector<16xf32>
        %broadcast_in_dim3A_557 = vector.broadcast %jit3A_555 : f32 to vector<16xf32>
        %select_n3A_558 = arith.select %eq3A_553, %broadcast_in_dim3A_556, %broadcast_in_dim3A_557 : vector<16xi1>, vector<16xf32>
        %add3A_559 = arith.addf %add3A_327, %select_n3A_558 : vector<16xf32>
        %eq3A_560 = arith.constant 5 : i32
        %eq3A_561 = vector.broadcast %eq3A_560 : i32 to vector<16xi32>
        %eq3A_562 = arith.cmpi eq, %min3A_514, %eq3A_561 : vector<16xi32>
        %jit3A_563 = arith.constant 1.000000e+00 : f32
        %jit3A_564 = arith.constant 0.000000e+00 : f32
        %broadcast_in_dim3A_565 = vector.broadcast %jit3A_563 : f32 to vector<16xf32>
        %broadcast_in_dim3A_566 = vector.broadcast %jit3A_564 : f32 to vector<16xf32>
        %select_n3A_567 = arith.select %eq3A_562, %broadcast_in_dim3A_565, %broadcast_in_dim3A_566 : vector<16xi1>, vector<16xf32>
        %add3A_568 = arith.addf %add3A_336, %select_n3A_567 : vector<16xf32>
        %eq3A_569 = arith.constant 6 : i32
        %eq3A_570 = vector.broadcast %eq3A_569 : i32 to vector<16xi32>
        %eq3A_571 = arith.cmpi eq, %min3A_514, %eq3A_570 : vector<16xi32>
        %jit3A_572 = arith.constant 1.000000e+00 : f32
        %jit3A_573 = arith.constant 0.000000e+00 : f32
        %broadcast_in_dim3A_574 = vector.broadcast %jit3A_572 : f32 to vector<16xf32>
        %broadcast_in_dim3A_575 = vector.broadcast %jit3A_573 : f32 to vector<16xf32>
        %select_n3A_576 = arith.select %eq3A_571, %broadcast_in_dim3A_574, %broadcast_in_dim3A_575 : vector<16xi1>, vector<16xf32>
        %add3A_577 = arith.addf %add3A_345, %select_n3A_576 : vector<16xf32>
        %eq3A_578 = arith.constant 7 : i32
        %eq3A_579 = vector.broadcast %eq3A_578 : i32 to vector<16xi32>
        %eq3A_580 = arith.cmpi eq, %min3A_514, %eq3A_579 : vector<16xi32>
        %jit3A_581 = arith.constant 1.000000e+00 : f32
        %jit3A_582 = arith.constant 0.000000e+00 : f32
        %broadcast_in_dim3A_583 = vector.broadcast %jit3A_581 : f32 to vector<16xf32>
        %broadcast_in_dim3A_584 = vector.broadcast %jit3A_582 : f32 to vector<16xf32>
        %select_n3A_585 = arith.select %eq3A_580, %broadcast_in_dim3A_583, %broadcast_in_dim3A_584 : vector<16xi1>, vector<16xf32>
        %add3A_586 = arith.addf %add3A_354, %select_n3A_585 : vector<16xf32>
        %eq3A_587 = arith.constant 8 : i32
        %eq3A_588 = vector.broadcast %eq3A_587 : i32 to vector<16xi32>
        %eq3A_589 = arith.cmpi eq, %min3A_514, %eq3A_588 : vector<16xi32>
        %jit3A_590 = arith.constant 1.000000e+00 : f32
        %jit3A_591 = arith.constant 0.000000e+00 : f32
        %broadcast_in_dim3A_592 = vector.broadcast %jit3A_590 : f32 to vector<16xf32>
        %broadcast_in_dim3A_593 = vector.broadcast %jit3A_591 : f32 to vector<16xf32>
        %select_n3A_594 = arith.select %eq3A_589, %broadcast_in_dim3A_592, %broadcast_in_dim3A_593 : vector<16xi1>, vector<16xf32>
        %add3A_595 = arith.addf %add3A_363, %select_n3A_594 : vector<16xf32>
        %eq3A_596 = arith.constant 9 : i32
        %eq3A_597 = vector.broadcast %eq3A_596 : i32 to vector<16xi32>
        %eq3A_598 = arith.cmpi eq, %min3A_514, %eq3A_597 : vector<16xi32>
        %jit3A_599 = arith.constant 1.000000e+00 : f32
        %jit3A_600 = arith.constant 0.000000e+00 : f32
        %broadcast_in_dim3A_601 = vector.broadcast %jit3A_599 : f32 to vector<16xf32>
        %broadcast_in_dim3A_602 = vector.broadcast %jit3A_600 : f32 to vector<16xf32>
        %select_n3A_603 = arith.select %eq3A_598, %broadcast_in_dim3A_601, %broadcast_in_dim3A_602 : vector<16xi1>, vector<16xf32>
        %add3A_604 = arith.addf %add3A_372, %select_n3A_603 : vector<16xf32>
        %eq3A_605 = arith.constant 10 : i32
        %eq3A_606 = vector.broadcast %eq3A_605 : i32 to vector<16xi32>
        %eq3A_607 = arith.cmpi eq, %min3A_514, %eq3A_606 : vector<16xi32>
        %jit3A_608 = arith.constant 1.000000e+00 : f32
        %jit3A_609 = arith.constant 0.000000e+00 : f32
        %broadcast_in_dim3A_610 = vector.broadcast %jit3A_608 : f32 to vector<16xf32>
        %broadcast_in_dim3A_611 = vector.broadcast %jit3A_609 : f32 to vector<16xf32>
        %select_n3A_612 = arith.select %eq3A_607, %broadcast_in_dim3A_610, %broadcast_in_dim3A_611 : vector<16xi1>, vector<16xf32>
        %add3A_613 = arith.addf %add3A_381, %select_n3A_612 : vector<16xf32>
        %eq3A_614 = arith.constant 11 : i32
        %eq3A_615 = vector.broadcast %eq3A_614 : i32 to vector<16xi32>
        %eq3A_616 = arith.cmpi eq, %min3A_514, %eq3A_615 : vector<16xi32>
        %jit3A_617 = arith.constant 1.000000e+00 : f32
        %jit3A_618 = arith.constant 0.000000e+00 : f32
        %broadcast_in_dim3A_619 = vector.broadcast %jit3A_617 : f32 to vector<16xf32>
        %broadcast_in_dim3A_620 = vector.broadcast %jit3A_618 : f32 to vector<16xf32>
        %select_n3A_621 = arith.select %eq3A_616, %broadcast_in_dim3A_619, %broadcast_in_dim3A_620 : vector<16xi1>, vector<16xf32>
        %add3A_622 = arith.addf %add3A_390, %select_n3A_621 : vector<16xf32>
        %eq3A_623 = arith.constant 12 : i32
        %eq3A_624 = vector.broadcast %eq3A_623 : i32 to vector<16xi32>
        %eq3A_625 = arith.cmpi eq, %min3A_514, %eq3A_624 : vector<16xi32>
        %jit3A_626 = arith.constant 1.000000e+00 : f32
        %jit3A_627 = arith.constant 0.000000e+00 : f32
        %broadcast_in_dim3A_628 = vector.broadcast %jit3A_626 : f32 to vector<16xf32>
        %broadcast_in_dim3A_629 = vector.broadcast %jit3A_627 : f32 to vector<16xf32>
        %select_n3A_630 = arith.select %eq3A_625, %broadcast_in_dim3A_628, %broadcast_in_dim3A_629 : vector<16xi1>, vector<16xf32>
        %add3A_631 = arith.addf %add3A_399, %select_n3A_630 : vector<16xf32>
        %eq3A_632 = arith.constant 13 : i32
        %eq3A_633 = vector.broadcast %eq3A_632 : i32 to vector<16xi32>
        %eq3A_634 = arith.cmpi eq, %min3A_514, %eq3A_633 : vector<16xi32>
        %jit3A_635 = arith.constant 1.000000e+00 : f32
        %jit3A_636 = arith.constant 0.000000e+00 : f32
        %broadcast_in_dim3A_637 = vector.broadcast %jit3A_635 : f32 to vector<16xf32>
        %broadcast_in_dim3A_638 = vector.broadcast %jit3A_636 : f32 to vector<16xf32>
        %select_n3A_639 = arith.select %eq3A_634, %broadcast_in_dim3A_637, %broadcast_in_dim3A_638 : vector<16xi1>, vector<16xf32>
        %add3A_640 = arith.addf %add3A_408, %select_n3A_639 : vector<16xf32>
        %eq3A_641 = arith.constant 14 : i32
        %eq3A_642 = vector.broadcast %eq3A_641 : i32 to vector<16xi32>
        %eq3A_643 = arith.cmpi eq, %min3A_514, %eq3A_642 : vector<16xi32>
        %jit3A_644 = arith.constant 1.000000e+00 : f32
        %jit3A_645 = arith.constant 0.000000e+00 : f32
        %broadcast_in_dim3A_646 = vector.broadcast %jit3A_644 : f32 to vector<16xf32>
        %broadcast_in_dim3A_647 = vector.broadcast %jit3A_645 : f32 to vector<16xf32>
        %select_n3A_648 = arith.select %eq3A_643, %broadcast_in_dim3A_646, %broadcast_in_dim3A_647 : vector<16xi1>, vector<16xf32>
        %add3A_649 = arith.addf %add3A_417, %select_n3A_648 : vector<16xf32>
        %eq3A_650 = arith.constant 15 : i32
        %eq3A_651 = vector.broadcast %eq3A_650 : i32 to vector<16xi32>
        %eq3A_652 = arith.cmpi eq, %min3A_514, %eq3A_651 : vector<16xi32>
        %jit3A_653 = arith.constant 1.000000e+00 : f32
        %jit3A_654 = arith.constant 0.000000e+00 : f32
        %broadcast_in_dim3A_655 = vector.broadcast %jit3A_653 : f32 to vector<16xf32>
        %broadcast_in_dim3A_656 = vector.broadcast %jit3A_654 : f32 to vector<16xf32>
        %select_n3A_657 = arith.select %eq3A_652, %broadcast_in_dim3A_655, %broadcast_in_dim3A_656 : vector<16xi1>, vector<16xf32>
        %add3A_658 = arith.addf %add3A_426, %select_n3A_657 : vector<16xf32>
        %eq3A_659 = arith.constant 16 : i32
        %eq3A_660 = vector.broadcast %eq3A_659 : i32 to vector<16xi32>
        %eq3A_661 = arith.cmpi eq, %min3A_514, %eq3A_660 : vector<16xi32>
        %jit3A_662 = arith.constant 1.000000e+00 : f32
        %jit3A_663 = arith.constant 0.000000e+00 : f32
        %broadcast_in_dim3A_664 = vector.broadcast %jit3A_662 : f32 to vector<16xf32>
        %broadcast_in_dim3A_665 = vector.broadcast %jit3A_663 : f32 to vector<16xf32>
        %select_n3A_666 = arith.select %eq3A_661, %broadcast_in_dim3A_664, %broadcast_in_dim3A_665 : vector<16xi1>, vector<16xf32>
        %add3A_667 = arith.addf %add3A_435, %select_n3A_666 : vector<16xf32>
        %eq3A_668 = arith.constant 17 : i32
        %eq3A_669 = vector.broadcast %eq3A_668 : i32 to vector<16xi32>
        %eq3A_670 = arith.cmpi eq, %min3A_514, %eq3A_669 : vector<16xi32>
        %jit3A_671 = arith.constant 1.000000e+00 : f32
        %jit3A_672 = arith.constant 0.000000e+00 : f32
        %broadcast_in_dim3A_673 = vector.broadcast %jit3A_671 : f32 to vector<16xf32>
        %broadcast_in_dim3A_674 = vector.broadcast %jit3A_672 : f32 to vector<16xf32>
        %select_n3A_675 = arith.select %eq3A_670, %broadcast_in_dim3A_673, %broadcast_in_dim3A_674 : vector<16xi1>, vector<16xf32>
        %add3A_676 = arith.addf %add3A_444, %select_n3A_675 : vector<16xf32>
        %eq3A_677 = arith.constant 18 : i32
        %eq3A_678 = vector.broadcast %eq3A_677 : i32 to vector<16xi32>
        %eq3A_679 = arith.cmpi eq, %min3A_514, %eq3A_678 : vector<16xi32>
        %jit3A_680 = arith.constant 1.000000e+00 : f32
        %jit3A_681 = arith.constant 0.000000e+00 : f32
        %broadcast_in_dim3A_682 = vector.broadcast %jit3A_680 : f32 to vector<16xf32>
        %broadcast_in_dim3A_683 = vector.broadcast %jit3A_681 : f32 to vector<16xf32>
        %select_n3A_684 = arith.select %eq3A_679, %broadcast_in_dim3A_682, %broadcast_in_dim3A_683 : vector<16xi1>, vector<16xf32>
        %add3A_685 = arith.addf %add3A_453, %select_n3A_684 : vector<16xf32>
        %eq3A_686 = arith.constant 19 : i32
        %eq3A_687 = vector.broadcast %eq3A_686 : i32 to vector<16xi32>
        %eq3A_688 = arith.cmpi eq, %min3A_514, %eq3A_687 : vector<16xi32>
        %jit3A_689 = arith.constant 1.000000e+00 : f32
        %jit3A_690 = arith.constant 0.000000e+00 : f32
        %broadcast_in_dim3A_691 = vector.broadcast %jit3A_689 : f32 to vector<16xf32>
        %broadcast_in_dim3A_692 = vector.broadcast %jit3A_690 : f32 to vector<16xf32>
        %select_n3A_693 = arith.select %eq3A_688, %broadcast_in_dim3A_691, %broadcast_in_dim3A_692 : vector<16xi1>, vector<16xf32>
        %add3A_694 = arith.addf %add3A_462, %select_n3A_693 : vector<16xf32>
        %eq3A_695 = arith.constant 20 : i32
        %eq3A_696 = vector.broadcast %eq3A_695 : i32 to vector<16xi32>
        %eq3A_697 = arith.cmpi eq, %min3A_514, %eq3A_696 : vector<16xi32>
        %jit3A_698 = arith.constant 1.000000e+00 : f32
        %jit3A_699 = arith.constant 0.000000e+00 : f32
        %broadcast_in_dim3A_700 = vector.broadcast %jit3A_698 : f32 to vector<16xf32>
        %broadcast_in_dim3A_701 = vector.broadcast %jit3A_699 : f32 to vector<16xf32>
        %select_n3A_702 = arith.select %eq3A_697, %broadcast_in_dim3A_700, %broadcast_in_dim3A_701 : vector<16xi1>, vector<16xf32>
        %add3A_703 = arith.addf %add3A_471, %select_n3A_702 : vector<16xf32>
        %mul3A_704 = arith.constant 16 : i32
        %mul3A_705 = arith.muli %scan3A_17, %mul3A_704 : i32
        %mul3A_706 = arith.constant 16 : i32
        %mul3A_707 = arith.muli %mul3A_705, %mul3A_706 : i32
        %add3A_708 = arith.constant 48 : i32
        %add3A_709 = arith.addi %mul3A_707, %add3A_708 : i32
        %get3A_710 = arith.index_cast %add3A_709 : i32 to index
        %get3A_711 = tpu.vector_load %arg4[%get3A_710] {strides = array<i32>} : memref<2048xf32, #tpu.memory_space<vmem>>, vector<16xf32>,
        %get3A_712 = vector.shape_cast %get3A_711 : vector<16xf32> to vector<16xf32>
        %sub3A_713 = arith.constant 0.000000e+00 : f32
        %sub3A_714 = vector.broadcast %sub3A_713 : f32 to vector<16xf32>
        %sub3A_715 = arith.subf %get3A_712, %sub3A_714 : vector<16xf32>
        %div3A_716 = arith.constant 2.000000e+01 : f32
        %div3A_717 = vector.broadcast %div3A_716 : f32 to vector<16xf32>
        %div3A_718 = arith.divf %sub3A_715, %div3A_717 : vector<16xf32>
        %mul3A_719 = arith.constant 2.000000e+01 : f32
        %mul3A_720 = vector.broadcast %mul3A_719 : f32 to vector<16xf32>
        %mul3A_721 = arith.mulf %div3A_718, %mul3A_720 : vector<16xf32>
        %convert_element_type3A_722 = arith.fptosi %mul3A_721 : vector<16xf32> to vector<16xi32>
        %convert_element_type3A_723 = arith.sitofp %convert_element_type3A_722 : vector<16xi32> to vector<16xf32>
        %sub3A_724 = arith.subf %mul3A_721, %convert_element_type3A_723 : vector<16xf32>
        %gt3A_725 = arith.constant 5.000000e-01 : f32
        %gt3A_726 = vector.broadcast %gt3A_725 : f32 to vector<16xf32>
        %gt3A_727 = arith.cmpf ogt, %sub3A_724, %gt3A_726 : vector<16xf32>
        %eq3A_728 = arith.constant 5.000000e-01 : f32
        %eq3A_729 = vector.broadcast %eq3A_728 : f32 to vector<16xf32>
        %eq3A_730 = arith.cmpf oeq, %sub3A_724, %eq3A_729 : vector<16xf32>
        %and3A_731 = arith.constant 1 : i32
        %and3A_732 = vector.broadcast %and3A_731 : i32 to vector<16xi32>
        %and3A_733 = arith.andi %convert_element_type3A_722, %and3A_732 : vector<16xi32>
        %jit3A_734 = arith.constant 0 : i32
        %broadcast_in_dim3A_735 = vector.broadcast %jit3A_734 : i32 to vector<16xi32>
        %select_n3A_736 = arith.select %eq3A_730, %and3A_733, %broadcast_in_dim3A_735 : vector<16xi1>, vector<16xi32>
        %jit3A_737 = arith.constant 1 : i32
        %broadcast_in_dim3A_738 = vector.broadcast %jit3A_737 : i32 to vector<16xi32>
        %select_n3A_739 = arith.select %gt3A_727, %broadcast_in_dim3A_738, %select_n3A_736 : vector<16xi1>, vector<16xi32>
        %add3A_740 = arith.addi %convert_element_type3A_722, %select_n3A_739 : vector<16xi32>
        %jit3A_741 = arith.constant 0 : i32
        %jit3A_742 = arith.constant 20 : i32
        %max3A_743 = vector.broadcast %jit3A_741 : i32 to vector<16xi32>
        %max3A_744 = arith.maxsi %max3A_743, %add3A_740 : vector<16xi32>
        %min3A_745 = vector.broadcast %jit3A_742 : i32 to vector<16xi32>
        %min3A_746 = arith.minsi %min3A_745, %max3A_744 : vector<16xi32>
        %eq3A_747 = arith.constant 0 : i32
        %eq3A_748 = vector.broadcast %eq3A_747 : i32 to vector<16xi32>
        %eq3A_749 = arith.cmpi eq, %min3A_746, %eq3A_748 : vector<16xi32>
        %jit3A_750 = arith.constant 1.000000e+00 : f32
        %jit3A_751 = arith.constant 0.000000e+00 : f32
        %broadcast_in_dim3A_752 = vector.broadcast %jit3A_750 : f32 to vector<16xf32>
        %broadcast_in_dim3A_753 = vector.broadcast %jit3A_751 : f32 to vector<16xf32>
        %select_n3A_754 = arith.select %eq3A_749, %broadcast_in_dim3A_752, %broadcast_in_dim3A_753 : vector<16xi1>, vector<16xf32>
        %add3A_755 = arith.addf %add3A_523, %select_n3A_754 : vector<16xf32>
        %eq3A_756 = arith.constant 1 : i32
        %eq3A_757 = vector.broadcast %eq3A_756 : i32 to vector<16xi32>
        %eq3A_758 = arith.cmpi eq, %min3A_746, %eq3A_757 : vector<16xi32>
        %jit3A_759 = arith.constant 1.000000e+00 : f32
        %jit3A_760 = arith.constant 0.000000e+00 : f32
        %broadcast_in_dim3A_761 = vector.broadcast %jit3A_759 : f32 to vector<16xf32>
        %broadcast_in_dim3A_762 = vector.broadcast %jit3A_760 : f32 to vector<16xf32>
        %select_n3A_763 = arith.select %eq3A_758, %broadcast_in_dim3A_761, %broadcast_in_dim3A_762 : vector<16xi1>, vector<16xf32>
        %add3A_764 = arith.addf %add3A_532, %select_n3A_763 : vector<16xf32>
        %eq3A_765 = arith.constant 2 : i32
        %eq3A_766 = vector.broadcast %eq3A_765 : i32 to vector<16xi32>
        %eq3A_767 = arith.cmpi eq, %min3A_746, %eq3A_766 : vector<16xi32>
        %jit3A_768 = arith.constant 1.000000e+00 : f32
        %jit3A_769 = arith.constant 0.000000e+00 : f32
        %broadcast_in_dim3A_770 = vector.broadcast %jit3A_768 : f32 to vector<16xf32>
        %broadcast_in_dim3A_771 = vector.broadcast %jit3A_769 : f32 to vector<16xf32>
        %select_n3A_772 = arith.select %eq3A_767, %broadcast_in_dim3A_770, %broadcast_in_dim3A_771 : vector<16xi1>, vector<16xf32>
        %add3A_773 = arith.addf %add3A_541, %select_n3A_772 : vector<16xf32>
        %eq3A_774 = arith.constant 3 : i32
        %eq3A_775 = vector.broadcast %eq3A_774 : i32 to vector<16xi32>
        %eq3A_776 = arith.cmpi eq, %min3A_746, %eq3A_775 : vector<16xi32>
        %jit3A_777 = arith.constant 1.000000e+00 : f32
        %jit3A_778 = arith.constant 0.000000e+00 : f32
        %broadcast_in_dim3A_779 = vector.broadcast %jit3A_777 : f32 to vector<16xf32>
        %broadcast_in_dim3A_780 = vector.broadcast %jit3A_778 : f32 to vector<16xf32>
        %select_n3A_781 = arith.select %eq3A_776, %broadcast_in_dim3A_779, %broadcast_in_dim3A_780 : vector<16xi1>, vector<16xf32>
        %add3A_782 = arith.addf %add3A_550, %select_n3A_781 : vector<16xf32>
        %eq3A_783 = arith.constant 4 : i32
        %eq3A_784 = vector.broadcast %eq3A_783 : i32 to vector<16xi32>
        %eq3A_785 = arith.cmpi eq, %min3A_746, %eq3A_784 : vector<16xi32>
        %jit3A_786 = arith.constant 1.000000e+00 : f32
        %jit3A_787 = arith.constant 0.000000e+00 : f32
        %broadcast_in_dim3A_788 = vector.broadcast %jit3A_786 : f32 to vector<16xf32>
        %broadcast_in_dim3A_789 = vector.broadcast %jit3A_787 : f32 to vector<16xf32>
        %select_n3A_790 = arith.select %eq3A_785, %broadcast_in_dim3A_788, %broadcast_in_dim3A_789 : vector<16xi1>, vector<16xf32>
        %add3A_791 = arith.addf %add3A_559, %select_n3A_790 : vector<16xf32>
        %eq3A_792 = arith.constant 5 : i32
        %eq3A_793 = vector.broadcast %eq3A_792 : i32 to vector<16xi32>
        %eq3A_794 = arith.cmpi eq, %min3A_746, %eq3A_793 : vector<16xi32>
        %jit3A_795 = arith.constant 1.000000e+00 : f32
        %jit3A_796 = arith.constant 0.000000e+00 : f32
        %broadcast_in_dim3A_797 = vector.broadcast %jit3A_795 : f32 to vector<16xf32>
        %broadcast_in_dim3A_798 = vector.broadcast %jit3A_796 : f32 to vector<16xf32>
        %select_n3A_799 = arith.select %eq3A_794, %broadcast_in_dim3A_797, %broadcast_in_dim3A_798 : vector<16xi1>, vector<16xf32>
        %add3A_800 = arith.addf %add3A_568, %select_n3A_799 : vector<16xf32>
        %eq3A_801 = arith.constant 6 : i32
        %eq3A_802 = vector.broadcast %eq3A_801 : i32 to vector<16xi32>
        %eq3A_803 = arith.cmpi eq, %min3A_746, %eq3A_802 : vector<16xi32>
        %jit3A_804 = arith.constant 1.000000e+00 : f32
        %jit3A_805 = arith.constant 0.000000e+00 : f32
        %broadcast_in_dim3A_806 = vector.broadcast %jit3A_804 : f32 to vector<16xf32>
        %broadcast_in_dim3A_807 = vector.broadcast %jit3A_805 : f32 to vector<16xf32>
        %select_n3A_808 = arith.select %eq3A_803, %broadcast_in_dim3A_806, %broadcast_in_dim3A_807 : vector<16xi1>, vector<16xf32>
        %add3A_809 = arith.addf %add3A_577, %select_n3A_808 : vector<16xf32>
        %eq3A_810 = arith.constant 7 : i32
        %eq3A_811 = vector.broadcast %eq3A_810 : i32 to vector<16xi32>
        %eq3A_812 = arith.cmpi eq, %min3A_746, %eq3A_811 : vector<16xi32>
        %jit3A_813 = arith.constant 1.000000e+00 : f32
        %jit3A_814 = arith.constant 0.000000e+00 : f32
        %broadcast_in_dim3A_815 = vector.broadcast %jit3A_813 : f32 to vector<16xf32>
        %broadcast_in_dim3A_816 = vector.broadcast %jit3A_814 : f32 to vector<16xf32>
        %select_n3A_817 = arith.select %eq3A_812, %broadcast_in_dim3A_815, %broadcast_in_dim3A_816 : vector<16xi1>, vector<16xf32>
        %add3A_818 = arith.addf %add3A_586, %select_n3A_817 : vector<16xf32>
        %eq3A_819 = arith.constant 8 : i32
        %eq3A_820 = vector.broadcast %eq3A_819 : i32 to vector<16xi32>
        %eq3A_821 = arith.cmpi eq, %min3A_746, %eq3A_820 : vector<16xi32>
        %jit3A_822 = arith.constant 1.000000e+00 : f32
        %jit3A_823 = arith.constant 0.000000e+00 : f32
        %broadcast_in_dim3A_824 = vector.broadcast %jit3A_822 : f32 to vector<16xf32>
        %broadcast_in_dim3A_825 = vector.broadcast %jit3A_823 : f32 to vector<16xf32>
        %select_n3A_826 = arith.select %eq3A_821, %broadcast_in_dim3A_824, %broadcast_in_dim3A_825 : vector<16xi1>, vector<16xf32>
        %add3A_827 = arith.addf %add3A_595, %select_n3A_826 : vector<16xf32>
        %eq3A_828 = arith.constant 9 : i32
        %eq3A_829 = vector.broadcast %eq3A_828 : i32 to vector<16xi32>
        %eq3A_830 = arith.cmpi eq, %min3A_746, %eq3A_829 : vector<16xi32>
        %jit3A_831 = arith.constant 1.000000e+00 : f32
        %jit3A_832 = arith.constant 0.000000e+00 : f32
        %broadcast_in_dim3A_833 = vector.broadcast %jit3A_831 : f32 to vector<16xf32>
        %broadcast_in_dim3A_834 = vector.broadcast %jit3A_832 : f32 to vector<16xf32>
        %select_n3A_835 = arith.select %eq3A_830, %broadcast_in_dim3A_833, %broadcast_in_dim3A_834 : vector<16xi1>, vector<16xf32>
        %add3A_836 = arith.addf %add3A_604, %select_n3A_835 : vector<16xf32>
        %eq3A_837 = arith.constant 10 : i32
        %eq3A_838 = vector.broadcast %eq3A_837 : i32 to vector<16xi32>
        %eq3A_839 = arith.cmpi eq, %min3A_746, %eq3A_838 : vector<16xi32>
        %jit3A_840 = arith.constant 1.000000e+00 : f32
        %jit3A_841 = arith.constant 0.000000e+00 : f32
        %broadcast_in_dim3A_842 = vector.broadcast %jit3A_840 : f32 to vector<16xf32>
        %broadcast_in_dim3A_843 = vector.broadcast %jit3A_841 : f32 to vector<16xf32>
        %select_n3A_844 = arith.select %eq3A_839, %broadcast_in_dim3A_842, %broadcast_in_dim3A_843 : vector<16xi1>, vector<16xf32>
        %add3A_845 = arith.addf %add3A_613, %select_n3A_844 : vector<16xf32>
        %eq3A_846 = arith.constant 11 : i32
        %eq3A_847 = vector.broadcast %eq3A_846 : i32 to vector<16xi32>
        %eq3A_848 = arith.cmpi eq, %min3A_746, %eq3A_847 : vector<16xi32>
        %jit3A_849 = arith.constant 1.000000e+00 : f32
        %jit3A_850 = arith.constant 0.000000e+00 : f32
        %broadcast_in_dim3A_851 = vector.broadcast %jit3A_849 : f32 to vector<16xf32>
        %broadcast_in_dim3A_852 = vector.broadcast %jit3A_850 : f32 to vector<16xf32>
        %select_n3A_853 = arith.select %eq3A_848, %broadcast_in_dim3A_851, %broadcast_in_dim3A_852 : vector<16xi1>, vector<16xf32>
        %add3A_854 = arith.addf %add3A_622, %select_n3A_853 : vector<16xf32>
        %eq3A_855 = arith.constant 12 : i32
        %eq3A_856 = vector.broadcast %eq3A_855 : i32 to vector<16xi32>
        %eq3A_857 = arith.cmpi eq, %min3A_746, %eq3A_856 : vector<16xi32>
        %jit3A_858 = arith.constant 1.000000e+00 : f32
        %jit3A_859 = arith.constant 0.000000e+00 : f32
        %broadcast_in_dim3A_860 = vector.broadcast %jit3A_858 : f32 to vector<16xf32>
        %broadcast_in_dim3A_861 = vector.broadcast %jit3A_859 : f32 to vector<16xf32>
        %select_n3A_862 = arith.select %eq3A_857, %broadcast_in_dim3A_860, %broadcast_in_dim3A_861 : vector<16xi1>, vector<16xf32>
        %add3A_863 = arith.addf %add3A_631, %select_n3A_862 : vector<16xf32>
        %eq3A_864 = arith.constant 13 : i32
        %eq3A_865 = vector.broadcast %eq3A_864 : i32 to vector<16xi32>
        %eq3A_866 = arith.cmpi eq, %min3A_746, %eq3A_865 : vector<16xi32>
        %jit3A_867 = arith.constant 1.000000e+00 : f32
        %jit3A_868 = arith.constant 0.000000e+00 : f32
        %broadcast_in_dim3A_869 = vector.broadcast %jit3A_867 : f32 to vector<16xf32>
        %broadcast_in_dim3A_870 = vector.broadcast %jit3A_868 : f32 to vector<16xf32>
        %select_n3A_871 = arith.select %eq3A_866, %broadcast_in_dim3A_869, %broadcast_in_dim3A_870 : vector<16xi1>, vector<16xf32>
        %add3A_872 = arith.addf %add3A_640, %select_n3A_871 : vector<16xf32>
        %eq3A_873 = arith.constant 14 : i32
        %eq3A_874 = vector.broadcast %eq3A_873 : i32 to vector<16xi32>
        %eq3A_875 = arith.cmpi eq, %min3A_746, %eq3A_874 : vector<16xi32>
        %jit3A_876 = arith.constant 1.000000e+00 : f32
        %jit3A_877 = arith.constant 0.000000e+00 : f32
        %broadcast_in_dim3A_878 = vector.broadcast %jit3A_876 : f32 to vector<16xf32>
        %broadcast_in_dim3A_879 = vector.broadcast %jit3A_877 : f32 to vector<16xf32>
        %select_n3A_880 = arith.select %eq3A_875, %broadcast_in_dim3A_878, %broadcast_in_dim3A_879 : vector<16xi1>, vector<16xf32>
        %add3A_881 = arith.addf %add3A_649, %select_n3A_880 : vector<16xf32>
        %eq3A_882 = arith.constant 15 : i32
        %eq3A_883 = vector.broadcast %eq3A_882 : i32 to vector<16xi32>
        %eq3A_884 = arith.cmpi eq, %min3A_746, %eq3A_883 : vector<16xi32>
        %jit3A_885 = arith.constant 1.000000e+00 : f32
        %jit3A_886 = arith.constant 0.000000e+00 : f32
        %broadcast_in_dim3A_887 = vector.broadcast %jit3A_885 : f32 to vector<16xf32>
        %broadcast_in_dim3A_888 = vector.broadcast %jit3A_886 : f32 to vector<16xf32>
        %select_n3A_889 = arith.select %eq3A_884, %broadcast_in_dim3A_887, %broadcast_in_dim3A_888 : vector<16xi1>, vector<16xf32>
        %add3A_890 = arith.addf %add3A_658, %select_n3A_889 : vector<16xf32>
        %eq3A_891 = arith.constant 16 : i32
        %eq3A_892 = vector.broadcast %eq3A_891 : i32 to vector<16xi32>
        %eq3A_893 = arith.cmpi eq, %min3A_746, %eq3A_892 : vector<16xi32>
        %jit3A_894 = arith.constant 1.000000e+00 : f32
        %jit3A_895 = arith.constant 0.000000e+00 : f32
        %broadcast_in_dim3A_896 = vector.broadcast %jit3A_894 : f32 to vector<16xf32>
        %broadcast_in_dim3A_897 = vector.broadcast %jit3A_895 : f32 to vector<16xf32>
        %select_n3A_898 = arith.select %eq3A_893, %broadcast_in_dim3A_896, %broadcast_in_dim3A_897 : vector<16xi1>, vector<16xf32>
        %add3A_899 = arith.addf %add3A_667, %select_n3A_898 : vector<16xf32>
        %eq3A_900 = arith.constant 17 : i32
        %eq3A_901 = vector.broadcast %eq3A_900 : i32 to vector<16xi32>
        %eq3A_902 = arith.cmpi eq, %min3A_746, %eq3A_901 : vector<16xi32>
        %jit3A_903 = arith.constant 1.000000e+00 : f32
        %jit3A_904 = arith.constant 0.000000e+00 : f32
        %broadcast_in_dim3A_905 = vector.broadcast %jit3A_903 : f32 to vector<16xf32>
        %broadcast_in_dim3A_906 = vector.broadcast %jit3A_904 : f32 to vector<16xf32>
        %select_n3A_907 = arith.select %eq3A_902, %broadcast_in_dim3A_905, %broadcast_in_dim3A_906 : vector<16xi1>, vector<16xf32>
        %add3A_908 = arith.addf %add3A_676, %select_n3A_907 : vector<16xf32>
        %eq3A_909 = arith.constant 18 : i32
        %eq3A_910 = vector.broadcast %eq3A_909 : i32 to vector<16xi32>
        %eq3A_911 = arith.cmpi eq, %min3A_746, %eq3A_910 : vector<16xi32>
        %jit3A_912 = arith.constant 1.000000e+00 : f32
        %jit3A_913 = arith.constant 0.000000e+00 : f32
        %broadcast_in_dim3A_914 = vector.broadcast %jit3A_912 : f32 to vector<16xf32>
        %broadcast_in_dim3A_915 = vector.broadcast %jit3A_913 : f32 to vector<16xf32>
        %select_n3A_916 = arith.select %eq3A_911, %broadcast_in_dim3A_914, %broadcast_in_dim3A_915 : vector<16xi1>, vector<16xf32>
        %add3A_917 = arith.addf %add3A_685, %select_n3A_916 : vector<16xf32>
        %eq3A_918 = arith.constant 19 : i32
        %eq3A_919 = vector.broadcast %eq3A_918 : i32 to vector<16xi32>
        %eq3A_920 = arith.cmpi eq, %min3A_746, %eq3A_919 : vector<16xi32>
        %jit3A_921 = arith.constant 1.000000e+00 : f32
        %jit3A_922 = arith.constant 0.000000e+00 : f32
        %broadcast_in_dim3A_923 = vector.broadcast %jit3A_921 : f32 to vector<16xf32>
        %broadcast_in_dim3A_924 = vector.broadcast %jit3A_922 : f32 to vector<16xf32>
        %select_n3A_925 = arith.select %eq3A_920, %broadcast_in_dim3A_923, %broadcast_in_dim3A_924 : vector<16xi1>, vector<16xf32>
        %add3A_926 = arith.addf %add3A_694, %select_n3A_925 : vector<16xf32>
        %eq3A_927 = arith.constant 20 : i32
        %eq3A_928 = vector.broadcast %eq3A_927 : i32 to vector<16xi32>
        %eq3A_929 = arith.cmpi eq, %min3A_746, %eq3A_928 : vector<16xi32>
        %jit3A_930 = arith.constant 1.000000e+00 : f32
        %jit3A_931 = arith.constant 0.000000e+00 : f32
        %broadcast_in_dim3A_932 = vector.broadcast %jit3A_930 : f32 to vector<16xf32>
        %broadcast_in_dim3A_933 = vector.broadcast %jit3A_931 : f32 to vector<16xf32>
        %select_n3A_934 = arith.select %eq3A_929, %broadcast_in_dim3A_932, %broadcast_in_dim3A_933 : vector<16xi1>, vector<16xf32>
        %add3A_935 = arith.addf %add3A_703, %select_n3A_934 : vector<16xf32>
        %mul3A_936 = arith.constant 16 : i32
        %mul3A_937 = arith.muli %scan3A_17, %mul3A_936 : i32
        %mul3A_938 = arith.constant 16 : i32
        %mul3A_939 = arith.muli %mul3A_937, %mul3A_938 : i32
        %add3A_940 = arith.constant 64 : i32
        %add3A_941 = arith.addi %mul3A_939, %add3A_940 : i32
        %get3A_942 = arith.index_cast %add3A_941 : i32 to index
        %get3A_943 = tpu.vector_load %arg4[%get3A_942] {strides = array<i32>} : memref<2048xf32, #tpu.memory_space<vmem>>, vector<16xf32>,
        %get3A_944 = vector.shape_cast %get3A_943 : vector<16xf32> to vector<16xf32>
        %sub3A_945 = arith.constant 0.000000e+00 : f32
        %sub3A_946 = vector.broadcast %sub3A_945 : f32 to vector<16xf32>
        %sub3A_947 = arith.subf %get3A_944, %sub3A_946 : vector<16xf32>
        %div3A_948 = arith.constant 2.000000e+01 : f32
        %div3A_949 = vector.broadcast %div3A_948 : f32 to vector<16xf32>
        %div3A_950 = arith.divf %sub3A_947, %div3A_949 : vector<16xf32>
        %mul3A_951 = arith.constant 2.000000e+01 : f32
        %mul3A_952 = vector.broadcast %mul3A_951 : f32 to vector<16xf32>
        %mul3A_953 = arith.mulf %div3A_950, %mul3A_952 : vector<16xf32>
        %convert_element_type3A_954 = arith.fptosi %mul3A_953 : vector<16xf32> to vector<16xi32>
        %convert_element_type3A_955 = arith.sitofp %convert_element_type3A_954 : vector<16xi32> to vector<16xf32>
        %sub3A_956 = arith.subf %mul3A_953, %convert_element_type3A_955 : vector<16xf32>
        %gt3A_957 = arith.constant 5.000000e-01 : f32
        %gt3A_958 = vector.broadcast %gt3A_957 : f32 to vector<16xf32>
        %gt3A_959 = arith.cmpf ogt, %sub3A_956, %gt3A_958 : vector<16xf32>
        %eq3A_960 = arith.constant 5.000000e-01 : f32
        %eq3A_961 = vector.broadcast %eq3A_960 : f32 to vector<16xf32>
        %eq3A_962 = arith.cmpf oeq, %sub3A_956, %eq3A_961 : vector<16xf32>
        %and3A_963 = arith.constant 1 : i32
        %and3A_964 = vector.broadcast %and3A_963 : i32 to vector<16xi32>
        %and3A_965 = arith.andi %convert_element_type3A_954, %and3A_964 : vector<16xi32>
        %jit3A_966 = arith.constant 0 : i32
        %broadcast_in_dim3A_967 = vector.broadcast %jit3A_966 : i32 to vector<16xi32>
        %select_n3A_968 = arith.select %eq3A_962, %and3A_965, %broadcast_in_dim3A_967 : vector<16xi1>, vector<16xi32>
        %jit3A_969 = arith.constant 1 : i32
        %broadcast_in_dim3A_970 = vector.broadcast %jit3A_969 : i32 to vector<16xi32>
        %select_n3A_971 = arith.select %gt3A_959, %broadcast_in_dim3A_970, %select_n3A_968 : vector<16xi1>, vector<16xi32>
        %add3A_972 = arith.addi %convert_element_type3A_954, %select_n3A_971 : vector<16xi32>
        %jit3A_973 = arith.constant 0 : i32
        %jit3A_974 = arith.constant 20 : i32
        %max3A_975 = vector.broadcast %jit3A_973 : i32 to vector<16xi32>
        %max3A_976 = arith.maxsi %max3A_975, %add3A_972 : vector<16xi32>
        %min3A_977 = vector.broadcast %jit3A_974 : i32 to vector<16xi32>
        %min3A_978 = arith.minsi %min3A_977, %max3A_976 : vector<16xi32>
        %eq3A_979 = arith.constant 0 : i32
        %eq3A_980 = vector.broadcast %eq3A_979 : i32 to vector<16xi32>
        %eq3A_981 = arith.cmpi eq, %min3A_978, %eq3A_980 : vector<16xi32>
        %jit3A_982 = arith.constant 1.000000e+00 : f32
        %jit3A_983 = arith.constant 0.000000e+00 : f32
        %broadcast_in_dim3A_984 = vector.broadcast %jit3A_982 : f32 to vector<16xf32>
        %broadcast_in_dim3A_985 = vector.broadcast %jit3A_983 : f32 to vector<16xf32>
        %select_n3A_986 = arith.select %eq3A_981, %broadcast_in_dim3A_984, %broadcast_in_dim3A_985 : vector<16xi1>, vector<16xf32>
        %add3A_987 = arith.addf %add3A_755, %select_n3A_986 : vector<16xf32>
        %eq3A_988 = arith.constant 1 : i32
        %eq3A_989 = vector.broadcast %eq3A_988 : i32 to vector<16xi32>
        %eq3A_990 = arith.cmpi eq, %min3A_978, %eq3A_989 : vector<16xi32>
        %jit3A_991 = arith.constant 1.000000e+00 : f32
        %jit3A_992 = arith.constant 0.000000e+00 : f32
        %broadcast_in_dim3A_993 = vector.broadcast %jit3A_991 : f32 to vector<16xf32>
        %broadcast_in_dim3A_994 = vector.broadcast %jit3A_992 : f32 to vector<16xf32>
        %select_n3A_995 = arith.select %eq3A_990, %broadcast_in_dim3A_993, %broadcast_in_dim3A_994 : vector<16xi1>, vector<16xf32>
        %add3A_996 = arith.addf %add3A_764, %select_n3A_995 : vector<16xf32>
        %eq3A_997 = arith.constant 2 : i32
        %eq3A_998 = vector.broadcast %eq3A_997 : i32 to vector<16xi32>
        %eq3A_999 = arith.cmpi eq, %min3A_978, %eq3A_998 : vector<16xi32>
        %jit3A_1000 = arith.constant 1.000000e+00 : f32
        %jit3A_1001 = arith.constant 0.000000e+00 : f32
        %broadcast_in_dim3A_1002 = vector.broadcast %jit3A_1000 : f32 to vector<16xf32>
        %broadcast_in_dim3A_1003 = vector.broadcast %jit3A_1001 : f32 to vector<16xf32>
        %select_n3A_1004 = arith.select %eq3A_999, %broadcast_in_dim3A_1002, %broadcast_in_dim3A_1003 : vector<16xi1>, vector<16xf32>
        %add3A_1005 = arith.addf %add3A_773, %select_n3A_1004 : vector<16xf32>
        %eq3A_1006 = arith.constant 3 : i32
        %eq3A_1007 = vector.broadcast %eq3A_1006 : i32 to vector<16xi32>
        %eq3A_1008 = arith.cmpi eq, %min3A_978, %eq3A_1007 : vector<16xi32>
        %jit3A_1009 = arith.constant 1.000000e+00 : f32
        %jit3A_1010 = arith.constant 0.000000e+00 : f32
        %broadcast_in_dim3A_1011 = vector.broadcast %jit3A_1009 : f32 to vector<16xf32>
        %broadcast_in_dim3A_1012 = vector.broadcast %jit3A_1010 : f32 to vector<16xf32>
        %select_n3A_1013 = arith.select %eq3A_1008, %broadcast_in_dim3A_1011, %broadcast_in_dim3A_1012 : vector<16xi1>, vector<16xf32>
        %add3A_1014 = arith.addf %add3A_782, %select_n3A_1013 : vector<16xf32>
        %eq3A_1015 = arith.constant 4 : i32
        %eq3A_1016 = vector.broadcast %eq3A_1015 : i32 to vector<16xi32>
        %eq3A_1017 = arith.cmpi eq, %min3A_978, %eq3A_1016 : vector<16xi32>
        %jit3A_1018 = arith.constant 1.000000e+00 : f32
        %jit3A_1019 = arith.constant 0.000000e+00 : f32
        %broadcast_in_dim3A_1020 = vector.broadcast %jit3A_1018 : f32 to vector<16xf32>
        %broadcast_in_dim3A_1021 = vector.broadcast %jit3A_1019 : f32 to vector<16xf32>
        %select_n3A_1022 = arith.select %eq3A_1017, %broadcast_in_dim3A_1020, %broadcast_in_dim3A_1021 : vector<16xi1>, vector<16xf32>
        %add3A_1023 = arith.addf %add3A_791, %select_n3A_1022 : vector<16xf32>
        %eq3A_1024 = arith.constant 5 : i32
        %eq3A_1025 = vector.broadcast %eq3A_1024 : i32 to vector<16xi32>
        %eq3A_1026 = arith.cmpi eq, %min3A_978, %eq3A_1025 : vector<16xi32>
        %jit3A_1027 = arith.constant 1.000000e+00 : f32
        %jit3A_1028 = arith.constant 0.000000e+00 : f32
        %broadcast_in_dim3A_1029 = vector.broadcast %jit3A_1027 : f32 to vector<16xf32>
        %broadcast_in_dim3A_1030 = vector.broadcast %jit3A_1028 : f32 to vector<16xf32>
        %select_n3A_1031 = arith.select %eq3A_1026, %broadcast_in_dim3A_1029, %broadcast_in_dim3A_1030 : vector<16xi1>, vector<16xf32>
        %add3A_1032 = arith.addf %add3A_800, %select_n3A_1031 : vector<16xf32>
        %eq3A_1033 = arith.constant 6 : i32
        %eq3A_1034 = vector.broadcast %eq3A_1033 : i32 to vector<16xi32>
        %eq3A_1035 = arith.cmpi eq, %min3A_978, %eq3A_1034 : vector<16xi32>
        %jit3A_1036 = arith.constant 1.000000e+00 : f32
        %jit3A_1037 = arith.constant 0.000000e+00 : f32
        %broadcast_in_dim3A_1038 = vector.broadcast %jit3A_1036 : f32 to vector<16xf32>
        %broadcast_in_dim3A_1039 = vector.broadcast %jit3A_1037 : f32 to vector<16xf32>
        %select_n3A_1040 = arith.select %eq3A_1035, %broadcast_in_dim3A_1038, %broadcast_in_dim3A_1039 : vector<16xi1>, vector<16xf32>
        %add3A_1041 = arith.addf %add3A_809, %select_n3A_1040 : vector<16xf32>
        %eq3A_1042 = arith.constant 7 : i32
        %eq3A_1043 = vector.broadcast %eq3A_1042 : i32 to vector<16xi32>
        %eq3A_1044 = arith.cmpi eq, %min3A_978, %eq3A_1043 : vector<16xi32>
        %jit3A_1045 = arith.constant 1.000000e+00 : f32
        %jit3A_1046 = arith.constant 0.000000e+00 : f32
        %broadcast_in_dim3A_1047 = vector.broadcast %jit3A_1045 : f32 to vector<16xf32>
        %broadcast_in_dim3A_1048 = vector.broadcast %jit3A_1046 : f32 to vector<16xf32>
        %select_n3A_1049 = arith.select %eq3A_1044, %broadcast_in_dim3A_1047, %broadcast_in_dim3A_1048 : vector<16xi1>, vector<16xf32>
        %add3A_1050 = arith.addf %add3A_818, %select_n3A_1049 : vector<16xf32>
        %eq3A_1051 = arith.constant 8 : i32
        %eq3A_1052 = vector.broadcast %eq3A_1051 : i32 to vector<16xi32>
        %eq3A_1053 = arith.cmpi eq, %min3A_978, %eq3A_1052 : vector<16xi32>
        %jit3A_1054 = arith.constant 1.000000e+00 : f32
        %jit3A_1055 = arith.constant 0.000000e+00 : f32
        %broadcast_in_dim3A_1056 = vector.broadcast %jit3A_1054 : f32 to vector<16xf32>
        %broadcast_in_dim3A_1057 = vector.broadcast %jit3A_1055 : f32 to vector<16xf32>
        %select_n3A_1058 = arith.select %eq3A_1053, %broadcast_in_dim3A_1056, %broadcast_in_dim3A_1057 : vector<16xi1>, vector<16xf32>
        %add3A_1059 = arith.addf %add3A_827, %select_n3A_1058 : vector<16xf32>
        %eq3A_1060 = arith.constant 9 : i32
        %eq3A_1061 = vector.broadcast %eq3A_1060 : i32 to vector<16xi32>
        %eq3A_1062 = arith.cmpi eq, %min3A_978, %eq3A_1061 : vector<16xi32>
        %jit3A_1063 = arith.constant 1.000000e+00 : f32
        %jit3A_1064 = arith.constant 0.000000e+00 : f32
        %broadcast_in_dim3A_1065 = vector.broadcast %jit3A_1063 : f32 to vector<16xf32>
        %broadcast_in_dim3A_1066 = vector.broadcast %jit3A_1064 : f32 to vector<16xf32>
        %select_n3A_1067 = arith.select %eq3A_1062, %broadcast_in_dim3A_1065, %broadcast_in_dim3A_1066 : vector<16xi1>, vector<16xf32>
        %add3A_1068 = arith.addf %add3A_836, %select_n3A_1067 : vector<16xf32>
        %eq3A_1069 = arith.constant 10 : i32
        %eq3A_1070 = vector.broadcast %eq3A_1069 : i32 to vector<16xi32>
        %eq3A_1071 = arith.cmpi eq, %min3A_978, %eq3A_1070 : vector<16xi32>
        %jit3A_1072 = arith.constant 1.000000e+00 : f32
        %jit3A_1073 = arith.constant 0.000000e+00 : f32
        %broadcast_in_dim3A_1074 = vector.broadcast %jit3A_1072 : f32 to vector<16xf32>
        %broadcast_in_dim3A_1075 = vector.broadcast %jit3A_1073 : f32 to vector<16xf32>
        %select_n3A_1076 = arith.select %eq3A_1071, %broadcast_in_dim3A_1074, %broadcast_in_dim3A_1075 : vector<16xi1>, vector<16xf32>
        %add3A_1077 = arith.addf %add3A_845, %select_n3A_1076 : vector<16xf32>
        %eq3A_1078 = arith.constant 11 : i32
        %eq3A_1079 = vector.broadcast %eq3A_1078 : i32 to vector<16xi32>
        %eq3A_1080 = arith.cmpi eq, %min3A_978, %eq3A_1079 : vector<16xi32>
        %jit3A_1081 = arith.constant 1.000000e+00 : f32
        %jit3A_1082 = arith.constant 0.000000e+00 : f32
        %broadcast_in_dim3A_1083 = vector.broadcast %jit3A_1081 : f32 to vector<16xf32>
        %broadcast_in_dim3A_1084 = vector.broadcast %jit3A_1082 : f32 to vector<16xf32>
        %select_n3A_1085 = arith.select %eq3A_1080, %broadcast_in_dim3A_1083, %broadcast_in_dim3A_1084 : vector<16xi1>, vector<16xf32>
        %add3A_1086 = arith.addf %add3A_854, %select_n3A_1085 : vector<16xf32>
        %eq3A_1087 = arith.constant 12 : i32
        %eq3A_1088 = vector.broadcast %eq3A_1087 : i32 to vector<16xi32>
        %eq3A_1089 = arith.cmpi eq, %min3A_978, %eq3A_1088 : vector<16xi32>
        %jit3A_1090 = arith.constant 1.000000e+00 : f32
        %jit3A_1091 = arith.constant 0.000000e+00 : f32
        %broadcast_in_dim3A_1092 = vector.broadcast %jit3A_1090 : f32 to vector<16xf32>
        %broadcast_in_dim3A_1093 = vector.broadcast %jit3A_1091 : f32 to vector<16xf32>
        %select_n3A_1094 = arith.select %eq3A_1089, %broadcast_in_dim3A_1092, %broadcast_in_dim3A_1093 : vector<16xi1>, vector<16xf32>
        %add3A_1095 = arith.addf %add3A_863, %select_n3A_1094 : vector<16xf32>
        %eq3A_1096 = arith.constant 13 : i32
        %eq3A_1097 = vector.broadcast %eq3A_1096 : i32 to vector<16xi32>
        %eq3A_1098 = arith.cmpi eq, %min3A_978, %eq3A_1097 : vector<16xi32>
        %jit3A_1099 = arith.constant 1.000000e+00 : f32
        %jit3A_1100 = arith.constant 0.000000e+00 : f32
        %broadcast_in_dim3A_1101 = vector.broadcast %jit3A_1099 : f32 to vector<16xf32>
        %broadcast_in_dim3A_1102 = vector.broadcast %jit3A_1100 : f32 to vector<16xf32>
        %select_n3A_1103 = arith.select %eq3A_1098, %broadcast_in_dim3A_1101, %broadcast_in_dim3A_1102 : vector<16xi1>, vector<16xf32>
        %add3A_1104 = arith.addf %add3A_872, %select_n3A_1103 : vector<16xf32>
        %eq3A_1105 = arith.constant 14 : i32
        %eq3A_1106 = vector.broadcast %eq3A_1105 : i32 to vector<16xi32>
        %eq3A_1107 = arith.cmpi eq, %min3A_978, %eq3A_1106 : vector<16xi32>
        %jit3A_1108 = arith.constant 1.000000e+00 : f32
        %jit3A_1109 = arith.constant 0.000000e+00 : f32
        %broadcast_in_dim3A_1110 = vector.broadcast %jit3A_1108 : f32 to vector<16xf32>
        %broadcast_in_dim3A_1111 = vector.broadcast %jit3A_1109 : f32 to vector<16xf32>
        %select_n3A_1112 = arith.select %eq3A_1107, %broadcast_in_dim3A_1110, %broadcast_in_dim3A_1111 : vector<16xi1>, vector<16xf32>
        %add3A_1113 = arith.addf %add3A_881, %select_n3A_1112 : vector<16xf32>
        %eq3A_1114 = arith.constant 15 : i32
        %eq3A_1115 = vector.broadcast %eq3A_1114 : i32 to vector<16xi32>
        %eq3A_1116 = arith.cmpi eq, %min3A_978, %eq3A_1115 : vector<16xi32>
        %jit3A_1117 = arith.constant 1.000000e+00 : f32
        %jit3A_1118 = arith.constant 0.000000e+00 : f32
        %broadcast_in_dim3A_1119 = vector.broadcast %jit3A_1117 : f32 to vector<16xf32>
        %broadcast_in_dim3A_1120 = vector.broadcast %jit3A_1118 : f32 to vector<16xf32>
        %select_n3A_1121 = arith.select %eq3A_1116, %broadcast_in_dim3A_1119, %broadcast_in_dim3A_1120 : vector<16xi1>, vector<16xf32>
        %add3A_1122 = arith.addf %add3A_890, %select_n3A_1121 : vector<16xf32>
        %eq3A_1123 = arith.constant 16 : i32
        %eq3A_1124 = vector.broadcast %eq3A_1123 : i32 to vector<16xi32>
        %eq3A_1125 = arith.cmpi eq, %min3A_978, %eq3A_1124 : vector<16xi32>
        %jit3A_1126 = arith.constant 1.000000e+00 : f32
        %jit3A_1127 = arith.constant 0.000000e+00 : f32
        %broadcast_in_dim3A_1128 = vector.broadcast %jit3A_1126 : f32 to vector<16xf32>
        %broadcast_in_dim3A_1129 = vector.broadcast %jit3A_1127 : f32 to vector<16xf32>
        %select_n3A_1130 = arith.select %eq3A_1125, %broadcast_in_dim3A_1128, %broadcast_in_dim3A_1129 : vector<16xi1>, vector<16xf32>
        %add3A_1131 = arith.addf %add3A_899, %select_n3A_1130 : vector<16xf32>
        %eq3A_1132 = arith.constant 17 : i32
        %eq3A_1133 = vector.broadcast %eq3A_1132 : i32 to vector<16xi32>
        %eq3A_1134 = arith.cmpi eq, %min3A_978, %eq3A_1133 : vector<16xi32>
        %jit3A_1135 = arith.constant 1.000000e+00 : f32
        %jit3A_1136 = arith.constant 0.000000e+00 : f32
        %broadcast_in_dim3A_1137 = vector.broadcast %jit3A_1135 : f32 to vector<16xf32>
        %broadcast_in_dim3A_1138 = vector.broadcast %jit3A_1136 : f32 to vector<16xf32>
        %select_n3A_1139 = arith.select %eq3A_1134, %broadcast_in_dim3A_1137, %broadcast_in_dim3A_1138 : vector<16xi1>, vector<16xf32>
        %add3A_1140 = arith.addf %add3A_908, %select_n3A_1139 : vector<16xf32>
        %eq3A_1141 = arith.constant 18 : i32
        %eq3A_1142 = vector.broadcast %eq3A_1141 : i32 to vector<16xi32>
        %eq3A_1143 = arith.cmpi eq, %min3A_978, %eq3A_1142 : vector<16xi32>
        %jit3A_1144 = arith.constant 1.000000e+00 : f32
        %jit3A_1145 = arith.constant 0.000000e+00 : f32
        %broadcast_in_dim3A_1146 = vector.broadcast %jit3A_1144 : f32 to vector<16xf32>
        %broadcast_in_dim3A_1147 = vector.broadcast %jit3A_1145 : f32 to vector<16xf32>
        %select_n3A_1148 = arith.select %eq3A_1143, %broadcast_in_dim3A_1146, %broadcast_in_dim3A_1147 : vector<16xi1>, vector<16xf32>
        %add3A_1149 = arith.addf %add3A_917, %select_n3A_1148 : vector<16xf32>
        %eq3A_1150 = arith.constant 19 : i32
        %eq3A_1151 = vector.broadcast %eq3A_1150 : i32 to vector<16xi32>
        %eq3A_1152 = arith.cmpi eq, %min3A_978, %eq3A_1151 : vector<16xi32>
        %jit3A_1153 = arith.constant 1.000000e+00 : f32
        %jit3A_1154 = arith.constant 0.000000e+00 : f32
        %broadcast_in_dim3A_1155 = vector.broadcast %jit3A_1153 : f32 to vector<16xf32>
        %broadcast_in_dim3A_1156 = vector.broadcast %jit3A_1154 : f32 to vector<16xf32>
        %select_n3A_1157 = arith.select %eq3A_1152, %broadcast_in_dim3A_1155, %broadcast_in_dim3A_1156 : vector<16xi1>, vector<16xf32>
        %add3A_1158 = arith.addf %add3A_926, %select_n3A_1157 : vector<16xf32>
        %eq3A_1159 = arith.constant 20 : i32
        %eq3A_1160 = vector.broadcast %eq3A_1159 : i32 to vector<16xi32>
        %eq3A_1161 = arith.cmpi eq, %min3A_978, %eq3A_1160 : vector<16xi32>
        %jit3A_1162 = arith.constant 1.000000e+00 : f32
        %jit3A_1163 = arith.constant 0.000000e+00 : f32
        %broadcast_in_dim3A_1164 = vector.broadcast %jit3A_1162 : f32 to vector<16xf32>
        %broadcast_in_dim3A_1165 = vector.broadcast %jit3A_1163 : f32 to vector<16xf32>
        %select_n3A_1166 = arith.select %eq3A_1161, %broadcast_in_dim3A_1164, %broadcast_in_dim3A_1165 : vector<16xi1>, vector<16xf32>
        %add3A_1167 = arith.addf %add3A_935, %select_n3A_1166 : vector<16xf32>
        %mul3A_1168 = arith.constant 16 : i32
        %mul3A_1169 = arith.muli %scan3A_17, %mul3A_1168 : i32
        %mul3A_1170 = arith.constant 16 : i32
        %mul3A_1171 = arith.muli %mul3A_1169, %mul3A_1170 : i32
        %add3A_1172 = arith.constant 80 : i32
        %add3A_1173 = arith.addi %mul3A_1171, %add3A_1172 : i32
        %get3A_1174 = arith.index_cast %add3A_1173 : i32 to index
        %get3A_1175 = tpu.vector_load %arg4[%get3A_1174] {strides = array<i32>} : memref<2048xf32, #tpu.memory_space<vmem>>, vector<16xf32>,
        %get3A_1176 = vector.shape_cast %get3A_1175 : vector<16xf32> to vector<16xf32>
        %sub3A_1177 = arith.constant 0.000000e+00 : f32
        %sub3A_1178 = vector.broadcast %sub3A_1177 : f32 to vector<16xf32>
        %sub3A_1179 = arith.subf %get3A_1176, %sub3A_1178 : vector<16xf32>
        %div3A_1180 = arith.constant 2.000000e+01 : f32
        %div3A_1181 = vector.broadcast %div3A_1180 : f32 to vector<16xf32>
        %div3A_1182 = arith.divf %sub3A_1179, %div3A_1181 : vector<16xf32>
        %mul3A_1183 = arith.constant 2.000000e+01 : f32
        %mul3A_1184 = vector.broadcast %mul3A_1183 : f32 to vector<16xf32>
        %mul3A_1185 = arith.mulf %div3A_1182, %mul3A_1184 : vector<16xf32>
        %convert_element_type3A_1186 = arith.fptosi %mul3A_1185 : vector<16xf32> to vector<16xi32>
        %convert_element_type3A_1187 = arith.sitofp %convert_element_type3A_1186 : vector<16xi32> to vector<16xf32>
        %sub3A_1188 = arith.subf %mul3A_1185, %convert_element_type3A_1187 : vector<16xf32>
        %gt3A_1189 = arith.constant 5.000000e-01 : f32
        %gt3A_1190 = vector.broadcast %gt3A_1189 : f32 to vector<16xf32>
        %gt3A_1191 = arith.cmpf ogt, %sub3A_1188, %gt3A_1190 : vector<16xf32>
        %eq3A_1192 = arith.constant 5.000000e-01 : f32
        %eq3A_1193 = vector.broadcast %eq3A_1192 : f32 to vector<16xf32>
        %eq3A_1194 = arith.cmpf oeq, %sub3A_1188, %eq3A_1193 : vector<16xf32>
        %and3A_1195 = arith.constant 1 : i32
        %and3A_1196 = vector.broadcast %and3A_1195 : i32 to vector<16xi32>
        %and3A_1197 = arith.andi %convert_element_type3A_1186, %and3A_1196 : vector<16xi32>
        %jit3A_1198 = arith.constant 0 : i32
        %broadcast_in_dim3A_1199 = vector.broadcast %jit3A_1198 : i32 to vector<16xi32>
        %select_n3A_1200 = arith.select %eq3A_1194, %and3A_1197, %broadcast_in_dim3A_1199 : vector<16xi1>, vector<16xi32>
        %jit3A_1201 = arith.constant 1 : i32
        %broadcast_in_dim3A_1202 = vector.broadcast %jit3A_1201 : i32 to vector<16xi32>
        %select_n3A_1203 = arith.select %gt3A_1191, %broadcast_in_dim3A_1202, %select_n3A_1200 : vector<16xi1>, vector<16xi32>
        %add3A_1204 = arith.addi %convert_element_type3A_1186, %select_n3A_1203 : vector<16xi32>
        %jit3A_1205 = arith.constant 0 : i32
        %jit3A_1206 = arith.constant 20 : i32
        %max3A_1207 = vector.broadcast %jit3A_1205 : i32 to vector<16xi32>
        %max3A_1208 = arith.maxsi %max3A_1207, %add3A_1204 : vector<16xi32>
        %min3A_1209 = vector.broadcast %jit3A_1206 : i32 to vector<16xi32>
        %min3A_1210 = arith.minsi %min3A_1209, %max3A_1208 : vector<16xi32>
        %eq3A_1211 = arith.constant 0 : i32
        %eq3A_1212 = vector.broadcast %eq3A_1211 : i32 to vector<16xi32>
        %eq3A_1213 = arith.cmpi eq, %min3A_1210, %eq3A_1212 : vector<16xi32>
        %jit3A_1214 = arith.constant 1.000000e+00 : f32
        %jit3A_1215 = arith.constant 0.000000e+00 : f32
        %broadcast_in_dim3A_1216 = vector.broadcast %jit3A_1214 : f32 to vector<16xf32>
        %broadcast_in_dim3A_1217 = vector.broadcast %jit3A_1215 : f32 to vector<16xf32>
        %select_n3A_1218 = arith.select %eq3A_1213, %broadcast_in_dim3A_1216, %broadcast_in_dim3A_1217 : vector<16xi1>, vector<16xf32>
        %add3A_1219 = arith.addf %add3A_987, %select_n3A_1218 : vector<16xf32>
        %eq3A_1220 = arith.constant 1 : i32
        %eq3A_1221 = vector.broadcast %eq3A_1220 : i32 to vector<16xi32>
        %eq3A_1222 = arith.cmpi eq, %min3A_1210, %eq3A_1221 : vector<16xi32>
        %jit3A_1223 = arith.constant 1.000000e+00 : f32
        %jit3A_1224 = arith.constant 0.000000e+00 : f32
        %broadcast_in_dim3A_1225 = vector.broadcast %jit3A_1223 : f32 to vector<16xf32>
        %broadcast_in_dim3A_1226 = vector.broadcast %jit3A_1224 : f32 to vector<16xf32>
        %select_n3A_1227 = arith.select %eq3A_1222, %broadcast_in_dim3A_1225, %broadcast_in_dim3A_1226 : vector<16xi1>, vector<16xf32>
        %add3A_1228 = arith.addf %add3A_996, %select_n3A_1227 : vector<16xf32>
        %eq3A_1229 = arith.constant 2 : i32
        %eq3A_1230 = vector.broadcast %eq3A_1229 : i32 to vector<16xi32>
        %eq3A_1231 = arith.cmpi eq, %min3A_1210, %eq3A_1230 : vector<16xi32>
        %jit3A_1232 = arith.constant 1.000000e+00 : f32
        %jit3A_1233 = arith.constant 0.000000e+00 : f32
        %broadcast_in_dim3A_1234 = vector.broadcast %jit3A_1232 : f32 to vector<16xf32>
        %broadcast_in_dim3A_1235 = vector.broadcast %jit3A_1233 : f32 to vector<16xf32>
        %select_n3A_1236 = arith.select %eq3A_1231, %broadcast_in_dim3A_1234, %broadcast_in_dim3A_1235 : vector<16xi1>, vector<16xf32>
        %add3A_1237 = arith.addf %add3A_1005, %select_n3A_1236 : vector<16xf32>
        %eq3A_1238 = arith.constant 3 : i32
        %eq3A_1239 = vector.broadcast %eq3A_1238 : i32 to vector<16xi32>
        %eq3A_1240 = arith.cmpi eq, %min3A_1210, %eq3A_1239 : vector<16xi32>
        %jit3A_1241 = arith.constant 1.000000e+00 : f32
        %jit3A_1242 = arith.constant 0.000000e+00 : f32
        %broadcast_in_dim3A_1243 = vector.broadcast %jit3A_1241 : f32 to vector<16xf32>
        %broadcast_in_dim3A_1244 = vector.broadcast %jit3A_1242 : f32 to vector<16xf32>
        %select_n3A_1245 = arith.select %eq3A_1240, %broadcast_in_dim3A_1243, %broadcast_in_dim3A_1244 : vector<16xi1>, vector<16xf32>
        %add3A_1246 = arith.addf %add3A_1014, %select_n3A_1245 : vector<16xf32>
        %eq3A_1247 = arith.constant 4 : i32
        %eq3A_1248 = vector.broadcast %eq3A_1247 : i32 to vector<16xi32>
        %eq3A_1249 = arith.cmpi eq, %min3A_1210, %eq3A_1248 : vector<16xi32>
        %jit3A_1250 = arith.constant 1.000000e+00 : f32
        %jit3A_1251 = arith.constant 0.000000e+00 : f32
        %broadcast_in_dim3A_1252 = vector.broadcast %jit3A_1250 : f32 to vector<16xf32>
        %broadcast_in_dim3A_1253 = vector.broadcast %jit3A_1251 : f32 to vector<16xf32>
        %select_n3A_1254 = arith.select %eq3A_1249, %broadcast_in_dim3A_1252, %broadcast_in_dim3A_1253 : vector<16xi1>, vector<16xf32>
        %add3A_1255 = arith.addf %add3A_1023, %select_n3A_1254 : vector<16xf32>
        %eq3A_1256 = arith.constant 5 : i32
        %eq3A_1257 = vector.broadcast %eq3A_1256 : i32 to vector<16xi32>
        %eq3A_1258 = arith.cmpi eq, %min3A_1210, %eq3A_1257 : vector<16xi32>
        %jit3A_1259 = arith.constant 1.000000e+00 : f32
        %jit3A_1260 = arith.constant 0.000000e+00 : f32
        %broadcast_in_dim3A_1261 = vector.broadcast %jit3A_1259 : f32 to vector<16xf32>
        %broadcast_in_dim3A_1262 = vector.broadcast %jit3A_1260 : f32 to vector<16xf32>
        %select_n3A_1263 = arith.select %eq3A_1258, %broadcast_in_dim3A_1261, %broadcast_in_dim3A_1262 : vector<16xi1>, vector<16xf32>
        %add3A_1264 = arith.addf %add3A_1032, %select_n3A_1263 : vector<16xf32>
        %eq3A_1265 = arith.constant 6 : i32
        %eq3A_1266 = vector.broadcast %eq3A_1265 : i32 to vector<16xi32>
        %eq3A_1267 = arith.cmpi eq, %min3A_1210, %eq3A_1266 : vector<16xi32>
        %jit3A_1268 = arith.constant 1.000000e+00 : f32
        %jit3A_1269 = arith.constant 0.000000e+00 : f32
        %broadcast_in_dim3A_1270 = vector.broadcast %jit3A_1268 : f32 to vector<16xf32>
        %broadcast_in_dim3A_1271 = vector.broadcast %jit3A_1269 : f32 to vector<16xf32>
        %select_n3A_1272 = arith.select %eq3A_1267, %broadcast_in_dim3A_1270, %broadcast_in_dim3A_1271 : vector<16xi1>, vector<16xf32>
        %add3A_1273 = arith.addf %add3A_1041, %select_n3A_1272 : vector<16xf32>
        %eq3A_1274 = arith.constant 7 : i32
        %eq3A_1275 = vector.broadcast %eq3A_1274 : i32 to vector<16xi32>
        %eq3A_1276 = arith.cmpi eq, %min3A_1210, %eq3A_1275 : vector<16xi32>
        %jit3A_1277 = arith.constant 1.000000e+00 : f32
        %jit3A_1278 = arith.constant 0.000000e+00 : f32
        %broadcast_in_dim3A_1279 = vector.broadcast %jit3A_1277 : f32 to vector<16xf32>
        %broadcast_in_dim3A_1280 = vector.broadcast %jit3A_1278 : f32 to vector<16xf32>
        %select_n3A_1281 = arith.select %eq3A_1276, %broadcast_in_dim3A_1279, %broadcast_in_dim3A_1280 : vector<16xi1>, vector<16xf32>
        %add3A_1282 = arith.addf %add3A_1050, %select_n3A_1281 : vector<16xf32>
        %eq3A_1283 = arith.constant 8 : i32
        %eq3A_1284 = vector.broadcast %eq3A_1283 : i32 to vector<16xi32>
        %eq3A_1285 = arith.cmpi eq, %min3A_1210, %eq3A_1284 : vector<16xi32>
        %jit3A_1286 = arith.constant 1.000000e+00 : f32
        %jit3A_1287 = arith.constant 0.000000e+00 : f32
        %broadcast_in_dim3A_1288 = vector.broadcast %jit3A_1286 : f32 to vector<16xf32>
        %broadcast_in_dim3A_1289 = vector.broadcast %jit3A_1287 : f32 to vector<16xf32>
        %select_n3A_1290 = arith.select %eq3A_1285, %broadcast_in_dim3A_1288, %broadcast_in_dim3A_1289 : vector<16xi1>, vector<16xf32>
        %add3A_1291 = arith.addf %add3A_1059, %select_n3A_1290 : vector<16xf32>
        %eq3A_1292 = arith.constant 9 : i32
        %eq3A_1293 = vector.broadcast %eq3A_1292 : i32 to vector<16xi32>
        %eq3A_1294 = arith.cmpi eq, %min3A_1210, %eq3A_1293 : vector<16xi32>
        %jit3A_1295 = arith.constant 1.000000e+00 : f32
        %jit3A_1296 = arith.constant 0.000000e+00 : f32
        %broadcast_in_dim3A_1297 = vector.broadcast %jit3A_1295 : f32 to vector<16xf32>
        %broadcast_in_dim3A_1298 = vector.broadcast %jit3A_1296 : f32 to vector<16xf32>
        %select_n3A_1299 = arith.select %eq3A_1294, %broadcast_in_dim3A_1297, %broadcast_in_dim3A_1298 : vector<16xi1>, vector<16xf32>
        %add3A_1300 = arith.addf %add3A_1068, %select_n3A_1299 : vector<16xf32>
        %eq3A_1301 = arith.constant 10 : i32
        %eq3A_1302 = vector.broadcast %eq3A_1301 : i32 to vector<16xi32>
        %eq3A_1303 = arith.cmpi eq, %min3A_1210, %eq3A_1302 : vector<16xi32>
        %jit3A_1304 = arith.constant 1.000000e+00 : f32
        %jit3A_1305 = arith.constant 0.000000e+00 : f32
        %broadcast_in_dim3A_1306 = vector.broadcast %jit3A_1304 : f32 to vector<16xf32>
        %broadcast_in_dim3A_1307 = vector.broadcast %jit3A_1305 : f32 to vector<16xf32>
        %select_n3A_1308 = arith.select %eq3A_1303, %broadcast_in_dim3A_1306, %broadcast_in_dim3A_1307 : vector<16xi1>, vector<16xf32>
        %add3A_1309 = arith.addf %add3A_1077, %select_n3A_1308 : vector<16xf32>
        %eq3A_1310 = arith.constant 11 : i32
        %eq3A_1311 = vector.broadcast %eq3A_1310 : i32 to vector<16xi32>
        %eq3A_1312 = arith.cmpi eq, %min3A_1210, %eq3A_1311 : vector<16xi32>
        %jit3A_1313 = arith.constant 1.000000e+00 : f32
        %jit3A_1314 = arith.constant 0.000000e+00 : f32
        %broadcast_in_dim3A_1315 = vector.broadcast %jit3A_1313 : f32 to vector<16xf32>
        %broadcast_in_dim3A_1316 = vector.broadcast %jit3A_1314 : f32 to vector<16xf32>
        %select_n3A_1317 = arith.select %eq3A_1312, %broadcast_in_dim3A_1315, %broadcast_in_dim3A_1316 : vector<16xi1>, vector<16xf32>
        %add3A_1318 = arith.addf %add3A_1086, %select_n3A_1317 : vector<16xf32>
        %eq3A_1319 = arith.constant 12 : i32
        %eq3A_1320 = vector.broadcast %eq3A_1319 : i32 to vector<16xi32>
        %eq3A_1321 = arith.cmpi eq, %min3A_1210, %eq3A_1320 : vector<16xi32>
        %jit3A_1322 = arith.constant 1.000000e+00 : f32
        %jit3A_1323 = arith.constant 0.000000e+00 : f32
        %broadcast_in_dim3A_1324 = vector.broadcast %jit3A_1322 : f32 to vector<16xf32>
        %broadcast_in_dim3A_1325 = vector.broadcast %jit3A_1323 : f32 to vector<16xf32>
        %select_n3A_1326 = arith.select %eq3A_1321, %broadcast_in_dim3A_1324, %broadcast_in_dim3A_1325 : vector<16xi1>, vector<16xf32>
        %add3A_1327 = arith.addf %add3A_1095, %select_n3A_1326 : vector<16xf32>
        %eq3A_1328 = arith.constant 13 : i32
        %eq3A_1329 = vector.broadcast %eq3A_1328 : i32 to vector<16xi32>
        %eq3A_1330 = arith.cmpi eq, %min3A_1210, %eq3A_1329 : vector<16xi32>
        %jit3A_1331 = arith.constant 1.000000e+00 : f32
        %jit3A_1332 = arith.constant 0.000000e+00 : f32
        %broadcast_in_dim3A_1333 = vector.broadcast %jit3A_1331 : f32 to vector<16xf32>
        %broadcast_in_dim3A_1334 = vector.broadcast %jit3A_1332 : f32 to vector<16xf32>
        %select_n3A_1335 = arith.select %eq3A_1330, %broadcast_in_dim3A_1333, %broadcast_in_dim3A_1334 : vector<16xi1>, vector<16xf32>
        %add3A_1336 = arith.addf %add3A_1104, %select_n3A_1335 : vector<16xf32>
        %eq3A_1337 = arith.constant 14 : i32
        %eq3A_1338 = vector.broadcast %eq3A_1337 : i32 to vector<16xi32>
        %eq3A_1339 = arith.cmpi eq, %min3A_1210, %eq3A_1338 : vector<16xi32>
        %jit3A_1340 = arith.constant 1.000000e+00 : f32
        %jit3A_1341 = arith.constant 0.000000e+00 : f32
        %broadcast_in_dim3A_1342 = vector.broadcast %jit3A_1340 : f32 to vector<16xf32>
        %broadcast_in_dim3A_1343 = vector.broadcast %jit3A_1341 : f32 to vector<16xf32>
        %select_n3A_1344 = arith.select %eq3A_1339, %broadcast_in_dim3A_1342, %broadcast_in_dim3A_1343 : vector<16xi1>, vector<16xf32>
        %add3A_1345 = arith.addf %add3A_1113, %select_n3A_1344 : vector<16xf32>
        %eq3A_1346 = arith.constant 15 : i32
        %eq3A_1347 = vector.broadcast %eq3A_1346 : i32 to vector<16xi32>
        %eq3A_1348 = arith.cmpi eq, %min3A_1210, %eq3A_1347 : vector<16xi32>
        %jit3A_1349 = arith.constant 1.000000e+00 : f32
        %jit3A_1350 = arith.constant 0.000000e+00 : f32
        %broadcast_in_dim3A_1351 = vector.broadcast %jit3A_1349 : f32 to vector<16xf32>
        %broadcast_in_dim3A_1352 = vector.broadcast %jit3A_1350 : f32 to vector<16xf32>
        %select_n3A_1353 = arith.select %eq3A_1348, %broadcast_in_dim3A_1351, %broadcast_in_dim3A_1352 : vector<16xi1>, vector<16xf32>
        %add3A_1354 = arith.addf %add3A_1122, %select_n3A_1353 : vector<16xf32>
        %eq3A_1355 = arith.constant 16 : i32
        %eq3A_1356 = vector.broadcast %eq3A_1355 : i32 to vector<16xi32>
        %eq3A_1357 = arith.cmpi eq, %min3A_1210, %eq3A_1356 : vector<16xi32>
        %jit3A_1358 = arith.constant 1.000000e+00 : f32
        %jit3A_1359 = arith.constant 0.000000e+00 : f32
        %broadcast_in_dim3A_1360 = vector.broadcast %jit3A_1358 : f32 to vector<16xf32>
        %broadcast_in_dim3A_1361 = vector.broadcast %jit3A_1359 : f32 to vector<16xf32>
        %select_n3A_1362 = arith.select %eq3A_1357, %broadcast_in_dim3A_1360, %broadcast_in_dim3A_1361 : vector<16xi1>, vector<16xf32>
        %add3A_1363 = arith.addf %add3A_1131, %select_n3A_1362 : vector<16xf32>
        %eq3A_1364 = arith.constant 17 : i32
        %eq3A_1365 = vector.broadcast %eq3A_1364 : i32 to vector<16xi32>
        %eq3A_1366 = arith.cmpi eq, %min3A_1210, %eq3A_1365 : vector<16xi32>
        %jit3A_1367 = arith.constant 1.000000e+00 : f32
        %jit3A_1368 = arith.constant 0.000000e+00 : f32
        %broadcast_in_dim3A_1369 = vector.broadcast %jit3A_1367 : f32 to vector<16xf32>
        %broadcast_in_dim3A_1370 = vector.broadcast %jit3A_1368 : f32 to vector<16xf32>
        %select_n3A_1371 = arith.select %eq3A_1366, %broadcast_in_dim3A_1369, %broadcast_in_dim3A_1370 : vector<16xi1>, vector<16xf32>
        %add3A_1372 = arith.addf %add3A_1140, %select_n3A_1371 : vector<16xf32>
        %eq3A_1373 = arith.constant 18 : i32
        %eq3A_1374 = vector.broadcast %eq3A_1373 : i32 to vector<16xi32>
        %eq3A_1375 = arith.cmpi eq, %min3A_1210, %eq3A_1374 : vector<16xi32>
        %jit3A_1376 = arith.constant 1.000000e+00 : f32
        %jit3A_1377 = arith.constant 0.000000e+00 : f32
        %broadcast_in_dim3A_1378 = vector.broadcast %jit3A_1376 : f32 to vector<16xf32>
        %broadcast_in_dim3A_1379 = vector.broadcast %jit3A_1377 : f32 to vector<16xf32>
        %select_n3A_1380 = arith.select %eq3A_1375, %broadcast_in_dim3A_1378, %broadcast_in_dim3A_1379 : vector<16xi1>, vector<16xf32>
        %add3A_1381 = arith.addf %add3A_1149, %select_n3A_1380 : vector<16xf32>
        %eq3A_1382 = arith.constant 19 : i32
        %eq3A_1383 = vector.broadcast %eq3A_1382 : i32 to vector<16xi32>
        %eq3A_1384 = arith.cmpi eq, %min3A_1210, %eq3A_1383 : vector<16xi32>
        %jit3A_1385 = arith.constant 1.000000e+00 : f32
        %jit3A_1386 = arith.constant 0.000000e+00 : f32
        %broadcast_in_dim3A_1387 = vector.broadcast %jit3A_1385 : f32 to vector<16xf32>
        %broadcast_in_dim3A_1388 = vector.broadcast %jit3A_1386 : f32 to vector<16xf32>
        %select_n3A_1389 = arith.select %eq3A_1384, %broadcast_in_dim3A_1387, %broadcast_in_dim3A_1388 : vector<16xi1>, vector<16xf32>
        %add3A_1390 = arith.addf %add3A_1158, %select_n3A_1389 : vector<16xf32>
        %eq3A_1391 = arith.constant 20 : i32
        %eq3A_1392 = vector.broadcast %eq3A_1391 : i32 to vector<16xi32>
        %eq3A_1393 = arith.cmpi eq, %min3A_1210, %eq3A_1392 : vector<16xi32>
        %jit3A_1394 = arith.constant 1.000000e+00 : f32
        %jit3A_1395 = arith.constant 0.000000e+00 : f32
        %broadcast_in_dim3A_1396 = vector.broadcast %jit3A_1394 : f32 to vector<16xf32>
        %broadcast_in_dim3A_1397 = vector.broadcast %jit3A_1395 : f32 to vector<16xf32>
        %select_n3A_1398 = arith.select %eq3A_1393, %broadcast_in_dim3A_1396, %broadcast_in_dim3A_1397 : vector<16xi1>, vector<16xf32>
        %add3A_1399 = arith.addf %add3A_1167, %select_n3A_1398 : vector<16xf32>
        %mul3A_1400 = arith.constant 16 : i32
        %mul3A_1401 = arith.muli %scan3A_17, %mul3A_1400 : i32
        %mul3A_1402 = arith.constant 16 : i32
        %mul3A_1403 = arith.muli %mul3A_1401, %mul3A_1402 : i32
        %add3A_1404 = arith.constant 96 : i32
        %add3A_1405 = arith.addi %mul3A_1403, %add3A_1404 : i32
        %get3A_1406 = arith.index_cast %add3A_1405 : i32 to index
        %get3A_1407 = tpu.vector_load %arg4[%get3A_1406] {strides = array<i32>} : memref<2048xf32, #tpu.memory_space<vmem>>, vector<16xf32>,
        %get3A_1408 = vector.shape_cast %get3A_1407 : vector<16xf32> to vector<16xf32>
        %sub3A_1409 = arith.constant 0.000000e+00 : f32
        %sub3A_1410 = vector.broadcast %sub3A_1409 : f32 to vector<16xf32>
        %sub3A_1411 = arith.subf %get3A_1408, %sub3A_1410 : vector<16xf32>
        %div3A_1412 = arith.constant 2.000000e+01 : f32
        %div3A_1413 = vector.broadcast %div3A_1412 : f32 to vector<16xf32>
        %div3A_1414 = arith.divf %sub3A_1411, %div3A_1413 : vector<16xf32>
        %mul3A_1415 = arith.constant 2.000000e+01 : f32
        %mul3A_1416 = vector.broadcast %mul3A_1415 : f32 to vector<16xf32>
        %mul3A_1417 = arith.mulf %div3A_1414, %mul3A_1416 : vector<16xf32>
        %convert_element_type3A_1418 = arith.fptosi %mul3A_1417 : vector<16xf32> to vector<16xi32>
        %convert_element_type3A_1419 = arith.sitofp %convert_element_type3A_1418 : vector<16xi32> to vector<16xf32>
        %sub3A_1420 = arith.subf %mul3A_1417, %convert_element_type3A_1419 : vector<16xf32>
        %gt3A_1421 = arith.constant 5.000000e-01 : f32
        %gt3A_1422 = vector.broadcast %gt3A_1421 : f32 to vector<16xf32>
        %gt3A_1423 = arith.cmpf ogt, %sub3A_1420, %gt3A_1422 : vector<16xf32>
        %eq3A_1424 = arith.constant 5.000000e-01 : f32
        %eq3A_1425 = vector.broadcast %eq3A_1424 : f32 to vector<16xf32>
        %eq3A_1426 = arith.cmpf oeq, %sub3A_1420, %eq3A_1425 : vector<16xf32>
        %and3A_1427 = arith.constant 1 : i32
        %and3A_1428 = vector.broadcast %and3A_1427 : i32 to vector<16xi32>
        %and3A_1429 = arith.andi %convert_element_type3A_1418, %and3A_1428 : vector<16xi32>
        %jit3A_1430 = arith.constant 0 : i32
        %broadcast_in_dim3A_1431 = vector.broadcast %jit3A_1430 : i32 to vector<16xi32>
        %select_n3A_1432 = arith.select %eq3A_1426, %and3A_1429, %broadcast_in_dim3A_1431 : vector<16xi1>, vector<16xi32>
        %jit3A_1433 = arith.constant 1 : i32
        %broadcast_in_dim3A_1434 = vector.broadcast %jit3A_1433 : i32 to vector<16xi32>
        %select_n3A_1435 = arith.select %gt3A_1423, %broadcast_in_dim3A_1434, %select_n3A_1432 : vector<16xi1>, vector<16xi32>
        %add3A_1436 = arith.addi %convert_element_type3A_1418, %select_n3A_1435 : vector<16xi32>
        %jit3A_1437 = arith.constant 0 : i32
        %jit3A_1438 = arith.constant 20 : i32
        %max3A_1439 = vector.broadcast %jit3A_1437 : i32 to vector<16xi32>
        %max3A_1440 = arith.maxsi %max3A_1439, %add3A_1436 : vector<16xi32>
        %min3A_1441 = vector.broadcast %jit3A_1438 : i32 to vector<16xi32>
        %min3A_1442 = arith.minsi %min3A_1441, %max3A_1440 : vector<16xi32>
        %eq3A_1443 = arith.constant 0 : i32
        %eq3A_1444 = vector.broadcast %eq3A_1443 : i32 to vector<16xi32>
        %eq3A_1445 = arith.cmpi eq, %min3A_1442, %eq3A_1444 : vector<16xi32>
        %jit3A_1446 = arith.constant 1.000000e+00 : f32
        %jit3A_1447 = arith.constant 0.000000e+00 : f32
        %broadcast_in_dim3A_1448 = vector.broadcast %jit3A_1446 : f32 to vector<16xf32>
        %broadcast_in_dim3A_1449 = vector.broadcast %jit3A_1447 : f32 to vector<16xf32>
        %select_n3A_1450 = arith.select %eq3A_1445, %broadcast_in_dim3A_1448, %broadcast_in_dim3A_1449 : vector<16xi1>, vector<16xf32>
        %add3A_1451 = arith.addf %add3A_1219, %select_n3A_1450 : vector<16xf32>
        %eq3A_1452 = arith.constant 1 : i32
        %eq3A_1453 = vector.broadcast %eq3A_1452 : i32 to vector<16xi32>
        %eq3A_1454 = arith.cmpi eq, %min3A_1442, %eq3A_1453 : vector<16xi32>
        %jit3A_1455 = arith.constant 1.000000e+00 : f32
        %jit3A_1456 = arith.constant 0.000000e+00 : f32
        %broadcast_in_dim3A_1457 = vector.broadcast %jit3A_1455 : f32 to vector<16xf32>
        %broadcast_in_dim3A_1458 = vector.broadcast %jit3A_1456 : f32 to vector<16xf32>
        %select_n3A_1459 = arith.select %eq3A_1454, %broadcast_in_dim3A_1457, %broadcast_in_dim3A_1458 : vector<16xi1>, vector<16xf32>
        %add3A_1460 = arith.addf %add3A_1228, %select_n3A_1459 : vector<16xf32>
        %eq3A_1461 = arith.constant 2 : i32
        %eq3A_1462 = vector.broadcast %eq3A_1461 : i32 to vector<16xi32>
        %eq3A_1463 = arith.cmpi eq, %min3A_1442, %eq3A_1462 : vector<16xi32>
        %jit3A_1464 = arith.constant 1.000000e+00 : f32
        %jit3A_1465 = arith.constant 0.000000e+00 : f32
        %broadcast_in_dim3A_1466 = vector.broadcast %jit3A_1464 : f32 to vector<16xf32>
        %broadcast_in_dim3A_1467 = vector.broadcast %jit3A_1465 : f32 to vector<16xf32>
        %select_n3A_1468 = arith.select %eq3A_1463, %broadcast_in_dim3A_1466, %broadcast_in_dim3A_1467 : vector<16xi1>, vector<16xf32>
        %add3A_1469 = arith.addf %add3A_1237, %select_n3A_1468 : vector<16xf32>
        %eq3A_1470 = arith.constant 3 : i32
        %eq3A_1471 = vector.broadcast %eq3A_1470 : i32 to vector<16xi32>
        %eq3A_1472 = arith.cmpi eq, %min3A_1442, %eq3A_1471 : vector<16xi32>
        %jit3A_1473 = arith.constant 1.000000e+00 : f32
        %jit3A_1474 = arith.constant 0.000000e+00 : f32
        %broadcast_in_dim3A_1475 = vector.broadcast %jit3A_1473 : f32 to vector<16xf32>
        %broadcast_in_dim3A_1476 = vector.broadcast %jit3A_1474 : f32 to vector<16xf32>
        %select_n3A_1477 = arith.select %eq3A_1472, %broadcast_in_dim3A_1475, %broadcast_in_dim3A_1476 : vector<16xi1>, vector<16xf32>
        %add3A_1478 = arith.addf %add3A_1246, %select_n3A_1477 : vector<16xf32>
        %eq3A_1479 = arith.constant 4 : i32
        %eq3A_1480 = vector.broadcast %eq3A_1479 : i32 to vector<16xi32>
        %eq3A_1481 = arith.cmpi eq, %min3A_1442, %eq3A_1480 : vector<16xi32>
        %jit3A_1482 = arith.constant 1.000000e+00 : f32
        %jit3A_1483 = arith.constant 0.000000e+00 : f32
        %broadcast_in_dim3A_1484 = vector.broadcast %jit3A_1482 : f32 to vector<16xf32>
        %broadcast_in_dim3A_1485 = vector.broadcast %jit3A_1483 : f32 to vector<16xf32>
        %select_n3A_1486 = arith.select %eq3A_1481, %broadcast_in_dim3A_1484, %broadcast_in_dim3A_1485 : vector<16xi1>, vector<16xf32>
        %add3A_1487 = arith.addf %add3A_1255, %select_n3A_1486 : vector<16xf32>
        %eq3A_1488 = arith.constant 5 : i32
        %eq3A_1489 = vector.broadcast %eq3A_1488 : i32 to vector<16xi32>
        %eq3A_1490 = arith.cmpi eq, %min3A_1442, %eq3A_1489 : vector<16xi32>
        %jit3A_1491 = arith.constant 1.000000e+00 : f32
        %jit3A_1492 = arith.constant 0.000000e+00 : f32
        %broadcast_in_dim3A_1493 = vector.broadcast %jit3A_1491 : f32 to vector<16xf32>
        %broadcast_in_dim3A_1494 = vector.broadcast %jit3A_1492 : f32 to vector<16xf32>
        %select_n3A_1495 = arith.select %eq3A_1490, %broadcast_in_dim3A_1493, %broadcast_in_dim3A_1494 : vector<16xi1>, vector<16xf32>
        %add3A_1496 = arith.addf %add3A_1264, %select_n3A_1495 : vector<16xf32>
        %eq3A_1497 = arith.constant 6 : i32
        %eq3A_1498 = vector.broadcast %eq3A_1497 : i32 to vector<16xi32>
        %eq3A_1499 = arith.cmpi eq, %min3A_1442, %eq3A_1498 : vector<16xi32>
        %jit3A_1500 = arith.constant 1.000000e+00 : f32
        %jit3A_1501 = arith.constant 0.000000e+00 : f32
        %broadcast_in_dim3A_1502 = vector.broadcast %jit3A_1500 : f32 to vector<16xf32>
        %broadcast_in_dim3A_1503 = vector.broadcast %jit3A_1501 : f32 to vector<16xf32>
        %select_n3A_1504 = arith.select %eq3A_1499, %broadcast_in_dim3A_1502, %broadcast_in_dim3A_1503 : vector<16xi1>, vector<16xf32>
        %add3A_1505 = arith.addf %add3A_1273, %select_n3A_1504 : vector<16xf32>
        %eq3A_1506 = arith.constant 7 : i32
        %eq3A_1507 = vector.broadcast %eq3A_1506 : i32 to vector<16xi32>
        %eq3A_1508 = arith.cmpi eq, %min3A_1442, %eq3A_1507 : vector<16xi32>
        %jit3A_1509 = arith.constant 1.000000e+00 : f32
        %jit3A_1510 = arith.constant 0.000000e+00 : f32
        %broadcast_in_dim3A_1511 = vector.broadcast %jit3A_1509 : f32 to vector<16xf32>
        %broadcast_in_dim3A_1512 = vector.broadcast %jit3A_1510 : f32 to vector<16xf32>
        %select_n3A_1513 = arith.select %eq3A_1508, %broadcast_in_dim3A_1511, %broadcast_in_dim3A_1512 : vector<16xi1>, vector<16xf32>
        %add3A_1514 = arith.addf %add3A_1282, %select_n3A_1513 : vector<16xf32>
        %eq3A_1515 = arith.constant 8 : i32
        %eq3A_1516 = vector.broadcast %eq3A_1515 : i32 to vector<16xi32>
        %eq3A_1517 = arith.cmpi eq, %min3A_1442, %eq3A_1516 : vector<16xi32>
        %jit3A_1518 = arith.constant 1.000000e+00 : f32
        %jit3A_1519 = arith.constant 0.000000e+00 : f32
        %broadcast_in_dim3A_1520 = vector.broadcast %jit3A_1518 : f32 to vector<16xf32>
        %broadcast_in_dim3A_1521 = vector.broadcast %jit3A_1519 : f32 to vector<16xf32>
        %select_n3A_1522 = arith.select %eq3A_1517, %broadcast_in_dim3A_1520, %broadcast_in_dim3A_1521 : vector<16xi1>, vector<16xf32>
        %add3A_1523 = arith.addf %add3A_1291, %select_n3A_1522 : vector<16xf32>
        %eq3A_1524 = arith.constant 9 : i32
        %eq3A_1525 = vector.broadcast %eq3A_1524 : i32 to vector<16xi32>
        %eq3A_1526 = arith.cmpi eq, %min3A_1442, %eq3A_1525 : vector<16xi32>
        %jit3A_1527 = arith.constant 1.000000e+00 : f32
        %jit3A_1528 = arith.constant 0.000000e+00 : f32
        %broadcast_in_dim3A_1529 = vector.broadcast %jit3A_1527 : f32 to vector<16xf32>
        %broadcast_in_dim3A_1530 = vector.broadcast %jit3A_1528 : f32 to vector<16xf32>
        %select_n3A_1531 = arith.select %eq3A_1526, %broadcast_in_dim3A_1529, %broadcast_in_dim3A_1530 : vector<16xi1>, vector<16xf32>
        %add3A_1532 = arith.addf %add3A_1300, %select_n3A_1531 : vector<16xf32>
        %eq3A_1533 = arith.constant 10 : i32
        %eq3A_1534 = vector.broadcast %eq3A_1533 : i32 to vector<16xi32>
        %eq3A_1535 = arith.cmpi eq, %min3A_1442, %eq3A_1534 : vector<16xi32>
        %jit3A_1536 = arith.constant 1.000000e+00 : f32
        %jit3A_1537 = arith.constant 0.000000e+00 : f32
        %broadcast_in_dim3A_1538 = vector.broadcast %jit3A_1536 : f32 to vector<16xf32>
        %broadcast_in_dim3A_1539 = vector.broadcast %jit3A_1537 : f32 to vector<16xf32>
        %select_n3A_1540 = arith.select %eq3A_1535, %broadcast_in_dim3A_1538, %broadcast_in_dim3A_1539 : vector<16xi1>, vector<16xf32>
        %add3A_1541 = arith.addf %add3A_1309, %select_n3A_1540 : vector<16xf32>
        %eq3A_1542 = arith.constant 11 : i32
        %eq3A_1543 = vector.broadcast %eq3A_1542 : i32 to vector<16xi32>
        %eq3A_1544 = arith.cmpi eq, %min3A_1442, %eq3A_1543 : vector<16xi32>
        %jit3A_1545 = arith.constant 1.000000e+00 : f32
        %jit3A_1546 = arith.constant 0.000000e+00 : f32
        %broadcast_in_dim3A_1547 = vector.broadcast %jit3A_1545 : f32 to vector<16xf32>
        %broadcast_in_dim3A_1548 = vector.broadcast %jit3A_1546 : f32 to vector<16xf32>
        %select_n3A_1549 = arith.select %eq3A_1544, %broadcast_in_dim3A_1547, %broadcast_in_dim3A_1548 : vector<16xi1>, vector<16xf32>
        %add3A_1550 = arith.addf %add3A_1318, %select_n3A_1549 : vector<16xf32>
        %eq3A_1551 = arith.constant 12 : i32
        %eq3A_1552 = vector.broadcast %eq3A_1551 : i32 to vector<16xi32>
        %eq3A_1553 = arith.cmpi eq, %min3A_1442, %eq3A_1552 : vector<16xi32>
        %jit3A_1554 = arith.constant 1.000000e+00 : f32
        %jit3A_1555 = arith.constant 0.000000e+00 : f32
        %broadcast_in_dim3A_1556 = vector.broadcast %jit3A_1554 : f32 to vector<16xf32>
        %broadcast_in_dim3A_1557 = vector.broadcast %jit3A_1555 : f32 to vector<16xf32>
        %select_n3A_1558 = arith.select %eq3A_1553, %broadcast_in_dim3A_1556, %broadcast_in_dim3A_1557 : vector<16xi1>, vector<16xf32>
        %add3A_1559 = arith.addf %add3A_1327, %select_n3A_1558 : vector<16xf32>
        %eq3A_1560 = arith.constant 13 : i32
        %eq3A_1561 = vector.broadcast %eq3A_1560 : i32 to vector<16xi32>
        %eq3A_1562 = arith.cmpi eq, %min3A_1442, %eq3A_1561 : vector<16xi32>
        %jit3A_1563 = arith.constant 1.000000e+00 : f32
        %jit3A_1564 = arith.constant 0.000000e+00 : f32
        %broadcast_in_dim3A_1565 = vector.broadcast %jit3A_1563 : f32 to vector<16xf32>
        %broadcast_in_dim3A_1566 = vector.broadcast %jit3A_1564 : f32 to vector<16xf32>
        %select_n3A_1567 = arith.select %eq3A_1562, %broadcast_in_dim3A_1565, %broadcast_in_dim3A_1566 : vector<16xi1>, vector<16xf32>
        %add3A_1568 = arith.addf %add3A_1336, %select_n3A_1567 : vector<16xf32>
        %eq3A_1569 = arith.constant 14 : i32
        %eq3A_1570 = vector.broadcast %eq3A_1569 : i32 to vector<16xi32>
        %eq3A_1571 = arith.cmpi eq, %min3A_1442, %eq3A_1570 : vector<16xi32>
        %jit3A_1572 = arith.constant 1.000000e+00 : f32
        %jit3A_1573 = arith.constant 0.000000e+00 : f32
        %broadcast_in_dim3A_1574 = vector.broadcast %jit3A_1572 : f32 to vector<16xf32>
        %broadcast_in_dim3A_1575 = vector.broadcast %jit3A_1573 : f32 to vector<16xf32>
        %select_n3A_1576 = arith.select %eq3A_1571, %broadcast_in_dim3A_1574, %broadcast_in_dim3A_1575 : vector<16xi1>, vector<16xf32>
        %add3A_1577 = arith.addf %add3A_1345, %select_n3A_1576 : vector<16xf32>
        %eq3A_1578 = arith.constant 15 : i32
        %eq3A_1579 = vector.broadcast %eq3A_1578 : i32 to vector<16xi32>
        %eq3A_1580 = arith.cmpi eq, %min3A_1442, %eq3A_1579 : vector<16xi32>
        %jit3A_1581 = arith.constant 1.000000e+00 : f32
        %jit3A_1582 = arith.constant 0.000000e+00 : f32
        %broadcast_in_dim3A_1583 = vector.broadcast %jit3A_1581 : f32 to vector<16xf32>
        %broadcast_in_dim3A_1584 = vector.broadcast %jit3A_1582 : f32 to vector<16xf32>
        %select_n3A_1585 = arith.select %eq3A_1580, %broadcast_in_dim3A_1583, %broadcast_in_dim3A_1584 : vector<16xi1>, vector<16xf32>
        %add3A_1586 = arith.addf %add3A_1354, %select_n3A_1585 : vector<16xf32>
        %eq3A_1587 = arith.constant 16 : i32
        %eq3A_1588 = vector.broadcast %eq3A_1587 : i32 to vector<16xi32>
        %eq3A_1589 = arith.cmpi eq, %min3A_1442, %eq3A_1588 : vector<16xi32>
        %jit3A_1590 = arith.constant 1.000000e+00 : f32
        %jit3A_1591 = arith.constant 0.000000e+00 : f32
        %broadcast_in_dim3A_1592 = vector.broadcast %jit3A_1590 : f32 to vector<16xf32>
        %broadcast_in_dim3A_1593 = vector.broadcast %jit3A_1591 : f32 to vector<16xf32>
        %select_n3A_1594 = arith.select %eq3A_1589, %broadcast_in_dim3A_1592, %broadcast_in_dim3A_1593 : vector<16xi1>, vector<16xf32>
        %add3A_1595 = arith.addf %add3A_1363, %select_n3A_1594 : vector<16xf32>
        %eq3A_1596 = arith.constant 17 : i32
        %eq3A_1597 = vector.broadcast %eq3A_1596 : i32 to vector<16xi32>
        %eq3A_1598 = arith.cmpi eq, %min3A_1442, %eq3A_1597 : vector<16xi32>
        %jit3A_1599 = arith.constant 1.000000e+00 : f32
        %jit3A_1600 = arith.constant 0.000000e+00 : f32
        %broadcast_in_dim3A_1601 = vector.broadcast %jit3A_1599 : f32 to vector<16xf32>
        %broadcast_in_dim3A_1602 = vector.broadcast %jit3A_1600 : f32 to vector<16xf32>
        %select_n3A_1603 = arith.select %eq3A_1598, %broadcast_in_dim3A_1601, %broadcast_in_dim3A_1602 : vector<16xi1>, vector<16xf32>
        %add3A_1604 = arith.addf %add3A_1372, %select_n3A_1603 : vector<16xf32>
        %eq3A_1605 = arith.constant 18 : i32
        %eq3A_1606 = vector.broadcast %eq3A_1605 : i32 to vector<16xi32>
        %eq3A_1607 = arith.cmpi eq, %min3A_1442, %eq3A_1606 : vector<16xi32>
        %jit3A_1608 = arith.constant 1.000000e+00 : f32
        %jit3A_1609 = arith.constant 0.000000e+00 : f32
        %broadcast_in_dim3A_1610 = vector.broadcast %jit3A_1608 : f32 to vector<16xf32>
        %broadcast_in_dim3A_1611 = vector.broadcast %jit3A_1609 : f32 to vector<16xf32>
        %select_n3A_1612 = arith.select %eq3A_1607, %broadcast_in_dim3A_1610, %broadcast_in_dim3A_1611 : vector<16xi1>, vector<16xf32>
        %add3A_1613 = arith.addf %add3A_1381, %select_n3A_1612 : vector<16xf32>
        %eq3A_1614 = arith.constant 19 : i32
        %eq3A_1615 = vector.broadcast %eq3A_1614 : i32 to vector<16xi32>
        %eq3A_1616 = arith.cmpi eq, %min3A_1442, %eq3A_1615 : vector<16xi32>
        %jit3A_1617 = arith.constant 1.000000e+00 : f32
        %jit3A_1618 = arith.constant 0.000000e+00 : f32
        %broadcast_in_dim3A_1619 = vector.broadcast %jit3A_1617 : f32 to vector<16xf32>
        %broadcast_in_dim3A_1620 = vector.broadcast %jit3A_1618 : f32 to vector<16xf32>
        %select_n3A_1621 = arith.select %eq3A_1616, %broadcast_in_dim3A_1619, %broadcast_in_dim3A_1620 : vector<16xi1>, vector<16xf32>
        %add3A_1622 = arith.addf %add3A_1390, %select_n3A_1621 : vector<16xf32>
        %eq3A_1623 = arith.constant 20 : i32
        %eq3A_1624 = vector.broadcast %eq3A_1623 : i32 to vector<16xi32>
        %eq3A_1625 = arith.cmpi eq, %min3A_1442, %eq3A_1624 : vector<16xi32>
        %jit3A_1626 = arith.constant 1.000000e+00 : f32
        %jit3A_1627 = arith.constant 0.000000e+00 : f32
        %broadcast_in_dim3A_1628 = vector.broadcast %jit3A_1626 : f32 to vector<16xf32>
        %broadcast_in_dim3A_1629 = vector.broadcast %jit3A_1627 : f32 to vector<16xf32>
        %select_n3A_1630 = arith.select %eq3A_1625, %broadcast_in_dim3A_1628, %broadcast_in_dim3A_1629 : vector<16xi1>, vector<16xf32>
        %add3A_1631 = arith.addf %add3A_1399, %select_n3A_1630 : vector<16xf32>
        %mul3A_1632 = arith.constant 16 : i32
        %mul3A_1633 = arith.muli %scan3A_17, %mul3A_1632 : i32
        %mul3A_1634 = arith.constant 16 : i32
        %mul3A_1635 = arith.muli %mul3A_1633, %mul3A_1634 : i32
        %add3A_1636 = arith.constant 112 : i32
        %add3A_1637 = arith.addi %mul3A_1635, %add3A_1636 : i32
        %get3A_1638 = arith.index_cast %add3A_1637 : i32 to index
        %get3A_1639 = tpu.vector_load %arg4[%get3A_1638] {strides = array<i32>} : memref<2048xf32, #tpu.memory_space<vmem>>, vector<16xf32>,
        %get3A_1640 = vector.shape_cast %get3A_1639 : vector<16xf32> to vector<16xf32>
        %sub3A_1641 = arith.constant 0.000000e+00 : f32
        %sub3A_1642 = vector.broadcast %sub3A_1641 : f32 to vector<16xf32>
        %sub3A_1643 = arith.subf %get3A_1640, %sub3A_1642 : vector<16xf32>
        %div3A_1644 = arith.constant 2.000000e+01 : f32
        %div3A_1645 = vector.broadcast %div3A_1644 : f32 to vector<16xf32>
        %div3A_1646 = arith.divf %sub3A_1643, %div3A_1645 : vector<16xf32>
        %mul3A_1647 = arith.constant 2.000000e+01 : f32
        %mul3A_1648 = vector.broadcast %mul3A_1647 : f32 to vector<16xf32>
        %mul3A_1649 = arith.mulf %div3A_1646, %mul3A_1648 : vector<16xf32>
        %convert_element_type3A_1650 = arith.fptosi %mul3A_1649 : vector<16xf32> to vector<16xi32>
        %convert_element_type3A_1651 = arith.sitofp %convert_element_type3A_1650 : vector<16xi32> to vector<16xf32>
        %sub3A_1652 = arith.subf %mul3A_1649, %convert_element_type3A_1651 : vector<16xf32>
        %gt3A_1653 = arith.constant 5.000000e-01 : f32
        %gt3A_1654 = vector.broadcast %gt3A_1653 : f32 to vector<16xf32>
        %gt3A_1655 = arith.cmpf ogt, %sub3A_1652, %gt3A_1654 : vector<16xf32>
        %eq3A_1656 = arith.constant 5.000000e-01 : f32
        %eq3A_1657 = vector.broadcast %eq3A_1656 : f32 to vector<16xf32>
        %eq3A_1658 = arith.cmpf oeq, %sub3A_1652, %eq3A_1657 : vector<16xf32>
        %and3A_1659 = arith.constant 1 : i32
        %and3A_1660 = vector.broadcast %and3A_1659 : i32 to vector<16xi32>
        %and3A_1661 = arith.andi %convert_element_type3A_1650, %and3A_1660 : vector<16xi32>
        %jit3A_1662 = arith.constant 0 : i32
        %broadcast_in_dim3A_1663 = vector.broadcast %jit3A_1662 : i32 to vector<16xi32>
        %select_n3A_1664 = arith.select %eq3A_1658, %and3A_1661, %broadcast_in_dim3A_1663 : vector<16xi1>, vector<16xi32>
        %jit3A_1665 = arith.constant 1 : i32
        %broadcast_in_dim3A_1666 = vector.broadcast %jit3A_1665 : i32 to vector<16xi32>
        %select_n3A_1667 = arith.select %gt3A_1655, %broadcast_in_dim3A_1666, %select_n3A_1664 : vector<16xi1>, vector<16xi32>
        %add3A_1668 = arith.addi %convert_element_type3A_1650, %select_n3A_1667 : vector<16xi32>
        %jit3A_1669 = arith.constant 0 : i32
        %jit3A_1670 = arith.constant 20 : i32
        %max3A_1671 = vector.broadcast %jit3A_1669 : i32 to vector<16xi32>
        %max3A_1672 = arith.maxsi %max3A_1671, %add3A_1668 : vector<16xi32>
        %min3A_1673 = vector.broadcast %jit3A_1670 : i32 to vector<16xi32>
        %min3A_1674 = arith.minsi %min3A_1673, %max3A_1672 : vector<16xi32>
        %eq3A_1675 = arith.constant 0 : i32
        %eq3A_1676 = vector.broadcast %eq3A_1675 : i32 to vector<16xi32>
        %eq3A_1677 = arith.cmpi eq, %min3A_1674, %eq3A_1676 : vector<16xi32>
        %jit3A_1678 = arith.constant 1.000000e+00 : f32
        %jit3A_1679 = arith.constant 0.000000e+00 : f32
        %broadcast_in_dim3A_1680 = vector.broadcast %jit3A_1678 : f32 to vector<16xf32>
        %broadcast_in_dim3A_1681 = vector.broadcast %jit3A_1679 : f32 to vector<16xf32>
        %select_n3A_1682 = arith.select %eq3A_1677, %broadcast_in_dim3A_1680, %broadcast_in_dim3A_1681 : vector<16xi1>, vector<16xf32>
        %add3A_1683 = arith.addf %add3A_1451, %select_n3A_1682 : vector<16xf32>
        %eq3A_1684 = arith.constant 1 : i32
        %eq3A_1685 = vector.broadcast %eq3A_1684 : i32 to vector<16xi32>
        %eq3A_1686 = arith.cmpi eq, %min3A_1674, %eq3A_1685 : vector<16xi32>
        %jit3A_1687 = arith.constant 1.000000e+00 : f32
        %jit3A_1688 = arith.constant 0.000000e+00 : f32
        %broadcast_in_dim3A_1689 = vector.broadcast %jit3A_1687 : f32 to vector<16xf32>
        %broadcast_in_dim3A_1690 = vector.broadcast %jit3A_1688 : f32 to vector<16xf32>
        %select_n3A_1691 = arith.select %eq3A_1686, %broadcast_in_dim3A_1689, %broadcast_in_dim3A_1690 : vector<16xi1>, vector<16xf32>
        %add3A_1692 = arith.addf %add3A_1460, %select_n3A_1691 : vector<16xf32>
        %eq3A_1693 = arith.constant 2 : i32
        %eq3A_1694 = vector.broadcast %eq3A_1693 : i32 to vector<16xi32>
        %eq3A_1695 = arith.cmpi eq, %min3A_1674, %eq3A_1694 : vector<16xi32>
        %jit3A_1696 = arith.constant 1.000000e+00 : f32
        %jit3A_1697 = arith.constant 0.000000e+00 : f32
        %broadcast_in_dim3A_1698 = vector.broadcast %jit3A_1696 : f32 to vector<16xf32>
        %broadcast_in_dim3A_1699 = vector.broadcast %jit3A_1697 : f32 to vector<16xf32>
        %select_n3A_1700 = arith.select %eq3A_1695, %broadcast_in_dim3A_1698, %broadcast_in_dim3A_1699 : vector<16xi1>, vector<16xf32>
        %add3A_1701 = arith.addf %add3A_1469, %select_n3A_1700 : vector<16xf32>
        %eq3A_1702 = arith.constant 3 : i32
        %eq3A_1703 = vector.broadcast %eq3A_1702 : i32 to vector<16xi32>
        %eq3A_1704 = arith.cmpi eq, %min3A_1674, %eq3A_1703 : vector<16xi32>
        %jit3A_1705 = arith.constant 1.000000e+00 : f32
        %jit3A_1706 = arith.constant 0.000000e+00 : f32
        %broadcast_in_dim3A_1707 = vector.broadcast %jit3A_1705 : f32 to vector<16xf32>
        %broadcast_in_dim3A_1708 = vector.broadcast %jit3A_1706 : f32 to vector<16xf32>
        %select_n3A_1709 = arith.select %eq3A_1704, %broadcast_in_dim3A_1707, %broadcast_in_dim3A_1708 : vector<16xi1>, vector<16xf32>
        %add3A_1710 = arith.addf %add3A_1478, %select_n3A_1709 : vector<16xf32>
        %eq3A_1711 = arith.constant 4 : i32
        %eq3A_1712 = vector.broadcast %eq3A_1711 : i32 to vector<16xi32>
        %eq3A_1713 = arith.cmpi eq, %min3A_1674, %eq3A_1712 : vector<16xi32>
        %jit3A_1714 = arith.constant 1.000000e+00 : f32
        %jit3A_1715 = arith.constant 0.000000e+00 : f32
        %broadcast_in_dim3A_1716 = vector.broadcast %jit3A_1714 : f32 to vector<16xf32>
        %broadcast_in_dim3A_1717 = vector.broadcast %jit3A_1715 : f32 to vector<16xf32>
        %select_n3A_1718 = arith.select %eq3A_1713, %broadcast_in_dim3A_1716, %broadcast_in_dim3A_1717 : vector<16xi1>, vector<16xf32>
        %add3A_1719 = arith.addf %add3A_1487, %select_n3A_1718 : vector<16xf32>
        %eq3A_1720 = arith.constant 5 : i32
        %eq3A_1721 = vector.broadcast %eq3A_1720 : i32 to vector<16xi32>
        %eq3A_1722 = arith.cmpi eq, %min3A_1674, %eq3A_1721 : vector<16xi32>
        %jit3A_1723 = arith.constant 1.000000e+00 : f32
        %jit3A_1724 = arith.constant 0.000000e+00 : f32
        %broadcast_in_dim3A_1725 = vector.broadcast %jit3A_1723 : f32 to vector<16xf32>
        %broadcast_in_dim3A_1726 = vector.broadcast %jit3A_1724 : f32 to vector<16xf32>
        %select_n3A_1727 = arith.select %eq3A_1722, %broadcast_in_dim3A_1725, %broadcast_in_dim3A_1726 : vector<16xi1>, vector<16xf32>
        %add3A_1728 = arith.addf %add3A_1496, %select_n3A_1727 : vector<16xf32>
        %eq3A_1729 = arith.constant 6 : i32
        %eq3A_1730 = vector.broadcast %eq3A_1729 : i32 to vector<16xi32>
        %eq3A_1731 = arith.cmpi eq, %min3A_1674, %eq3A_1730 : vector<16xi32>
        %jit3A_1732 = arith.constant 1.000000e+00 : f32
        %jit3A_1733 = arith.constant 0.000000e+00 : f32
        %broadcast_in_dim3A_1734 = vector.broadcast %jit3A_1732 : f32 to vector<16xf32>
        %broadcast_in_dim3A_1735 = vector.broadcast %jit3A_1733 : f32 to vector<16xf32>
        %select_n3A_1736 = arith.select %eq3A_1731, %broadcast_in_dim3A_1734, %broadcast_in_dim3A_1735 : vector<16xi1>, vector<16xf32>
        %add3A_1737 = arith.addf %add3A_1505, %select_n3A_1736 : vector<16xf32>
        %eq3A_1738 = arith.constant 7 : i32
        %eq3A_1739 = vector.broadcast %eq3A_1738 : i32 to vector<16xi32>
        %eq3A_1740 = arith.cmpi eq, %min3A_1674, %eq3A_1739 : vector<16xi32>
        %jit3A_1741 = arith.constant 1.000000e+00 : f32
        %jit3A_1742 = arith.constant 0.000000e+00 : f32
        %broadcast_in_dim3A_1743 = vector.broadcast %jit3A_1741 : f32 to vector<16xf32>
        %broadcast_in_dim3A_1744 = vector.broadcast %jit3A_1742 : f32 to vector<16xf32>
        %select_n3A_1745 = arith.select %eq3A_1740, %broadcast_in_dim3A_1743, %broadcast_in_dim3A_1744 : vector<16xi1>, vector<16xf32>
        %add3A_1746 = arith.addf %add3A_1514, %select_n3A_1745 : vector<16xf32>
        %eq3A_1747 = arith.constant 8 : i32
        %eq3A_1748 = vector.broadcast %eq3A_1747 : i32 to vector<16xi32>
        %eq3A_1749 = arith.cmpi eq, %min3A_1674, %eq3A_1748 : vector<16xi32>
        %jit3A_1750 = arith.constant 1.000000e+00 : f32
        %jit3A_1751 = arith.constant 0.000000e+00 : f32
        %broadcast_in_dim3A_1752 = vector.broadcast %jit3A_1750 : f32 to vector<16xf32>
        %broadcast_in_dim3A_1753 = vector.broadcast %jit3A_1751 : f32 to vector<16xf32>
        %select_n3A_1754 = arith.select %eq3A_1749, %broadcast_in_dim3A_1752, %broadcast_in_dim3A_1753 : vector<16xi1>, vector<16xf32>
        %add3A_1755 = arith.addf %add3A_1523, %select_n3A_1754 : vector<16xf32>
        %eq3A_1756 = arith.constant 9 : i32
        %eq3A_1757 = vector.broadcast %eq3A_1756 : i32 to vector<16xi32>
        %eq3A_1758 = arith.cmpi eq, %min3A_1674, %eq3A_1757 : vector<16xi32>
        %jit3A_1759 = arith.constant 1.000000e+00 : f32
        %jit3A_1760 = arith.constant 0.000000e+00 : f32
        %broadcast_in_dim3A_1761 = vector.broadcast %jit3A_1759 : f32 to vector<16xf32>
        %broadcast_in_dim3A_1762 = vector.broadcast %jit3A_1760 : f32 to vector<16xf32>
        %select_n3A_1763 = arith.select %eq3A_1758, %broadcast_in_dim3A_1761, %broadcast_in_dim3A_1762 : vector<16xi1>, vector<16xf32>
        %add3A_1764 = arith.addf %add3A_1532, %select_n3A_1763 : vector<16xf32>
        %eq3A_1765 = arith.constant 10 : i32
        %eq3A_1766 = vector.broadcast %eq3A_1765 : i32 to vector<16xi32>
        %eq3A_1767 = arith.cmpi eq, %min3A_1674, %eq3A_1766 : vector<16xi32>
        %jit3A_1768 = arith.constant 1.000000e+00 : f32
        %jit3A_1769 = arith.constant 0.000000e+00 : f32
        %broadcast_in_dim3A_1770 = vector.broadcast %jit3A_1768 : f32 to vector<16xf32>
        %broadcast_in_dim3A_1771 = vector.broadcast %jit3A_1769 : f32 to vector<16xf32>
        %select_n3A_1772 = arith.select %eq3A_1767, %broadcast_in_dim3A_1770, %broadcast_in_dim3A_1771 : vector<16xi1>, vector<16xf32>
        %add3A_1773 = arith.addf %add3A_1541, %select_n3A_1772 : vector<16xf32>
        %eq3A_1774 = arith.constant 11 : i32
        %eq3A_1775 = vector.broadcast %eq3A_1774 : i32 to vector<16xi32>
        %eq3A_1776 = arith.cmpi eq, %min3A_1674, %eq3A_1775 : vector<16xi32>
        %jit3A_1777 = arith.constant 1.000000e+00 : f32
        %jit3A_1778 = arith.constant 0.000000e+00 : f32
        %broadcast_in_dim3A_1779 = vector.broadcast %jit3A_1777 : f32 to vector<16xf32>
        %broadcast_in_dim3A_1780 = vector.broadcast %jit3A_1778 : f32 to vector<16xf32>
        %select_n3A_1781 = arith.select %eq3A_1776, %broadcast_in_dim3A_1779, %broadcast_in_dim3A_1780 : vector<16xi1>, vector<16xf32>
        %add3A_1782 = arith.addf %add3A_1550, %select_n3A_1781 : vector<16xf32>
        %eq3A_1783 = arith.constant 12 : i32
        %eq3A_1784 = vector.broadcast %eq3A_1783 : i32 to vector<16xi32>
        %eq3A_1785 = arith.cmpi eq, %min3A_1674, %eq3A_1784 : vector<16xi32>
        %jit3A_1786 = arith.constant 1.000000e+00 : f32
        %jit3A_1787 = arith.constant 0.000000e+00 : f32
        %broadcast_in_dim3A_1788 = vector.broadcast %jit3A_1786 : f32 to vector<16xf32>
        %broadcast_in_dim3A_1789 = vector.broadcast %jit3A_1787 : f32 to vector<16xf32>
        %select_n3A_1790 = arith.select %eq3A_1785, %broadcast_in_dim3A_1788, %broadcast_in_dim3A_1789 : vector<16xi1>, vector<16xf32>
        %add3A_1791 = arith.addf %add3A_1559, %select_n3A_1790 : vector<16xf32>
        %eq3A_1792 = arith.constant 13 : i32
        %eq3A_1793 = vector.broadcast %eq3A_1792 : i32 to vector<16xi32>
        %eq3A_1794 = arith.cmpi eq, %min3A_1674, %eq3A_1793 : vector<16xi32>
        %jit3A_1795 = arith.constant 1.000000e+00 : f32
        %jit3A_1796 = arith.constant 0.000000e+00 : f32
        %broadcast_in_dim3A_1797 = vector.broadcast %jit3A_1795 : f32 to vector<16xf32>
        %broadcast_in_dim3A_1798 = vector.broadcast %jit3A_1796 : f32 to vector<16xf32>
        %select_n3A_1799 = arith.select %eq3A_1794, %broadcast_in_dim3A_1797, %broadcast_in_dim3A_1798 : vector<16xi1>, vector<16xf32>
        %add3A_1800 = arith.addf %add3A_1568, %select_n3A_1799 : vector<16xf32>
        %eq3A_1801 = arith.constant 14 : i32
        %eq3A_1802 = vector.broadcast %eq3A_1801 : i32 to vector<16xi32>
        %eq3A_1803 = arith.cmpi eq, %min3A_1674, %eq3A_1802 : vector<16xi32>
        %jit3A_1804 = arith.constant 1.000000e+00 : f32
        %jit3A_1805 = arith.constant 0.000000e+00 : f32
        %broadcast_in_dim3A_1806 = vector.broadcast %jit3A_1804 : f32 to vector<16xf32>
        %broadcast_in_dim3A_1807 = vector.broadcast %jit3A_1805 : f32 to vector<16xf32>
        %select_n3A_1808 = arith.select %eq3A_1803, %broadcast_in_dim3A_1806, %broadcast_in_dim3A_1807 : vector<16xi1>, vector<16xf32>
        %add3A_1809 = arith.addf %add3A_1577, %select_n3A_1808 : vector<16xf32>
        %eq3A_1810 = arith.constant 15 : i32
        %eq3A_1811 = vector.broadcast %eq3A_1810 : i32 to vector<16xi32>
        %eq3A_1812 = arith.cmpi eq, %min3A_1674, %eq3A_1811 : vector<16xi32>
        %jit3A_1813 = arith.constant 1.000000e+00 : f32
        %jit3A_1814 = arith.constant 0.000000e+00 : f32
        %broadcast_in_dim3A_1815 = vector.broadcast %jit3A_1813 : f32 to vector<16xf32>
        %broadcast_in_dim3A_1816 = vector.broadcast %jit3A_1814 : f32 to vector<16xf32>
        %select_n3A_1817 = arith.select %eq3A_1812, %broadcast_in_dim3A_1815, %broadcast_in_dim3A_1816 : vector<16xi1>, vector<16xf32>
        %add3A_1818 = arith.addf %add3A_1586, %select_n3A_1817 : vector<16xf32>
        %eq3A_1819 = arith.constant 16 : i32
        %eq3A_1820 = vector.broadcast %eq3A_1819 : i32 to vector<16xi32>
        %eq3A_1821 = arith.cmpi eq, %min3A_1674, %eq3A_1820 : vector<16xi32>
        %jit3A_1822 = arith.constant 1.000000e+00 : f32
        %jit3A_1823 = arith.constant 0.000000e+00 : f32
        %broadcast_in_dim3A_1824 = vector.broadcast %jit3A_1822 : f32 to vector<16xf32>
        %broadcast_in_dim3A_1825 = vector.broadcast %jit3A_1823 : f32 to vector<16xf32>
        %select_n3A_1826 = arith.select %eq3A_1821, %broadcast_in_dim3A_1824, %broadcast_in_dim3A_1825 : vector<16xi1>, vector<16xf32>
        %add3A_1827 = arith.addf %add3A_1595, %select_n3A_1826 : vector<16xf32>
        %eq3A_1828 = arith.constant 17 : i32
        %eq3A_1829 = vector.broadcast %eq3A_1828 : i32 to vector<16xi32>
        %eq3A_1830 = arith.cmpi eq, %min3A_1674, %eq3A_1829 : vector<16xi32>
        %jit3A_1831 = arith.constant 1.000000e+00 : f32
        %jit3A_1832 = arith.constant 0.000000e+00 : f32
        %broadcast_in_dim3A_1833 = vector.broadcast %jit3A_1831 : f32 to vector<16xf32>
        %broadcast_in_dim3A_1834 = vector.broadcast %jit3A_1832 : f32 to vector<16xf32>
        %select_n3A_1835 = arith.select %eq3A_1830, %broadcast_in_dim3A_1833, %broadcast_in_dim3A_1834 : vector<16xi1>, vector<16xf32>
        %add3A_1836 = arith.addf %add3A_1604, %select_n3A_1835 : vector<16xf32>
        %eq3A_1837 = arith.constant 18 : i32
        %eq3A_1838 = vector.broadcast %eq3A_1837 : i32 to vector<16xi32>
        %eq3A_1839 = arith.cmpi eq, %min3A_1674, %eq3A_1838 : vector<16xi32>
        %jit3A_1840 = arith.constant 1.000000e+00 : f32
        %jit3A_1841 = arith.constant 0.000000e+00 : f32
        %broadcast_in_dim3A_1842 = vector.broadcast %jit3A_1840 : f32 to vector<16xf32>
        %broadcast_in_dim3A_1843 = vector.broadcast %jit3A_1841 : f32 to vector<16xf32>
        %select_n3A_1844 = arith.select %eq3A_1839, %broadcast_in_dim3A_1842, %broadcast_in_dim3A_1843 : vector<16xi1>, vector<16xf32>
        %add3A_1845 = arith.addf %add3A_1613, %select_n3A_1844 : vector<16xf32>
        %eq3A_1846 = arith.constant 19 : i32
        %eq3A_1847 = vector.broadcast %eq3A_1846 : i32 to vector<16xi32>
        %eq3A_1848 = arith.cmpi eq, %min3A_1674, %eq3A_1847 : vector<16xi32>
        %jit3A_1849 = arith.constant 1.000000e+00 : f32
        %jit3A_1850 = arith.constant 0.000000e+00 : f32
        %broadcast_in_dim3A_1851 = vector.broadcast %jit3A_1849 : f32 to vector<16xf32>
        %broadcast_in_dim3A_1852 = vector.broadcast %jit3A_1850 : f32 to vector<16xf32>
        %select_n3A_1853 = arith.select %eq3A_1848, %broadcast_in_dim3A_1851, %broadcast_in_dim3A_1852 : vector<16xi1>, vector<16xf32>
        %add3A_1854 = arith.addf %add3A_1622, %select_n3A_1853 : vector<16xf32>
        %eq3A_1855 = arith.constant 20 : i32
        %eq3A_1856 = vector.broadcast %eq3A_1855 : i32 to vector<16xi32>
        %eq3A_1857 = arith.cmpi eq, %min3A_1674, %eq3A_1856 : vector<16xi32>
        %jit3A_1858 = arith.constant 1.000000e+00 : f32
        %jit3A_1859 = arith.constant 0.000000e+00 : f32
        %broadcast_in_dim3A_1860 = vector.broadcast %jit3A_1858 : f32 to vector<16xf32>
        %broadcast_in_dim3A_1861 = vector.broadcast %jit3A_1859 : f32 to vector<16xf32>
        %select_n3A_1862 = arith.select %eq3A_1857, %broadcast_in_dim3A_1860, %broadcast_in_dim3A_1861 : vector<16xi1>, vector<16xf32>
        %add3A_1863 = arith.addf %add3A_1631, %select_n3A_1862 : vector<16xf32>
        %mul3A_1864 = arith.constant 16 : i32
        %mul3A_1865 = arith.muli %scan3A_17, %mul3A_1864 : i32
        %mul3A_1866 = arith.constant 16 : i32
        %mul3A_1867 = arith.muli %mul3A_1865, %mul3A_1866 : i32
        %add3A_1868 = arith.constant 128 : i32
        %add3A_1869 = arith.addi %mul3A_1867, %add3A_1868 : i32
        %get3A_1870 = arith.index_cast %add3A_1869 : i32 to index
        %get3A_1871 = tpu.vector_load %arg4[%get3A_1870] {strides = array<i32>} : memref<2048xf32, #tpu.memory_space<vmem>>, vector<16xf32>,
        %get3A_1872 = vector.shape_cast %get3A_1871 : vector<16xf32> to vector<16xf32>
        %sub3A_1873 = arith.constant 0.000000e+00 : f32
        %sub3A_1874 = vector.broadcast %sub3A_1873 : f32 to vector<16xf32>
        %sub3A_1875 = arith.subf %get3A_1872, %sub3A_1874 : vector<16xf32>
        %div3A_1876 = arith.constant 2.000000e+01 : f32
        %div3A_1877 = vector.broadcast %div3A_1876 : f32 to vector<16xf32>
        %div3A_1878 = arith.divf %sub3A_1875, %div3A_1877 : vector<16xf32>
        %mul3A_1879 = arith.constant 2.000000e+01 : f32
        %mul3A_1880 = vector.broadcast %mul3A_1879 : f32 to vector<16xf32>
        %mul3A_1881 = arith.mulf %div3A_1878, %mul3A_1880 : vector<16xf32>
        %convert_element_type3A_1882 = arith.fptosi %mul3A_1881 : vector<16xf32> to vector<16xi32>
        %convert_element_type3A_1883 = arith.sitofp %convert_element_type3A_1882 : vector<16xi32> to vector<16xf32>
        %sub3A_1884 = arith.subf %mul3A_1881, %convert_element_type3A_1883 : vector<16xf32>
        %gt3A_1885 = arith.constant 5.000000e-01 : f32
        %gt3A_1886 = vector.broadcast %gt3A_1885 : f32 to vector<16xf32>
        %gt3A_1887 = arith.cmpf ogt, %sub3A_1884, %gt3A_1886 : vector<16xf32>
        %eq3A_1888 = arith.constant 5.000000e-01 : f32
        %eq3A_1889 = vector.broadcast %eq3A_1888 : f32 to vector<16xf32>
        %eq3A_1890 = arith.cmpf oeq, %sub3A_1884, %eq3A_1889 : vector<16xf32>
        %and3A_1891 = arith.constant 1 : i32
        %and3A_1892 = vector.broadcast %and3A_1891 : i32 to vector<16xi32>
        %and3A_1893 = arith.andi %convert_element_type3A_1882, %and3A_1892 : vector<16xi32>
        %jit3A_1894 = arith.constant 0 : i32
        %broadcast_in_dim3A_1895 = vector.broadcast %jit3A_1894 : i32 to vector<16xi32>
        %select_n3A_1896 = arith.select %eq3A_1890, %and3A_1893, %broadcast_in_dim3A_1895 : vector<16xi1>, vector<16xi32>
        %jit3A_1897 = arith.constant 1 : i32
        %broadcast_in_dim3A_1898 = vector.broadcast %jit3A_1897 : i32 to vector<16xi32>
        %select_n3A_1899 = arith.select %gt3A_1887, %broadcast_in_dim3A_1898, %select_n3A_1896 : vector<16xi1>, vector<16xi32>
        %add3A_1900 = arith.addi %convert_element_type3A_1882, %select_n3A_1899 : vector<16xi32>
        %jit3A_1901 = arith.constant 0 : i32
        %jit3A_1902 = arith.constant 20 : i32
        %max3A_1903 = vector.broadcast %jit3A_1901 : i32 to vector<16xi32>
        %max3A_1904 = arith.maxsi %max3A_1903, %add3A_1900 : vector<16xi32>
        %min3A_1905 = vector.broadcast %jit3A_1902 : i32 to vector<16xi32>
        %min3A_1906 = arith.minsi %min3A_1905, %max3A_1904 : vector<16xi32>
        %eq3A_1907 = arith.constant 0 : i32
        %eq3A_1908 = vector.broadcast %eq3A_1907 : i32 to vector<16xi32>
        %eq3A_1909 = arith.cmpi eq, %min3A_1906, %eq3A_1908 : vector<16xi32>
        %jit3A_1910 = arith.constant 1.000000e+00 : f32
        %jit3A_1911 = arith.constant 0.000000e+00 : f32
        %broadcast_in_dim3A_1912 = vector.broadcast %jit3A_1910 : f32 to vector<16xf32>
        %broadcast_in_dim3A_1913 = vector.broadcast %jit3A_1911 : f32 to vector<16xf32>
        %select_n3A_1914 = arith.select %eq3A_1909, %broadcast_in_dim3A_1912, %broadcast_in_dim3A_1913 : vector<16xi1>, vector<16xf32>
        %add3A_1915 = arith.addf %add3A_1683, %select_n3A_1914 : vector<16xf32>
        %eq3A_1916 = arith.constant 1 : i32
        %eq3A_1917 = vector.broadcast %eq3A_1916 : i32 to vector<16xi32>
        %eq3A_1918 = arith.cmpi eq, %min3A_1906, %eq3A_1917 : vector<16xi32>
        %jit3A_1919 = arith.constant 1.000000e+00 : f32
        %jit3A_1920 = arith.constant 0.000000e+00 : f32
        %broadcast_in_dim3A_1921 = vector.broadcast %jit3A_1919 : f32 to vector<16xf32>
        %broadcast_in_dim3A_1922 = vector.broadcast %jit3A_1920 : f32 to vector<16xf32>
        %select_n3A_1923 = arith.select %eq3A_1918, %broadcast_in_dim3A_1921, %broadcast_in_dim3A_1922 : vector<16xi1>, vector<16xf32>
        %add3A_1924 = arith.addf %add3A_1692, %select_n3A_1923 : vector<16xf32>
        %eq3A_1925 = arith.constant 2 : i32
        %eq3A_1926 = vector.broadcast %eq3A_1925 : i32 to vector<16xi32>
        %eq3A_1927 = arith.cmpi eq, %min3A_1906, %eq3A_1926 : vector<16xi32>
        %jit3A_1928 = arith.constant 1.000000e+00 : f32
        %jit3A_1929 = arith.constant 0.000000e+00 : f32
        %broadcast_in_dim3A_1930 = vector.broadcast %jit3A_1928 : f32 to vector<16xf32>
        %broadcast_in_dim3A_1931 = vector.broadcast %jit3A_1929 : f32 to vector<16xf32>
        %select_n3A_1932 = arith.select %eq3A_1927, %broadcast_in_dim3A_1930, %broadcast_in_dim3A_1931 : vector<16xi1>, vector<16xf32>
        %add3A_1933 = arith.addf %add3A_1701, %select_n3A_1932 : vector<16xf32>
        %eq3A_1934 = arith.constant 3 : i32
        %eq3A_1935 = vector.broadcast %eq3A_1934 : i32 to vector<16xi32>
        %eq3A_1936 = arith.cmpi eq, %min3A_1906, %eq3A_1935 : vector<16xi32>
        %jit3A_1937 = arith.constant 1.000000e+00 : f32
        %jit3A_1938 = arith.constant 0.000000e+00 : f32
        %broadcast_in_dim3A_1939 = vector.broadcast %jit3A_1937 : f32 to vector<16xf32>
        %broadcast_in_dim3A_1940 = vector.broadcast %jit3A_1938 : f32 to vector<16xf32>
        %select_n3A_1941 = arith.select %eq3A_1936, %broadcast_in_dim3A_1939, %broadcast_in_dim3A_1940 : vector<16xi1>, vector<16xf32>
        %add3A_1942 = arith.addf %add3A_1710, %select_n3A_1941 : vector<16xf32>
        %eq3A_1943 = arith.constant 4 : i32
        %eq3A_1944 = vector.broadcast %eq3A_1943 : i32 to vector<16xi32>
        %eq3A_1945 = arith.cmpi eq, %min3A_1906, %eq3A_1944 : vector<16xi32>
        %jit3A_1946 = arith.constant 1.000000e+00 : f32
        %jit3A_1947 = arith.constant 0.000000e+00 : f32
        %broadcast_in_dim3A_1948 = vector.broadcast %jit3A_1946 : f32 to vector<16xf32>
        %broadcast_in_dim3A_1949 = vector.broadcast %jit3A_1947 : f32 to vector<16xf32>
        %select_n3A_1950 = arith.select %eq3A_1945, %broadcast_in_dim3A_1948, %broadcast_in_dim3A_1949 : vector<16xi1>, vector<16xf32>
        %add3A_1951 = arith.addf %add3A_1719, %select_n3A_1950 : vector<16xf32>
        %eq3A_1952 = arith.constant 5 : i32
        %eq3A_1953 = vector.broadcast %eq3A_1952 : i32 to vector<16xi32>
        %eq3A_1954 = arith.cmpi eq, %min3A_1906, %eq3A_1953 : vector<16xi32>
        %jit3A_1955 = arith.constant 1.000000e+00 : f32
        %jit3A_1956 = arith.constant 0.000000e+00 : f32
        %broadcast_in_dim3A_1957 = vector.broadcast %jit3A_1955 : f32 to vector<16xf32>
        %broadcast_in_dim3A_1958 = vector.broadcast %jit3A_1956 : f32 to vector<16xf32>
        %select_n3A_1959 = arith.select %eq3A_1954, %broadcast_in_dim3A_1957, %broadcast_in_dim3A_1958 : vector<16xi1>, vector<16xf32>
        %add3A_1960 = arith.addf %add3A_1728, %select_n3A_1959 : vector<16xf32>
        %eq3A_1961 = arith.constant 6 : i32
        %eq3A_1962 = vector.broadcast %eq3A_1961 : i32 to vector<16xi32>
        %eq3A_1963 = arith.cmpi eq, %min3A_1906, %eq3A_1962 : vector<16xi32>
        %jit3A_1964 = arith.constant 1.000000e+00 : f32
        %jit3A_1965 = arith.constant 0.000000e+00 : f32
        %broadcast_in_dim3A_1966 = vector.broadcast %jit3A_1964 : f32 to vector<16xf32>
        %broadcast_in_dim3A_1967 = vector.broadcast %jit3A_1965 : f32 to vector<16xf32>
        %select_n3A_1968 = arith.select %eq3A_1963, %broadcast_in_dim3A_1966, %broadcast_in_dim3A_1967 : vector<16xi1>, vector<16xf32>
        %add3A_1969 = arith.addf %add3A_1737, %select_n3A_1968 : vector<16xf32>
        %eq3A_1970 = arith.constant 7 : i32
        %eq3A_1971 = vector.broadcast %eq3A_1970 : i32 to vector<16xi32>
        %eq3A_1972 = arith.cmpi eq, %min3A_1906, %eq3A_1971 : vector<16xi32>
        %jit3A_1973 = arith.constant 1.000000e+00 : f32
        %jit3A_1974 = arith.constant 0.000000e+00 : f32
        %broadcast_in_dim3A_1975 = vector.broadcast %jit3A_1973 : f32 to vector<16xf32>
        %broadcast_in_dim3A_1976 = vector.broadcast %jit3A_1974 : f32 to vector<16xf32>
        %select_n3A_1977 = arith.select %eq3A_1972, %broadcast_in_dim3A_1975, %broadcast_in_dim3A_1976 : vector<16xi1>, vector<16xf32>
        %add3A_1978 = arith.addf %add3A_1746, %select_n3A_1977 : vector<16xf32>
        %eq3A_1979 = arith.constant 8 : i32
        %eq3A_1980 = vector.broadcast %eq3A_1979 : i32 to vector<16xi32>
        %eq3A_1981 = arith.cmpi eq, %min3A_1906, %eq3A_1980 : vector<16xi32>
        %jit3A_1982 = arith.constant 1.000000e+00 : f32
        %jit3A_1983 = arith.constant 0.000000e+00 : f32
        %broadcast_in_dim3A_1984 = vector.broadcast %jit3A_1982 : f32 to vector<16xf32>
        %broadcast_in_dim3A_1985 = vector.broadcast %jit3A_1983 : f32 to vector<16xf32>
        %select_n3A_1986 = arith.select %eq3A_1981, %broadcast_in_dim3A_1984, %broadcast_in_dim3A_1985 : vector<16xi1>, vector<16xf32>
        %add3A_1987 = arith.addf %add3A_1755, %select_n3A_1986 : vector<16xf32>
        %eq3A_1988 = arith.constant 9 : i32
        %eq3A_1989 = vector.broadcast %eq3A_1988 : i32 to vector<16xi32>
        %eq3A_1990 = arith.cmpi eq, %min3A_1906, %eq3A_1989 : vector<16xi32>
        %jit3A_1991 = arith.constant 1.000000e+00 : f32
        %jit3A_1992 = arith.constant 0.000000e+00 : f32
        %broadcast_in_dim3A_1993 = vector.broadcast %jit3A_1991 : f32 to vector<16xf32>
        %broadcast_in_dim3A_1994 = vector.broadcast %jit3A_1992 : f32 to vector<16xf32>
        %select_n3A_1995 = arith.select %eq3A_1990, %broadcast_in_dim3A_1993, %broadcast_in_dim3A_1994 : vector<16xi1>, vector<16xf32>
        %add3A_1996 = arith.addf %add3A_1764, %select_n3A_1995 : vector<16xf32>
        %eq3A_1997 = arith.constant 10 : i32
        %eq3A_1998 = vector.broadcast %eq3A_1997 : i32 to vector<16xi32>
        %eq3A_1999 = arith.cmpi eq, %min3A_1906, %eq3A_1998 : vector<16xi32>
        %jit3A_2000 = arith.constant 1.000000e+00 : f32
        %jit3A_2001 = arith.constant 0.000000e+00 : f32
        %broadcast_in_dim3A_2002 = vector.broadcast %jit3A_2000 : f32 to vector<16xf32>
        %broadcast_in_dim3A_2003 = vector.broadcast %jit3A_2001 : f32 to vector<16xf32>
        %select_n3A_2004 = arith.select %eq3A_1999, %broadcast_in_dim3A_2002, %broadcast_in_dim3A_2003 : vector<16xi1>, vector<16xf32>
        %add3A_2005 = arith.addf %add3A_1773, %select_n3A_2004 : vector<16xf32>
        %eq3A_2006 = arith.constant 11 : i32
        %eq3A_2007 = vector.broadcast %eq3A_2006 : i32 to vector<16xi32>
        %eq3A_2008 = arith.cmpi eq, %min3A_1906, %eq3A_2007 : vector<16xi32>
        %jit3A_2009 = arith.constant 1.000000e+00 : f32
        %jit3A_2010 = arith.constant 0.000000e+00 : f32
        %broadcast_in_dim3A_2011 = vector.broadcast %jit3A_2009 : f32 to vector<16xf32>
        %broadcast_in_dim3A_2012 = vector.broadcast %jit3A_2010 : f32 to vector<16xf32>
        %select_n3A_2013 = arith.select %eq3A_2008, %broadcast_in_dim3A_2011, %broadcast_in_dim3A_2012 : vector<16xi1>, vector<16xf32>
        %add3A_2014 = arith.addf %add3A_1782, %select_n3A_2013 : vector<16xf32>
        %eq3A_2015 = arith.constant 12 : i32
        %eq3A_2016 = vector.broadcast %eq3A_2015 : i32 to vector<16xi32>
        %eq3A_2017 = arith.cmpi eq, %min3A_1906, %eq3A_2016 : vector<16xi32>
        %jit3A_2018 = arith.constant 1.000000e+00 : f32
        %jit3A_2019 = arith.constant 0.000000e+00 : f32
        %broadcast_in_dim3A_2020 = vector.broadcast %jit3A_2018 : f32 to vector<16xf32>
        %broadcast_in_dim3A_2021 = vector.broadcast %jit3A_2019 : f32 to vector<16xf32>
        %select_n3A_2022 = arith.select %eq3A_2017, %broadcast_in_dim3A_2020, %broadcast_in_dim3A_2021 : vector<16xi1>, vector<16xf32>
        %add3A_2023 = arith.addf %add3A_1791, %select_n3A_2022 : vector<16xf32>
        %eq3A_2024 = arith.constant 13 : i32
        %eq3A_2025 = vector.broadcast %eq3A_2024 : i32 to vector<16xi32>
        %eq3A_2026 = arith.cmpi eq, %min3A_1906, %eq3A_2025 : vector<16xi32>
        %jit3A_2027 = arith.constant 1.000000e+00 : f32
        %jit3A_2028 = arith.constant 0.000000e+00 : f32
        %broadcast_in_dim3A_2029 = vector.broadcast %jit3A_2027 : f32 to vector<16xf32>
        %broadcast_in_dim3A_2030 = vector.broadcast %jit3A_2028 : f32 to vector<16xf32>
        %select_n3A_2031 = arith.select %eq3A_2026, %broadcast_in_dim3A_2029, %broadcast_in_dim3A_2030 : vector<16xi1>, vector<16xf32>
        %add3A_2032 = arith.addf %add3A_1800, %select_n3A_2031 : vector<16xf32>
        %eq3A_2033 = arith.constant 14 : i32
        %eq3A_2034 = vector.broadcast %eq3A_2033 : i32 to vector<16xi32>
        %eq3A_2035 = arith.cmpi eq, %min3A_1906, %eq3A_2034 : vector<16xi32>
        %jit3A_2036 = arith.constant 1.000000e+00 : f32
        %jit3A_2037 = arith.constant 0.000000e+00 : f32
        %broadcast_in_dim3A_2038 = vector.broadcast %jit3A_2036 : f32 to vector<16xf32>
        %broadcast_in_dim3A_2039 = vector.broadcast %jit3A_2037 : f32 to vector<16xf32>
        %select_n3A_2040 = arith.select %eq3A_2035, %broadcast_in_dim3A_2038, %broadcast_in_dim3A_2039 : vector<16xi1>, vector<16xf32>
        %add3A_2041 = arith.addf %add3A_1809, %select_n3A_2040 : vector<16xf32>
        %eq3A_2042 = arith.constant 15 : i32
        %eq3A_2043 = vector.broadcast %eq3A_2042 : i32 to vector<16xi32>
        %eq3A_2044 = arith.cmpi eq, %min3A_1906, %eq3A_2043 : vector<16xi32>
        %jit3A_2045 = arith.constant 1.000000e+00 : f32
        %jit3A_2046 = arith.constant 0.000000e+00 : f32
        %broadcast_in_dim3A_2047 = vector.broadcast %jit3A_2045 : f32 to vector<16xf32>
        %broadcast_in_dim3A_2048 = vector.broadcast %jit3A_2046 : f32 to vector<16xf32>
        %select_n3A_2049 = arith.select %eq3A_2044, %broadcast_in_dim3A_2047, %broadcast_in_dim3A_2048 : vector<16xi1>, vector<16xf32>
        %add3A_2050 = arith.addf %add3A_1818, %select_n3A_2049 : vector<16xf32>
        %eq3A_2051 = arith.constant 16 : i32
        %eq3A_2052 = vector.broadcast %eq3A_2051 : i32 to vector<16xi32>
        %eq3A_2053 = arith.cmpi eq, %min3A_1906, %eq3A_2052 : vector<16xi32>
        %jit3A_2054 = arith.constant 1.000000e+00 : f32
        %jit3A_2055 = arith.constant 0.000000e+00 : f32
        %broadcast_in_dim3A_2056 = vector.broadcast %jit3A_2054 : f32 to vector<16xf32>
        %broadcast_in_dim3A_2057 = vector.broadcast %jit3A_2055 : f32 to vector<16xf32>
        %select_n3A_2058 = arith.select %eq3A_2053, %broadcast_in_dim3A_2056, %broadcast_in_dim3A_2057 : vector<16xi1>, vector<16xf32>
        %add3A_2059 = arith.addf %add3A_1827, %select_n3A_2058 : vector<16xf32>
        %eq3A_2060 = arith.constant 17 : i32
        %eq3A_2061 = vector.broadcast %eq3A_2060 : i32 to vector<16xi32>
        %eq3A_2062 = arith.cmpi eq, %min3A_1906, %eq3A_2061 : vector<16xi32>
        %jit3A_2063 = arith.constant 1.000000e+00 : f32
        %jit3A_2064 = arith.constant 0.000000e+00 : f32
        %broadcast_in_dim3A_2065 = vector.broadcast %jit3A_2063 : f32 to vector<16xf32>
        %broadcast_in_dim3A_2066 = vector.broadcast %jit3A_2064 : f32 to vector<16xf32>
        %select_n3A_2067 = arith.select %eq3A_2062, %broadcast_in_dim3A_2065, %broadcast_in_dim3A_2066 : vector<16xi1>, vector<16xf32>
        %add3A_2068 = arith.addf %add3A_1836, %select_n3A_2067 : vector<16xf32>
        %eq3A_2069 = arith.constant 18 : i32
        %eq3A_2070 = vector.broadcast %eq3A_2069 : i32 to vector<16xi32>
        %eq3A_2071 = arith.cmpi eq, %min3A_1906, %eq3A_2070 : vector<16xi32>
        %jit3A_2072 = arith.constant 1.000000e+00 : f32
        %jit3A_2073 = arith.constant 0.000000e+00 : f32
        %broadcast_in_dim3A_2074 = vector.broadcast %jit3A_2072 : f32 to vector<16xf32>
        %broadcast_in_dim3A_2075 = vector.broadcast %jit3A_2073 : f32 to vector<16xf32>
        %select_n3A_2076 = arith.select %eq3A_2071, %broadcast_in_dim3A_2074, %broadcast_in_dim3A_2075 : vector<16xi1>, vector<16xf32>
        %add3A_2077 = arith.addf %add3A_1845, %select_n3A_2076 : vector<16xf32>
        %eq3A_2078 = arith.constant 19 : i32
        %eq3A_2079 = vector.broadcast %eq3A_2078 : i32 to vector<16xi32>
        %eq3A_2080 = arith.cmpi eq, %min3A_1906, %eq3A_2079 : vector<16xi32>
        %jit3A_2081 = arith.constant 1.000000e+00 : f32
        %jit3A_2082 = arith.constant 0.000000e+00 : f32
        %broadcast_in_dim3A_2083 = vector.broadcast %jit3A_2081 : f32 to vector<16xf32>
        %broadcast_in_dim3A_2084 = vector.broadcast %jit3A_2082 : f32 to vector<16xf32>
        %select_n3A_2085 = arith.select %eq3A_2080, %broadcast_in_dim3A_2083, %broadcast_in_dim3A_2084 : vector<16xi1>, vector<16xf32>
        %add3A_2086 = arith.addf %add3A_1854, %select_n3A_2085 : vector<16xf32>
        %eq3A_2087 = arith.constant 20 : i32
        %eq3A_2088 = vector.broadcast %eq3A_2087 : i32 to vector<16xi32>
        %eq3A_2089 = arith.cmpi eq, %min3A_1906, %eq3A_2088 : vector<16xi32>
        %jit3A_2090 = arith.constant 1.000000e+00 : f32
        %jit3A_2091 = arith.constant 0.000000e+00 : f32
        %broadcast_in_dim3A_2092 = vector.broadcast %jit3A_2090 : f32 to vector<16xf32>
        %broadcast_in_dim3A_2093 = vector.broadcast %jit3A_2091 : f32 to vector<16xf32>
        %select_n3A_2094 = arith.select %eq3A_2089, %broadcast_in_dim3A_2092, %broadcast_in_dim3A_2093 : vector<16xi1>, vector<16xf32>
        %add3A_2095 = arith.addf %add3A_1863, %select_n3A_2094 : vector<16xf32>
        %mul3A_2096 = arith.constant 16 : i32
        %mul3A_2097 = arith.muli %scan3A_17, %mul3A_2096 : i32
        %mul3A_2098 = arith.constant 16 : i32
        %mul3A_2099 = arith.muli %mul3A_2097, %mul3A_2098 : i32
        %add3A_2100 = arith.constant 144 : i32
        %add3A_2101 = arith.addi %mul3A_2099, %add3A_2100 : i32
        %get3A_2102 = arith.index_cast %add3A_2101 : i32 to index
        %get3A_2103 = tpu.vector_load %arg4[%get3A_2102] {strides = array<i32>} : memref<2048xf32, #tpu.memory_space<vmem>>, vector<16xf32>,
        %get3A_2104 = vector.shape_cast %get3A_2103 : vector<16xf32> to vector<16xf32>
        %sub3A_2105 = arith.constant 0.000000e+00 : f32
        %sub3A_2106 = vector.broadcast %sub3A_2105 : f32 to vector<16xf32>
        %sub3A_2107 = arith.subf %get3A_2104, %sub3A_2106 : vector<16xf32>
        %div3A_2108 = arith.constant 2.000000e+01 : f32
        %div3A_2109 = vector.broadcast %div3A_2108 : f32 to vector<16xf32>
        %div3A_2110 = arith.divf %sub3A_2107, %div3A_2109 : vector<16xf32>
        %mul3A_2111 = arith.constant 2.000000e+01 : f32
        %mul3A_2112 = vector.broadcast %mul3A_2111 : f32 to vector<16xf32>
        %mul3A_2113 = arith.mulf %div3A_2110, %mul3A_2112 : vector<16xf32>
        %convert_element_type3A_2114 = arith.fptosi %mul3A_2113 : vector<16xf32> to vector<16xi32>
        %convert_element_type3A_2115 = arith.sitofp %convert_element_type3A_2114 : vector<16xi32> to vector<16xf32>
        %sub3A_2116 = arith.subf %mul3A_2113, %convert_element_type3A_2115 : vector<16xf32>
        %gt3A_2117 = arith.constant 5.000000e-01 : f32
        %gt3A_2118 = vector.broadcast %gt3A_2117 : f32 to vector<16xf32>
        %gt3A_2119 = arith.cmpf ogt, %sub3A_2116, %gt3A_2118 : vector<16xf32>
        %eq3A_2120 = arith.constant 5.000000e-01 : f32
        %eq3A_2121 = vector.broadcast %eq3A_2120 : f32 to vector<16xf32>
        %eq3A_2122 = arith.cmpf oeq, %sub3A_2116, %eq3A_2121 : vector<16xf32>
        %and3A_2123 = arith.constant 1 : i32
        %and3A_2124 = vector.broadcast %and3A_2123 : i32 to vector<16xi32>
        %and3A_2125 = arith.andi %convert_element_type3A_2114, %and3A_2124 : vector<16xi32>
        %jit3A_2126 = arith.constant 0 : i32
        %broadcast_in_dim3A_2127 = vector.broadcast %jit3A_2126 : i32 to vector<16xi32>
        %select_n3A_2128 = arith.select %eq3A_2122, %and3A_2125, %broadcast_in_dim3A_2127 : vector<16xi1>, vector<16xi32>
        %jit3A_2129 = arith.constant 1 : i32
        %broadcast_in_dim3A_2130 = vector.broadcast %jit3A_2129 : i32 to vector<16xi32>
        %select_n3A_2131 = arith.select %gt3A_2119, %broadcast_in_dim3A_2130, %select_n3A_2128 : vector<16xi1>, vector<16xi32>
        %add3A_2132 = arith.addi %convert_element_type3A_2114, %select_n3A_2131 : vector<16xi32>
        %jit3A_2133 = arith.constant 0 : i32
        %jit3A_2134 = arith.constant 20 : i32
        %max3A_2135 = vector.broadcast %jit3A_2133 : i32 to vector<16xi32>
        %max3A_2136 = arith.maxsi %max3A_2135, %add3A_2132 : vector<16xi32>
        %min3A_2137 = vector.broadcast %jit3A_2134 : i32 to vector<16xi32>
        %min3A_2138 = arith.minsi %min3A_2137, %max3A_2136 : vector<16xi32>
        %eq3A_2139 = arith.constant 0 : i32
        %eq3A_2140 = vector.broadcast %eq3A_2139 : i32 to vector<16xi32>
        %eq3A_2141 = arith.cmpi eq, %min3A_2138, %eq3A_2140 : vector<16xi32>
        %jit3A_2142 = arith.constant 1.000000e+00 : f32
        %jit3A_2143 = arith.constant 0.000000e+00 : f32
        %broadcast_in_dim3A_2144 = vector.broadcast %jit3A_2142 : f32 to vector<16xf32>
        %broadcast_in_dim3A_2145 = vector.broadcast %jit3A_2143 : f32 to vector<16xf32>
        %select_n3A_2146 = arith.select %eq3A_2141, %broadcast_in_dim3A_2144, %broadcast_in_dim3A_2145 : vector<16xi1>, vector<16xf32>
        %add3A_2147 = arith.addf %add3A_1915, %select_n3A_2146 : vector<16xf32>
        %eq3A_2148 = arith.constant 1 : i32
        %eq3A_2149 = vector.broadcast %eq3A_2148 : i32 to vector<16xi32>
        %eq3A_2150 = arith.cmpi eq, %min3A_2138, %eq3A_2149 : vector<16xi32>
        %jit3A_2151 = arith.constant 1.000000e+00 : f32
        %jit3A_2152 = arith.constant 0.000000e+00 : f32
        %broadcast_in_dim3A_2153 = vector.broadcast %jit3A_2151 : f32 to vector<16xf32>
        %broadcast_in_dim3A_2154 = vector.broadcast %jit3A_2152 : f32 to vector<16xf32>
        %select_n3A_2155 = arith.select %eq3A_2150, %broadcast_in_dim3A_2153, %broadcast_in_dim3A_2154 : vector<16xi1>, vector<16xf32>
        %add3A_2156 = arith.addf %add3A_1924, %select_n3A_2155 : vector<16xf32>
        %eq3A_2157 = arith.constant 2 : i32
        %eq3A_2158 = vector.broadcast %eq3A_2157 : i32 to vector<16xi32>
        %eq3A_2159 = arith.cmpi eq, %min3A_2138, %eq3A_2158 : vector<16xi32>
        %jit3A_2160 = arith.constant 1.000000e+00 : f32
        %jit3A_2161 = arith.constant 0.000000e+00 : f32
        %broadcast_in_dim3A_2162 = vector.broadcast %jit3A_2160 : f32 to vector<16xf32>
        %broadcast_in_dim3A_2163 = vector.broadcast %jit3A_2161 : f32 to vector<16xf32>
        %select_n3A_2164 = arith.select %eq3A_2159, %broadcast_in_dim3A_2162, %broadcast_in_dim3A_2163 : vector<16xi1>, vector<16xf32>
        %add3A_2165 = arith.addf %add3A_1933, %select_n3A_2164 : vector<16xf32>
        %eq3A_2166 = arith.constant 3 : i32
        %eq3A_2167 = vector.broadcast %eq3A_2166 : i32 to vector<16xi32>
        %eq3A_2168 = arith.cmpi eq, %min3A_2138, %eq3A_2167 : vector<16xi32>
        %jit3A_2169 = arith.constant 1.000000e+00 : f32
        %jit3A_2170 = arith.constant 0.000000e+00 : f32
        %broadcast_in_dim3A_2171 = vector.broadcast %jit3A_2169 : f32 to vector<16xf32>
        %broadcast_in_dim3A_2172 = vector.broadcast %jit3A_2170 : f32 to vector<16xf32>
        %select_n3A_2173 = arith.select %eq3A_2168, %broadcast_in_dim3A_2171, %broadcast_in_dim3A_2172 : vector<16xi1>, vector<16xf32>
        %add3A_2174 = arith.addf %add3A_1942, %select_n3A_2173 : vector<16xf32>
        %eq3A_2175 = arith.constant 4 : i32
        %eq3A_2176 = vector.broadcast %eq3A_2175 : i32 to vector<16xi32>
        %eq3A_2177 = arith.cmpi eq, %min3A_2138, %eq3A_2176 : vector<16xi32>
        %jit3A_2178 = arith.constant 1.000000e+00 : f32
        %jit3A_2179 = arith.constant 0.000000e+00 : f32
        %broadcast_in_dim3A_2180 = vector.broadcast %jit3A_2178 : f32 to vector<16xf32>
        %broadcast_in_dim3A_2181 = vector.broadcast %jit3A_2179 : f32 to vector<16xf32>
        %select_n3A_2182 = arith.select %eq3A_2177, %broadcast_in_dim3A_2180, %broadcast_in_dim3A_2181 : vector<16xi1>, vector<16xf32>
        %add3A_2183 = arith.addf %add3A_1951, %select_n3A_2182 : vector<16xf32>
        %eq3A_2184 = arith.constant 5 : i32
        %eq3A_2185 = vector.broadcast %eq3A_2184 : i32 to vector<16xi32>
        %eq3A_2186 = arith.cmpi eq, %min3A_2138, %eq3A_2185 : vector<16xi32>
        %jit3A_2187 = arith.constant 1.000000e+00 : f32
        %jit3A_2188 = arith.constant 0.000000e+00 : f32
        %broadcast_in_dim3A_2189 = vector.broadcast %jit3A_2187 : f32 to vector<16xf32>
        %broadcast_in_dim3A_2190 = vector.broadcast %jit3A_2188 : f32 to vector<16xf32>
        %select_n3A_2191 = arith.select %eq3A_2186, %broadcast_in_dim3A_2189, %broadcast_in_dim3A_2190 : vector<16xi1>, vector<16xf32>
        %add3A_2192 = arith.addf %add3A_1960, %select_n3A_2191 : vector<16xf32>
        %eq3A_2193 = arith.constant 6 : i32
        %eq3A_2194 = vector.broadcast %eq3A_2193 : i32 to vector<16xi32>
        %eq3A_2195 = arith.cmpi eq, %min3A_2138, %eq3A_2194 : vector<16xi32>
        %jit3A_2196 = arith.constant 1.000000e+00 : f32
        %jit3A_2197 = arith.constant 0.000000e+00 : f32
        %broadcast_in_dim3A_2198 = vector.broadcast %jit3A_2196 : f32 to vector<16xf32>
        %broadcast_in_dim3A_2199 = vector.broadcast %jit3A_2197 : f32 to vector<16xf32>
        %select_n3A_2200 = arith.select %eq3A_2195, %broadcast_in_dim3A_2198, %broadcast_in_dim3A_2199 : vector<16xi1>, vector<16xf32>
        %add3A_2201 = arith.addf %add3A_1969, %select_n3A_2200 : vector<16xf32>
        %eq3A_2202 = arith.constant 7 : i32
        %eq3A_2203 = vector.broadcast %eq3A_2202 : i32 to vector<16xi32>
        %eq3A_2204 = arith.cmpi eq, %min3A_2138, %eq3A_2203 : vector<16xi32>
        %jit3A_2205 = arith.constant 1.000000e+00 : f32
        %jit3A_2206 = arith.constant 0.000000e+00 : f32
        %broadcast_in_dim3A_2207 = vector.broadcast %jit3A_2205 : f32 to vector<16xf32>
        %broadcast_in_dim3A_2208 = vector.broadcast %jit3A_2206 : f32 to vector<16xf32>
        %select_n3A_2209 = arith.select %eq3A_2204, %broadcast_in_dim3A_2207, %broadcast_in_dim3A_2208 : vector<16xi1>, vector<16xf32>
        %add3A_2210 = arith.addf %add3A_1978, %select_n3A_2209 : vector<16xf32>
        %eq3A_2211 = arith.constant 8 : i32
        %eq3A_2212 = vector.broadcast %eq3A_2211 : i32 to vector<16xi32>
        %eq3A_2213 = arith.cmpi eq, %min3A_2138, %eq3A_2212 : vector<16xi32>
        %jit3A_2214 = arith.constant 1.000000e+00 : f32
        %jit3A_2215 = arith.constant 0.000000e+00 : f32
        %broadcast_in_dim3A_2216 = vector.broadcast %jit3A_2214 : f32 to vector<16xf32>
        %broadcast_in_dim3A_2217 = vector.broadcast %jit3A_2215 : f32 to vector<16xf32>
        %select_n3A_2218 = arith.select %eq3A_2213, %broadcast_in_dim3A_2216, %broadcast_in_dim3A_2217 : vector<16xi1>, vector<16xf32>
        %add3A_2219 = arith.addf %add3A_1987, %select_n3A_2218 : vector<16xf32>
        %eq3A_2220 = arith.constant 9 : i32
        %eq3A_2221 = vector.broadcast %eq3A_2220 : i32 to vector<16xi32>
        %eq3A_2222 = arith.cmpi eq, %min3A_2138, %eq3A_2221 : vector<16xi32>
        %jit3A_2223 = arith.constant 1.000000e+00 : f32
        %jit3A_2224 = arith.constant 0.000000e+00 : f32
        %broadcast_in_dim3A_2225 = vector.broadcast %jit3A_2223 : f32 to vector<16xf32>
        %broadcast_in_dim3A_2226 = vector.broadcast %jit3A_2224 : f32 to vector<16xf32>
        %select_n3A_2227 = arith.select %eq3A_2222, %broadcast_in_dim3A_2225, %broadcast_in_dim3A_2226 : vector<16xi1>, vector<16xf32>
        %add3A_2228 = arith.addf %add3A_1996, %select_n3A_2227 : vector<16xf32>
        %eq3A_2229 = arith.constant 10 : i32
        %eq3A_2230 = vector.broadcast %eq3A_2229 : i32 to vector<16xi32>
        %eq3A_2231 = arith.cmpi eq, %min3A_2138, %eq3A_2230 : vector<16xi32>
        %jit3A_2232 = arith.constant 1.000000e+00 : f32
        %jit3A_2233 = arith.constant 0.000000e+00 : f32
        %broadcast_in_dim3A_2234 = vector.broadcast %jit3A_2232 : f32 to vector<16xf32>
        %broadcast_in_dim3A_2235 = vector.broadcast %jit3A_2233 : f32 to vector<16xf32>
        %select_n3A_2236 = arith.select %eq3A_2231, %broadcast_in_dim3A_2234, %broadcast_in_dim3A_2235 : vector<16xi1>, vector<16xf32>
        %add3A_2237 = arith.addf %add3A_2005, %select_n3A_2236 : vector<16xf32>
        %eq3A_2238 = arith.constant 11 : i32
        %eq3A_2239 = vector.broadcast %eq3A_2238 : i32 to vector<16xi32>
        %eq3A_2240 = arith.cmpi eq, %min3A_2138, %eq3A_2239 : vector<16xi32>
        %jit3A_2241 = arith.constant 1.000000e+00 : f32
        %jit3A_2242 = arith.constant 0.000000e+00 : f32
        %broadcast_in_dim3A_2243 = vector.broadcast %jit3A_2241 : f32 to vector<16xf32>
        %broadcast_in_dim3A_2244 = vector.broadcast %jit3A_2242 : f32 to vector<16xf32>
        %select_n3A_2245 = arith.select %eq3A_2240, %broadcast_in_dim3A_2243, %broadcast_in_dim3A_2244 : vector<16xi1>, vector<16xf32>
        %add3A_2246 = arith.addf %add3A_2014, %select_n3A_2245 : vector<16xf32>
        %eq3A_2247 = arith.constant 12 : i32
        %eq3A_2248 = vector.broadcast %eq3A_2247 : i32 to vector<16xi32>
        %eq3A_2249 = arith.cmpi eq, %min3A_2138, %eq3A_2248 : vector<16xi32>
        %jit3A_2250 = arith.constant 1.000000e+00 : f32
        %jit3A_2251 = arith.constant 0.000000e+00 : f32
        %broadcast_in_dim3A_2252 = vector.broadcast %jit3A_2250 : f32 to vector<16xf32>
        %broadcast_in_dim3A_2253 = vector.broadcast %jit3A_2251 : f32 to vector<16xf32>
        %select_n3A_2254 = arith.select %eq3A_2249, %broadcast_in_dim3A_2252, %broadcast_in_dim3A_2253 : vector<16xi1>, vector<16xf32>
        %add3A_2255 = arith.addf %add3A_2023, %select_n3A_2254 : vector<16xf32>
        %eq3A_2256 = arith.constant 13 : i32
        %eq3A_2257 = vector.broadcast %eq3A_2256 : i32 to vector<16xi32>
        %eq3A_2258 = arith.cmpi eq, %min3A_2138, %eq3A_2257 : vector<16xi32>
        %jit3A_2259 = arith.constant 1.000000e+00 : f32
        %jit3A_2260 = arith.constant 0.000000e+00 : f32
        %broadcast_in_dim3A_2261 = vector.broadcast %jit3A_2259 : f32 to vector<16xf32>
        %broadcast_in_dim3A_2262 = vector.broadcast %jit3A_2260 : f32 to vector<16xf32>
        %select_n3A_2263 = arith.select %eq3A_2258, %broadcast_in_dim3A_2261, %broadcast_in_dim3A_2262 : vector<16xi1>, vector<16xf32>
        %add3A_2264 = arith.addf %add3A_2032, %select_n3A_2263 : vector<16xf32>
        %eq3A_2265 = arith.constant 14 : i32
        %eq3A_2266 = vector.broadcast %eq3A_2265 : i32 to vector<16xi32>
        %eq3A_2267 = arith.cmpi eq, %min3A_2138, %eq3A_2266 : vector<16xi32>
        %jit3A_2268 = arith.constant 1.000000e+00 : f32
        %jit3A_2269 = arith.constant 0.000000e+00 : f32
        %broadcast_in_dim3A_2270 = vector.broadcast %jit3A_2268 : f32 to vector<16xf32>
        %broadcast_in_dim3A_2271 = vector.broadcast %jit3A_2269 : f32 to vector<16xf32>
        %select_n3A_2272 = arith.select %eq3A_2267, %broadcast_in_dim3A_2270, %broadcast_in_dim3A_2271 : vector<16xi1>, vector<16xf32>
        %add3A_2273 = arith.addf %add3A_2041, %select_n3A_2272 : vector<16xf32>
        %eq3A_2274 = arith.constant 15 : i32
        %eq3A_2275 = vector.broadcast %eq3A_2274 : i32 to vector<16xi32>
        %eq3A_2276 = arith.cmpi eq, %min3A_2138, %eq3A_2275 : vector<16xi32>
        %jit3A_2277 = arith.constant 1.000000e+00 : f32
        %jit3A_2278 = arith.constant 0.000000e+00 : f32
        %broadcast_in_dim3A_2279 = vector.broadcast %jit3A_2277 : f32 to vector<16xf32>
        %broadcast_in_dim3A_2280 = vector.broadcast %jit3A_2278 : f32 to vector<16xf32>
        %select_n3A_2281 = arith.select %eq3A_2276, %broadcast_in_dim3A_2279, %broadcast_in_dim3A_2280 : vector<16xi1>, vector<16xf32>
        %add3A_2282 = arith.addf %add3A_2050, %select_n3A_2281 : vector<16xf32>
        %eq3A_2283 = arith.constant 16 : i32
        %eq3A_2284 = vector.broadcast %eq3A_2283 : i32 to vector<16xi32>
        %eq3A_2285 = arith.cmpi eq, %min3A_2138, %eq3A_2284 : vector<16xi32>
        %jit3A_2286 = arith.constant 1.000000e+00 : f32
        %jit3A_2287 = arith.constant 0.000000e+00 : f32
        %broadcast_in_dim3A_2288 = vector.broadcast %jit3A_2286 : f32 to vector<16xf32>
        %broadcast_in_dim3A_2289 = vector.broadcast %jit3A_2287 : f32 to vector<16xf32>
        %select_n3A_2290 = arith.select %eq3A_2285, %broadcast_in_dim3A_2288, %broadcast_in_dim3A_2289 : vector<16xi1>, vector<16xf32>
        %add3A_2291 = arith.addf %add3A_2059, %select_n3A_2290 : vector<16xf32>
        %eq3A_2292 = arith.constant 17 : i32
        %eq3A_2293 = vector.broadcast %eq3A_2292 : i32 to vector<16xi32>
        %eq3A_2294 = arith.cmpi eq, %min3A_2138, %eq3A_2293 : vector<16xi32>
        %jit3A_2295 = arith.constant 1.000000e+00 : f32
        %jit3A_2296 = arith.constant 0.000000e+00 : f32
        %broadcast_in_dim3A_2297 = vector.broadcast %jit3A_2295 : f32 to vector<16xf32>
        %broadcast_in_dim3A_2298 = vector.broadcast %jit3A_2296 : f32 to vector<16xf32>
        %select_n3A_2299 = arith.select %eq3A_2294, %broadcast_in_dim3A_2297, %broadcast_in_dim3A_2298 : vector<16xi1>, vector<16xf32>
        %add3A_2300 = arith.addf %add3A_2068, %select_n3A_2299 : vector<16xf32>
        %eq3A_2301 = arith.constant 18 : i32
        %eq3A_2302 = vector.broadcast %eq3A_2301 : i32 to vector<16xi32>
        %eq3A_2303 = arith.cmpi eq, %min3A_2138, %eq3A_2302 : vector<16xi32>
        %jit3A_2304 = arith.constant 1.000000e+00 : f32
        %jit3A_2305 = arith.constant 0.000000e+00 : f32
        %broadcast_in_dim3A_2306 = vector.broadcast %jit3A_2304 : f32 to vector<16xf32>
        %broadcast_in_dim3A_2307 = vector.broadcast %jit3A_2305 : f32 to vector<16xf32>
        %select_n3A_2308 = arith.select %eq3A_2303, %broadcast_in_dim3A_2306, %broadcast_in_dim3A_2307 : vector<16xi1>, vector<16xf32>
        %add3A_2309 = arith.addf %add3A_2077, %select_n3A_2308 : vector<16xf32>
        %eq3A_2310 = arith.constant 19 : i32
        %eq3A_2311 = vector.broadcast %eq3A_2310 : i32 to vector<16xi32>
        %eq3A_2312 = arith.cmpi eq, %min3A_2138, %eq3A_2311 : vector<16xi32>
        %jit3A_2313 = arith.constant 1.000000e+00 : f32
        %jit3A_2314 = arith.constant 0.000000e+00 : f32
        %broadcast_in_dim3A_2315 = vector.broadcast %jit3A_2313 : f32 to vector<16xf32>
        %broadcast_in_dim3A_2316 = vector.broadcast %jit3A_2314 : f32 to vector<16xf32>
        %select_n3A_2317 = arith.select %eq3A_2312, %broadcast_in_dim3A_2315, %broadcast_in_dim3A_2316 : vector<16xi1>, vector<16xf32>
        %add3A_2318 = arith.addf %add3A_2086, %select_n3A_2317 : vector<16xf32>
        %eq3A_2319 = arith.constant 20 : i32
        %eq3A_2320 = vector.broadcast %eq3A_2319 : i32 to vector<16xi32>
        %eq3A_2321 = arith.cmpi eq, %min3A_2138, %eq3A_2320 : vector<16xi32>
        %jit3A_2322 = arith.constant 1.000000e+00 : f32
        %jit3A_2323 = arith.constant 0.000000e+00 : f32
        %broadcast_in_dim3A_2324 = vector.broadcast %jit3A_2322 : f32 to vector<16xf32>
        %broadcast_in_dim3A_2325 = vector.broadcast %jit3A_2323 : f32 to vector<16xf32>
        %select_n3A_2326 = arith.select %eq3A_2321, %broadcast_in_dim3A_2324, %broadcast_in_dim3A_2325 : vector<16xi1>, vector<16xf32>
        %add3A_2327 = arith.addf %add3A_2095, %select_n3A_2326 : vector<16xf32>
        %mul3A_2328 = arith.constant 16 : i32
        %mul3A_2329 = arith.muli %scan3A_17, %mul3A_2328 : i32
        %mul3A_2330 = arith.constant 16 : i32
        %mul3A_2331 = arith.muli %mul3A_2329, %mul3A_2330 : i32
        %add3A_2332 = arith.constant 160 : i32
        %add3A_2333 = arith.addi %mul3A_2331, %add3A_2332 : i32
        %get3A_2334 = arith.index_cast %add3A_2333 : i32 to index
        %get3A_2335 = tpu.vector_load %arg4[%get3A_2334] {strides = array<i32>} : memref<2048xf32, #tpu.memory_space<vmem>>, vector<16xf32>,
        %get3A_2336 = vector.shape_cast %get3A_2335 : vector<16xf32> to vector<16xf32>
        %sub3A_2337 = arith.constant 0.000000e+00 : f32
        %sub3A_2338 = vector.broadcast %sub3A_2337 : f32 to vector<16xf32>
        %sub3A_2339 = arith.subf %get3A_2336, %sub3A_2338 : vector<16xf32>
        %div3A_2340 = arith.constant 2.000000e+01 : f32
        %div3A_2341 = vector.broadcast %div3A_2340 : f32 to vector<16xf32>
        %div3A_2342 = arith.divf %sub3A_2339, %div3A_2341 : vector<16xf32>
        %mul3A_2343 = arith.constant 2.000000e+01 : f32
        %mul3A_2344 = vector.broadcast %mul3A_2343 : f32 to vector<16xf32>
        %mul3A_2345 = arith.mulf %div3A_2342, %mul3A_2344 : vector<16xf32>
        %convert_element_type3A_2346 = arith.fptosi %mul3A_2345 : vector<16xf32> to vector<16xi32>
        %convert_element_type3A_2347 = arith.sitofp %convert_element_type3A_2346 : vector<16xi32> to vector<16xf32>
        %sub3A_2348 = arith.subf %mul3A_2345, %convert_element_type3A_2347 : vector<16xf32>
        %gt3A_2349 = arith.constant 5.000000e-01 : f32
        %gt3A_2350 = vector.broadcast %gt3A_2349 : f32 to vector<16xf32>
        %gt3A_2351 = arith.cmpf ogt, %sub3A_2348, %gt3A_2350 : vector<16xf32>
        %eq3A_2352 = arith.constant 5.000000e-01 : f32
        %eq3A_2353 = vector.broadcast %eq3A_2352 : f32 to vector<16xf32>
        %eq3A_2354 = arith.cmpf oeq, %sub3A_2348, %eq3A_2353 : vector<16xf32>
        %and3A_2355 = arith.constant 1 : i32
        %and3A_2356 = vector.broadcast %and3A_2355 : i32 to vector<16xi32>
        %and3A_2357 = arith.andi %convert_element_type3A_2346, %and3A_2356 : vector<16xi32>
        %jit3A_2358 = arith.constant 0 : i32
        %broadcast_in_dim3A_2359 = vector.broadcast %jit3A_2358 : i32 to vector<16xi32>
        %select_n3A_2360 = arith.select %eq3A_2354, %and3A_2357, %broadcast_in_dim3A_2359 : vector<16xi1>, vector<16xi32>
        %jit3A_2361 = arith.constant 1 : i32
        %broadcast_in_dim3A_2362 = vector.broadcast %jit3A_2361 : i32 to vector<16xi32>
        %select_n3A_2363 = arith.select %gt3A_2351, %broadcast_in_dim3A_2362, %select_n3A_2360 : vector<16xi1>, vector<16xi32>
        %add3A_2364 = arith.addi %convert_element_type3A_2346, %select_n3A_2363 : vector<16xi32>
        %jit3A_2365 = arith.constant 0 : i32
        %jit3A_2366 = arith.constant 20 : i32
        %max3A_2367 = vector.broadcast %jit3A_2365 : i32 to vector<16xi32>
        %max3A_2368 = arith.maxsi %max3A_2367, %add3A_2364 : vector<16xi32>
        %min3A_2369 = vector.broadcast %jit3A_2366 : i32 to vector<16xi32>
        %min3A_2370 = arith.minsi %min3A_2369, %max3A_2368 : vector<16xi32>
        %eq3A_2371 = arith.constant 0 : i32
        %eq3A_2372 = vector.broadcast %eq3A_2371 : i32 to vector<16xi32>
        %eq3A_2373 = arith.cmpi eq, %min3A_2370, %eq3A_2372 : vector<16xi32>
        %jit3A_2374 = arith.constant 1.000000e+00 : f32
        %jit3A_2375 = arith.constant 0.000000e+00 : f32
        %broadcast_in_dim3A_2376 = vector.broadcast %jit3A_2374 : f32 to vector<16xf32>
        %broadcast_in_dim3A_2377 = vector.broadcast %jit3A_2375 : f32 to vector<16xf32>
        %select_n3A_2378 = arith.select %eq3A_2373, %broadcast_in_dim3A_2376, %broadcast_in_dim3A_2377 : vector<16xi1>, vector<16xf32>
        %add3A_2379 = arith.addf %add3A_2147, %select_n3A_2378 : vector<16xf32>
        %eq3A_2380 = arith.constant 1 : i32
        %eq3A_2381 = vector.broadcast %eq3A_2380 : i32 to vector<16xi32>
        %eq3A_2382 = arith.cmpi eq, %min3A_2370, %eq3A_2381 : vector<16xi32>
        %jit3A_2383 = arith.constant 1.000000e+00 : f32
        %jit3A_2384 = arith.constant 0.000000e+00 : f32
        %broadcast_in_dim3A_2385 = vector.broadcast %jit3A_2383 : f32 to vector<16xf32>
        %broadcast_in_dim3A_2386 = vector.broadcast %jit3A_2384 : f32 to vector<16xf32>
        %select_n3A_2387 = arith.select %eq3A_2382, %broadcast_in_dim3A_2385, %broadcast_in_dim3A_2386 : vector<16xi1>, vector<16xf32>
        %add3A_2388 = arith.addf %add3A_2156, %select_n3A_2387 : vector<16xf32>
        %eq3A_2389 = arith.constant 2 : i32
        %eq3A_2390 = vector.broadcast %eq3A_2389 : i32 to vector<16xi32>
        %eq3A_2391 = arith.cmpi eq, %min3A_2370, %eq3A_2390 : vector<16xi32>
        %jit3A_2392 = arith.constant 1.000000e+00 : f32
        %jit3A_2393 = arith.constant 0.000000e+00 : f32
        %broadcast_in_dim3A_2394 = vector.broadcast %jit3A_2392 : f32 to vector<16xf32>
        %broadcast_in_dim3A_2395 = vector.broadcast %jit3A_2393 : f32 to vector<16xf32>
        %select_n3A_2396 = arith.select %eq3A_2391, %broadcast_in_dim3A_2394, %broadcast_in_dim3A_2395 : vector<16xi1>, vector<16xf32>
        %add3A_2397 = arith.addf %add3A_2165, %select_n3A_2396 : vector<16xf32>
        %eq3A_2398 = arith.constant 3 : i32
        %eq3A_2399 = vector.broadcast %eq3A_2398 : i32 to vector<16xi32>
        %eq3A_2400 = arith.cmpi eq, %min3A_2370, %eq3A_2399 : vector<16xi32>
        %jit3A_2401 = arith.constant 1.000000e+00 : f32
        %jit3A_2402 = arith.constant 0.000000e+00 : f32
        %broadcast_in_dim3A_2403 = vector.broadcast %jit3A_2401 : f32 to vector<16xf32>
        %broadcast_in_dim3A_2404 = vector.broadcast %jit3A_2402 : f32 to vector<16xf32>
        %select_n3A_2405 = arith.select %eq3A_2400, %broadcast_in_dim3A_2403, %broadcast_in_dim3A_2404 : vector<16xi1>, vector<16xf32>
        %add3A_2406 = arith.addf %add3A_2174, %select_n3A_2405 : vector<16xf32>
        %eq3A_2407 = arith.constant 4 : i32
        %eq3A_2408 = vector.broadcast %eq3A_2407 : i32 to vector<16xi32>
        %eq3A_2409 = arith.cmpi eq, %min3A_2370, %eq3A_2408 : vector<16xi32>
        %jit3A_2410 = arith.constant 1.000000e+00 : f32
        %jit3A_2411 = arith.constant 0.000000e+00 : f32
        %broadcast_in_dim3A_2412 = vector.broadcast %jit3A_2410 : f32 to vector<16xf32>
        %broadcast_in_dim3A_2413 = vector.broadcast %jit3A_2411 : f32 to vector<16xf32>
        %select_n3A_2414 = arith.select %eq3A_2409, %broadcast_in_dim3A_2412, %broadcast_in_dim3A_2413 : vector<16xi1>, vector<16xf32>
        %add3A_2415 = arith.addf %add3A_2183, %select_n3A_2414 : vector<16xf32>
        %eq3A_2416 = arith.constant 5 : i32
        %eq3A_2417 = vector.broadcast %eq3A_2416 : i32 to vector<16xi32>
        %eq3A_2418 = arith.cmpi eq, %min3A_2370, %eq3A_2417 : vector<16xi32>
        %jit3A_2419 = arith.constant 1.000000e+00 : f32
        %jit3A_2420 = arith.constant 0.000000e+00 : f32
        %broadcast_in_dim3A_2421 = vector.broadcast %jit3A_2419 : f32 to vector<16xf32>
        %broadcast_in_dim3A_2422 = vector.broadcast %jit3A_2420 : f32 to vector<16xf32>
        %select_n3A_2423 = arith.select %eq3A_2418, %broadcast_in_dim3A_2421, %broadcast_in_dim3A_2422 : vector<16xi1>, vector<16xf32>
        %add3A_2424 = arith.addf %add3A_2192, %select_n3A_2423 : vector<16xf32>
        %eq3A_2425 = arith.constant 6 : i32
        %eq3A_2426 = vector.broadcast %eq3A_2425 : i32 to vector<16xi32>
        %eq3A_2427 = arith.cmpi eq, %min3A_2370, %eq3A_2426 : vector<16xi32>
        %jit3A_2428 = arith.constant 1.000000e+00 : f32
        %jit3A_2429 = arith.constant 0.000000e+00 : f32
        %broadcast_in_dim3A_2430 = vector.broadcast %jit3A_2428 : f32 to vector<16xf32>
        %broadcast_in_dim3A_2431 = vector.broadcast %jit3A_2429 : f32 to vector<16xf32>
        %select_n3A_2432 = arith.select %eq3A_2427, %broadcast_in_dim3A_2430, %broadcast_in_dim3A_2431 : vector<16xi1>, vector<16xf32>
        %add3A_2433 = arith.addf %add3A_2201, %select_n3A_2432 : vector<16xf32>
        %eq3A_2434 = arith.constant 7 : i32
        %eq3A_2435 = vector.broadcast %eq3A_2434 : i32 to vector<16xi32>
        %eq3A_2436 = arith.cmpi eq, %min3A_2370, %eq3A_2435 : vector<16xi32>
        %jit3A_2437 = arith.constant 1.000000e+00 : f32
        %jit3A_2438 = arith.constant 0.000000e+00 : f32
        %broadcast_in_dim3A_2439 = vector.broadcast %jit3A_2437 : f32 to vector<16xf32>
        %broadcast_in_dim3A_2440 = vector.broadcast %jit3A_2438 : f32 to vector<16xf32>
        %select_n3A_2441 = arith.select %eq3A_2436, %broadcast_in_dim3A_2439, %broadcast_in_dim3A_2440 : vector<16xi1>, vector<16xf32>
        %add3A_2442 = arith.addf %add3A_2210, %select_n3A_2441 : vector<16xf32>
        %eq3A_2443 = arith.constant 8 : i32
        %eq3A_2444 = vector.broadcast %eq3A_2443 : i32 to vector<16xi32>
        %eq3A_2445 = arith.cmpi eq, %min3A_2370, %eq3A_2444 : vector<16xi32>
        %jit3A_2446 = arith.constant 1.000000e+00 : f32
        %jit3A_2447 = arith.constant 0.000000e+00 : f32
        %broadcast_in_dim3A_2448 = vector.broadcast %jit3A_2446 : f32 to vector<16xf32>
        %broadcast_in_dim3A_2449 = vector.broadcast %jit3A_2447 : f32 to vector<16xf32>
        %select_n3A_2450 = arith.select %eq3A_2445, %broadcast_in_dim3A_2448, %broadcast_in_dim3A_2449 : vector<16xi1>, vector<16xf32>
        %add3A_2451 = arith.addf %add3A_2219, %select_n3A_2450 : vector<16xf32>
        %eq3A_2452 = arith.constant 9 : i32
        %eq3A_2453 = vector.broadcast %eq3A_2452 : i32 to vector<16xi32>
        %eq3A_2454 = arith.cmpi eq, %min3A_2370, %eq3A_2453 : vector<16xi32>
        %jit3A_2455 = arith.constant 1.000000e+00 : f32
        %jit3A_2456 = arith.constant 0.000000e+00 : f32
        %broadcast_in_dim3A_2457 = vector.broadcast %jit3A_2455 : f32 to vector<16xf32>
        %broadcast_in_dim3A_2458 = vector.broadcast %jit3A_2456 : f32 to vector<16xf32>
        %select_n3A_2459 = arith.select %eq3A_2454, %broadcast_in_dim3A_2457, %broadcast_in_dim3A_2458 : vector<16xi1>, vector<16xf32>
        %add3A_2460 = arith.addf %add3A_2228, %select_n3A_2459 : vector<16xf32>
        %eq3A_2461 = arith.constant 10 : i32
        %eq3A_2462 = vector.broadcast %eq3A_2461 : i32 to vector<16xi32>
        %eq3A_2463 = arith.cmpi eq, %min3A_2370, %eq3A_2462 : vector<16xi32>
        %jit3A_2464 = arith.constant 1.000000e+00 : f32
        %jit3A_2465 = arith.constant 0.000000e+00 : f32
        %broadcast_in_dim3A_2466 = vector.broadcast %jit3A_2464 : f32 to vector<16xf32>
        %broadcast_in_dim3A_2467 = vector.broadcast %jit3A_2465 : f32 to vector<16xf32>
        %select_n3A_2468 = arith.select %eq3A_2463, %broadcast_in_dim3A_2466, %broadcast_in_dim3A_2467 : vector<16xi1>, vector<16xf32>
        %add3A_2469 = arith.addf %add3A_2237, %select_n3A_2468 : vector<16xf32>
        %eq3A_2470 = arith.constant 11 : i32
        %eq3A_2471 = vector.broadcast %eq3A_2470 : i32 to vector<16xi32>
        %eq3A_2472 = arith.cmpi eq, %min3A_2370, %eq3A_2471 : vector<16xi32>
        %jit3A_2473 = arith.constant 1.000000e+00 : f32
        %jit3A_2474 = arith.constant 0.000000e+00 : f32
        %broadcast_in_dim3A_2475 = vector.broadcast %jit3A_2473 : f32 to vector<16xf32>
        %broadcast_in_dim3A_2476 = vector.broadcast %jit3A_2474 : f32 to vector<16xf32>
        %select_n3A_2477 = arith.select %eq3A_2472, %broadcast_in_dim3A_2475, %broadcast_in_dim3A_2476 : vector<16xi1>, vector<16xf32>
        %add3A_2478 = arith.addf %add3A_2246, %select_n3A_2477 : vector<16xf32>
        %eq3A_2479 = arith.constant 12 : i32
        %eq3A_2480 = vector.broadcast %eq3A_2479 : i32 to vector<16xi32>
        %eq3A_2481 = arith.cmpi eq, %min3A_2370, %eq3A_2480 : vector<16xi32>
        %jit3A_2482 = arith.constant 1.000000e+00 : f32
        %jit3A_2483 = arith.constant 0.000000e+00 : f32
        %broadcast_in_dim3A_2484 = vector.broadcast %jit3A_2482 : f32 to vector<16xf32>
        %broadcast_in_dim3A_2485 = vector.broadcast %jit3A_2483 : f32 to vector<16xf32>
        %select_n3A_2486 = arith.select %eq3A_2481, %broadcast_in_dim3A_2484, %broadcast_in_dim3A_2485 : vector<16xi1>, vector<16xf32>
        %add3A_2487 = arith.addf %add3A_2255, %select_n3A_2486 : vector<16xf32>
        %eq3A_2488 = arith.constant 13 : i32
        %eq3A_2489 = vector.broadcast %eq3A_2488 : i32 to vector<16xi32>
        %eq3A_2490 = arith.cmpi eq, %min3A_2370, %eq3A_2489 : vector<16xi32>
        %jit3A_2491 = arith.constant 1.000000e+00 : f32
        %jit3A_2492 = arith.constant 0.000000e+00 : f32
        %broadcast_in_dim3A_2493 = vector.broadcast %jit3A_2491 : f32 to vector<16xf32>
        %broadcast_in_dim3A_2494 = vector.broadcast %jit3A_2492 : f32 to vector<16xf32>
        %select_n3A_2495 = arith.select %eq3A_2490, %broadcast_in_dim3A_2493, %broadcast_in_dim3A_2494 : vector<16xi1>, vector<16xf32>
        %add3A_2496 = arith.addf %add3A_2264, %select_n3A_2495 : vector<16xf32>
        %eq3A_2497 = arith.constant 14 : i32
        %eq3A_2498 = vector.broadcast %eq3A_2497 : i32 to vector<16xi32>
        %eq3A_2499 = arith.cmpi eq, %min3A_2370, %eq3A_2498 : vector<16xi32>
        %jit3A_2500 = arith.constant 1.000000e+00 : f32
        %jit3A_2501 = arith.constant 0.000000e+00 : f32
        %broadcast_in_dim3A_2502 = vector.broadcast %jit3A_2500 : f32 to vector<16xf32>
        %broadcast_in_dim3A_2503 = vector.broadcast %jit3A_2501 : f32 to vector<16xf32>
        %select_n3A_2504 = arith.select %eq3A_2499, %broadcast_in_dim3A_2502, %broadcast_in_dim3A_2503 : vector<16xi1>, vector<16xf32>
        %add3A_2505 = arith.addf %add3A_2273, %select_n3A_2504 : vector<16xf32>
        %eq3A_2506 = arith.constant 15 : i32
        %eq3A_2507 = vector.broadcast %eq3A_2506 : i32 to vector<16xi32>
        %eq3A_2508 = arith.cmpi eq, %min3A_2370, %eq3A_2507 : vector<16xi32>
        %jit3A_2509 = arith.constant 1.000000e+00 : f32
        %jit3A_2510 = arith.constant 0.000000e+00 : f32
        %broadcast_in_dim3A_2511 = vector.broadcast %jit3A_2509 : f32 to vector<16xf32>
        %broadcast_in_dim3A_2512 = vector.broadcast %jit3A_2510 : f32 to vector<16xf32>
        %select_n3A_2513 = arith.select %eq3A_2508, %broadcast_in_dim3A_2511, %broadcast_in_dim3A_2512 : vector<16xi1>, vector<16xf32>
        %add3A_2514 = arith.addf %add3A_2282, %select_n3A_2513 : vector<16xf32>
        %eq3A_2515 = arith.constant 16 : i32
        %eq3A_2516 = vector.broadcast %eq3A_2515 : i32 to vector<16xi32>
        %eq3A_2517 = arith.cmpi eq, %min3A_2370, %eq3A_2516 : vector<16xi32>
        %jit3A_2518 = arith.constant 1.000000e+00 : f32
        %jit3A_2519 = arith.constant 0.000000e+00 : f32
        %broadcast_in_dim3A_2520 = vector.broadcast %jit3A_2518 : f32 to vector<16xf32>
        %broadcast_in_dim3A_2521 = vector.broadcast %jit3A_2519 : f32 to vector<16xf32>
        %select_n3A_2522 = arith.select %eq3A_2517, %broadcast_in_dim3A_2520, %broadcast_in_dim3A_2521 : vector<16xi1>, vector<16xf32>
        %add3A_2523 = arith.addf %add3A_2291, %select_n3A_2522 : vector<16xf32>
        %eq3A_2524 = arith.constant 17 : i32
        %eq3A_2525 = vector.broadcast %eq3A_2524 : i32 to vector<16xi32>
        %eq3A_2526 = arith.cmpi eq, %min3A_2370, %eq3A_2525 : vector<16xi32>
        %jit3A_2527 = arith.constant 1.000000e+00 : f32
        %jit3A_2528 = arith.constant 0.000000e+00 : f32
        %broadcast_in_dim3A_2529 = vector.broadcast %jit3A_2527 : f32 to vector<16xf32>
        %broadcast_in_dim3A_2530 = vector.broadcast %jit3A_2528 : f32 to vector<16xf32>
        %select_n3A_2531 = arith.select %eq3A_2526, %broadcast_in_dim3A_2529, %broadcast_in_dim3A_2530 : vector<16xi1>, vector<16xf32>
        %add3A_2532 = arith.addf %add3A_2300, %select_n3A_2531 : vector<16xf32>
        %eq3A_2533 = arith.constant 18 : i32
        %eq3A_2534 = vector.broadcast %eq3A_2533 : i32 to vector<16xi32>
        %eq3A_2535 = arith.cmpi eq, %min3A_2370, %eq3A_2534 : vector<16xi32>
        %jit3A_2536 = arith.constant 1.000000e+00 : f32
        %jit3A_2537 = arith.constant 0.000000e+00 : f32
        %broadcast_in_dim3A_2538 = vector.broadcast %jit3A_2536 : f32 to vector<16xf32>
        %broadcast_in_dim3A_2539 = vector.broadcast %jit3A_2537 : f32 to vector<16xf32>
        %select_n3A_2540 = arith.select %eq3A_2535, %broadcast_in_dim3A_2538, %broadcast_in_dim3A_2539 : vector<16xi1>, vector<16xf32>
        %add3A_2541 = arith.addf %add3A_2309, %select_n3A_2540 : vector<16xf32>
        %eq3A_2542 = arith.constant 19 : i32
        %eq3A_2543 = vector.broadcast %eq3A_2542 : i32 to vector<16xi32>
        %eq3A_2544 = arith.cmpi eq, %min3A_2370, %eq3A_2543 : vector<16xi32>
        %jit3A_2545 = arith.constant 1.000000e+00 : f32
        %jit3A_2546 = arith.constant 0.000000e+00 : f32
        %broadcast_in_dim3A_2547 = vector.broadcast %jit3A_2545 : f32 to vector<16xf32>
        %broadcast_in_dim3A_2548 = vector.broadcast %jit3A_2546 : f32 to vector<16xf32>
        %select_n3A_2549 = arith.select %eq3A_2544, %broadcast_in_dim3A_2547, %broadcast_in_dim3A_2548 : vector<16xi1>, vector<16xf32>
        %add3A_2550 = arith.addf %add3A_2318, %select_n3A_2549 : vector<16xf32>
        %eq3A_2551 = arith.constant 20 : i32
        %eq3A_2552 = vector.broadcast %eq3A_2551 : i32 to vector<16xi32>
        %eq3A_2553 = arith.cmpi eq, %min3A_2370, %eq3A_2552 : vector<16xi32>
        %jit3A_2554 = arith.constant 1.000000e+00 : f32
        %jit3A_2555 = arith.constant 0.000000e+00 : f32
        %broadcast_in_dim3A_2556 = vector.broadcast %jit3A_2554 : f32 to vector<16xf32>
        %broadcast_in_dim3A_2557 = vector.broadcast %jit3A_2555 : f32 to vector<16xf32>
        %select_n3A_2558 = arith.select %eq3A_2553, %broadcast_in_dim3A_2556, %broadcast_in_dim3A_2557 : vector<16xi1>, vector<16xf32>
        %add3A_2559 = arith.addf %add3A_2327, %select_n3A_2558 : vector<16xf32>
        %mul3A_2560 = arith.constant 16 : i32
        %mul3A_2561 = arith.muli %scan3A_17, %mul3A_2560 : i32
        %mul3A_2562 = arith.constant 16 : i32
        %mul3A_2563 = arith.muli %mul3A_2561, %mul3A_2562 : i32
        %add3A_2564 = arith.constant 176 : i32
        %add3A_2565 = arith.addi %mul3A_2563, %add3A_2564 : i32
        %get3A_2566 = arith.index_cast %add3A_2565 : i32 to index
        %get3A_2567 = tpu.vector_load %arg4[%get3A_2566] {strides = array<i32>} : memref<2048xf32, #tpu.memory_space<vmem>>, vector<16xf32>,
        %get3A_2568 = vector.shape_cast %get3A_2567 : vector<16xf32> to vector<16xf32>
        %sub3A_2569 = arith.constant 0.000000e+00 : f32
        %sub3A_2570 = vector.broadcast %sub3A_2569 : f32 to vector<16xf32>
        %sub3A_2571 = arith.subf %get3A_2568, %sub3A_2570 : vector<16xf32>
        %div3A_2572 = arith.constant 2.000000e+01 : f32
        %div3A_2573 = vector.broadcast %div3A_2572 : f32 to vector<16xf32>
        %div3A_2574 = arith.divf %sub3A_2571, %div3A_2573 : vector<16xf32>
        %mul3A_2575 = arith.constant 2.000000e+01 : f32
        %mul3A_2576 = vector.broadcast %mul3A_2575 : f32 to vector<16xf32>
        %mul3A_2577 = arith.mulf %div3A_2574, %mul3A_2576 : vector<16xf32>
        %convert_element_type3A_2578 = arith.fptosi %mul3A_2577 : vector<16xf32> to vector<16xi32>
        %convert_element_type3A_2579 = arith.sitofp %convert_element_type3A_2578 : vector<16xi32> to vector<16xf32>
        %sub3A_2580 = arith.subf %mul3A_2577, %convert_element_type3A_2579 : vector<16xf32>
        %gt3A_2581 = arith.constant 5.000000e-01 : f32
        %gt3A_2582 = vector.broadcast %gt3A_2581 : f32 to vector<16xf32>
        %gt3A_2583 = arith.cmpf ogt, %sub3A_2580, %gt3A_2582 : vector<16xf32>
        %eq3A_2584 = arith.constant 5.000000e-01 : f32
        %eq3A_2585 = vector.broadcast %eq3A_2584 : f32 to vector<16xf32>
        %eq3A_2586 = arith.cmpf oeq, %sub3A_2580, %eq3A_2585 : vector<16xf32>
        %and3A_2587 = arith.constant 1 : i32
        %and3A_2588 = vector.broadcast %and3A_2587 : i32 to vector<16xi32>
        %and3A_2589 = arith.andi %convert_element_type3A_2578, %and3A_2588 : vector<16xi32>
        %jit3A_2590 = arith.constant 0 : i32
        %broadcast_in_dim3A_2591 = vector.broadcast %jit3A_2590 : i32 to vector<16xi32>
        %select_n3A_2592 = arith.select %eq3A_2586, %and3A_2589, %broadcast_in_dim3A_2591 : vector<16xi1>, vector<16xi32>
        %jit3A_2593 = arith.constant 1 : i32
        %broadcast_in_dim3A_2594 = vector.broadcast %jit3A_2593 : i32 to vector<16xi32>
        %select_n3A_2595 = arith.select %gt3A_2583, %broadcast_in_dim3A_2594, %select_n3A_2592 : vector<16xi1>, vector<16xi32>
        %add3A_2596 = arith.addi %convert_element_type3A_2578, %select_n3A_2595 : vector<16xi32>
        %jit3A_2597 = arith.constant 0 : i32
        %jit3A_2598 = arith.constant 20 : i32
        %max3A_2599 = vector.broadcast %jit3A_2597 : i32 to vector<16xi32>
        %max3A_2600 = arith.maxsi %max3A_2599, %add3A_2596 : vector<16xi32>
        %min3A_2601 = vector.broadcast %jit3A_2598 : i32 to vector<16xi32>
        %min3A_2602 = arith.minsi %min3A_2601, %max3A_2600 : vector<16xi32>
        %eq3A_2603 = arith.constant 0 : i32
        %eq3A_2604 = vector.broadcast %eq3A_2603 : i32 to vector<16xi32>
        %eq3A_2605 = arith.cmpi eq, %min3A_2602, %eq3A_2604 : vector<16xi32>
        %jit3A_2606 = arith.constant 1.000000e+00 : f32
        %jit3A_2607 = arith.constant 0.000000e+00 : f32
        %broadcast_in_dim3A_2608 = vector.broadcast %jit3A_2606 : f32 to vector<16xf32>
        %broadcast_in_dim3A_2609 = vector.broadcast %jit3A_2607 : f32 to vector<16xf32>
        %select_n3A_2610 = arith.select %eq3A_2605, %broadcast_in_dim3A_2608, %broadcast_in_dim3A_2609 : vector<16xi1>, vector<16xf32>
        %add3A_2611 = arith.addf %add3A_2379, %select_n3A_2610 : vector<16xf32>
        %eq3A_2612 = arith.constant 1 : i32
        %eq3A_2613 = vector.broadcast %eq3A_2612 : i32 to vector<16xi32>
        %eq3A_2614 = arith.cmpi eq, %min3A_2602, %eq3A_2613 : vector<16xi32>
        %jit3A_2615 = arith.constant 1.000000e+00 : f32
        %jit3A_2616 = arith.constant 0.000000e+00 : f32
        %broadcast_in_dim3A_2617 = vector.broadcast %jit3A_2615 : f32 to vector<16xf32>
        %broadcast_in_dim3A_2618 = vector.broadcast %jit3A_2616 : f32 to vector<16xf32>
        %select_n3A_2619 = arith.select %eq3A_2614, %broadcast_in_dim3A_2617, %broadcast_in_dim3A_2618 : vector<16xi1>, vector<16xf32>
        %add3A_2620 = arith.addf %add3A_2388, %select_n3A_2619 : vector<16xf32>
        %eq3A_2621 = arith.constant 2 : i32
        %eq3A_2622 = vector.broadcast %eq3A_2621 : i32 to vector<16xi32>
        %eq3A_2623 = arith.cmpi eq, %min3A_2602, %eq3A_2622 : vector<16xi32>
        %jit3A_2624 = arith.constant 1.000000e+00 : f32
        %jit3A_2625 = arith.constant 0.000000e+00 : f32
        %broadcast_in_dim3A_2626 = vector.broadcast %jit3A_2624 : f32 to vector<16xf32>
        %broadcast_in_dim3A_2627 = vector.broadcast %jit3A_2625 : f32 to vector<16xf32>
        %select_n3A_2628 = arith.select %eq3A_2623, %broadcast_in_dim3A_2626, %broadcast_in_dim3A_2627 : vector<16xi1>, vector<16xf32>
        %add3A_2629 = arith.addf %add3A_2397, %select_n3A_2628 : vector<16xf32>
        %eq3A_2630 = arith.constant 3 : i32
        %eq3A_2631 = vector.broadcast %eq3A_2630 : i32 to vector<16xi32>
        %eq3A_2632 = arith.cmpi eq, %min3A_2602, %eq3A_2631 : vector<16xi32>
        %jit3A_2633 = arith.constant 1.000000e+00 : f32
        %jit3A_2634 = arith.constant 0.000000e+00 : f32
        %broadcast_in_dim3A_2635 = vector.broadcast %jit3A_2633 : f32 to vector<16xf32>
        %broadcast_in_dim3A_2636 = vector.broadcast %jit3A_2634 : f32 to vector<16xf32>
        %select_n3A_2637 = arith.select %eq3A_2632, %broadcast_in_dim3A_2635, %broadcast_in_dim3A_2636 : vector<16xi1>, vector<16xf32>
        %add3A_2638 = arith.addf %add3A_2406, %select_n3A_2637 : vector<16xf32>
        %eq3A_2639 = arith.constant 4 : i32
        %eq3A_2640 = vector.broadcast %eq3A_2639 : i32 to vector<16xi32>
        %eq3A_2641 = arith.cmpi eq, %min3A_2602, %eq3A_2640 : vector<16xi32>
        %jit3A_2642 = arith.constant 1.000000e+00 : f32
        %jit3A_2643 = arith.constant 0.000000e+00 : f32
        %broadcast_in_dim3A_2644 = vector.broadcast %jit3A_2642 : f32 to vector<16xf32>
        %broadcast_in_dim3A_2645 = vector.broadcast %jit3A_2643 : f32 to vector<16xf32>
        %select_n3A_2646 = arith.select %eq3A_2641, %broadcast_in_dim3A_2644, %broadcast_in_dim3A_2645 : vector<16xi1>, vector<16xf32>
        %add3A_2647 = arith.addf %add3A_2415, %select_n3A_2646 : vector<16xf32>
        %eq3A_2648 = arith.constant 5 : i32
        %eq3A_2649 = vector.broadcast %eq3A_2648 : i32 to vector<16xi32>
        %eq3A_2650 = arith.cmpi eq, %min3A_2602, %eq3A_2649 : vector<16xi32>
        %jit3A_2651 = arith.constant 1.000000e+00 : f32
        %jit3A_2652 = arith.constant 0.000000e+00 : f32
        %broadcast_in_dim3A_2653 = vector.broadcast %jit3A_2651 : f32 to vector<16xf32>
        %broadcast_in_dim3A_2654 = vector.broadcast %jit3A_2652 : f32 to vector<16xf32>
        %select_n3A_2655 = arith.select %eq3A_2650, %broadcast_in_dim3A_2653, %broadcast_in_dim3A_2654 : vector<16xi1>, vector<16xf32>
        %add3A_2656 = arith.addf %add3A_2424, %select_n3A_2655 : vector<16xf32>
        %eq3A_2657 = arith.constant 6 : i32
        %eq3A_2658 = vector.broadcast %eq3A_2657 : i32 to vector<16xi32>
        %eq3A_2659 = arith.cmpi eq, %min3A_2602, %eq3A_2658 : vector<16xi32>
        %jit3A_2660 = arith.constant 1.000000e+00 : f32
        %jit3A_2661 = arith.constant 0.000000e+00 : f32
        %broadcast_in_dim3A_2662 = vector.broadcast %jit3A_2660 : f32 to vector<16xf32>
        %broadcast_in_dim3A_2663 = vector.broadcast %jit3A_2661 : f32 to vector<16xf32>
        %select_n3A_2664 = arith.select %eq3A_2659, %broadcast_in_dim3A_2662, %broadcast_in_dim3A_2663 : vector<16xi1>, vector<16xf32>
        %add3A_2665 = arith.addf %add3A_2433, %select_n3A_2664 : vector<16xf32>
        %eq3A_2666 = arith.constant 7 : i32
        %eq3A_2667 = vector.broadcast %eq3A_2666 : i32 to vector<16xi32>
        %eq3A_2668 = arith.cmpi eq, %min3A_2602, %eq3A_2667 : vector<16xi32>
        %jit3A_2669 = arith.constant 1.000000e+00 : f32
        %jit3A_2670 = arith.constant 0.000000e+00 : f32
        %broadcast_in_dim3A_2671 = vector.broadcast %jit3A_2669 : f32 to vector<16xf32>
        %broadcast_in_dim3A_2672 = vector.broadcast %jit3A_2670 : f32 to vector<16xf32>
        %select_n3A_2673 = arith.select %eq3A_2668, %broadcast_in_dim3A_2671, %broadcast_in_dim3A_2672 : vector<16xi1>, vector<16xf32>
        %add3A_2674 = arith.addf %add3A_2442, %select_n3A_2673 : vector<16xf32>
        %eq3A_2675 = arith.constant 8 : i32
        %eq3A_2676 = vector.broadcast %eq3A_2675 : i32 to vector<16xi32>
        %eq3A_2677 = arith.cmpi eq, %min3A_2602, %eq3A_2676 : vector<16xi32>
        %jit3A_2678 = arith.constant 1.000000e+00 : f32
        %jit3A_2679 = arith.constant 0.000000e+00 : f32
        %broadcast_in_dim3A_2680 = vector.broadcast %jit3A_2678 : f32 to vector<16xf32>
        %broadcast_in_dim3A_2681 = vector.broadcast %jit3A_2679 : f32 to vector<16xf32>
        %select_n3A_2682 = arith.select %eq3A_2677, %broadcast_in_dim3A_2680, %broadcast_in_dim3A_2681 : vector<16xi1>, vector<16xf32>
        %add3A_2683 = arith.addf %add3A_2451, %select_n3A_2682 : vector<16xf32>
        %eq3A_2684 = arith.constant 9 : i32
        %eq3A_2685 = vector.broadcast %eq3A_2684 : i32 to vector<16xi32>
        %eq3A_2686 = arith.cmpi eq, %min3A_2602, %eq3A_2685 : vector<16xi32>
        %jit3A_2687 = arith.constant 1.000000e+00 : f32
        %jit3A_2688 = arith.constant 0.000000e+00 : f32
        %broadcast_in_dim3A_2689 = vector.broadcast %jit3A_2687 : f32 to vector<16xf32>
        %broadcast_in_dim3A_2690 = vector.broadcast %jit3A_2688 : f32 to vector<16xf32>
        %select_n3A_2691 = arith.select %eq3A_2686, %broadcast_in_dim3A_2689, %broadcast_in_dim3A_2690 : vector<16xi1>, vector<16xf32>
        %add3A_2692 = arith.addf %add3A_2460, %select_n3A_2691 : vector<16xf32>
        %eq3A_2693 = arith.constant 10 : i32
        %eq3A_2694 = vector.broadcast %eq3A_2693 : i32 to vector<16xi32>
        %eq3A_2695 = arith.cmpi eq, %min3A_2602, %eq3A_2694 : vector<16xi32>
        %jit3A_2696 = arith.constant 1.000000e+00 : f32
        %jit3A_2697 = arith.constant 0.000000e+00 : f32
        %broadcast_in_dim3A_2698 = vector.broadcast %jit3A_2696 : f32 to vector<16xf32>
        %broadcast_in_dim3A_2699 = vector.broadcast %jit3A_2697 : f32 to vector<16xf32>
        %select_n3A_2700 = arith.select %eq3A_2695, %broadcast_in_dim3A_2698, %broadcast_in_dim3A_2699 : vector<16xi1>, vector<16xf32>
        %add3A_2701 = arith.addf %add3A_2469, %select_n3A_2700 : vector<16xf32>
        %eq3A_2702 = arith.constant 11 : i32
        %eq3A_2703 = vector.broadcast %eq3A_2702 : i32 to vector<16xi32>
        %eq3A_2704 = arith.cmpi eq, %min3A_2602, %eq3A_2703 : vector<16xi32>
        %jit3A_2705 = arith.constant 1.000000e+00 : f32
        %jit3A_2706 = arith.constant 0.000000e+00 : f32
        %broadcast_in_dim3A_2707 = vector.broadcast %jit3A_2705 : f32 to vector<16xf32>
        %broadcast_in_dim3A_2708 = vector.broadcast %jit3A_2706 : f32 to vector<16xf32>
        %select_n3A_2709 = arith.select %eq3A_2704, %broadcast_in_dim3A_2707, %broadcast_in_dim3A_2708 : vector<16xi1>, vector<16xf32>
        %add3A_2710 = arith.addf %add3A_2478, %select_n3A_2709 : vector<16xf32>
        %eq3A_2711 = arith.constant 12 : i32
        %eq3A_2712 = vector.broadcast %eq3A_2711 : i32 to vector<16xi32>
        %eq3A_2713 = arith.cmpi eq, %min3A_2602, %eq3A_2712 : vector<16xi32>
        %jit3A_2714 = arith.constant 1.000000e+00 : f32
        %jit3A_2715 = arith.constant 0.000000e+00 : f32
        %broadcast_in_dim3A_2716 = vector.broadcast %jit3A_2714 : f32 to vector<16xf32>
        %broadcast_in_dim3A_2717 = vector.broadcast %jit3A_2715 : f32 to vector<16xf32>
        %select_n3A_2718 = arith.select %eq3A_2713, %broadcast_in_dim3A_2716, %broadcast_in_dim3A_2717 : vector<16xi1>, vector<16xf32>
        %add3A_2719 = arith.addf %add3A_2487, %select_n3A_2718 : vector<16xf32>
        %eq3A_2720 = arith.constant 13 : i32
        %eq3A_2721 = vector.broadcast %eq3A_2720 : i32 to vector<16xi32>
        %eq3A_2722 = arith.cmpi eq, %min3A_2602, %eq3A_2721 : vector<16xi32>
        %jit3A_2723 = arith.constant 1.000000e+00 : f32
        %jit3A_2724 = arith.constant 0.000000e+00 : f32
        %broadcast_in_dim3A_2725 = vector.broadcast %jit3A_2723 : f32 to vector<16xf32>
        %broadcast_in_dim3A_2726 = vector.broadcast %jit3A_2724 : f32 to vector<16xf32>
        %select_n3A_2727 = arith.select %eq3A_2722, %broadcast_in_dim3A_2725, %broadcast_in_dim3A_2726 : vector<16xi1>, vector<16xf32>
        %add3A_2728 = arith.addf %add3A_2496, %select_n3A_2727 : vector<16xf32>
        %eq3A_2729 = arith.constant 14 : i32
        %eq3A_2730 = vector.broadcast %eq3A_2729 : i32 to vector<16xi32>
        %eq3A_2731 = arith.cmpi eq, %min3A_2602, %eq3A_2730 : vector<16xi32>
        %jit3A_2732 = arith.constant 1.000000e+00 : f32
        %jit3A_2733 = arith.constant 0.000000e+00 : f32
        %broadcast_in_dim3A_2734 = vector.broadcast %jit3A_2732 : f32 to vector<16xf32>
        %broadcast_in_dim3A_2735 = vector.broadcast %jit3A_2733 : f32 to vector<16xf32>
        %select_n3A_2736 = arith.select %eq3A_2731, %broadcast_in_dim3A_2734, %broadcast_in_dim3A_2735 : vector<16xi1>, vector<16xf32>
        %add3A_2737 = arith.addf %add3A_2505, %select_n3A_2736 : vector<16xf32>
        %eq3A_2738 = arith.constant 15 : i32
        %eq3A_2739 = vector.broadcast %eq3A_2738 : i32 to vector<16xi32>
        %eq3A_2740 = arith.cmpi eq, %min3A_2602, %eq3A_2739 : vector<16xi32>
        %jit3A_2741 = arith.constant 1.000000e+00 : f32
        %jit3A_2742 = arith.constant 0.000000e+00 : f32
        %broadcast_in_dim3A_2743 = vector.broadcast %jit3A_2741 : f32 to vector<16xf32>
        %broadcast_in_dim3A_2744 = vector.broadcast %jit3A_2742 : f32 to vector<16xf32>
        %select_n3A_2745 = arith.select %eq3A_2740, %broadcast_in_dim3A_2743, %broadcast_in_dim3A_2744 : vector<16xi1>, vector<16xf32>
        %add3A_2746 = arith.addf %add3A_2514, %select_n3A_2745 : vector<16xf32>
        %eq3A_2747 = arith.constant 16 : i32
        %eq3A_2748 = vector.broadcast %eq3A_2747 : i32 to vector<16xi32>
        %eq3A_2749 = arith.cmpi eq, %min3A_2602, %eq3A_2748 : vector<16xi32>
        %jit3A_2750 = arith.constant 1.000000e+00 : f32
        %jit3A_2751 = arith.constant 0.000000e+00 : f32
        %broadcast_in_dim3A_2752 = vector.broadcast %jit3A_2750 : f32 to vector<16xf32>
        %broadcast_in_dim3A_2753 = vector.broadcast %jit3A_2751 : f32 to vector<16xf32>
        %select_n3A_2754 = arith.select %eq3A_2749, %broadcast_in_dim3A_2752, %broadcast_in_dim3A_2753 : vector<16xi1>, vector<16xf32>
        %add3A_2755 = arith.addf %add3A_2523, %select_n3A_2754 : vector<16xf32>
        %eq3A_2756 = arith.constant 17 : i32
        %eq3A_2757 = vector.broadcast %eq3A_2756 : i32 to vector<16xi32>
        %eq3A_2758 = arith.cmpi eq, %min3A_2602, %eq3A_2757 : vector<16xi32>
        %jit3A_2759 = arith.constant 1.000000e+00 : f32
        %jit3A_2760 = arith.constant 0.000000e+00 : f32
        %broadcast_in_dim3A_2761 = vector.broadcast %jit3A_2759 : f32 to vector<16xf32>
        %broadcast_in_dim3A_2762 = vector.broadcast %jit3A_2760 : f32 to vector<16xf32>
        %select_n3A_2763 = arith.select %eq3A_2758, %broadcast_in_dim3A_2761, %broadcast_in_dim3A_2762 : vector<16xi1>, vector<16xf32>
        %add3A_2764 = arith.addf %add3A_2532, %select_n3A_2763 : vector<16xf32>
        %eq3A_2765 = arith.constant 18 : i32
        %eq3A_2766 = vector.broadcast %eq3A_2765 : i32 to vector<16xi32>
        %eq3A_2767 = arith.cmpi eq, %min3A_2602, %eq3A_2766 : vector<16xi32>
        %jit3A_2768 = arith.constant 1.000000e+00 : f32
        %jit3A_2769 = arith.constant 0.000000e+00 : f32
        %broadcast_in_dim3A_2770 = vector.broadcast %jit3A_2768 : f32 to vector<16xf32>
        %broadcast_in_dim3A_2771 = vector.broadcast %jit3A_2769 : f32 to vector<16xf32>
        %select_n3A_2772 = arith.select %eq3A_2767, %broadcast_in_dim3A_2770, %broadcast_in_dim3A_2771 : vector<16xi1>, vector<16xf32>
        %add3A_2773 = arith.addf %add3A_2541, %select_n3A_2772 : vector<16xf32>
        %eq3A_2774 = arith.constant 19 : i32
        %eq3A_2775 = vector.broadcast %eq3A_2774 : i32 to vector<16xi32>
        %eq3A_2776 = arith.cmpi eq, %min3A_2602, %eq3A_2775 : vector<16xi32>
        %jit3A_2777 = arith.constant 1.000000e+00 : f32
        %jit3A_2778 = arith.constant 0.000000e+00 : f32
        %broadcast_in_dim3A_2779 = vector.broadcast %jit3A_2777 : f32 to vector<16xf32>
        %broadcast_in_dim3A_2780 = vector.broadcast %jit3A_2778 : f32 to vector<16xf32>
        %select_n3A_2781 = arith.select %eq3A_2776, %broadcast_in_dim3A_2779, %broadcast_in_dim3A_2780 : vector<16xi1>, vector<16xf32>
        %add3A_2782 = arith.addf %add3A_2550, %select_n3A_2781 : vector<16xf32>
        %eq3A_2783 = arith.constant 20 : i32
        %eq3A_2784 = vector.broadcast %eq3A_2783 : i32 to vector<16xi32>
        %eq3A_2785 = arith.cmpi eq, %min3A_2602, %eq3A_2784 : vector<16xi32>
        %jit3A_2786 = arith.constant 1.000000e+00 : f32
        %jit3A_2787 = arith.constant 0.000000e+00 : f32
        %broadcast_in_dim3A_2788 = vector.broadcast %jit3A_2786 : f32 to vector<16xf32>
        %broadcast_in_dim3A_2789 = vector.broadcast %jit3A_2787 : f32 to vector<16xf32>
        %select_n3A_2790 = arith.select %eq3A_2785, %broadcast_in_dim3A_2788, %broadcast_in_dim3A_2789 : vector<16xi1>, vector<16xf32>
        %add3A_2791 = arith.addf %add3A_2559, %select_n3A_2790 : vector<16xf32>
        %mul3A_2792 = arith.constant 16 : i32
        %mul3A_2793 = arith.muli %scan3A_17, %mul3A_2792 : i32
        %mul3A_2794 = arith.constant 16 : i32
        %mul3A_2795 = arith.muli %mul3A_2793, %mul3A_2794 : i32
        %add3A_2796 = arith.constant 192 : i32
        %add3A_2797 = arith.addi %mul3A_2795, %add3A_2796 : i32
        %get3A_2798 = arith.index_cast %add3A_2797 : i32 to index
        %get3A_2799 = tpu.vector_load %arg4[%get3A_2798] {strides = array<i32>} : memref<2048xf32, #tpu.memory_space<vmem>>, vector<16xf32>,
        %get3A_2800 = vector.shape_cast %get3A_2799 : vector<16xf32> to vector<16xf32>
        %sub3A_2801 = arith.constant 0.000000e+00 : f32
        %sub3A_2802 = vector.broadcast %sub3A_2801 : f32 to vector<16xf32>
        %sub3A_2803 = arith.subf %get3A_2800, %sub3A_2802 : vector<16xf32>
        %div3A_2804 = arith.constant 2.000000e+01 : f32
        %div3A_2805 = vector.broadcast %div3A_2804 : f32 to vector<16xf32>
        %div3A_2806 = arith.divf %sub3A_2803, %div3A_2805 : vector<16xf32>
        %mul3A_2807 = arith.constant 2.000000e+01 : f32
        %mul3A_2808 = vector.broadcast %mul3A_2807 : f32 to vector<16xf32>
        %mul3A_2809 = arith.mulf %div3A_2806, %mul3A_2808 : vector<16xf32>
        %convert_element_type3A_2810 = arith.fptosi %mul3A_2809 : vector<16xf32> to vector<16xi32>
        %convert_element_type3A_2811 = arith.sitofp %convert_element_type3A_2810 : vector<16xi32> to vector<16xf32>
        %sub3A_2812 = arith.subf %mul3A_2809, %convert_element_type3A_2811 : vector<16xf32>
        %gt3A_2813 = arith.constant 5.000000e-01 : f32
        %gt3A_2814 = vector.broadcast %gt3A_2813 : f32 to vector<16xf32>
        %gt3A_2815 = arith.cmpf ogt, %sub3A_2812, %gt3A_2814 : vector<16xf32>
        %eq3A_2816 = arith.constant 5.000000e-01 : f32
        %eq3A_2817 = vector.broadcast %eq3A_2816 : f32 to vector<16xf32>
        %eq3A_2818 = arith.cmpf oeq, %sub3A_2812, %eq3A_2817 : vector<16xf32>
        %and3A_2819 = arith.constant 1 : i32
        %and3A_2820 = vector.broadcast %and3A_2819 : i32 to vector<16xi32>
        %and3A_2821 = arith.andi %convert_element_type3A_2810, %and3A_2820 : vector<16xi32>
        %jit3A_2822 = arith.constant 0 : i32
        %broadcast_in_dim3A_2823 = vector.broadcast %jit3A_2822 : i32 to vector<16xi32>
        %select_n3A_2824 = arith.select %eq3A_2818, %and3A_2821, %broadcast_in_dim3A_2823 : vector<16xi1>, vector<16xi32>
        %jit3A_2825 = arith.constant 1 : i32
        %broadcast_in_dim3A_2826 = vector.broadcast %jit3A_2825 : i32 to vector<16xi32>
        %select_n3A_2827 = arith.select %gt3A_2815, %broadcast_in_dim3A_2826, %select_n3A_2824 : vector<16xi1>, vector<16xi32>
        %add3A_2828 = arith.addi %convert_element_type3A_2810, %select_n3A_2827 : vector<16xi32>
        %jit3A_2829 = arith.constant 0 : i32
        %jit3A_2830 = arith.constant 20 : i32
        %max3A_2831 = vector.broadcast %jit3A_2829 : i32 to vector<16xi32>
        %max3A_2832 = arith.maxsi %max3A_2831, %add3A_2828 : vector<16xi32>
        %min3A_2833 = vector.broadcast %jit3A_2830 : i32 to vector<16xi32>
        %min3A_2834 = arith.minsi %min3A_2833, %max3A_2832 : vector<16xi32>
        %eq3A_2835 = arith.constant 0 : i32
        %eq3A_2836 = vector.broadcast %eq3A_2835 : i32 to vector<16xi32>
        %eq3A_2837 = arith.cmpi eq, %min3A_2834, %eq3A_2836 : vector<16xi32>
        %jit3A_2838 = arith.constant 1.000000e+00 : f32
        %jit3A_2839 = arith.constant 0.000000e+00 : f32
        %broadcast_in_dim3A_2840 = vector.broadcast %jit3A_2838 : f32 to vector<16xf32>
        %broadcast_in_dim3A_2841 = vector.broadcast %jit3A_2839 : f32 to vector<16xf32>
        %select_n3A_2842 = arith.select %eq3A_2837, %broadcast_in_dim3A_2840, %broadcast_in_dim3A_2841 : vector<16xi1>, vector<16xf32>
        %add3A_2843 = arith.addf %add3A_2611, %select_n3A_2842 : vector<16xf32>
        %eq3A_2844 = arith.constant 1 : i32
        %eq3A_2845 = vector.broadcast %eq3A_2844 : i32 to vector<16xi32>
        %eq3A_2846 = arith.cmpi eq, %min3A_2834, %eq3A_2845 : vector<16xi32>
        %jit3A_2847 = arith.constant 1.000000e+00 : f32
        %jit3A_2848 = arith.constant 0.000000e+00 : f32
        %broadcast_in_dim3A_2849 = vector.broadcast %jit3A_2847 : f32 to vector<16xf32>
        %broadcast_in_dim3A_2850 = vector.broadcast %jit3A_2848 : f32 to vector<16xf32>
        %select_n3A_2851 = arith.select %eq3A_2846, %broadcast_in_dim3A_2849, %broadcast_in_dim3A_2850 : vector<16xi1>, vector<16xf32>
        %add3A_2852 = arith.addf %add3A_2620, %select_n3A_2851 : vector<16xf32>
        %eq3A_2853 = arith.constant 2 : i32
        %eq3A_2854 = vector.broadcast %eq3A_2853 : i32 to vector<16xi32>
        %eq3A_2855 = arith.cmpi eq, %min3A_2834, %eq3A_2854 : vector<16xi32>
        %jit3A_2856 = arith.constant 1.000000e+00 : f32
        %jit3A_2857 = arith.constant 0.000000e+00 : f32
        %broadcast_in_dim3A_2858 = vector.broadcast %jit3A_2856 : f32 to vector<16xf32>
        %broadcast_in_dim3A_2859 = vector.broadcast %jit3A_2857 : f32 to vector<16xf32>
        %select_n3A_2860 = arith.select %eq3A_2855, %broadcast_in_dim3A_2858, %broadcast_in_dim3A_2859 : vector<16xi1>, vector<16xf32>
        %add3A_2861 = arith.addf %add3A_2629, %select_n3A_2860 : vector<16xf32>
        %eq3A_2862 = arith.constant 3 : i32
        %eq3A_2863 = vector.broadcast %eq3A_2862 : i32 to vector<16xi32>
        %eq3A_2864 = arith.cmpi eq, %min3A_2834, %eq3A_2863 : vector<16xi32>
        %jit3A_2865 = arith.constant 1.000000e+00 : f32
        %jit3A_2866 = arith.constant 0.000000e+00 : f32
        %broadcast_in_dim3A_2867 = vector.broadcast %jit3A_2865 : f32 to vector<16xf32>
        %broadcast_in_dim3A_2868 = vector.broadcast %jit3A_2866 : f32 to vector<16xf32>
        %select_n3A_2869 = arith.select %eq3A_2864, %broadcast_in_dim3A_2867, %broadcast_in_dim3A_2868 : vector<16xi1>, vector<16xf32>
        %add3A_2870 = arith.addf %add3A_2638, %select_n3A_2869 : vector<16xf32>
        %eq3A_2871 = arith.constant 4 : i32
        %eq3A_2872 = vector.broadcast %eq3A_2871 : i32 to vector<16xi32>
        %eq3A_2873 = arith.cmpi eq, %min3A_2834, %eq3A_2872 : vector<16xi32>
        %jit3A_2874 = arith.constant 1.000000e+00 : f32
        %jit3A_2875 = arith.constant 0.000000e+00 : f32
        %broadcast_in_dim3A_2876 = vector.broadcast %jit3A_2874 : f32 to vector<16xf32>
        %broadcast_in_dim3A_2877 = vector.broadcast %jit3A_2875 : f32 to vector<16xf32>
        %select_n3A_2878 = arith.select %eq3A_2873, %broadcast_in_dim3A_2876, %broadcast_in_dim3A_2877 : vector<16xi1>, vector<16xf32>
        %add3A_2879 = arith.addf %add3A_2647, %select_n3A_2878 : vector<16xf32>
        %eq3A_2880 = arith.constant 5 : i32
        %eq3A_2881 = vector.broadcast %eq3A_2880 : i32 to vector<16xi32>
        %eq3A_2882 = arith.cmpi eq, %min3A_2834, %eq3A_2881 : vector<16xi32>
        %jit3A_2883 = arith.constant 1.000000e+00 : f32
        %jit3A_2884 = arith.constant 0.000000e+00 : f32
        %broadcast_in_dim3A_2885 = vector.broadcast %jit3A_2883 : f32 to vector<16xf32>
        %broadcast_in_dim3A_2886 = vector.broadcast %jit3A_2884 : f32 to vector<16xf32>
        %select_n3A_2887 = arith.select %eq3A_2882, %broadcast_in_dim3A_2885, %broadcast_in_dim3A_2886 : vector<16xi1>, vector<16xf32>
        %add3A_2888 = arith.addf %add3A_2656, %select_n3A_2887 : vector<16xf32>
        %eq3A_2889 = arith.constant 6 : i32
        %eq3A_2890 = vector.broadcast %eq3A_2889 : i32 to vector<16xi32>
        %eq3A_2891 = arith.cmpi eq, %min3A_2834, %eq3A_2890 : vector<16xi32>
        %jit3A_2892 = arith.constant 1.000000e+00 : f32
        %jit3A_2893 = arith.constant 0.000000e+00 : f32
        %broadcast_in_dim3A_2894 = vector.broadcast %jit3A_2892 : f32 to vector<16xf32>
        %broadcast_in_dim3A_2895 = vector.broadcast %jit3A_2893 : f32 to vector<16xf32>
        %select_n3A_2896 = arith.select %eq3A_2891, %broadcast_in_dim3A_2894, %broadcast_in_dim3A_2895 : vector<16xi1>, vector<16xf32>
        %add3A_2897 = arith.addf %add3A_2665, %select_n3A_2896 : vector<16xf32>
        %eq3A_2898 = arith.constant 7 : i32
        %eq3A_2899 = vector.broadcast %eq3A_2898 : i32 to vector<16xi32>
        %eq3A_2900 = arith.cmpi eq, %min3A_2834, %eq3A_2899 : vector<16xi32>
        %jit3A_2901 = arith.constant 1.000000e+00 : f32
        %jit3A_2902 = arith.constant 0.000000e+00 : f32
        %broadcast_in_dim3A_2903 = vector.broadcast %jit3A_2901 : f32 to vector<16xf32>
        %broadcast_in_dim3A_2904 = vector.broadcast %jit3A_2902 : f32 to vector<16xf32>
        %select_n3A_2905 = arith.select %eq3A_2900, %broadcast_in_dim3A_2903, %broadcast_in_dim3A_2904 : vector<16xi1>, vector<16xf32>
        %add3A_2906 = arith.addf %add3A_2674, %select_n3A_2905 : vector<16xf32>
        %eq3A_2907 = arith.constant 8 : i32
        %eq3A_2908 = vector.broadcast %eq3A_2907 : i32 to vector<16xi32>
        %eq3A_2909 = arith.cmpi eq, %min3A_2834, %eq3A_2908 : vector<16xi32>
        %jit3A_2910 = arith.constant 1.000000e+00 : f32
        %jit3A_2911 = arith.constant 0.000000e+00 : f32
        %broadcast_in_dim3A_2912 = vector.broadcast %jit3A_2910 : f32 to vector<16xf32>
        %broadcast_in_dim3A_2913 = vector.broadcast %jit3A_2911 : f32 to vector<16xf32>
        %select_n3A_2914 = arith.select %eq3A_2909, %broadcast_in_dim3A_2912, %broadcast_in_dim3A_2913 : vector<16xi1>, vector<16xf32>
        %add3A_2915 = arith.addf %add3A_2683, %select_n3A_2914 : vector<16xf32>
        %eq3A_2916 = arith.constant 9 : i32
        %eq3A_2917 = vector.broadcast %eq3A_2916 : i32 to vector<16xi32>
        %eq3A_2918 = arith.cmpi eq, %min3A_2834, %eq3A_2917 : vector<16xi32>
        %jit3A_2919 = arith.constant 1.000000e+00 : f32
        %jit3A_2920 = arith.constant 0.000000e+00 : f32
        %broadcast_in_dim3A_2921 = vector.broadcast %jit3A_2919 : f32 to vector<16xf32>
        %broadcast_in_dim3A_2922 = vector.broadcast %jit3A_2920 : f32 to vector<16xf32>
        %select_n3A_2923 = arith.select %eq3A_2918, %broadcast_in_dim3A_2921, %broadcast_in_dim3A_2922 : vector<16xi1>, vector<16xf32>
        %add3A_2924 = arith.addf %add3A_2692, %select_n3A_2923 : vector<16xf32>
        %eq3A_2925 = arith.constant 10 : i32
        %eq3A_2926 = vector.broadcast %eq3A_2925 : i32 to vector<16xi32>
        %eq3A_2927 = arith.cmpi eq, %min3A_2834, %eq3A_2926 : vector<16xi32>
        %jit3A_2928 = arith.constant 1.000000e+00 : f32
        %jit3A_2929 = arith.constant 0.000000e+00 : f32
        %broadcast_in_dim3A_2930 = vector.broadcast %jit3A_2928 : f32 to vector<16xf32>
        %broadcast_in_dim3A_2931 = vector.broadcast %jit3A_2929 : f32 to vector<16xf32>
        %select_n3A_2932 = arith.select %eq3A_2927, %broadcast_in_dim3A_2930, %broadcast_in_dim3A_2931 : vector<16xi1>, vector<16xf32>
        %add3A_2933 = arith.addf %add3A_2701, %select_n3A_2932 : vector<16xf32>
        %eq3A_2934 = arith.constant 11 : i32
        %eq3A_2935 = vector.broadcast %eq3A_2934 : i32 to vector<16xi32>
        %eq3A_2936 = arith.cmpi eq, %min3A_2834, %eq3A_2935 : vector<16xi32>
        %jit3A_2937 = arith.constant 1.000000e+00 : f32
        %jit3A_2938 = arith.constant 0.000000e+00 : f32
        %broadcast_in_dim3A_2939 = vector.broadcast %jit3A_2937 : f32 to vector<16xf32>
        %broadcast_in_dim3A_2940 = vector.broadcast %jit3A_2938 : f32 to vector<16xf32>
        %select_n3A_2941 = arith.select %eq3A_2936, %broadcast_in_dim3A_2939, %broadcast_in_dim3A_2940 : vector<16xi1>, vector<16xf32>
        %add3A_2942 = arith.addf %add3A_2710, %select_n3A_2941 : vector<16xf32>
        %eq3A_2943 = arith.constant 12 : i32
        %eq3A_2944 = vector.broadcast %eq3A_2943 : i32 to vector<16xi32>
        %eq3A_2945 = arith.cmpi eq, %min3A_2834, %eq3A_2944 : vector<16xi32>
        %jit3A_2946 = arith.constant 1.000000e+00 : f32
        %jit3A_2947 = arith.constant 0.000000e+00 : f32
        %broadcast_in_dim3A_2948 = vector.broadcast %jit3A_2946 : f32 to vector<16xf32>
        %broadcast_in_dim3A_2949 = vector.broadcast %jit3A_2947 : f32 to vector<16xf32>
        %select_n3A_2950 = arith.select %eq3A_2945, %broadcast_in_dim3A_2948, %broadcast_in_dim3A_2949 : vector<16xi1>, vector<16xf32>
        %add3A_2951 = arith.addf %add3A_2719, %select_n3A_2950 : vector<16xf32>
        %eq3A_2952 = arith.constant 13 : i32
        %eq3A_2953 = vector.broadcast %eq3A_2952 : i32 to vector<16xi32>
        %eq3A_2954 = arith.cmpi eq, %min3A_2834, %eq3A_2953 : vector<16xi32>
        %jit3A_2955 = arith.constant 1.000000e+00 : f32
        %jit3A_2956 = arith.constant 0.000000e+00 : f32
        %broadcast_in_dim3A_2957 = vector.broadcast %jit3A_2955 : f32 to vector<16xf32>
        %broadcast_in_dim3A_2958 = vector.broadcast %jit3A_2956 : f32 to vector<16xf32>
        %select_n3A_2959 = arith.select %eq3A_2954, %broadcast_in_dim3A_2957, %broadcast_in_dim3A_2958 : vector<16xi1>, vector<16xf32>
        %add3A_2960 = arith.addf %add3A_2728, %select_n3A_2959 : vector<16xf32>
        %eq3A_2961 = arith.constant 14 : i32
        %eq3A_2962 = vector.broadcast %eq3A_2961 : i32 to vector<16xi32>
        %eq3A_2963 = arith.cmpi eq, %min3A_2834, %eq3A_2962 : vector<16xi32>
        %jit3A_2964 = arith.constant 1.000000e+00 : f32
        %jit3A_2965 = arith.constant 0.000000e+00 : f32
        %broadcast_in_dim3A_2966 = vector.broadcast %jit3A_2964 : f32 to vector<16xf32>
        %broadcast_in_dim3A_2967 = vector.broadcast %jit3A_2965 : f32 to vector<16xf32>
        %select_n3A_2968 = arith.select %eq3A_2963, %broadcast_in_dim3A_2966, %broadcast_in_dim3A_2967 : vector<16xi1>, vector<16xf32>
        %add3A_2969 = arith.addf %add3A_2737, %select_n3A_2968 : vector<16xf32>
        %eq3A_2970 = arith.constant 15 : i32
        %eq3A_2971 = vector.broadcast %eq3A_2970 : i32 to vector<16xi32>
        %eq3A_2972 = arith.cmpi eq, %min3A_2834, %eq3A_2971 : vector<16xi32>
        %jit3A_2973 = arith.constant 1.000000e+00 : f32
        %jit3A_2974 = arith.constant 0.000000e+00 : f32
        %broadcast_in_dim3A_2975 = vector.broadcast %jit3A_2973 : f32 to vector<16xf32>
        %broadcast_in_dim3A_2976 = vector.broadcast %jit3A_2974 : f32 to vector<16xf32>
        %select_n3A_2977 = arith.select %eq3A_2972, %broadcast_in_dim3A_2975, %broadcast_in_dim3A_2976 : vector<16xi1>, vector<16xf32>
        %add3A_2978 = arith.addf %add3A_2746, %select_n3A_2977 : vector<16xf32>
        %eq3A_2979 = arith.constant 16 : i32
        %eq3A_2980 = vector.broadcast %eq3A_2979 : i32 to vector<16xi32>
        %eq3A_2981 = arith.cmpi eq, %min3A_2834, %eq3A_2980 : vector<16xi32>
        %jit3A_2982 = arith.constant 1.000000e+00 : f32
        %jit3A_2983 = arith.constant 0.000000e+00 : f32
        %broadcast_in_dim3A_2984 = vector.broadcast %jit3A_2982 : f32 to vector<16xf32>
        %broadcast_in_dim3A_2985 = vector.broadcast %jit3A_2983 : f32 to vector<16xf32>
        %select_n3A_2986 = arith.select %eq3A_2981, %broadcast_in_dim3A_2984, %broadcast_in_dim3A_2985 : vector<16xi1>, vector<16xf32>
        %add3A_2987 = arith.addf %add3A_2755, %select_n3A_2986 : vector<16xf32>
        %eq3A_2988 = arith.constant 17 : i32
        %eq3A_2989 = vector.broadcast %eq3A_2988 : i32 to vector<16xi32>
        %eq3A_2990 = arith.cmpi eq, %min3A_2834, %eq3A_2989 : vector<16xi32>
        %jit3A_2991 = arith.constant 1.000000e+00 : f32
        %jit3A_2992 = arith.constant 0.000000e+00 : f32
        %broadcast_in_dim3A_2993 = vector.broadcast %jit3A_2991 : f32 to vector<16xf32>
        %broadcast_in_dim3A_2994 = vector.broadcast %jit3A_2992 : f32 to vector<16xf32>
        %select_n3A_2995 = arith.select %eq3A_2990, %broadcast_in_dim3A_2993, %broadcast_in_dim3A_2994 : vector<16xi1>, vector<16xf32>
        %add3A_2996 = arith.addf %add3A_2764, %select_n3A_2995 : vector<16xf32>
        %eq3A_2997 = arith.constant 18 : i32
        %eq3A_2998 = vector.broadcast %eq3A_2997 : i32 to vector<16xi32>
        %eq3A_2999 = arith.cmpi eq, %min3A_2834, %eq3A_2998 : vector<16xi32>
        %jit3A_3000 = arith.constant 1.000000e+00 : f32
        %jit3A_3001 = arith.constant 0.000000e+00 : f32
        %broadcast_in_dim3A_3002 = vector.broadcast %jit3A_3000 : f32 to vector<16xf32>
        %broadcast_in_dim3A_3003 = vector.broadcast %jit3A_3001 : f32 to vector<16xf32>
        %select_n3A_3004 = arith.select %eq3A_2999, %broadcast_in_dim3A_3002, %broadcast_in_dim3A_3003 : vector<16xi1>, vector<16xf32>
        %add3A_3005 = arith.addf %add3A_2773, %select_n3A_3004 : vector<16xf32>
        %eq3A_3006 = arith.constant 19 : i32
        %eq3A_3007 = vector.broadcast %eq3A_3006 : i32 to vector<16xi32>
        %eq3A_3008 = arith.cmpi eq, %min3A_2834, %eq3A_3007 : vector<16xi32>
        %jit3A_3009 = arith.constant 1.000000e+00 : f32
        %jit3A_3010 = arith.constant 0.000000e+00 : f32
        %broadcast_in_dim3A_3011 = vector.broadcast %jit3A_3009 : f32 to vector<16xf32>
        %broadcast_in_dim3A_3012 = vector.broadcast %jit3A_3010 : f32 to vector<16xf32>
        %select_n3A_3013 = arith.select %eq3A_3008, %broadcast_in_dim3A_3011, %broadcast_in_dim3A_3012 : vector<16xi1>, vector<16xf32>
        %add3A_3014 = arith.addf %add3A_2782, %select_n3A_3013 : vector<16xf32>
        %eq3A_3015 = arith.constant 20 : i32
        %eq3A_3016 = vector.broadcast %eq3A_3015 : i32 to vector<16xi32>
        %eq3A_3017 = arith.cmpi eq, %min3A_2834, %eq3A_3016 : vector<16xi32>
        %jit3A_3018 = arith.constant 1.000000e+00 : f32
        %jit3A_3019 = arith.constant 0.000000e+00 : f32
        %broadcast_in_dim3A_3020 = vector.broadcast %jit3A_3018 : f32 to vector<16xf32>
        %broadcast_in_dim3A_3021 = vector.broadcast %jit3A_3019 : f32 to vector<16xf32>
        %select_n3A_3022 = arith.select %eq3A_3017, %broadcast_in_dim3A_3020, %broadcast_in_dim3A_3021 : vector<16xi1>, vector<16xf32>
        %add3A_3023 = arith.addf %add3A_2791, %select_n3A_3022 : vector<16xf32>
        %mul3A_3024 = arith.constant 16 : i32
        %mul3A_3025 = arith.muli %scan3A_17, %mul3A_3024 : i32
        %mul3A_3026 = arith.constant 16 : i32
        %mul3A_3027 = arith.muli %mul3A_3025, %mul3A_3026 : i32
        %add3A_3028 = arith.constant 208 : i32
        %add3A_3029 = arith.addi %mul3A_3027, %add3A_3028 : i32
        %get3A_3030 = arith.index_cast %add3A_3029 : i32 to index
        %get3A_3031 = tpu.vector_load %arg4[%get3A_3030] {strides = array<i32>} : memref<2048xf32, #tpu.memory_space<vmem>>, vector<16xf32>,
        %get3A_3032 = vector.shape_cast %get3A_3031 : vector<16xf32> to vector<16xf32>
        %sub3A_3033 = arith.constant 0.000000e+00 : f32
        %sub3A_3034 = vector.broadcast %sub3A_3033 : f32 to vector<16xf32>
        %sub3A_3035 = arith.subf %get3A_3032, %sub3A_3034 : vector<16xf32>
        %div3A_3036 = arith.constant 2.000000e+01 : f32
        %div3A_3037 = vector.broadcast %div3A_3036 : f32 to vector<16xf32>
        %div3A_3038 = arith.divf %sub3A_3035, %div3A_3037 : vector<16xf32>
        %mul3A_3039 = arith.constant 2.000000e+01 : f32
        %mul3A_3040 = vector.broadcast %mul3A_3039 : f32 to vector<16xf32>
        %mul3A_3041 = arith.mulf %div3A_3038, %mul3A_3040 : vector<16xf32>
        %convert_element_type3A_3042 = arith.fptosi %mul3A_3041 : vector<16xf32> to vector<16xi32>
        %convert_element_type3A_3043 = arith.sitofp %convert_element_type3A_3042 : vector<16xi32> to vector<16xf32>
        %sub3A_3044 = arith.subf %mul3A_3041, %convert_element_type3A_3043 : vector<16xf32>
        %gt3A_3045 = arith.constant 5.000000e-01 : f32
        %gt3A_3046 = vector.broadcast %gt3A_3045 : f32 to vector<16xf32>
        %gt3A_3047 = arith.cmpf ogt, %sub3A_3044, %gt3A_3046 : vector<16xf32>
        %eq3A_3048 = arith.constant 5.000000e-01 : f32
        %eq3A_3049 = vector.broadcast %eq3A_3048 : f32 to vector<16xf32>
        %eq3A_3050 = arith.cmpf oeq, %sub3A_3044, %eq3A_3049 : vector<16xf32>
        %and3A_3051 = arith.constant 1 : i32
        %and3A_3052 = vector.broadcast %and3A_3051 : i32 to vector<16xi32>
        %and3A_3053 = arith.andi %convert_element_type3A_3042, %and3A_3052 : vector<16xi32>
        %jit3A_3054 = arith.constant 0 : i32
        %broadcast_in_dim3A_3055 = vector.broadcast %jit3A_3054 : i32 to vector<16xi32>
        %select_n3A_3056 = arith.select %eq3A_3050, %and3A_3053, %broadcast_in_dim3A_3055 : vector<16xi1>, vector<16xi32>
        %jit3A_3057 = arith.constant 1 : i32
        %broadcast_in_dim3A_3058 = vector.broadcast %jit3A_3057 : i32 to vector<16xi32>
        %select_n3A_3059 = arith.select %gt3A_3047, %broadcast_in_dim3A_3058, %select_n3A_3056 : vector<16xi1>, vector<16xi32>
        %add3A_3060 = arith.addi %convert_element_type3A_3042, %select_n3A_3059 : vector<16xi32>
        %jit3A_3061 = arith.constant 0 : i32
        %jit3A_3062 = arith.constant 20 : i32
        %max3A_3063 = vector.broadcast %jit3A_3061 : i32 to vector<16xi32>
        %max3A_3064 = arith.maxsi %max3A_3063, %add3A_3060 : vector<16xi32>
        %min3A_3065 = vector.broadcast %jit3A_3062 : i32 to vector<16xi32>
        %min3A_3066 = arith.minsi %min3A_3065, %max3A_3064 : vector<16xi32>
        %eq3A_3067 = arith.constant 0 : i32
        %eq3A_3068 = vector.broadcast %eq3A_3067 : i32 to vector<16xi32>
        %eq3A_3069 = arith.cmpi eq, %min3A_3066, %eq3A_3068 : vector<16xi32>
        %jit3A_3070 = arith.constant 1.000000e+00 : f32
        %jit3A_3071 = arith.constant 0.000000e+00 : f32
        %broadcast_in_dim3A_3072 = vector.broadcast %jit3A_3070 : f32 to vector<16xf32>
        %broadcast_in_dim3A_3073 = vector.broadcast %jit3A_3071 : f32 to vector<16xf32>
        %select_n3A_3074 = arith.select %eq3A_3069, %broadcast_in_dim3A_3072, %broadcast_in_dim3A_3073 : vector<16xi1>, vector<16xf32>
        %add3A_3075 = arith.addf %add3A_2843, %select_n3A_3074 : vector<16xf32>
        %eq3A_3076 = arith.constant 1 : i32
        %eq3A_3077 = vector.broadcast %eq3A_3076 : i32 to vector<16xi32>
        %eq3A_3078 = arith.cmpi eq, %min3A_3066, %eq3A_3077 : vector<16xi32>
        %jit3A_3079 = arith.constant 1.000000e+00 : f32
        %jit3A_3080 = arith.constant 0.000000e+00 : f32
        %broadcast_in_dim3A_3081 = vector.broadcast %jit3A_3079 : f32 to vector<16xf32>
        %broadcast_in_dim3A_3082 = vector.broadcast %jit3A_3080 : f32 to vector<16xf32>
        %select_n3A_3083 = arith.select %eq3A_3078, %broadcast_in_dim3A_3081, %broadcast_in_dim3A_3082 : vector<16xi1>, vector<16xf32>
        %add3A_3084 = arith.addf %add3A_2852, %select_n3A_3083 : vector<16xf32>
        %eq3A_3085 = arith.constant 2 : i32
        %eq3A_3086 = vector.broadcast %eq3A_3085 : i32 to vector<16xi32>
        %eq3A_3087 = arith.cmpi eq, %min3A_3066, %eq3A_3086 : vector<16xi32>
        %jit3A_3088 = arith.constant 1.000000e+00 : f32
        %jit3A_3089 = arith.constant 0.000000e+00 : f32
        %broadcast_in_dim3A_3090 = vector.broadcast %jit3A_3088 : f32 to vector<16xf32>
        %broadcast_in_dim3A_3091 = vector.broadcast %jit3A_3089 : f32 to vector<16xf32>
        %select_n3A_3092 = arith.select %eq3A_3087, %broadcast_in_dim3A_3090, %broadcast_in_dim3A_3091 : vector<16xi1>, vector<16xf32>
        %add3A_3093 = arith.addf %add3A_2861, %select_n3A_3092 : vector<16xf32>
        %eq3A_3094 = arith.constant 3 : i32
        %eq3A_3095 = vector.broadcast %eq3A_3094 : i32 to vector<16xi32>
        %eq3A_3096 = arith.cmpi eq, %min3A_3066, %eq3A_3095 : vector<16xi32>
        %jit3A_3097 = arith.constant 1.000000e+00 : f32
        %jit3A_3098 = arith.constant 0.000000e+00 : f32
        %broadcast_in_dim3A_3099 = vector.broadcast %jit3A_3097 : f32 to vector<16xf32>
        %broadcast_in_dim3A_3100 = vector.broadcast %jit3A_3098 : f32 to vector<16xf32>
        %select_n3A_3101 = arith.select %eq3A_3096, %broadcast_in_dim3A_3099, %broadcast_in_dim3A_3100 : vector<16xi1>, vector<16xf32>
        %add3A_3102 = arith.addf %add3A_2870, %select_n3A_3101 : vector<16xf32>
        %eq3A_3103 = arith.constant 4 : i32
        %eq3A_3104 = vector.broadcast %eq3A_3103 : i32 to vector<16xi32>
        %eq3A_3105 = arith.cmpi eq, %min3A_3066, %eq3A_3104 : vector<16xi32>
        %jit3A_3106 = arith.constant 1.000000e+00 : f32
        %jit3A_3107 = arith.constant 0.000000e+00 : f32
        %broadcast_in_dim3A_3108 = vector.broadcast %jit3A_3106 : f32 to vector<16xf32>
        %broadcast_in_dim3A_3109 = vector.broadcast %jit3A_3107 : f32 to vector<16xf32>
        %select_n3A_3110 = arith.select %eq3A_3105, %broadcast_in_dim3A_3108, %broadcast_in_dim3A_3109 : vector<16xi1>, vector<16xf32>
        %add3A_3111 = arith.addf %add3A_2879, %select_n3A_3110 : vector<16xf32>
        %eq3A_3112 = arith.constant 5 : i32
        %eq3A_3113 = vector.broadcast %eq3A_3112 : i32 to vector<16xi32>
        %eq3A_3114 = arith.cmpi eq, %min3A_3066, %eq3A_3113 : vector<16xi32>
        %jit3A_3115 = arith.constant 1.000000e+00 : f32
        %jit3A_3116 = arith.constant 0.000000e+00 : f32
        %broadcast_in_dim3A_3117 = vector.broadcast %jit3A_3115 : f32 to vector<16xf32>
        %broadcast_in_dim3A_3118 = vector.broadcast %jit3A_3116 : f32 to vector<16xf32>
        %select_n3A_3119 = arith.select %eq3A_3114, %broadcast_in_dim3A_3117, %broadcast_in_dim3A_3118 : vector<16xi1>, vector<16xf32>
        %add3A_3120 = arith.addf %add3A_2888, %select_n3A_3119 : vector<16xf32>
        %eq3A_3121 = arith.constant 6 : i32
        %eq3A_3122 = vector.broadcast %eq3A_3121 : i32 to vector<16xi32>
        %eq3A_3123 = arith.cmpi eq, %min3A_3066, %eq3A_3122 : vector<16xi32>
        %jit3A_3124 = arith.constant 1.000000e+00 : f32
        %jit3A_3125 = arith.constant 0.000000e+00 : f32
        %broadcast_in_dim3A_3126 = vector.broadcast %jit3A_3124 : f32 to vector<16xf32>
        %broadcast_in_dim3A_3127 = vector.broadcast %jit3A_3125 : f32 to vector<16xf32>
        %select_n3A_3128 = arith.select %eq3A_3123, %broadcast_in_dim3A_3126, %broadcast_in_dim3A_3127 : vector<16xi1>, vector<16xf32>
        %add3A_3129 = arith.addf %add3A_2897, %select_n3A_3128 : vector<16xf32>
        %eq3A_3130 = arith.constant 7 : i32
        %eq3A_3131 = vector.broadcast %eq3A_3130 : i32 to vector<16xi32>
        %eq3A_3132 = arith.cmpi eq, %min3A_3066, %eq3A_3131 : vector<16xi32>
        %jit3A_3133 = arith.constant 1.000000e+00 : f32
        %jit3A_3134 = arith.constant 0.000000e+00 : f32
        %broadcast_in_dim3A_3135 = vector.broadcast %jit3A_3133 : f32 to vector<16xf32>
        %broadcast_in_dim3A_3136 = vector.broadcast %jit3A_3134 : f32 to vector<16xf32>
        %select_n3A_3137 = arith.select %eq3A_3132, %broadcast_in_dim3A_3135, %broadcast_in_dim3A_3136 : vector<16xi1>, vector<16xf32>
        %add3A_3138 = arith.addf %add3A_2906, %select_n3A_3137 : vector<16xf32>
        %eq3A_3139 = arith.constant 8 : i32
        %eq3A_3140 = vector.broadcast %eq3A_3139 : i32 to vector<16xi32>
        %eq3A_3141 = arith.cmpi eq, %min3A_3066, %eq3A_3140 : vector<16xi32>
        %jit3A_3142 = arith.constant 1.000000e+00 : f32
        %jit3A_3143 = arith.constant 0.000000e+00 : f32
        %broadcast_in_dim3A_3144 = vector.broadcast %jit3A_3142 : f32 to vector<16xf32>
        %broadcast_in_dim3A_3145 = vector.broadcast %jit3A_3143 : f32 to vector<16xf32>
        %select_n3A_3146 = arith.select %eq3A_3141, %broadcast_in_dim3A_3144, %broadcast_in_dim3A_3145 : vector<16xi1>, vector<16xf32>
        %add3A_3147 = arith.addf %add3A_2915, %select_n3A_3146 : vector<16xf32>
        %eq3A_3148 = arith.constant 9 : i32
        %eq3A_3149 = vector.broadcast %eq3A_3148 : i32 to vector<16xi32>
        %eq3A_3150 = arith.cmpi eq, %min3A_3066, %eq3A_3149 : vector<16xi32>
        %jit3A_3151 = arith.constant 1.000000e+00 : f32
        %jit3A_3152 = arith.constant 0.000000e+00 : f32
        %broadcast_in_dim3A_3153 = vector.broadcast %jit3A_3151 : f32 to vector<16xf32>
        %broadcast_in_dim3A_3154 = vector.broadcast %jit3A_3152 : f32 to vector<16xf32>
        %select_n3A_3155 = arith.select %eq3A_3150, %broadcast_in_dim3A_3153, %broadcast_in_dim3A_3154 : vector<16xi1>, vector<16xf32>
        %add3A_3156 = arith.addf %add3A_2924, %select_n3A_3155 : vector<16xf32>
        %eq3A_3157 = arith.constant 10 : i32
        %eq3A_3158 = vector.broadcast %eq3A_3157 : i32 to vector<16xi32>
        %eq3A_3159 = arith.cmpi eq, %min3A_3066, %eq3A_3158 : vector<16xi32>
        %jit3A_3160 = arith.constant 1.000000e+00 : f32
        %jit3A_3161 = arith.constant 0.000000e+00 : f32
        %broadcast_in_dim3A_3162 = vector.broadcast %jit3A_3160 : f32 to vector<16xf32>
        %broadcast_in_dim3A_3163 = vector.broadcast %jit3A_3161 : f32 to vector<16xf32>
        %select_n3A_3164 = arith.select %eq3A_3159, %broadcast_in_dim3A_3162, %broadcast_in_dim3A_3163 : vector<16xi1>, vector<16xf32>
        %add3A_3165 = arith.addf %add3A_2933, %select_n3A_3164 : vector<16xf32>
        %eq3A_3166 = arith.constant 11 : i32
        %eq3A_3167 = vector.broadcast %eq3A_3166 : i32 to vector<16xi32>
        %eq3A_3168 = arith.cmpi eq, %min3A_3066, %eq3A_3167 : vector<16xi32>
        %jit3A_3169 = arith.constant 1.000000e+00 : f32
        %jit3A_3170 = arith.constant 0.000000e+00 : f32
        %broadcast_in_dim3A_3171 = vector.broadcast %jit3A_3169 : f32 to vector<16xf32>
        %broadcast_in_dim3A_3172 = vector.broadcast %jit3A_3170 : f32 to vector<16xf32>
        %select_n3A_3173 = arith.select %eq3A_3168, %broadcast_in_dim3A_3171, %broadcast_in_dim3A_3172 : vector<16xi1>, vector<16xf32>
        %add3A_3174 = arith.addf %add3A_2942, %select_n3A_3173 : vector<16xf32>
        %eq3A_3175 = arith.constant 12 : i32
        %eq3A_3176 = vector.broadcast %eq3A_3175 : i32 to vector<16xi32>
        %eq3A_3177 = arith.cmpi eq, %min3A_3066, %eq3A_3176 : vector<16xi32>
        %jit3A_3178 = arith.constant 1.000000e+00 : f32
        %jit3A_3179 = arith.constant 0.000000e+00 : f32
        %broadcast_in_dim3A_3180 = vector.broadcast %jit3A_3178 : f32 to vector<16xf32>
        %broadcast_in_dim3A_3181 = vector.broadcast %jit3A_3179 : f32 to vector<16xf32>
        %select_n3A_3182 = arith.select %eq3A_3177, %broadcast_in_dim3A_3180, %broadcast_in_dim3A_3181 : vector<16xi1>, vector<16xf32>
        %add3A_3183 = arith.addf %add3A_2951, %select_n3A_3182 : vector<16xf32>
        %eq3A_3184 = arith.constant 13 : i32
        %eq3A_3185 = vector.broadcast %eq3A_3184 : i32 to vector<16xi32>
        %eq3A_3186 = arith.cmpi eq, %min3A_3066, %eq3A_3185 : vector<16xi32>
        %jit3A_3187 = arith.constant 1.000000e+00 : f32
        %jit3A_3188 = arith.constant 0.000000e+00 : f32
        %broadcast_in_dim3A_3189 = vector.broadcast %jit3A_3187 : f32 to vector<16xf32>
        %broadcast_in_dim3A_3190 = vector.broadcast %jit3A_3188 : f32 to vector<16xf32>
        %select_n3A_3191 = arith.select %eq3A_3186, %broadcast_in_dim3A_3189, %broadcast_in_dim3A_3190 : vector<16xi1>, vector<16xf32>
        %add3A_3192 = arith.addf %add3A_2960, %select_n3A_3191 : vector<16xf32>
        %eq3A_3193 = arith.constant 14 : i32
        %eq3A_3194 = vector.broadcast %eq3A_3193 : i32 to vector<16xi32>
        %eq3A_3195 = arith.cmpi eq, %min3A_3066, %eq3A_3194 : vector<16xi32>
        %jit3A_3196 = arith.constant 1.000000e+00 : f32
        %jit3A_3197 = arith.constant 0.000000e+00 : f32
        %broadcast_in_dim3A_3198 = vector.broadcast %jit3A_3196 : f32 to vector<16xf32>
        %broadcast_in_dim3A_3199 = vector.broadcast %jit3A_3197 : f32 to vector<16xf32>
        %select_n3A_3200 = arith.select %eq3A_3195, %broadcast_in_dim3A_3198, %broadcast_in_dim3A_3199 : vector<16xi1>, vector<16xf32>
        %add3A_3201 = arith.addf %add3A_2969, %select_n3A_3200 : vector<16xf32>
        %eq3A_3202 = arith.constant 15 : i32
        %eq3A_3203 = vector.broadcast %eq3A_3202 : i32 to vector<16xi32>
        %eq3A_3204 = arith.cmpi eq, %min3A_3066, %eq3A_3203 : vector<16xi32>
        %jit3A_3205 = arith.constant 1.000000e+00 : f32
        %jit3A_3206 = arith.constant 0.000000e+00 : f32
        %broadcast_in_dim3A_3207 = vector.broadcast %jit3A_3205 : f32 to vector<16xf32>
        %broadcast_in_dim3A_3208 = vector.broadcast %jit3A_3206 : f32 to vector<16xf32>
        %select_n3A_3209 = arith.select %eq3A_3204, %broadcast_in_dim3A_3207, %broadcast_in_dim3A_3208 : vector<16xi1>, vector<16xf32>
        %add3A_3210 = arith.addf %add3A_2978, %select_n3A_3209 : vector<16xf32>
        %eq3A_3211 = arith.constant 16 : i32
        %eq3A_3212 = vector.broadcast %eq3A_3211 : i32 to vector<16xi32>
        %eq3A_3213 = arith.cmpi eq, %min3A_3066, %eq3A_3212 : vector<16xi32>
        %jit3A_3214 = arith.constant 1.000000e+00 : f32
        %jit3A_3215 = arith.constant 0.000000e+00 : f32
        %broadcast_in_dim3A_3216 = vector.broadcast %jit3A_3214 : f32 to vector<16xf32>
        %broadcast_in_dim3A_3217 = vector.broadcast %jit3A_3215 : f32 to vector<16xf32>
        %select_n3A_3218 = arith.select %eq3A_3213, %broadcast_in_dim3A_3216, %broadcast_in_dim3A_3217 : vector<16xi1>, vector<16xf32>
        %add3A_3219 = arith.addf %add3A_2987, %select_n3A_3218 : vector<16xf32>
        %eq3A_3220 = arith.constant 17 : i32
        %eq3A_3221 = vector.broadcast %eq3A_3220 : i32 to vector<16xi32>
        %eq3A_3222 = arith.cmpi eq, %min3A_3066, %eq3A_3221 : vector<16xi32>
        %jit3A_3223 = arith.constant 1.000000e+00 : f32
        %jit3A_3224 = arith.constant 0.000000e+00 : f32
        %broadcast_in_dim3A_3225 = vector.broadcast %jit3A_3223 : f32 to vector<16xf32>
        %broadcast_in_dim3A_3226 = vector.broadcast %jit3A_3224 : f32 to vector<16xf32>
        %select_n3A_3227 = arith.select %eq3A_3222, %broadcast_in_dim3A_3225, %broadcast_in_dim3A_3226 : vector<16xi1>, vector<16xf32>
        %add3A_3228 = arith.addf %add3A_2996, %select_n3A_3227 : vector<16xf32>
        %eq3A_3229 = arith.constant 18 : i32
        %eq3A_3230 = vector.broadcast %eq3A_3229 : i32 to vector<16xi32>
        %eq3A_3231 = arith.cmpi eq, %min3A_3066, %eq3A_3230 : vector<16xi32>
        %jit3A_3232 = arith.constant 1.000000e+00 : f32
        %jit3A_3233 = arith.constant 0.000000e+00 : f32
        %broadcast_in_dim3A_3234 = vector.broadcast %jit3A_3232 : f32 to vector<16xf32>
        %broadcast_in_dim3A_3235 = vector.broadcast %jit3A_3233 : f32 to vector<16xf32>
        %select_n3A_3236 = arith.select %eq3A_3231, %broadcast_in_dim3A_3234, %broadcast_in_dim3A_3235 : vector<16xi1>, vector<16xf32>
        %add3A_3237 = arith.addf %add3A_3005, %select_n3A_3236 : vector<16xf32>
        %eq3A_3238 = arith.constant 19 : i32
        %eq3A_3239 = vector.broadcast %eq3A_3238 : i32 to vector<16xi32>
        %eq3A_3240 = arith.cmpi eq, %min3A_3066, %eq3A_3239 : vector<16xi32>
        %jit3A_3241 = arith.constant 1.000000e+00 : f32
        %jit3A_3242 = arith.constant 0.000000e+00 : f32
        %broadcast_in_dim3A_3243 = vector.broadcast %jit3A_3241 : f32 to vector<16xf32>
        %broadcast_in_dim3A_3244 = vector.broadcast %jit3A_3242 : f32 to vector<16xf32>
        %select_n3A_3245 = arith.select %eq3A_3240, %broadcast_in_dim3A_3243, %broadcast_in_dim3A_3244 : vector<16xi1>, vector<16xf32>
        %add3A_3246 = arith.addf %add3A_3014, %select_n3A_3245 : vector<16xf32>
        %eq3A_3247 = arith.constant 20 : i32
        %eq3A_3248 = vector.broadcast %eq3A_3247 : i32 to vector<16xi32>
        %eq3A_3249 = arith.cmpi eq, %min3A_3066, %eq3A_3248 : vector<16xi32>
        %jit3A_3250 = arith.constant 1.000000e+00 : f32
        %jit3A_3251 = arith.constant 0.000000e+00 : f32
        %broadcast_in_dim3A_3252 = vector.broadcast %jit3A_3250 : f32 to vector<16xf32>
        %broadcast_in_dim3A_3253 = vector.broadcast %jit3A_3251 : f32 to vector<16xf32>
        %select_n3A_3254 = arith.select %eq3A_3249, %broadcast_in_dim3A_3252, %broadcast_in_dim3A_3253 : vector<16xi1>, vector<16xf32>
        %add3A_3255 = arith.addf %add3A_3023, %select_n3A_3254 : vector<16xf32>
        %mul3A_3256 = arith.constant 16 : i32
        %mul3A_3257 = arith.muli %scan3A_17, %mul3A_3256 : i32
        %mul3A_3258 = arith.constant 16 : i32
        %mul3A_3259 = arith.muli %mul3A_3257, %mul3A_3258 : i32
        %add3A_3260 = arith.constant 224 : i32
        %add3A_3261 = arith.addi %mul3A_3259, %add3A_3260 : i32
        %get3A_3262 = arith.index_cast %add3A_3261 : i32 to index
        %get3A_3263 = tpu.vector_load %arg4[%get3A_3262] {strides = array<i32>} : memref<2048xf32, #tpu.memory_space<vmem>>, vector<16xf32>,
        %get3A_3264 = vector.shape_cast %get3A_3263 : vector<16xf32> to vector<16xf32>
        %sub3A_3265 = arith.constant 0.000000e+00 : f32
        %sub3A_3266 = vector.broadcast %sub3A_3265 : f32 to vector<16xf32>
        %sub3A_3267 = arith.subf %get3A_3264, %sub3A_3266 : vector<16xf32>
        %div3A_3268 = arith.constant 2.000000e+01 : f32
        %div3A_3269 = vector.broadcast %div3A_3268 : f32 to vector<16xf32>
        %div3A_3270 = arith.divf %sub3A_3267, %div3A_3269 : vector<16xf32>
        %mul3A_3271 = arith.constant 2.000000e+01 : f32
        %mul3A_3272 = vector.broadcast %mul3A_3271 : f32 to vector<16xf32>
        %mul3A_3273 = arith.mulf %div3A_3270, %mul3A_3272 : vector<16xf32>
        %convert_element_type3A_3274 = arith.fptosi %mul3A_3273 : vector<16xf32> to vector<16xi32>
        %convert_element_type3A_3275 = arith.sitofp %convert_element_type3A_3274 : vector<16xi32> to vector<16xf32>
        %sub3A_3276 = arith.subf %mul3A_3273, %convert_element_type3A_3275 : vector<16xf32>
        %gt3A_3277 = arith.constant 5.000000e-01 : f32
        %gt3A_3278 = vector.broadcast %gt3A_3277 : f32 to vector<16xf32>
        %gt3A_3279 = arith.cmpf ogt, %sub3A_3276, %gt3A_3278 : vector<16xf32>
        %eq3A_3280 = arith.constant 5.000000e-01 : f32
        %eq3A_3281 = vector.broadcast %eq3A_3280 : f32 to vector<16xf32>
        %eq3A_3282 = arith.cmpf oeq, %sub3A_3276, %eq3A_3281 : vector<16xf32>
        %and3A_3283 = arith.constant 1 : i32
        %and3A_3284 = vector.broadcast %and3A_3283 : i32 to vector<16xi32>
        %and3A_3285 = arith.andi %convert_element_type3A_3274, %and3A_3284 : vector<16xi32>
        %jit3A_3286 = arith.constant 0 : i32
        %broadcast_in_dim3A_3287 = vector.broadcast %jit3A_3286 : i32 to vector<16xi32>
        %select_n3A_3288 = arith.select %eq3A_3282, %and3A_3285, %broadcast_in_dim3A_3287 : vector<16xi1>, vector<16xi32>
        %jit3A_3289 = arith.constant 1 : i32
        %broadcast_in_dim3A_3290 = vector.broadcast %jit3A_3289 : i32 to vector<16xi32>
        %select_n3A_3291 = arith.select %gt3A_3279, %broadcast_in_dim3A_3290, %select_n3A_3288 : vector<16xi1>, vector<16xi32>
        %add3A_3292 = arith.addi %convert_element_type3A_3274, %select_n3A_3291 : vector<16xi32>
        %jit3A_3293 = arith.constant 0 : i32
        %jit3A_3294 = arith.constant 20 : i32
        %max3A_3295 = vector.broadcast %jit3A_3293 : i32 to vector<16xi32>
        %max3A_3296 = arith.maxsi %max3A_3295, %add3A_3292 : vector<16xi32>
        %min3A_3297 = vector.broadcast %jit3A_3294 : i32 to vector<16xi32>
        %min3A_3298 = arith.minsi %min3A_3297, %max3A_3296 : vector<16xi32>
        %eq3A_3299 = arith.constant 0 : i32
        %eq3A_3300 = vector.broadcast %eq3A_3299 : i32 to vector<16xi32>
        %eq3A_3301 = arith.cmpi eq, %min3A_3298, %eq3A_3300 : vector<16xi32>
        %jit3A_3302 = arith.constant 1.000000e+00 : f32
        %jit3A_3303 = arith.constant 0.000000e+00 : f32
        %broadcast_in_dim3A_3304 = vector.broadcast %jit3A_3302 : f32 to vector<16xf32>
        %broadcast_in_dim3A_3305 = vector.broadcast %jit3A_3303 : f32 to vector<16xf32>
        %select_n3A_3306 = arith.select %eq3A_3301, %broadcast_in_dim3A_3304, %broadcast_in_dim3A_3305 : vector<16xi1>, vector<16xf32>
        %add3A_3307 = arith.addf %add3A_3075, %select_n3A_3306 : vector<16xf32>
        %eq3A_3308 = arith.constant 1 : i32
        %eq3A_3309 = vector.broadcast %eq3A_3308 : i32 to vector<16xi32>
        %eq3A_3310 = arith.cmpi eq, %min3A_3298, %eq3A_3309 : vector<16xi32>
        %jit3A_3311 = arith.constant 1.000000e+00 : f32
        %jit3A_3312 = arith.constant 0.000000e+00 : f32
        %broadcast_in_dim3A_3313 = vector.broadcast %jit3A_3311 : f32 to vector<16xf32>
        %broadcast_in_dim3A_3314 = vector.broadcast %jit3A_3312 : f32 to vector<16xf32>
        %select_n3A_3315 = arith.select %eq3A_3310, %broadcast_in_dim3A_3313, %broadcast_in_dim3A_3314 : vector<16xi1>, vector<16xf32>
        %add3A_3316 = arith.addf %add3A_3084, %select_n3A_3315 : vector<16xf32>
        %eq3A_3317 = arith.constant 2 : i32
        %eq3A_3318 = vector.broadcast %eq3A_3317 : i32 to vector<16xi32>
        %eq3A_3319 = arith.cmpi eq, %min3A_3298, %eq3A_3318 : vector<16xi32>
        %jit3A_3320 = arith.constant 1.000000e+00 : f32
        %jit3A_3321 = arith.constant 0.000000e+00 : f32
        %broadcast_in_dim3A_3322 = vector.broadcast %jit3A_3320 : f32 to vector<16xf32>
        %broadcast_in_dim3A_3323 = vector.broadcast %jit3A_3321 : f32 to vector<16xf32>
        %select_n3A_3324 = arith.select %eq3A_3319, %broadcast_in_dim3A_3322, %broadcast_in_dim3A_3323 : vector<16xi1>, vector<16xf32>
        %add3A_3325 = arith.addf %add3A_3093, %select_n3A_3324 : vector<16xf32>
        %eq3A_3326 = arith.constant 3 : i32
        %eq3A_3327 = vector.broadcast %eq3A_3326 : i32 to vector<16xi32>
        %eq3A_3328 = arith.cmpi eq, %min3A_3298, %eq3A_3327 : vector<16xi32>
        %jit3A_3329 = arith.constant 1.000000e+00 : f32
        %jit3A_3330 = arith.constant 0.000000e+00 : f32
        %broadcast_in_dim3A_3331 = vector.broadcast %jit3A_3329 : f32 to vector<16xf32>
        %broadcast_in_dim3A_3332 = vector.broadcast %jit3A_3330 : f32 to vector<16xf32>
        %select_n3A_3333 = arith.select %eq3A_3328, %broadcast_in_dim3A_3331, %broadcast_in_dim3A_3332 : vector<16xi1>, vector<16xf32>
        %add3A_3334 = arith.addf %add3A_3102, %select_n3A_3333 : vector<16xf32>
        %eq3A_3335 = arith.constant 4 : i32
        %eq3A_3336 = vector.broadcast %eq3A_3335 : i32 to vector<16xi32>
        %eq3A_3337 = arith.cmpi eq, %min3A_3298, %eq3A_3336 : vector<16xi32>
        %jit3A_3338 = arith.constant 1.000000e+00 : f32
        %jit3A_3339 = arith.constant 0.000000e+00 : f32
        %broadcast_in_dim3A_3340 = vector.broadcast %jit3A_3338 : f32 to vector<16xf32>
        %broadcast_in_dim3A_3341 = vector.broadcast %jit3A_3339 : f32 to vector<16xf32>
        %select_n3A_3342 = arith.select %eq3A_3337, %broadcast_in_dim3A_3340, %broadcast_in_dim3A_3341 : vector<16xi1>, vector<16xf32>
        %add3A_3343 = arith.addf %add3A_3111, %select_n3A_3342 : vector<16xf32>
        %eq3A_3344 = arith.constant 5 : i32
        %eq3A_3345 = vector.broadcast %eq3A_3344 : i32 to vector<16xi32>
        %eq3A_3346 = arith.cmpi eq, %min3A_3298, %eq3A_3345 : vector<16xi32>
        %jit3A_3347 = arith.constant 1.000000e+00 : f32
        %jit3A_3348 = arith.constant 0.000000e+00 : f32
        %broadcast_in_dim3A_3349 = vector.broadcast %jit3A_3347 : f32 to vector<16xf32>
        %broadcast_in_dim3A_3350 = vector.broadcast %jit3A_3348 : f32 to vector<16xf32>
        %select_n3A_3351 = arith.select %eq3A_3346, %broadcast_in_dim3A_3349, %broadcast_in_dim3A_3350 : vector<16xi1>, vector<16xf32>
        %add3A_3352 = arith.addf %add3A_3120, %select_n3A_3351 : vector<16xf32>
        %eq3A_3353 = arith.constant 6 : i32
        %eq3A_3354 = vector.broadcast %eq3A_3353 : i32 to vector<16xi32>
        %eq3A_3355 = arith.cmpi eq, %min3A_3298, %eq3A_3354 : vector<16xi32>
        %jit3A_3356 = arith.constant 1.000000e+00 : f32
        %jit3A_3357 = arith.constant 0.000000e+00 : f32
        %broadcast_in_dim3A_3358 = vector.broadcast %jit3A_3356 : f32 to vector<16xf32>
        %broadcast_in_dim3A_3359 = vector.broadcast %jit3A_3357 : f32 to vector<16xf32>
        %select_n3A_3360 = arith.select %eq3A_3355, %broadcast_in_dim3A_3358, %broadcast_in_dim3A_3359 : vector<16xi1>, vector<16xf32>
        %add3A_3361 = arith.addf %add3A_3129, %select_n3A_3360 : vector<16xf32>
        %eq3A_3362 = arith.constant 7 : i32
        %eq3A_3363 = vector.broadcast %eq3A_3362 : i32 to vector<16xi32>
        %eq3A_3364 = arith.cmpi eq, %min3A_3298, %eq3A_3363 : vector<16xi32>
        %jit3A_3365 = arith.constant 1.000000e+00 : f32
        %jit3A_3366 = arith.constant 0.000000e+00 : f32
        %broadcast_in_dim3A_3367 = vector.broadcast %jit3A_3365 : f32 to vector<16xf32>
        %broadcast_in_dim3A_3368 = vector.broadcast %jit3A_3366 : f32 to vector<16xf32>
        %select_n3A_3369 = arith.select %eq3A_3364, %broadcast_in_dim3A_3367, %broadcast_in_dim3A_3368 : vector<16xi1>, vector<16xf32>
        %add3A_3370 = arith.addf %add3A_3138, %select_n3A_3369 : vector<16xf32>
        %eq3A_3371 = arith.constant 8 : i32
        %eq3A_3372 = vector.broadcast %eq3A_3371 : i32 to vector<16xi32>
        %eq3A_3373 = arith.cmpi eq, %min3A_3298, %eq3A_3372 : vector<16xi32>
        %jit3A_3374 = arith.constant 1.000000e+00 : f32
        %jit3A_3375 = arith.constant 0.000000e+00 : f32
        %broadcast_in_dim3A_3376 = vector.broadcast %jit3A_3374 : f32 to vector<16xf32>
        %broadcast_in_dim3A_3377 = vector.broadcast %jit3A_3375 : f32 to vector<16xf32>
        %select_n3A_3378 = arith.select %eq3A_3373, %broadcast_in_dim3A_3376, %broadcast_in_dim3A_3377 : vector<16xi1>, vector<16xf32>
        %add3A_3379 = arith.addf %add3A_3147, %select_n3A_3378 : vector<16xf32>
        %eq3A_3380 = arith.constant 9 : i32
        %eq3A_3381 = vector.broadcast %eq3A_3380 : i32 to vector<16xi32>
        %eq3A_3382 = arith.cmpi eq, %min3A_3298, %eq3A_3381 : vector<16xi32>
        %jit3A_3383 = arith.constant 1.000000e+00 : f32
        %jit3A_3384 = arith.constant 0.000000e+00 : f32
        %broadcast_in_dim3A_3385 = vector.broadcast %jit3A_3383 : f32 to vector<16xf32>
        %broadcast_in_dim3A_3386 = vector.broadcast %jit3A_3384 : f32 to vector<16xf32>
        %select_n3A_3387 = arith.select %eq3A_3382, %broadcast_in_dim3A_3385, %broadcast_in_dim3A_3386 : vector<16xi1>, vector<16xf32>
        %add3A_3388 = arith.addf %add3A_3156, %select_n3A_3387 : vector<16xf32>
        %eq3A_3389 = arith.constant 10 : i32
        %eq3A_3390 = vector.broadcast %eq3A_3389 : i32 to vector<16xi32>
        %eq3A_3391 = arith.cmpi eq, %min3A_3298, %eq3A_3390 : vector<16xi32>
        %jit3A_3392 = arith.constant 1.000000e+00 : f32
        %jit3A_3393 = arith.constant 0.000000e+00 : f32
        %broadcast_in_dim3A_3394 = vector.broadcast %jit3A_3392 : f32 to vector<16xf32>
        %broadcast_in_dim3A_3395 = vector.broadcast %jit3A_3393 : f32 to vector<16xf32>
        %select_n3A_3396 = arith.select %eq3A_3391, %broadcast_in_dim3A_3394, %broadcast_in_dim3A_3395 : vector<16xi1>, vector<16xf32>
        %add3A_3397 = arith.addf %add3A_3165, %select_n3A_3396 : vector<16xf32>
        %eq3A_3398 = arith.constant 11 : i32
        %eq3A_3399 = vector.broadcast %eq3A_3398 : i32 to vector<16xi32>
        %eq3A_3400 = arith.cmpi eq, %min3A_3298, %eq3A_3399 : vector<16xi32>
        %jit3A_3401 = arith.constant 1.000000e+00 : f32
        %jit3A_3402 = arith.constant 0.000000e+00 : f32
        %broadcast_in_dim3A_3403 = vector.broadcast %jit3A_3401 : f32 to vector<16xf32>
        %broadcast_in_dim3A_3404 = vector.broadcast %jit3A_3402 : f32 to vector<16xf32>
        %select_n3A_3405 = arith.select %eq3A_3400, %broadcast_in_dim3A_3403, %broadcast_in_dim3A_3404 : vector<16xi1>, vector<16xf32>
        %add3A_3406 = arith.addf %add3A_3174, %select_n3A_3405 : vector<16xf32>
        %eq3A_3407 = arith.constant 12 : i32
        %eq3A_3408 = vector.broadcast %eq3A_3407 : i32 to vector<16xi32>
        %eq3A_3409 = arith.cmpi eq, %min3A_3298, %eq3A_3408 : vector<16xi32>
        %jit3A_3410 = arith.constant 1.000000e+00 : f32
        %jit3A_3411 = arith.constant 0.000000e+00 : f32
        %broadcast_in_dim3A_3412 = vector.broadcast %jit3A_3410 : f32 to vector<16xf32>
        %broadcast_in_dim3A_3413 = vector.broadcast %jit3A_3411 : f32 to vector<16xf32>
        %select_n3A_3414 = arith.select %eq3A_3409, %broadcast_in_dim3A_3412, %broadcast_in_dim3A_3413 : vector<16xi1>, vector<16xf32>
        %add3A_3415 = arith.addf %add3A_3183, %select_n3A_3414 : vector<16xf32>
        %eq3A_3416 = arith.constant 13 : i32
        %eq3A_3417 = vector.broadcast %eq3A_3416 : i32 to vector<16xi32>
        %eq3A_3418 = arith.cmpi eq, %min3A_3298, %eq3A_3417 : vector<16xi32>
        %jit3A_3419 = arith.constant 1.000000e+00 : f32
        %jit3A_3420 = arith.constant 0.000000e+00 : f32
        %broadcast_in_dim3A_3421 = vector.broadcast %jit3A_3419 : f32 to vector<16xf32>
        %broadcast_in_dim3A_3422 = vector.broadcast %jit3A_3420 : f32 to vector<16xf32>
        %select_n3A_3423 = arith.select %eq3A_3418, %broadcast_in_dim3A_3421, %broadcast_in_dim3A_3422 : vector<16xi1>, vector<16xf32>
        %add3A_3424 = arith.addf %add3A_3192, %select_n3A_3423 : vector<16xf32>
        %eq3A_3425 = arith.constant 14 : i32
        %eq3A_3426 = vector.broadcast %eq3A_3425 : i32 to vector<16xi32>
        %eq3A_3427 = arith.cmpi eq, %min3A_3298, %eq3A_3426 : vector<16xi32>
        %jit3A_3428 = arith.constant 1.000000e+00 : f32
        %jit3A_3429 = arith.constant 0.000000e+00 : f32
        %broadcast_in_dim3A_3430 = vector.broadcast %jit3A_3428 : f32 to vector<16xf32>
        %broadcast_in_dim3A_3431 = vector.broadcast %jit3A_3429 : f32 to vector<16xf32>
        %select_n3A_3432 = arith.select %eq3A_3427, %broadcast_in_dim3A_3430, %broadcast_in_dim3A_3431 : vector<16xi1>, vector<16xf32>
        %add3A_3433 = arith.addf %add3A_3201, %select_n3A_3432 : vector<16xf32>
        %eq3A_3434 = arith.constant 15 : i32
        %eq3A_3435 = vector.broadcast %eq3A_3434 : i32 to vector<16xi32>
        %eq3A_3436 = arith.cmpi eq, %min3A_3298, %eq3A_3435 : vector<16xi32>
        %jit3A_3437 = arith.constant 1.000000e+00 : f32
        %jit3A_3438 = arith.constant 0.000000e+00 : f32
        %broadcast_in_dim3A_3439 = vector.broadcast %jit3A_3437 : f32 to vector<16xf32>
        %broadcast_in_dim3A_3440 = vector.broadcast %jit3A_3438 : f32 to vector<16xf32>
        %select_n3A_3441 = arith.select %eq3A_3436, %broadcast_in_dim3A_3439, %broadcast_in_dim3A_3440 : vector<16xi1>, vector<16xf32>
        %add3A_3442 = arith.addf %add3A_3210, %select_n3A_3441 : vector<16xf32>
        %eq3A_3443 = arith.constant 16 : i32
        %eq3A_3444 = vector.broadcast %eq3A_3443 : i32 to vector<16xi32>
        %eq3A_3445 = arith.cmpi eq, %min3A_3298, %eq3A_3444 : vector<16xi32>
        %jit3A_3446 = arith.constant 1.000000e+00 : f32
        %jit3A_3447 = arith.constant 0.000000e+00 : f32
        %broadcast_in_dim3A_3448 = vector.broadcast %jit3A_3446 : f32 to vector<16xf32>
        %broadcast_in_dim3A_3449 = vector.broadcast %jit3A_3447 : f32 to vector<16xf32>
        %select_n3A_3450 = arith.select %eq3A_3445, %broadcast_in_dim3A_3448, %broadcast_in_dim3A_3449 : vector<16xi1>, vector<16xf32>
        %add3A_3451 = arith.addf %add3A_3219, %select_n3A_3450 : vector<16xf32>
        %eq3A_3452 = arith.constant 17 : i32
        %eq3A_3453 = vector.broadcast %eq3A_3452 : i32 to vector<16xi32>
        %eq3A_3454 = arith.cmpi eq, %min3A_3298, %eq3A_3453 : vector<16xi32>
        %jit3A_3455 = arith.constant 1.000000e+00 : f32
        %jit3A_3456 = arith.constant 0.000000e+00 : f32
        %broadcast_in_dim3A_3457 = vector.broadcast %jit3A_3455 : f32 to vector<16xf32>
        %broadcast_in_dim3A_3458 = vector.broadcast %jit3A_3456 : f32 to vector<16xf32>
        %select_n3A_3459 = arith.select %eq3A_3454, %broadcast_in_dim3A_3457, %broadcast_in_dim3A_3458 : vector<16xi1>, vector<16xf32>
        %add3A_3460 = arith.addf %add3A_3228, %select_n3A_3459 : vector<16xf32>
        %eq3A_3461 = arith.constant 18 : i32
        %eq3A_3462 = vector.broadcast %eq3A_3461 : i32 to vector<16xi32>
        %eq3A_3463 = arith.cmpi eq, %min3A_3298, %eq3A_3462 : vector<16xi32>
        %jit3A_3464 = arith.constant 1.000000e+00 : f32
        %jit3A_3465 = arith.constant 0.000000e+00 : f32
        %broadcast_in_dim3A_3466 = vector.broadcast %jit3A_3464 : f32 to vector<16xf32>
        %broadcast_in_dim3A_3467 = vector.broadcast %jit3A_3465 : f32 to vector<16xf32>
        %select_n3A_3468 = arith.select %eq3A_3463, %broadcast_in_dim3A_3466, %broadcast_in_dim3A_3467 : vector<16xi1>, vector<16xf32>
        %add3A_3469 = arith.addf %add3A_3237, %select_n3A_3468 : vector<16xf32>
        %eq3A_3470 = arith.constant 19 : i32
        %eq3A_3471 = vector.broadcast %eq3A_3470 : i32 to vector<16xi32>
        %eq3A_3472 = arith.cmpi eq, %min3A_3298, %eq3A_3471 : vector<16xi32>
        %jit3A_3473 = arith.constant 1.000000e+00 : f32
        %jit3A_3474 = arith.constant 0.000000e+00 : f32
        %broadcast_in_dim3A_3475 = vector.broadcast %jit3A_3473 : f32 to vector<16xf32>
        %broadcast_in_dim3A_3476 = vector.broadcast %jit3A_3474 : f32 to vector<16xf32>
        %select_n3A_3477 = arith.select %eq3A_3472, %broadcast_in_dim3A_3475, %broadcast_in_dim3A_3476 : vector<16xi1>, vector<16xf32>
        %add3A_3478 = arith.addf %add3A_3246, %select_n3A_3477 : vector<16xf32>
        %eq3A_3479 = arith.constant 20 : i32
        %eq3A_3480 = vector.broadcast %eq3A_3479 : i32 to vector<16xi32>
        %eq3A_3481 = arith.cmpi eq, %min3A_3298, %eq3A_3480 : vector<16xi32>
        %jit3A_3482 = arith.constant 1.000000e+00 : f32
        %jit3A_3483 = arith.constant 0.000000e+00 : f32
        %broadcast_in_dim3A_3484 = vector.broadcast %jit3A_3482 : f32 to vector<16xf32>
        %broadcast_in_dim3A_3485 = vector.broadcast %jit3A_3483 : f32 to vector<16xf32>
        %select_n3A_3486 = arith.select %eq3A_3481, %broadcast_in_dim3A_3484, %broadcast_in_dim3A_3485 : vector<16xi1>, vector<16xf32>
        %add3A_3487 = arith.addf %add3A_3255, %select_n3A_3486 : vector<16xf32>
        %mul3A_3488 = arith.constant 16 : i32
        %mul3A_3489 = arith.muli %scan3A_17, %mul3A_3488 : i32
        %mul3A_3490 = arith.constant 16 : i32
        %mul3A_3491 = arith.muli %mul3A_3489, %mul3A_3490 : i32
        %add3A_3492 = arith.constant 240 : i32
        %add3A_3493 = arith.addi %mul3A_3491, %add3A_3492 : i32
        %get3A_3494 = arith.index_cast %add3A_3493 : i32 to index
        %get3A_3495 = tpu.vector_load %arg4[%get3A_3494] {strides = array<i32>} : memref<2048xf32, #tpu.memory_space<vmem>>, vector<16xf32>,
        %get3A_3496 = vector.shape_cast %get3A_3495 : vector<16xf32> to vector<16xf32>
        %sub3A_3497 = arith.constant 0.000000e+00 : f32
        %sub3A_3498 = vector.broadcast %sub3A_3497 : f32 to vector<16xf32>
        %sub3A_3499 = arith.subf %get3A_3496, %sub3A_3498 : vector<16xf32>
        %div3A_3500 = arith.constant 2.000000e+01 : f32
        %div3A_3501 = vector.broadcast %div3A_3500 : f32 to vector<16xf32>
        %div3A_3502 = arith.divf %sub3A_3499, %div3A_3501 : vector<16xf32>
        %mul3A_3503 = arith.constant 2.000000e+01 : f32
        %mul3A_3504 = vector.broadcast %mul3A_3503 : f32 to vector<16xf32>
        %mul3A_3505 = arith.mulf %div3A_3502, %mul3A_3504 : vector<16xf32>
        %convert_element_type3A_3506 = arith.fptosi %mul3A_3505 : vector<16xf32> to vector<16xi32>
        %convert_element_type3A_3507 = arith.sitofp %convert_element_type3A_3506 : vector<16xi32> to vector<16xf32>
        %sub3A_3508 = arith.subf %mul3A_3505, %convert_element_type3A_3507 : vector<16xf32>
        %gt3A_3509 = arith.constant 5.000000e-01 : f32
        %gt3A_3510 = vector.broadcast %gt3A_3509 : f32 to vector<16xf32>
        %gt3A_3511 = arith.cmpf ogt, %sub3A_3508, %gt3A_3510 : vector<16xf32>
        %eq3A_3512 = arith.constant 5.000000e-01 : f32
        %eq3A_3513 = vector.broadcast %eq3A_3512 : f32 to vector<16xf32>
        %eq3A_3514 = arith.cmpf oeq, %sub3A_3508, %eq3A_3513 : vector<16xf32>
        %and3A_3515 = arith.constant 1 : i32
        %and3A_3516 = vector.broadcast %and3A_3515 : i32 to vector<16xi32>
        %and3A_3517 = arith.andi %convert_element_type3A_3506, %and3A_3516 : vector<16xi32>
        %jit3A_3518 = arith.constant 0 : i32
        %broadcast_in_dim3A_3519 = vector.broadcast %jit3A_3518 : i32 to vector<16xi32>
        %select_n3A_3520 = arith.select %eq3A_3514, %and3A_3517, %broadcast_in_dim3A_3519 : vector<16xi1>, vector<16xi32>
        %jit3A_3521 = arith.constant 1 : i32
        %broadcast_in_dim3A_3522 = vector.broadcast %jit3A_3521 : i32 to vector<16xi32>
        %select_n3A_3523 = arith.select %gt3A_3511, %broadcast_in_dim3A_3522, %select_n3A_3520 : vector<16xi1>, vector<16xi32>
        %add3A_3524 = arith.addi %convert_element_type3A_3506, %select_n3A_3523 : vector<16xi32>
        %jit3A_3525 = arith.constant 0 : i32
        %jit3A_3526 = arith.constant 20 : i32
        %max3A_3527 = vector.broadcast %jit3A_3525 : i32 to vector<16xi32>
        %max3A_3528 = arith.maxsi %max3A_3527, %add3A_3524 : vector<16xi32>
        %min3A_3529 = vector.broadcast %jit3A_3526 : i32 to vector<16xi32>
        %min3A_3530 = arith.minsi %min3A_3529, %max3A_3528 : vector<16xi32>
        %eq3A_3531 = arith.constant 0 : i32
        %eq3A_3532 = vector.broadcast %eq3A_3531 : i32 to vector<16xi32>
        %eq3A_3533 = arith.cmpi eq, %min3A_3530, %eq3A_3532 : vector<16xi32>
        %jit3A_3534 = arith.constant 1.000000e+00 : f32
        %jit3A_3535 = arith.constant 0.000000e+00 : f32
        %broadcast_in_dim3A_3536 = vector.broadcast %jit3A_3534 : f32 to vector<16xf32>
        %broadcast_in_dim3A_3537 = vector.broadcast %jit3A_3535 : f32 to vector<16xf32>
        %select_n3A_3538 = arith.select %eq3A_3533, %broadcast_in_dim3A_3536, %broadcast_in_dim3A_3537 : vector<16xi1>, vector<16xf32>
        %add3A_3539 = arith.addf %add3A_3307, %select_n3A_3538 : vector<16xf32>
        %eq3A_3540 = arith.constant 1 : i32
        %eq3A_3541 = vector.broadcast %eq3A_3540 : i32 to vector<16xi32>
        %eq3A_3542 = arith.cmpi eq, %min3A_3530, %eq3A_3541 : vector<16xi32>
        %jit3A_3543 = arith.constant 1.000000e+00 : f32
        %jit3A_3544 = arith.constant 0.000000e+00 : f32
        %broadcast_in_dim3A_3545 = vector.broadcast %jit3A_3543 : f32 to vector<16xf32>
        %broadcast_in_dim3A_3546 = vector.broadcast %jit3A_3544 : f32 to vector<16xf32>
        %select_n3A_3547 = arith.select %eq3A_3542, %broadcast_in_dim3A_3545, %broadcast_in_dim3A_3546 : vector<16xi1>, vector<16xf32>
        %add3A_3548 = arith.addf %add3A_3316, %select_n3A_3547 : vector<16xf32>
        %eq3A_3549 = arith.constant 2 : i32
        %eq3A_3550 = vector.broadcast %eq3A_3549 : i32 to vector<16xi32>
        %eq3A_3551 = arith.cmpi eq, %min3A_3530, %eq3A_3550 : vector<16xi32>
        %jit3A_3552 = arith.constant 1.000000e+00 : f32
        %jit3A_3553 = arith.constant 0.000000e+00 : f32
        %broadcast_in_dim3A_3554 = vector.broadcast %jit3A_3552 : f32 to vector<16xf32>
        %broadcast_in_dim3A_3555 = vector.broadcast %jit3A_3553 : f32 to vector<16xf32>
        %select_n3A_3556 = arith.select %eq3A_3551, %broadcast_in_dim3A_3554, %broadcast_in_dim3A_3555 : vector<16xi1>, vector<16xf32>
        %add3A_3557 = arith.addf %add3A_3325, %select_n3A_3556 : vector<16xf32>
        %eq3A_3558 = arith.constant 3 : i32
        %eq3A_3559 = vector.broadcast %eq3A_3558 : i32 to vector<16xi32>
        %eq3A_3560 = arith.cmpi eq, %min3A_3530, %eq3A_3559 : vector<16xi32>
        %jit3A_3561 = arith.constant 1.000000e+00 : f32
        %jit3A_3562 = arith.constant 0.000000e+00 : f32
        %broadcast_in_dim3A_3563 = vector.broadcast %jit3A_3561 : f32 to vector<16xf32>
        %broadcast_in_dim3A_3564 = vector.broadcast %jit3A_3562 : f32 to vector<16xf32>
        %select_n3A_3565 = arith.select %eq3A_3560, %broadcast_in_dim3A_3563, %broadcast_in_dim3A_3564 : vector<16xi1>, vector<16xf32>
        %add3A_3566 = arith.addf %add3A_3334, %select_n3A_3565 : vector<16xf32>
        %eq3A_3567 = arith.constant 4 : i32
        %eq3A_3568 = vector.broadcast %eq3A_3567 : i32 to vector<16xi32>
        %eq3A_3569 = arith.cmpi eq, %min3A_3530, %eq3A_3568 : vector<16xi32>
        %jit3A_3570 = arith.constant 1.000000e+00 : f32
        %jit3A_3571 = arith.constant 0.000000e+00 : f32
        %broadcast_in_dim3A_3572 = vector.broadcast %jit3A_3570 : f32 to vector<16xf32>
        %broadcast_in_dim3A_3573 = vector.broadcast %jit3A_3571 : f32 to vector<16xf32>
        %select_n3A_3574 = arith.select %eq3A_3569, %broadcast_in_dim3A_3572, %broadcast_in_dim3A_3573 : vector<16xi1>, vector<16xf32>
        %add3A_3575 = arith.addf %add3A_3343, %select_n3A_3574 : vector<16xf32>
        %eq3A_3576 = arith.constant 5 : i32
        %eq3A_3577 = vector.broadcast %eq3A_3576 : i32 to vector<16xi32>
        %eq3A_3578 = arith.cmpi eq, %min3A_3530, %eq3A_3577 : vector<16xi32>
        %jit3A_3579 = arith.constant 1.000000e+00 : f32
        %jit3A_3580 = arith.constant 0.000000e+00 : f32
        %broadcast_in_dim3A_3581 = vector.broadcast %jit3A_3579 : f32 to vector<16xf32>
        %broadcast_in_dim3A_3582 = vector.broadcast %jit3A_3580 : f32 to vector<16xf32>
        %select_n3A_3583 = arith.select %eq3A_3578, %broadcast_in_dim3A_3581, %broadcast_in_dim3A_3582 : vector<16xi1>, vector<16xf32>
        %add3A_3584 = arith.addf %add3A_3352, %select_n3A_3583 : vector<16xf32>
        %eq3A_3585 = arith.constant 6 : i32
        %eq3A_3586 = vector.broadcast %eq3A_3585 : i32 to vector<16xi32>
        %eq3A_3587 = arith.cmpi eq, %min3A_3530, %eq3A_3586 : vector<16xi32>
        %jit3A_3588 = arith.constant 1.000000e+00 : f32
        %jit3A_3589 = arith.constant 0.000000e+00 : f32
        %broadcast_in_dim3A_3590 = vector.broadcast %jit3A_3588 : f32 to vector<16xf32>
        %broadcast_in_dim3A_3591 = vector.broadcast %jit3A_3589 : f32 to vector<16xf32>
        %select_n3A_3592 = arith.select %eq3A_3587, %broadcast_in_dim3A_3590, %broadcast_in_dim3A_3591 : vector<16xi1>, vector<16xf32>
        %add3A_3593 = arith.addf %add3A_3361, %select_n3A_3592 : vector<16xf32>
        %eq3A_3594 = arith.constant 7 : i32
        %eq3A_3595 = vector.broadcast %eq3A_3594 : i32 to vector<16xi32>
        %eq3A_3596 = arith.cmpi eq, %min3A_3530, %eq3A_3595 : vector<16xi32>
        %jit3A_3597 = arith.constant 1.000000e+00 : f32
        %jit3A_3598 = arith.constant 0.000000e+00 : f32
        %broadcast_in_dim3A_3599 = vector.broadcast %jit3A_3597 : f32 to vector<16xf32>
        %broadcast_in_dim3A_3600 = vector.broadcast %jit3A_3598 : f32 to vector<16xf32>
        %select_n3A_3601 = arith.select %eq3A_3596, %broadcast_in_dim3A_3599, %broadcast_in_dim3A_3600 : vector<16xi1>, vector<16xf32>
        %add3A_3602 = arith.addf %add3A_3370, %select_n3A_3601 : vector<16xf32>
        %eq3A_3603 = arith.constant 8 : i32
        %eq3A_3604 = vector.broadcast %eq3A_3603 : i32 to vector<16xi32>
        %eq3A_3605 = arith.cmpi eq, %min3A_3530, %eq3A_3604 : vector<16xi32>
        %jit3A_3606 = arith.constant 1.000000e+00 : f32
        %jit3A_3607 = arith.constant 0.000000e+00 : f32
        %broadcast_in_dim3A_3608 = vector.broadcast %jit3A_3606 : f32 to vector<16xf32>
        %broadcast_in_dim3A_3609 = vector.broadcast %jit3A_3607 : f32 to vector<16xf32>
        %select_n3A_3610 = arith.select %eq3A_3605, %broadcast_in_dim3A_3608, %broadcast_in_dim3A_3609 : vector<16xi1>, vector<16xf32>
        %add3A_3611 = arith.addf %add3A_3379, %select_n3A_3610 : vector<16xf32>
        %eq3A_3612 = arith.constant 9 : i32
        %eq3A_3613 = vector.broadcast %eq3A_3612 : i32 to vector<16xi32>
        %eq3A_3614 = arith.cmpi eq, %min3A_3530, %eq3A_3613 : vector<16xi32>
        %jit3A_3615 = arith.constant 1.000000e+00 : f32
        %jit3A_3616 = arith.constant 0.000000e+00 : f32
        %broadcast_in_dim3A_3617 = vector.broadcast %jit3A_3615 : f32 to vector<16xf32>
        %broadcast_in_dim3A_3618 = vector.broadcast %jit3A_3616 : f32 to vector<16xf32>
        %select_n3A_3619 = arith.select %eq3A_3614, %broadcast_in_dim3A_3617, %broadcast_in_dim3A_3618 : vector<16xi1>, vector<16xf32>
        %add3A_3620 = arith.addf %add3A_3388, %select_n3A_3619 : vector<16xf32>
        %eq3A_3621 = arith.constant 10 : i32
        %eq3A_3622 = vector.broadcast %eq3A_3621 : i32 to vector<16xi32>
        %eq3A_3623 = arith.cmpi eq, %min3A_3530, %eq3A_3622 : vector<16xi32>
        %jit3A_3624 = arith.constant 1.000000e+00 : f32
        %jit3A_3625 = arith.constant 0.000000e+00 : f32
        %broadcast_in_dim3A_3626 = vector.broadcast %jit3A_3624 : f32 to vector<16xf32>
        %broadcast_in_dim3A_3627 = vector.broadcast %jit3A_3625 : f32 to vector<16xf32>
        %select_n3A_3628 = arith.select %eq3A_3623, %broadcast_in_dim3A_3626, %broadcast_in_dim3A_3627 : vector<16xi1>, vector<16xf32>
        %add3A_3629 = arith.addf %add3A_3397, %select_n3A_3628 : vector<16xf32>
        %eq3A_3630 = arith.constant 11 : i32
        %eq3A_3631 = vector.broadcast %eq3A_3630 : i32 to vector<16xi32>
        %eq3A_3632 = arith.cmpi eq, %min3A_3530, %eq3A_3631 : vector<16xi32>
        %jit3A_3633 = arith.constant 1.000000e+00 : f32
        %jit3A_3634 = arith.constant 0.000000e+00 : f32
        %broadcast_in_dim3A_3635 = vector.broadcast %jit3A_3633 : f32 to vector<16xf32>
        %broadcast_in_dim3A_3636 = vector.broadcast %jit3A_3634 : f32 to vector<16xf32>
        %select_n3A_3637 = arith.select %eq3A_3632, %broadcast_in_dim3A_3635, %broadcast_in_dim3A_3636 : vector<16xi1>, vector<16xf32>
        %add3A_3638 = arith.addf %add3A_3406, %select_n3A_3637 : vector<16xf32>
        %eq3A_3639 = arith.constant 12 : i32
        %eq3A_3640 = vector.broadcast %eq3A_3639 : i32 to vector<16xi32>
        %eq3A_3641 = arith.cmpi eq, %min3A_3530, %eq3A_3640 : vector<16xi32>
        %jit3A_3642 = arith.constant 1.000000e+00 : f32
        %jit3A_3643 = arith.constant 0.000000e+00 : f32
        %broadcast_in_dim3A_3644 = vector.broadcast %jit3A_3642 : f32 to vector<16xf32>
        %broadcast_in_dim3A_3645 = vector.broadcast %jit3A_3643 : f32 to vector<16xf32>
        %select_n3A_3646 = arith.select %eq3A_3641, %broadcast_in_dim3A_3644, %broadcast_in_dim3A_3645 : vector<16xi1>, vector<16xf32>
        %add3A_3647 = arith.addf %add3A_3415, %select_n3A_3646 : vector<16xf32>
        %eq3A_3648 = arith.constant 13 : i32
        %eq3A_3649 = vector.broadcast %eq3A_3648 : i32 to vector<16xi32>
        %eq3A_3650 = arith.cmpi eq, %min3A_3530, %eq3A_3649 : vector<16xi32>
        %jit3A_3651 = arith.constant 1.000000e+00 : f32
        %jit3A_3652 = arith.constant 0.000000e+00 : f32
        %broadcast_in_dim3A_3653 = vector.broadcast %jit3A_3651 : f32 to vector<16xf32>
        %broadcast_in_dim3A_3654 = vector.broadcast %jit3A_3652 : f32 to vector<16xf32>
        %select_n3A_3655 = arith.select %eq3A_3650, %broadcast_in_dim3A_3653, %broadcast_in_dim3A_3654 : vector<16xi1>, vector<16xf32>
        %add3A_3656 = arith.addf %add3A_3424, %select_n3A_3655 : vector<16xf32>
        %eq3A_3657 = arith.constant 14 : i32
        %eq3A_3658 = vector.broadcast %eq3A_3657 : i32 to vector<16xi32>
        %eq3A_3659 = arith.cmpi eq, %min3A_3530, %eq3A_3658 : vector<16xi32>
        %jit3A_3660 = arith.constant 1.000000e+00 : f32
        %jit3A_3661 = arith.constant 0.000000e+00 : f32
        %broadcast_in_dim3A_3662 = vector.broadcast %jit3A_3660 : f32 to vector<16xf32>
        %broadcast_in_dim3A_3663 = vector.broadcast %jit3A_3661 : f32 to vector<16xf32>
        %select_n3A_3664 = arith.select %eq3A_3659, %broadcast_in_dim3A_3662, %broadcast_in_dim3A_3663 : vector<16xi1>, vector<16xf32>
        %add3A_3665 = arith.addf %add3A_3433, %select_n3A_3664 : vector<16xf32>
        %eq3A_3666 = arith.constant 15 : i32
        %eq3A_3667 = vector.broadcast %eq3A_3666 : i32 to vector<16xi32>
        %eq3A_3668 = arith.cmpi eq, %min3A_3530, %eq3A_3667 : vector<16xi32>
        %jit3A_3669 = arith.constant 1.000000e+00 : f32
        %jit3A_3670 = arith.constant 0.000000e+00 : f32
        %broadcast_in_dim3A_3671 = vector.broadcast %jit3A_3669 : f32 to vector<16xf32>
        %broadcast_in_dim3A_3672 = vector.broadcast %jit3A_3670 : f32 to vector<16xf32>
        %select_n3A_3673 = arith.select %eq3A_3668, %broadcast_in_dim3A_3671, %broadcast_in_dim3A_3672 : vector<16xi1>, vector<16xf32>
        %add3A_3674 = arith.addf %add3A_3442, %select_n3A_3673 : vector<16xf32>
        %eq3A_3675 = arith.constant 16 : i32
        %eq3A_3676 = vector.broadcast %eq3A_3675 : i32 to vector<16xi32>
        %eq3A_3677 = arith.cmpi eq, %min3A_3530, %eq3A_3676 : vector<16xi32>
        %jit3A_3678 = arith.constant 1.000000e+00 : f32
        %jit3A_3679 = arith.constant 0.000000e+00 : f32
        %broadcast_in_dim3A_3680 = vector.broadcast %jit3A_3678 : f32 to vector<16xf32>
        %broadcast_in_dim3A_3681 = vector.broadcast %jit3A_3679 : f32 to vector<16xf32>
        %select_n3A_3682 = arith.select %eq3A_3677, %broadcast_in_dim3A_3680, %broadcast_in_dim3A_3681 : vector<16xi1>, vector<16xf32>
        %add3A_3683 = arith.addf %add3A_3451, %select_n3A_3682 : vector<16xf32>
        %eq3A_3684 = arith.constant 17 : i32
        %eq3A_3685 = vector.broadcast %eq3A_3684 : i32 to vector<16xi32>
        %eq3A_3686 = arith.cmpi eq, %min3A_3530, %eq3A_3685 : vector<16xi32>
        %jit3A_3687 = arith.constant 1.000000e+00 : f32
        %jit3A_3688 = arith.constant 0.000000e+00 : f32
        %broadcast_in_dim3A_3689 = vector.broadcast %jit3A_3687 : f32 to vector<16xf32>
        %broadcast_in_dim3A_3690 = vector.broadcast %jit3A_3688 : f32 to vector<16xf32>
        %select_n3A_3691 = arith.select %eq3A_3686, %broadcast_in_dim3A_3689, %broadcast_in_dim3A_3690 : vector<16xi1>, vector<16xf32>
        %add3A_3692 = arith.addf %add3A_3460, %select_n3A_3691 : vector<16xf32>
        %eq3A_3693 = arith.constant 18 : i32
        %eq3A_3694 = vector.broadcast %eq3A_3693 : i32 to vector<16xi32>
        %eq3A_3695 = arith.cmpi eq, %min3A_3530, %eq3A_3694 : vector<16xi32>
        %jit3A_3696 = arith.constant 1.000000e+00 : f32
        %jit3A_3697 = arith.constant 0.000000e+00 : f32
        %broadcast_in_dim3A_3698 = vector.broadcast %jit3A_3696 : f32 to vector<16xf32>
        %broadcast_in_dim3A_3699 = vector.broadcast %jit3A_3697 : f32 to vector<16xf32>
        %select_n3A_3700 = arith.select %eq3A_3695, %broadcast_in_dim3A_3698, %broadcast_in_dim3A_3699 : vector<16xi1>, vector<16xf32>
        %add3A_3701 = arith.addf %add3A_3469, %select_n3A_3700 : vector<16xf32>
        %eq3A_3702 = arith.constant 19 : i32
        %eq3A_3703 = vector.broadcast %eq3A_3702 : i32 to vector<16xi32>
        %eq3A_3704 = arith.cmpi eq, %min3A_3530, %eq3A_3703 : vector<16xi32>
        %jit3A_3705 = arith.constant 1.000000e+00 : f32
        %jit3A_3706 = arith.constant 0.000000e+00 : f32
        %broadcast_in_dim3A_3707 = vector.broadcast %jit3A_3705 : f32 to vector<16xf32>
        %broadcast_in_dim3A_3708 = vector.broadcast %jit3A_3706 : f32 to vector<16xf32>
        %select_n3A_3709 = arith.select %eq3A_3704, %broadcast_in_dim3A_3707, %broadcast_in_dim3A_3708 : vector<16xi1>, vector<16xf32>
        %add3A_3710 = arith.addf %add3A_3478, %select_n3A_3709 : vector<16xf32>
        %eq3A_3711 = arith.constant 20 : i32
        %eq3A_3712 = vector.broadcast %eq3A_3711 : i32 to vector<16xi32>
        %eq3A_3713 = arith.cmpi eq, %min3A_3530, %eq3A_3712 : vector<16xi32>
        %jit3A_3714 = arith.constant 1.000000e+00 : f32
        %jit3A_3715 = arith.constant 0.000000e+00 : f32
        %broadcast_in_dim3A_3716 = vector.broadcast %jit3A_3714 : f32 to vector<16xf32>
        %broadcast_in_dim3A_3717 = vector.broadcast %jit3A_3715 : f32 to vector<16xf32>
        %select_n3A_3718 = arith.select %eq3A_3713, %broadcast_in_dim3A_3716, %broadcast_in_dim3A_3717 : vector<16xi1>, vector<16xf32>
        %add3A_3719 = arith.addf %add3A_3487, %select_n3A_3718 : vector<16xf32>
        %mul3A_3720 = arith.constant 16 : i32
        %mul3A_3721 = arith.muli %scan3A_17, %mul3A_3720 : i32
        %swap3A = arith.constant 0 : i32
        %swap3A_3722 = arith.index_cast %swap3A : i32 to index
        %swap3A_3723 = arith.index_cast %mul3A_3721 : i32 to index
        %swap3A_3724 = tpu.vector_load %arg5[%swap3A_3722, %swap3A_3723] {strides = array<i32>} : memref<21x128xf32, #tpu.memory_space<vmem>>, vector<1x16xf32>,
        %swap3A_3725 = vector.shape_cast %swap3A_3724 : vector<1x16xf32> to vector<16xf32>
        %swap3A_3726 = vector.shape_cast %add3A_3539 : vector<16xf32> to vector<1x16xf32>
        tpu.vector_store %arg5[%swap3A_3722, %swap3A_3723], %swap3A_3726 {strides = array<i32>} : memref<21x128xf32, #tpu.memory_space<vmem>>, vector<1x16xf32>,
        %mul3A_3727 = arith.constant 16 : i32
        %mul3A_3728 = arith.muli %scan3A_17, %mul3A_3727 : i32
        %swap3A_3729 = arith.constant 1 : i32
        %swap3A_3730 = arith.index_cast %swap3A_3729 : i32 to index
        %swap3A_3731 = arith.index_cast %mul3A_3728 : i32 to index
        %swap3A_3732 = tpu.vector_load %arg5[%swap3A_3730, %swap3A_3731] {strides = array<i32>} : memref<21x128xf32, #tpu.memory_space<vmem>>, vector<1x16xf32>,
        %swap3A_3733 = vector.shape_cast %swap3A_3732 : vector<1x16xf32> to vector<16xf32>
        %swap3A_3734 = vector.shape_cast %add3A_3548 : vector<16xf32> to vector<1x16xf32>
        tpu.vector_store %arg5[%swap3A_3730, %swap3A_3731], %swap3A_3734 {strides = array<i32>} : memref<21x128xf32, #tpu.memory_space<vmem>>, vector<1x16xf32>,
        %mul3A_3735 = arith.constant 16 : i32
        %mul3A_3736 = arith.muli %scan3A_17, %mul3A_3735 : i32
        %swap3A_3737 = arith.constant 2 : i32
        %swap3A_3738 = arith.index_cast %swap3A_3737 : i32 to index
        %swap3A_3739 = arith.index_cast %mul3A_3736 : i32 to index
        %swap3A_3740 = tpu.vector_load %arg5[%swap3A_3738, %swap3A_3739] {strides = array<i32>} : memref<21x128xf32, #tpu.memory_space<vmem>>, vector<1x16xf32>,
        %swap3A_3741 = vector.shape_cast %swap3A_3740 : vector<1x16xf32> to vector<16xf32>
        %swap3A_3742 = vector.shape_cast %add3A_3557 : vector<16xf32> to vector<1x16xf32>
        tpu.vector_store %arg5[%swap3A_3738, %swap3A_3739], %swap3A_3742 {strides = array<i32>} : memref<21x128xf32, #tpu.memory_space<vmem>>, vector<1x16xf32>,
        %mul3A_3743 = arith.constant 16 : i32
        %mul3A_3744 = arith.muli %scan3A_17, %mul3A_3743 : i32
        %swap3A_3745 = arith.constant 3 : i32
        %swap3A_3746 = arith.index_cast %swap3A_3745 : i32 to index
        %swap3A_3747 = arith.index_cast %mul3A_3744 : i32 to index
        %swap3A_3748 = tpu.vector_load %arg5[%swap3A_3746, %swap3A_3747] {strides = array<i32>} : memref<21x128xf32, #tpu.memory_space<vmem>>, vector<1x16xf32>,
        %swap3A_3749 = vector.shape_cast %swap3A_3748 : vector<1x16xf32> to vector<16xf32>
        %swap3A_3750 = vector.shape_cast %add3A_3566 : vector<16xf32> to vector<1x16xf32>
        tpu.vector_store %arg5[%swap3A_3746, %swap3A_3747], %swap3A_3750 {strides = array<i32>} : memref<21x128xf32, #tpu.memory_space<vmem>>, vector<1x16xf32>,
        %mul3A_3751 = arith.constant 16 : i32
        %mul3A_3752 = arith.muli %scan3A_17, %mul3A_3751 : i32
        %swap3A_3753 = arith.constant 4 : i32
        %swap3A_3754 = arith.index_cast %swap3A_3753 : i32 to index
        %swap3A_3755 = arith.index_cast %mul3A_3752 : i32 to index
        %swap3A_3756 = tpu.vector_load %arg5[%swap3A_3754, %swap3A_3755] {strides = array<i32>} : memref<21x128xf32, #tpu.memory_space<vmem>>, vector<1x16xf32>,
        %swap3A_3757 = vector.shape_cast %swap3A_3756 : vector<1x16xf32> to vector<16xf32>
        %swap3A_3758 = vector.shape_cast %add3A_3575 : vector<16xf32> to vector<1x16xf32>
        tpu.vector_store %arg5[%swap3A_3754, %swap3A_3755], %swap3A_3758 {strides = array<i32>} : memref<21x128xf32, #tpu.memory_space<vmem>>, vector<1x16xf32>,
        %mul3A_3759 = arith.constant 16 : i32
        %mul3A_3760 = arith.muli %scan3A_17, %mul3A_3759 : i32
        %swap3A_3761 = arith.constant 5 : i32
        %swap3A_3762 = arith.index_cast %swap3A_3761 : i32 to index
        %swap3A_3763 = arith.index_cast %mul3A_3760 : i32 to index
        %swap3A_3764 = tpu.vector_load %arg5[%swap3A_3762, %swap3A_3763] {strides = array<i32>} : memref<21x128xf32, #tpu.memory_space<vmem>>, vector<1x16xf32>,
        %swap3A_3765 = vector.shape_cast %swap3A_3764 : vector<1x16xf32> to vector<16xf32>
        %swap3A_3766 = vector.shape_cast %add3A_3584 : vector<16xf32> to vector<1x16xf32>
        tpu.vector_store %arg5[%swap3A_3762, %swap3A_3763], %swap3A_3766 {strides = array<i32>} : memref<21x128xf32, #tpu.memory_space<vmem>>, vector<1x16xf32>,
        %mul3A_3767 = arith.constant 16 : i32
        %mul3A_3768 = arith.muli %scan3A_17, %mul3A_3767 : i32
        %swap3A_3769 = arith.constant 6 : i32
        %swap3A_3770 = arith.index_cast %swap3A_3769 : i32 to index
        %swap3A_3771 = arith.index_cast %mul3A_3768 : i32 to index
        %swap3A_3772 = tpu.vector_load %arg5[%swap3A_3770, %swap3A_3771] {strides = array<i32>} : memref<21x128xf32, #tpu.memory_space<vmem>>, vector<1x16xf32>,
        %swap3A_3773 = vector.shape_cast %swap3A_3772 : vector<1x16xf32> to vector<16xf32>
        %swap3A_3774 = vector.shape_cast %add3A_3593 : vector<16xf32> to vector<1x16xf32>
        tpu.vector_store %arg5[%swap3A_3770, %swap3A_3771], %swap3A_3774 {strides = array<i32>} : memref<21x128xf32, #tpu.memory_space<vmem>>, vector<1x16xf32>,
        %mul3A_3775 = arith.constant 16 : i32
        %mul3A_3776 = arith.muli %scan3A_17, %mul3A_3775 : i32
        %swap3A_3777 = arith.constant 7 : i32
        %swap3A_3778 = arith.index_cast %swap3A_3777 : i32 to index
        %swap3A_3779 = arith.index_cast %mul3A_3776 : i32 to index
        %swap3A_3780 = tpu.vector_load %arg5[%swap3A_3778, %swap3A_3779] {strides = array<i32>} : memref<21x128xf32, #tpu.memory_space<vmem>>, vector<1x16xf32>,
        %swap3A_3781 = vector.shape_cast %swap3A_3780 : vector<1x16xf32> to vector<16xf32>
        %swap3A_3782 = vector.shape_cast %add3A_3602 : vector<16xf32> to vector<1x16xf32>
        tpu.vector_store %arg5[%swap3A_3778, %swap3A_3779], %swap3A_3782 {strides = array<i32>} : memref<21x128xf32, #tpu.memory_space<vmem>>, vector<1x16xf32>,
        %mul3A_3783 = arith.constant 16 : i32
        %mul3A_3784 = arith.muli %scan3A_17, %mul3A_3783 : i32
        %swap3A_3785 = arith.constant 8 : i32
        %swap3A_3786 = arith.index_cast %swap3A_3785 : i32 to index
        %swap3A_3787 = arith.index_cast %mul3A_3784 : i32 to index
        %swap3A_3788 = tpu.vector_load %arg5[%swap3A_3786, %swap3A_3787] {strides = array<i32>} : memref<21x128xf32, #tpu.memory_space<vmem>>, vector<1x16xf32>,
        %swap3A_3789 = vector.shape_cast %swap3A_3788 : vector<1x16xf32> to vector<16xf32>
        %swap3A_3790 = vector.shape_cast %add3A_3611 : vector<16xf32> to vector<1x16xf32>
        tpu.vector_store %arg5[%swap3A_3786, %swap3A_3787], %swap3A_3790 {strides = array<i32>} : memref<21x128xf32, #tpu.memory_space<vmem>>, vector<1x16xf32>,
        %mul3A_3791 = arith.constant 16 : i32
        %mul3A_3792 = arith.muli %scan3A_17, %mul3A_3791 : i32
        %swap3A_3793 = arith.constant 9 : i32
        %swap3A_3794 = arith.index_cast %swap3A_3793 : i32 to index
        %swap3A_3795 = arith.index_cast %mul3A_3792 : i32 to index
        %swap3A_3796 = tpu.vector_load %arg5[%swap3A_3794, %swap3A_3795] {strides = array<i32>} : memref<21x128xf32, #tpu.memory_space<vmem>>, vector<1x16xf32>,
        %swap3A_3797 = vector.shape_cast %swap3A_3796 : vector<1x16xf32> to vector<16xf32>
        %swap3A_3798 = vector.shape_cast %add3A_3620 : vector<16xf32> to vector<1x16xf32>
        tpu.vector_store %arg5[%swap3A_3794, %swap3A_3795], %swap3A_3798 {strides = array<i32>} : memref<21x128xf32, #tpu.memory_space<vmem>>, vector<1x16xf32>,
        %mul3A_3799 = arith.constant 16 : i32
        %mul3A_3800 = arith.muli %scan3A_17, %mul3A_3799 : i32
        %swap3A_3801 = arith.constant 10 : i32
        %swap3A_3802 = arith.index_cast %swap3A_3801 : i32 to index
        %swap3A_3803 = arith.index_cast %mul3A_3800 : i32 to index
        %swap3A_3804 = tpu.vector_load %arg5[%swap3A_3802, %swap3A_3803] {strides = array<i32>} : memref<21x128xf32, #tpu.memory_space<vmem>>, vector<1x16xf32>,
        %swap3A_3805 = vector.shape_cast %swap3A_3804 : vector<1x16xf32> to vector<16xf32>
        %swap3A_3806 = vector.shape_cast %add3A_3629 : vector<16xf32> to vector<1x16xf32>
        tpu.vector_store %arg5[%swap3A_3802, %swap3A_3803], %swap3A_3806 {strides = array<i32>} : memref<21x128xf32, #tpu.memory_space<vmem>>, vector<1x16xf32>,
        %mul3A_3807 = arith.constant 16 : i32
        %mul3A_3808 = arith.muli %scan3A_17, %mul3A_3807 : i32
        %swap3A_3809 = arith.constant 11 : i32
        %swap3A_3810 = arith.index_cast %swap3A_3809 : i32 to index
        %swap3A_3811 = arith.index_cast %mul3A_3808 : i32 to index
        %swap3A_3812 = tpu.vector_load %arg5[%swap3A_3810, %swap3A_3811] {strides = array<i32>} : memref<21x128xf32, #tpu.memory_space<vmem>>, vector<1x16xf32>,
        %swap3A_3813 = vector.shape_cast %swap3A_3812 : vector<1x16xf32> to vector<16xf32>
        %swap3A_3814 = vector.shape_cast %add3A_3638 : vector<16xf32> to vector<1x16xf32>
        tpu.vector_store %arg5[%swap3A_3810, %swap3A_3811], %swap3A_3814 {strides = array<i32>} : memref<21x128xf32, #tpu.memory_space<vmem>>, vector<1x16xf32>,
        %mul3A_3815 = arith.constant 16 : i32
        %mul3A_3816 = arith.muli %scan3A_17, %mul3A_3815 : i32
        %swap3A_3817 = arith.constant 12 : i32
        %swap3A_3818 = arith.index_cast %swap3A_3817 : i32 to index
        %swap3A_3819 = arith.index_cast %mul3A_3816 : i32 to index
        %swap3A_3820 = tpu.vector_load %arg5[%swap3A_3818, %swap3A_3819] {strides = array<i32>} : memref<21x128xf32, #tpu.memory_space<vmem>>, vector<1x16xf32>,
        %swap3A_3821 = vector.shape_cast %swap3A_3820 : vector<1x16xf32> to vector<16xf32>
        %swap3A_3822 = vector.shape_cast %add3A_3647 : vector<16xf32> to vector<1x16xf32>
        tpu.vector_store %arg5[%swap3A_3818, %swap3A_3819], %swap3A_3822 {strides = array<i32>} : memref<21x128xf32, #tpu.memory_space<vmem>>, vector<1x16xf32>,
        %mul3A_3823 = arith.constant 16 : i32
        %mul3A_3824 = arith.muli %scan3A_17, %mul3A_3823 : i32
        %swap3A_3825 = arith.constant 13 : i32
        %swap3A_3826 = arith.index_cast %swap3A_3825 : i32 to index
        %swap3A_3827 = arith.index_cast %mul3A_3824 : i32 to index
        %swap3A_3828 = tpu.vector_load %arg5[%swap3A_3826, %swap3A_3827] {strides = array<i32>} : memref<21x128xf32, #tpu.memory_space<vmem>>, vector<1x16xf32>,
        %swap3A_3829 = vector.shape_cast %swap3A_3828 : vector<1x16xf32> to vector<16xf32>
        %swap3A_3830 = vector.shape_cast %add3A_3656 : vector<16xf32> to vector<1x16xf32>
        tpu.vector_store %arg5[%swap3A_3826, %swap3A_3827], %swap3A_3830 {strides = array<i32>} : memref<21x128xf32, #tpu.memory_space<vmem>>, vector<1x16xf32>,
        %mul3A_3831 = arith.constant 16 : i32
        %mul3A_3832 = arith.muli %scan3A_17, %mul3A_3831 : i32
        %swap3A_3833 = arith.constant 14 : i32
        %swap3A_3834 = arith.index_cast %swap3A_3833 : i32 to index
        %swap3A_3835 = arith.index_cast %mul3A_3832 : i32 to index
        %swap3A_3836 = tpu.vector_load %arg5[%swap3A_3834, %swap3A_3835] {strides = array<i32>} : memref<21x128xf32, #tpu.memory_space<vmem>>, vector<1x16xf32>,
        %swap3A_3837 = vector.shape_cast %swap3A_3836 : vector<1x16xf32> to vector<16xf32>
        %swap3A_3838 = vector.shape_cast %add3A_3665 : vector<16xf32> to vector<1x16xf32>
        tpu.vector_store %arg5[%swap3A_3834, %swap3A_3835], %swap3A_3838 {strides = array<i32>} : memref<21x128xf32, #tpu.memory_space<vmem>>, vector<1x16xf32>,
        %mul3A_3839 = arith.constant 16 : i32
        %mul3A_3840 = arith.muli %scan3A_17, %mul3A_3839 : i32
        %swap3A_3841 = arith.constant 15 : i32
        %swap3A_3842 = arith.index_cast %swap3A_3841 : i32 to index
        %swap3A_3843 = arith.index_cast %mul3A_3840 : i32 to index
        %swap3A_3844 = tpu.vector_load %arg5[%swap3A_3842, %swap3A_3843] {strides = array<i32>} : memref<21x128xf32, #tpu.memory_space<vmem>>, vector<1x16xf32>,
        %swap3A_3845 = vector.shape_cast %swap3A_3844 : vector<1x16xf32> to vector<16xf32>
        %swap3A_3846 = vector.shape_cast %add3A_3674 : vector<16xf32> to vector<1x16xf32>
        tpu.vector_store %arg5[%swap3A_3842, %swap3A_3843], %swap3A_3846 {strides = array<i32>} : memref<21x128xf32, #tpu.memory_space<vmem>>, vector<1x16xf32>,
        %mul3A_3847 = arith.constant 16 : i32
        %mul3A_3848 = arith.muli %scan3A_17, %mul3A_3847 : i32
        %swap3A_3849 = arith.constant 16 : i32
        %swap3A_3850 = arith.index_cast %swap3A_3849 : i32 to index
        %swap3A_3851 = arith.index_cast %mul3A_3848 : i32 to index
        %swap3A_3852 = tpu.vector_load %arg5[%swap3A_3850, %swap3A_3851] {strides = array<i32>} : memref<21x128xf32, #tpu.memory_space<vmem>>, vector<1x16xf32>,
        %swap3A_3853 = vector.shape_cast %swap3A_3852 : vector<1x16xf32> to vector<16xf32>
        %swap3A_3854 = vector.shape_cast %add3A_3683 : vector<16xf32> to vector<1x16xf32>
        tpu.vector_store %arg5[%swap3A_3850, %swap3A_3851], %swap3A_3854 {strides = array<i32>} : memref<21x128xf32, #tpu.memory_space<vmem>>, vector<1x16xf32>,
        %mul3A_3855 = arith.constant 16 : i32
        %mul3A_3856 = arith.muli %scan3A_17, %mul3A_3855 : i32
        %swap3A_3857 = arith.constant 17 : i32
        %swap3A_3858 = arith.index_cast %swap3A_3857 : i32 to index
        %swap3A_3859 = arith.index_cast %mul3A_3856 : i32 to index
        %swap3A_3860 = tpu.vector_load %arg5[%swap3A_3858, %swap3A_3859] {strides = array<i32>} : memref<21x128xf32, #tpu.memory_space<vmem>>, vector<1x16xf32>,
        %swap3A_3861 = vector.shape_cast %swap3A_3860 : vector<1x16xf32> to vector<16xf32>
        %swap3A_3862 = vector.shape_cast %add3A_3692 : vector<16xf32> to vector<1x16xf32>
        tpu.vector_store %arg5[%swap3A_3858, %swap3A_3859], %swap3A_3862 {strides = array<i32>} : memref<21x128xf32, #tpu.memory_space<vmem>>, vector<1x16xf32>,
        %mul3A_3863 = arith.constant 16 : i32
        %mul3A_3864 = arith.muli %scan3A_17, %mul3A_3863 : i32
        %swap3A_3865 = arith.constant 18 : i32
        %swap3A_3866 = arith.index_cast %swap3A_3865 : i32 to index
        %swap3A_3867 = arith.index_cast %mul3A_3864 : i32 to index
        %swap3A_3868 = tpu.vector_load %arg5[%swap3A_3866, %swap3A_3867] {strides = array<i32>} : memref<21x128xf32, #tpu.memory_space<vmem>>, vector<1x16xf32>,
        %swap3A_3869 = vector.shape_cast %swap3A_3868 : vector<1x16xf32> to vector<16xf32>
        %swap3A_3870 = vector.shape_cast %add3A_3701 : vector<16xf32> to vector<1x16xf32>
        tpu.vector_store %arg5[%swap3A_3866, %swap3A_3867], %swap3A_3870 {strides = array<i32>} : memref<21x128xf32, #tpu.memory_space<vmem>>, vector<1x16xf32>,
        %mul3A_3871 = arith.constant 16 : i32
        %mul3A_3872 = arith.muli %scan3A_17, %mul3A_3871 : i32
        %swap3A_3873 = arith.constant 19 : i32
        %swap3A_3874 = arith.index_cast %swap3A_3873 : i32 to index
        %swap3A_3875 = arith.index_cast %mul3A_3872 : i32 to index
        %swap3A_3876 = tpu.vector_load %arg5[%swap3A_3874, %swap3A_3875] {strides = array<i32>} : memref<21x128xf32, #tpu.memory_space<vmem>>, vector<1x16xf32>,
        %swap3A_3877 = vector.shape_cast %swap3A_3876 : vector<1x16xf32> to vector<16xf32>
        %swap3A_3878 = vector.shape_cast %add3A_3710 : vector<16xf32> to vector<1x16xf32>
        tpu.vector_store %arg5[%swap3A_3874, %swap3A_3875], %swap3A_3878 {strides = array<i32>} : memref<21x128xf32, #tpu.memory_space<vmem>>, vector<1x16xf32>,
        %mul3A_3879 = arith.constant 16 : i32
        %mul3A_3880 = arith.muli %scan3A_17, %mul3A_3879 : i32
        %swap3A_3881 = arith.constant 20 : i32
        %swap3A_3882 = arith.index_cast %swap3A_3881 : i32 to index
        %swap3A_3883 = arith.index_cast %mul3A_3880 : i32 to index
        %swap3A_3884 = tpu.vector_load %arg5[%swap3A_3882, %swap3A_3883] {strides = array<i32>} : memref<21x128xf32, #tpu.memory_space<vmem>>, vector<1x16xf32>,
        %swap3A_3885 = vector.shape_cast %swap3A_3884 : vector<1x16xf32> to vector<16xf32>
        %swap3A_3886 = vector.shape_cast %add3A_3719 : vector<16xf32> to vector<1x16xf32>
        tpu.vector_store %arg5[%swap3A_3882, %swap3A_3883], %swap3A_3886 {strides = array<i32>} : memref<21x128xf32, #tpu.memory_space<vmem>>, vector<1x16xf32>,
      }
      %scan3A_14 = arith.constant 8 : i32
      %mul3A_15 = arith.constant 16 : i32
      %mul3A_16 = arith.muli %mul3A_2, %mul3A_15 : i32
      "tpu.region"() ({
        %run_scoped3A = tpu.sem_alloc : memref<!tpu.dma_semaphore, #tpu.memory_space<semaphore_mem>>
        %dma_start3A = arith.constant 0 : i32
        %dma_start3A_17 = tpu.memref_slice %arg3[%dma_start3A, %mul3A_16] : memref<21x2048xf32, #tpu.memory_space<hbm>> -> memref<21x128xf32, #tpu.memory_space<hbm>>
        %dma_start3A_18 = arith.constant 0 : i32
        %dma_start3A_19 = tpu.memref_slice %arg3[%dma_start3A_18, %mul3A_16] : memref<21x2048xf32, #tpu.memory_space<hbm>> -> memref<21x128xf32, #tpu.memory_space<hbm>>
        tpu.enqueue_dma source(%arg5 : memref<21x128xf32, #tpu.memory_space<vmem>>) target(%dma_start3A_19 : memref<21x128xf32, #tpu.memory_space<hbm>>) target_semaphore(%run_scoped3A : memref<!tpu.dma_semaphore, #tpu.memory_space<semaphore_mem>>)
        %dma_wait3A = arith.constant 0 : i32
        %dma_wait3A_20 = tpu.memref_slice %arg3[%dma_wait3A, %mul3A_16] : memref<21x2048xf32, #tpu.memory_space<hbm>> -> memref<21x128xf32, #tpu.memory_space<hbm>>
        %dma_wait3A_21 = arith.constant 0 : i32
        %dma_wait3A_22 = tpu.memref_slice %arg3[%dma_wait3A_21, %mul3A_16] : memref<21x2048xf32, #tpu.memory_space<hbm>> -> memref<21x128xf32, #tpu.memory_space<hbm>>
        tpu.wait_dma2 semaphore(%run_scoped3A : memref<!tpu.dma_semaphore, #tpu.memory_space<semaphore_mem>>) src(%arg5 : memref<21x128xf32, #tpu.memory_space<vmem>>) dst(%dma_wait3A_22 : memref<21x128xf32, #tpu.memory_space<hbm>>)
        tpu.yield
      }) : () -> ()
    } else {
    }
    return
  }
}

module attributes {stable_mosaic.version = 14 : i64} {
  func.func @_tc_body(%arg0: i32, %arg1: memref<21x2048xf32, #tpu.memory_space<vmem>>, %arg2: memref<21x2048xf32, #tpu.memory_space<vmem>>, %arg3: memref<128x2048xf32, #tpu.memory_space<vmem>>, %arg4: memref<3x2048xf32, #tpu.memory_space<vmem>>, %arg5: memref<16x2048xf32, #tpu.memory_space<vmem>>) attributes {dimension_semantics = [#tpu.dimension_semantics<arbitrary>], iteration_bounds = array<i64: 1>, scalar_prefetch = 0 : i64, scratch_operands = 0 : i64, tpu.core_type = #tpu.core_type<tc>, window_params = [{pipeline_mode = #tpu.pipeline_mode<synchronous>, transform_indices = @transform_0, window_bounds = array<i64: 21, 2048>}, {transform_indices = @transform_1, window_bounds = array<i64: 21, 2048>}, {transform_indices = @transform_2, window_bounds = array<i64: 128, 2048>}, {transform_indices = @transform_3, window_bounds = array<i64: 3, 2048>}, {transform_indices = @transform_4, window_bounds = array<i64: 16, 2048>}]} {
    %get3A = arith.constant 0 : index
    %get3A_0 = arith.constant 0 : index
    %get3A_1 = vector.load %arg1[%get3A, %get3A_0] : memref<21x2048xf32, #tpu.memory_space<vmem>>, vector<21x2048xf32>
    %get3A_2 = arith.constant 0 : index
    %get3A_3 = arith.constant 0 : index
    %get3A_4 = vector.load %arg2[%get3A_2, %get3A_3] : memref<21x2048xf32, #tpu.memory_space<vmem>>, vector<21x2048xf32>
    %dot_general3A = arith.constant dense<0.000000e+00> : vector<2048x2048xf32>
    %dot_general3A_5 = tpu.matmul %get3A_1, %get3A_4, %dot_general3A {dimension_numbers = #tpu.dot_dimension_numbers<[0], [0], [1], [1], [0, 1, 1, 1], [], []>, transpose_lhs_hint = false} : vector<21x2048xf32>, vector<21x2048xf32>, vector<2048x2048xf32> -> vector<2048x2048xf32>
    %get3A_6 = arith.constant 0 : index
    %get3A_7 = arith.constant 0 : index
    %get3A_8 = vector.load %arg3[%get3A_6, %get3A_7] : memref<128x2048xf32, #tpu.memory_space<vmem>>, vector<128x2048xf32>
    %broadcast_in_dim3A = vector.shape_cast %get3A_8 : vector<128x2048xf32> to vector<128x1x2048xf32>
    %broadcast_in_dim3A_9 = vector.shape_cast %broadcast_in_dim3A : vector<128x1x2048xf32> to vector<128x1x2048xf32>
    %broadcast_in_dim3A_10 = vector.broadcast %broadcast_in_dim3A_9 : vector<128x1x2048xf32> to vector<128x16x2048xf32>
    %reshape3A = vector.shape_cast %broadcast_in_dim3A_10 : vector<128x16x2048xf32> to vector<2048x2048xf32>
    %mul3A = arith.mulf %dot_general3A_5, %reshape3A : vector<2048x2048xf32>
    %slice3A = vector.extract_strided_slice %mul3A {offsets = [0, 0], sizes = [2000, 2048], strides = [1, 1]} : vector<2048x2048xf32> to vector<2000x2048xf32>
    %slice3A_11 = vector.extract_strided_slice %mul3A {offsets = [16, 0], sizes = [2000, 2048], strides = [1, 1]} : vector<2048x2048xf32> to vector<2000x2048xf32>
    %mul3A_12 = arith.mulf %slice3A, %slice3A_11 : vector<2000x2048xf32>
    %slice3A_13 = vector.extract_strided_slice %mul3A {offsets = [32, 0], sizes = [2000, 2048], strides = [1, 1]} : vector<2048x2048xf32> to vector<2000x2048xf32>
    %mul3A_14 = arith.mulf %mul3A_12, %slice3A_13 : vector<2000x2048xf32>
    %slice3A_15 = vector.extract_strided_slice %mul3A {offsets = [48, 0], sizes = [2000, 2048], strides = [1, 1]} : vector<2048x2048xf32> to vector<2000x2048xf32>
    %mul3A_16 = arith.mulf %mul3A_14, %slice3A_15 : vector<2000x2048xf32>
    %reshape3A_17 = vector.shape_cast %mul3A_16 : vector<2000x2048xf32> to vector<125x16x2048xf32>
    %reduce_sum3A = arith.constant dense<0.000000e+00> : vector<16x2048xf32>
    %reduce_sum3A_18 = vector.multi_reduction <add>, %reshape3A_17, %reduce_sum3A [0] : vector<125x16x2048xf32> to vector<16x2048xf32>
    %get3A_19 = arith.constant 0 : index
    %get3A_20 = arith.constant 0 : index
    %get3A_21 = vector.load %arg4[%get3A_19, %get3A_20] : memref<3x2048xf32, #tpu.memory_space<vmem>>, vector<1x2048xf32>
    %get3A_22 = vector.shape_cast %get3A_21 : vector<1x2048xf32> to vector<2048xf32>
    %get3A_23 = arith.constant 1 : index
    %get3A_24 = arith.constant 0 : index
    %get3A_25 = vector.load %arg4[%get3A_23, %get3A_24] : memref<3x2048xf32, #tpu.memory_space<vmem>>, vector<1x2048xf32>
    %get3A_26 = vector.shape_cast %get3A_25 : vector<1x2048xf32> to vector<2048xf32>
    %mul3A_27 = arith.mulf %get3A_22, %get3A_26 : vector<2048xf32>
    %get3A_28 = arith.constant 2 : index
    %get3A_29 = arith.constant 0 : index
    %get3A_30 = vector.load %arg4[%get3A_28, %get3A_29] : memref<3x2048xf32, #tpu.memory_space<vmem>>, vector<1x2048xf32>
    %get3A_31 = vector.shape_cast %get3A_30 : vector<1x2048xf32> to vector<2048xf32>
    %mul3A_32 = arith.mulf %mul3A_27, %get3A_31 : vector<2048xf32>
    %broadcast_in_dim3A_33 = vector.shape_cast %mul3A_32 : vector<2048xf32> to vector<1x2048xf32>
    %mul3A_34 = vector.broadcast %broadcast_in_dim3A_33 : vector<1x2048xf32> to vector<16x2048xf32>
    %mul3A_35 = arith.mulf %reduce_sum3A_18, %mul3A_34 : vector<16x2048xf32>
    %gt3A = arith.constant 0.000000e+00 : f32
    %gt3A_36 = vector.broadcast %gt3A : f32 to vector<16x2048xf32>
    %gt3A_37 = arith.cmpf ogt, %mul3A_35, %gt3A_36 : vector<16x2048xf32>
    %jit3A = arith.constant 1.000000e+00 : f32
    %jit3A_38 = arith.constant -1.000000e+00 : f32
    %broadcast_in_dim3A_39 = vector.broadcast %jit3A : f32 to vector<16x2048xf32>
    %broadcast_in_dim3A_40 = vector.broadcast %jit3A_38 : f32 to vector<16x2048xf32>
    %select_n3A = arith.select %gt3A_37, %broadcast_in_dim3A_39, %broadcast_in_dim3A_40 : vector<16x2048xi1>, vector<16x2048xf32>
    %swap3A = arith.constant 0 : index
    %swap3A_41 = arith.constant 0 : index
    %swap3A_42 = vector.load %arg5[%swap3A, %swap3A_41] : memref<16x2048xf32, #tpu.memory_space<vmem>>, vector<16x2048xf32>
    tpu.vector_store %arg5[%swap3A, %swap3A_41], %select_n3A {strides = array<i32>} : memref<16x2048xf32, #tpu.memory_space<vmem>>, vector<16x2048xf32>,
    return
  }
  func.func @transform_0(%arg0: i32) -> (i32, i32) {
    %c0_i32 = arith.constant 0 : i32
    %c0_i32_0 = arith.constant 0 : i32
    %c0_i32_1 = arith.constant 0 : i32
    return %c0_i32, %c0_i32_0 : i32, i32
  }
  func.func @transform_1(%arg0: i32) -> (i32, i32) {
    %c0_i32 = arith.constant 0 : i32
    %c0_i32_0 = arith.constant 0 : i32
    return %c0_i32, %arg0 : i32, i32
  }
  func.func @transform_2(%arg0: i32) -> (i32, i32) {
    %c0_i32 = arith.constant 0 : i32
    %c0_i32_0 = arith.constant 0 : i32
    return %c0_i32, %arg0 : i32, i32
  }
  func.func @transform_3(%arg0: i32) -> (i32, i32) {
    %c0_i32 = arith.constant 0 : i32
    %c0_i32_0 = arith.constant 0 : i32
    return %c0_i32, %arg0 : i32, i32
  }
  func.func @transform_4(%arg0: i32) -> (i32, i32) {
    %c0_i32 = arith.constant 0 : i32
    %c0_i32_0 = arith.constant 0 : i32
    return %c0_i32, %arg0 : i32, i32
  }
}

</mosaic_0001>

<sc_bundles>
// kernel: kernel.4.cloned.1.call-start
scs
__scs_entry_jumppad:
0x0: {  	(pc) =	sbr.rel $0x88, $3  }
0x1: {  	(tag) =	ssettag $0x0;
	lr =	simm.s32 $0x1  }
0x2: {  	[smem:$0x3F9D] =	sst lr;
	_ =	strace $0xD0000000  }
0x3: {  	_ = 	snop  }
0x4: {  	_ = 	snop  }
0x5: {  	_ = 	snop  }
0x6: {  	_ = 	snop  }
0x7: {  	_ = 	snop  }
__scs_overlays_trampoline_lowered:
0x8: {  	[smem:$0x3FAC] =	sst s0  }
0x9: {  	[smem:$0x3FAD] =	sst s1  }
0xa: {  	[smem:$0x3FAE] =	sst s2  }
0xb: {  	[smem:$0x3FAF] =	sst s3  }
0xc: {  	[smem:$0x3FB0] =	sst s4  }
0xd: {  	[smem:$0x3FB1] =	sst s5  }
0xe: {  	[smem:$0x3FB2] =	sst s6  }
0xf: {  	[smem:$0x3FB3] =	sst s7  }
0x10: {  	[smem:$0x3FB4] =	sst s8  }
0x11: {  	[smem:$0x3FB5] =	sst s9;
	s0 =	simm.s32 @!p0 $0x0  }
0x12: {  	s1 =	sld [smem:$0x3F9B];
	s0 =	simm.s32 @p0 $0x1  }
0x13: {  	[smem:$0x3FB6] =	sst s0;
	s0 =	simm.s32 @!p1 $0x0  }
0x14: {  	s2 =	sld [smem:$0x3F9A];
	s0 =	simm.s32 @p1 $0x1  }
0x15: {  	[smem:$0x3FB7] =	sst s0;
	s0 =	simm.s32 @!p2 $0x0  }
0x16: {  	s3 =	sld [smem:$0x3FDB];
	s0 =	simm.s32 @p2 $0x1  }
0x17: {  	s4 =	simm.s32 $0x1BF5;
	[smem:$0x3FB9] =	sst s0  }
0x18: {  	s0 =	sld [smem:$0x3F9C];
	_ =	swait.ge [sflag:s4], $0x0  }
0x19: {  	s7 =	sld [smem:$0x3F9D]  }
0x1a: {  	s8 =	sadd.s32 $0xFFFFE003, lr  }
0x1b: {  	s9 =	sadd.s32 $0xFFFFFEF7, lr;
	s5 =	simm.s32 $0xFFFFFFFF;
	p2 =	slt.u32 s8, $0xFFFFF086  }
0x1c: {  	p1 =	slt.u32 s9, $0xF7A;
	s5 =	simm.s32 @!p2 $0x0  }
0x1d: {  	s5 =	simm.s32 @p1 $0x1;
	p0 =	seq.s32 s7, s2  }
0x1e: {  	s7 =	smul.u32 @!p0 $0xF7A, s2;
	p2 =	seq.s32 @!p0 s5, $0x0  }
0x1f: {  	s9 =	smul.u32 $0xF7A, s1;
	s8 =	simm.s32 @!p0 $0x1BF5;
	p2 =	por !p2, p0  }
0x20: {  	[sflag:s8] =	ssyncset.s32 @!p0 $0xFFFFF086;
	s6 =	sadd.s32 @!p0 s3, s7;
	s7 =	simm.s32 @!p0 $0x108  }
0x21: {  	s3 =	sadd.s32 s3, s9;
	s6 =	sadd.s32 @!p0 $0x88, s6;
	s7 =	simm.s32 @p2 $0x1082  }
0x22: {  	[simem:s7], [sflag:s8] =	dma.local @!p0 [hbm:s6], $0xF7A  }
0x23: {  	s9 =	sor.u32 $0xD0000000, s2;
	s6 =	simm.s32 $0x108;
	_ =	swait.ge @!p0 [sflag:s8], $0x0  }
0x24: {  	s3 =	sadd.s32 $0x88, s3;
	s6 =	simm.s32 @!p1 $0x1082;
	[sflag:s4] =	ssyncset.s32 $0xFFFFF086  }
0x25: {  	[simem:s6], [sflag:s4] =	dma.local [hbm:s3], $0xF7A  }
0x26: {  	[smem:$0x3F9D] =	sst s1;
	(tag) =	ssettag s2;
	_ =	strace s9  }
0x27: {  	s1 =	sld [smem:$0x3FAD]  }
0x28: {  	s2 =	sld [smem:$0x3FAE]  }
0x29: {  	s4 =	sld [smem:$0x3FB0]  }
0x2a: {  	p0 =	seq.s32 s5, $0x0;
	s5 =	sld [smem:$0x3FB1]  }
0x2b: {  	s6 =	sld [smem:$0x3FB2]  }
0x2c: {  	s7 =	sld [smem:$0x3FB3]  }
0x2d: {  	s3 =	simm.s32 $0x108;
	s8 =	sld [smem:$0x3FB4]  }
0x2e: {  	s3 =	simm.s32 @!p0 $0x1082;
	s9 =	sld [smem:$0x3FB5]  }
0x2f: {  	lr =	sadd.s32 s0, s3;
	s0 =	sld [smem:$0x3FAC]  }
0x30: {  	s3 =	sld [smem:$0x3FAF]  }
0x31: {  	[smem:$0x3FB8] =	sst s10  }
0x32: {  	s10 =	sld [smem:$0x3FB6];
	_ =	sdelay $0x3  }
0x33: {  	p0 =	seq.s32 s10, $0x1;
	s10 =	sld [smem:$0x3FB8];
	_ =	sdelay $0x3  }
0x34: {  	[smem:$0x3FB8] =	sst s10  }
0x35: {  	s10 =	sld [smem:$0x3FB7];
	_ =	sdelay $0x3  }
0x36: {  	p1 =	seq.s32 s10, $0x1;
	s10 =	sld [smem:$0x3FB8];
	_ =	sdelay $0x3  }
0x37: {  	[smem:$0x3FB8] =	sst s10  }
0x38: {  	s10 =	sld [smem:$0x3FB9]  }
0x39: {  	_ = 	snop;
	(pc) =	sbr.ind lr, $3  }
0x3a: {  	_ = 	snop  }
0x3b: {  	_ = 	snop  }
0x3c: {  	p2 =	seq.s32 s10, $0x1;
	s10 =	sld [smem:$0x3FB8]  }
0x3d: {  	_ =	shalt  }
0x3e: {  	_ =	shalt  }
0x3f: {  	_ =	shalt  }
0x40: {  	_ =	shalt  }
0x41: {  	_ =	shalt  }
0x42: {  	_ =	shalt  }
0x43: {  	_ =	shalt  }
0x44: {  	_ =	shalt  }
0x45: {  	_ =	shalt  }
0x46: {  	_ =	shalt  }
0x47: {  	_ =	shalt  }
0x48: {  	_ =	shalt  }
0x49: {  	_ =	shalt  }
0x4a: {  	_ =	shalt  }
0x4b: {  	_ =	shalt  }
0x4c: {  	_ =	shalt  }
0x4d: {  	_ =	shalt  }
0x4e: {  	_ =	shalt  }
0x4f: {  	_ =	shalt  }
0x50: {  	_ =	shalt  }
0x51: {  	_ =	shalt  }
0x52: {  	_ =	shalt  }
0x53: {  	_ =	shalt  }
0x54: {  	_ =	shalt  }
0x55: {  	_ =	shalt  }
0x56: {  	_ =	shalt  }
0x57: {  	_ =	shalt  }
0x58: {  	_ =	shalt  }
0x59: {  	_ =	shalt  }
0x5a: {  	_ =	shalt  }
0x5b: {  	_ =	shalt  }
0x5c: {  	_ =	shalt  }
0x5d: {  	_ =	shalt  }
0x5e: {  	_ =	shalt  }
0x5f: {  	_ =	shalt  }
0x60: {  	_ =	shalt  }
0x61: {  	_ =	shalt  }
0x62: {  	_ =	shalt  }
0x63: {  	_ =	shalt  }
0x64: {  	_ =	shalt  }
0x65: {  	_ =	shalt  }
0x66: {  	_ =	shalt  }
0x67: {  	_ =	shalt  }
0x68: {  	_ =	shalt  }
0x69: {  	_ =	shalt  }
0x6a: {  	_ =	shalt  }
0x6b: {  	_ =	shalt  }
0x6c: {  	_ =	shalt  }
0x6d: {  	_ =	shalt  }
0x6e: {  	_ =	shalt  }
0x6f: {  	_ =	shalt  }
0x70: {  	_ =	shalt  }
0x71: {  	_ =	shalt  }
0x72: {  	_ =	shalt  }
0x73: {  	_ =	shalt  }
0x74: {  	_ =	shalt  }
0x75: {  	_ =	shalt  }
0x76: {  	_ =	shalt  }
0x77: {  	_ =	shalt  }
0x78: {  	_ =	shalt  }
0x79: {  	_ =	shalt  }
0x7a: {  	_ =	shalt  }
0x7b: {  	_ =	shalt  }
0x7c: {  	_ =	shalt  }
0x7d: {  	_ =	shalt  }
0x7e: {  	_ =	shalt  }
0x7f: {  	_ =	shalt  }
0x80: {  	_ =	shalt  }
0x81: {  	_ =	shalt  }
0x82: {  	_ =	shalt  }
0x83: {  	_ =	shalt  }
0x84: {  	_ =	shalt  }
0x85: {  	_ =	shalt  }
0x86: {  	_ =	shalt  }
0x87: {  	_ =	shalt  }
.Lfunc_end0:
.L_simem_size_0:
called_computation_lowered:
.L_overlay_start_0:
0x88: {  	s2 =	sld [smem:$0x3FD9]  }
0x89: {  	s3 =	sld [smem:$0x3FFE];
	_ =	sdelay $0x1  }
0x8a: {  	s1 =	srdreg.scid  }
0x8b: {  	s0 =	sand.u32 $0x1, s1  }
0x8c: {  	s17 =	sshll.u32 s0, $0xA;
	s2 =	sadd.s32 s3, s2  }
0x8d: {  	s2 =	sadd.s32 s2, s17  }
0x8e: {  	[smem:$0x3FC4] =	sst s2  }
0x8f: {  	_ = 	snop  }
0x90: {  	s2 =	sld [smem:$0x3FD0];
	(tm) =	ssettm $0x1  }
0x91: {  	s18 =	sld [smem:$0x3FFB];
	_ =	sdelay $0x3  }
0x92: {  	_ =	strace s18  }
0x93: {  	s3 =	sld [smem:$0x3FFC];
	_ =	sdelay $0x3  }
0x94: {  	_ =	strace s3  }
0x95: {  	s3 =	sld [smem:$0x3FFD];
	_ =	sdelay $0x3  }
0x96: {  	_ =	strace s3  }
0x97: {  	_ =	strace $0x8FFFFFFF  }
0x98: {  	s19 =	sld [smem:$0x3FDB];
	_ =	sdelay $0x1  }
0x99: {  	s4 =	simm.s32 $_scs_section_size  }
0x9a: {  	s5 =	simm.s32 $_size__tile_overlayer_lowered;
	s6 =	simm.s32 $_tile_overlayer_lowered  }
0x9b: {  	s22 =	simm.s32 $0x1BFF;
	s21 =	sshll.u32 s6, $0x1;
	s3 =	sadd.s32 s4, s19  }
0x9c: {  	s7 =	simm.s32 $0x0;
	s20 =	sshll.u32 s5, $0x1;
	s5 =	sadd.s32 s21, s3  }
0x9d: {  	[timem:s7], [sflag:s22] =	dma.local [hbm:s5], s20  }
0x9e: {  	_ =	swait.ge [sflag:s22], s20  }
0x9f: {  	s4 =	ssub.s32 $0x0, s20;
	[sflag:s22] =	ssyncset.done $0x0  }
0xa0: {  	[sflag:s22] =	ssyncadd.s32 s4;
	_ =	sdelay $0x1  }
0xa1: {  	s23 =	simm.s32 $0x1B8B  }
0xa2: {  	_ =	swait.ge [sflag:s23], $0x1  }
0xa3: {  	[sflag:s23] =	ssyncset.done $0x0  }
0xa4: {  	s25 =	simm.s32 $0x1B8E;
	s24 =	sld [smem:$0x3FFE];
	[sflag:s23] =	ssyncadd.s32 $0xFFFFFFFF  }
0xa5: {  	s26 =	simm.s32 $execute0_lowered;
	[smem:$0x3FD2] =	sst s25  }
0xa6: {  	s5 =	sshll.u32 s26, $0x1;
	_ =	strace $0x80000046;
	[dreg:$0x1] =	wrdreg $0xFFFFFFFF  }
0xa7: {  	s28 =	simm.s32 $_size_execute0_lowered;
	s3 =	sadd.s32 s3, s5;
	[dreg:$0x0] =	wrdreg $0x0  }
0xa8: {  	s5 =	sshll.u32 s28, $0x1;
	[dreg:$0x2] =	wrdreg s3  }
0xa9: {  	[dreg:$0x3] =	wrdreg s5  }
0xaa: {  	[dreg:$0x4] =	wrdreg $0xC0  }
0xab: {  	_ =	task [dreg:s7], $0x5FFFF  }
0xac: {  	[dreg:$0x1] =	wrdreg $0xFFFFFFFF  }
0xad: {  	[dreg:$0x0] =	wrdreg $0x60  }
0xae: {  	[dreg:$0x2] =	wrdreg s2  }
0xaf: {  	[dreg:$0x3] =	wrdreg s24  }
0xb0: {  	[dreg:$0x4] =	wrdreg $0x9  }
0xb1: {  	_ =	task.clear_ibuf [dreg:s7], $0x5FFFF;
	_ =	strace $0x90000046  }
0xb2: {  	s29 =	simm.s32 $0x9;
	_ =	strace $0x80000048  }
0xb3: {  	_ =	swait.ge [sflag:s29], $0x1  }
0xb4: {  	[sflag:s29] =	ssyncadd.s32 $0xFFFFFFFF  }
0xb5: {  	_ =	strace $0x90000048  }
0xb6: {  	_ =	sfence  }
0xb7: {  	s30 =	sld [smem:$0x0];
	_ =	sdelay $0x2  }
0xb8: {  	s31 =	sshll.u32 s1, $0xD;
	s1 =	sshrl.u32 s1, $0x2  }
0xb9: {  	s3 =	sand.u32 $0x4000, s31;
	s1 =	sadd.s32 s1, s30  }
0xba: {  	s0 =	sor.u32 s3, s0;
	s1 =	sshll.u32 s1, $0x11  }
0xbb: {  	s0 =	sor.u32 s1, s0  }
0xbc: {  	s0 =	sadd.s32 $0x8F2B, s0  }
0xbd: {  	[sflag:s0] =	ssyncadd.remote.s32 $0x1  }
0xbe: {  	_ =	sfence.sel $0xFFFF  }
0xbf: {  	[dreg:$0x0] =	wrdreg $0xFFFFFFFF;
	(pc) =	sbr.abs _section_cstart, $3  }
0xc0: {  	[dreg:$0x1] =	wrdreg $0xFFFFFFFF  }
0xc1: {  	_ =	task.clear_ibuf [dreg:s7], $0x2FFFF;
	_ =	strace $0x9FFFFFFF  }
0xc2: {  	(tm) =	ssettm $0x7FFFFFFF  }
0xc3: {  	_ =	shalt  }
tec
execute0_lowered:
.L_overlay_start_1:
0x0: {  	(tag) =	ssettag $0x1  }
0x1: {  	s4 =	rddreg [dreg:$0x0]  }
0x2: {  	s3 =	rddreg [dreg:$0x1];
	s1 =	simm.s32 $0x0  }
0x3: {  	[smem:$0x7FF] =	sst s1  }
0x4: {  	s0 =	rddreg [dreg:$0x2];
	v0 =	vimm.f32 $2.000000000e+01;
	_ =	strace $0x80000047  }
0x5: {  	(erf) = vrcp.f32 v0;
	_ =	sdelay $0x2  }
0x6: {  	s2 =	stileid.u32  }
0x7: {  	p0 =	sgt.u32 s2, $0x7  }
.Ltmp0:
0x8: {  	_ = 	snop;
	(pc) =	sbr.rel @p0 .LBB2_5-.Ltmp0, $2  }
0x9: {  	_ =	sdelay $0x2  }
0xa: {  	v0 =	vpop (erf)  }
0xb: {  	s5 =	srdreg.scid  }
0xc: {  	s5 =	sand.u32 $0x1, s5  }
0xd: {  	s8 =	simm.s32 $0x4000;
	s9 =	simm.s32 $0x800;
	s6 =	sshll.u32 s5, $0x3  }
0xe: {  	s11 =	simm.s32 $0x1000;
	s5 =	ssub.s32 $0x2, s5;
	s6 =	sadd.s32 s2, s6  }
0xf: {  	s12 =	simm.s32 $0x0;
	s31 =	sshrl.u32 s5, $0x1;
	s7 =	sshll.u32 s6, $0x7  }
0x10: {  	s5 =	ssub.s32 s5, s31;
	s6 =	sshll.u32 s6, $0x8;
	s3 =	sadd.s32 s7, s3  }
0x11: {  	s4 =	sadd.s32 s4, s6;
	s5 =	smax.u32 s5, $0x1;
	s3 =	sadd.s32 $0xC00, s3  }
0x12: {  	v1 =	vimm.f32 $0.0e+00;
	s6 =	simm.s32 $0x1;
	s7 =	simm.s32 $0x400;
	s10 =	sadd.s32 $0x1000, s3  }
.LBB2_2:
0x13: {  	s13 =	simm.s32 $0x0  }
0x14: {  	[tilespmem:s13], [sflag:$0x1] =	stream.linear.gather [hbm4b:s4+s13], $0x800, $0x38;
	[tilespmem:$0x1400] =	vst v63  }
0x15: {  	_ =	swait.ge [sflag:s6], $0x800  }
0x16: {  	[sflag:s6] =	ssyncset.done $0x0  }
0x17: {  	s14 =	simm.s32 $0xD00;
	[sflag:s6] =	ssyncadd.s32 $0xFFFFF800  }
.LBB2_3:
0x18: {  	s15 =	sshra.s32 s13, $0x2  }
0x19: {  	v2 =	vld [tilespmem:s15+$0x0];
	_ =	sdelay $0x4  }
0x1a: {  	v2 =	vmul.f32 v2, v0;
	_ =	sdelay $0x1  }
0x1b: {  	v2 =	vmul.f32 $2.000000000e+01, v2;
	_ =	sdelay $0x1  }
0x1c: {  	v3 =	vtrunc.f32 v2  }
0x1d: {  	v48 =	vld [tilespmem:s15+$0x10];
	v3 =	vcvt.f32.s32 v3;
	_ =	sdelay $0x1  }
0x1e: {  	v4 =	vcvt.s32.f32 v3;
	_ =	sdelay $0x1  }
0x1f: {  	v2 =	vsub.f32 v2, v4  }
0x20: {  	v26 =	vld [tilespmem:s15+$0x20];
	v4 =	vmul.f32 v48, v0  }
0x21: {  	v47 =	vand.u32 $0x1, v3;
	vm0 =	veq.f32 v2, $5.000000000e-01  }
0x22: {  	vm1 =	vgt.f32 v2, $5.000000000e-01;
	v4 =	vmul.f32 $2.000000000e+01, v4;
	v2 =	vnsel vm0, $0x0, v47  }
0x23: {  	v2 =	vsel vm1, $0x1, v2  }
0x24: {  	v13 =	vtrunc.f32 v4;
	v2 =	vadd.s32 v3, v2  }
0x25: {  	v61 =	vmul.f32 v26, v0;
	v13 =	vcvt.f32.s32 v13;
	vm11 =	vlt.s32 v2, $0x1  }
0x26: {  	vm12 =	veq.s32 v2, $0x1;
	vm13 =	veq.s32 v2, $0x2;
	vm14 =	veq.s32 v2, $0x3  }
0x27: {  	vm15 =	veq.s32 v2, $0x4;
	vm2 =	veq.s32 v2, $0x5;
	vm4 =	veq.s32 v2, $0x6  }
0x28: {  	vm5 =	veq.s32 v2, $0x7;
	vm6 =	veq.s32 v2, $0x8;
	vm7 =	veq.s32 v2, $0x9  }
0x29: {  	vm8 =	veq.s32 v2, $0xA;
	vm9 =	veq.s32 v2, $0xB;
	vm10 =	veq.s32 v2, $0xC  }
0x2a: {  	v3 =	vsel vm11, $0x3F800000, v1;
	v5 =	vsel vm12, $0x3F800000, v1;
	v6 =	vsel vm13, $0x3F800000, v1  }
0x2b: {  	v7 =	vsel vm14, $0x3F800000, v1;
	v8 =	vsel vm15, $0x3F800000, v1;
	v9 =	vsel vm2, $0x3F800000, v1  }
0x2c: {  	v10 =	vsel vm4, $0x3F800000, v1;
	v11 =	vsel vm5, $0x3F800000, v1;
	v12 =	vsel vm6, $0x3F800000, v1  }
0x2d: {  	v14 =	vsel vm7, $0x3F800000, v1;
	v15 =	vsel vm8, $0x3F800000, v1;
	v16 =	vsel vm9, $0x3F800000, v1  }
0x2e: {  	vm11 =	veq.s32 v2, $0xD;
	v17 =	vcvt.s32.f32 v13;
	v18 =	vsel vm10, $0x3F800000, v1  }
0x2f: {  	vm12 =	veq.s32 v2, $0xE;
	vm13 =	veq.s32 v2, $0xF;
	vm14 =	veq.s32 v2, $0x10  }
0x30: {  	vm15 =	veq.s32 v2, $0x11;
	v22 =	vand.u32 $0x1, v13;
	v4 =	vsub.f32 v4, v17  }
0x31: {  	vm5 =	veq.s32 v2, $0x12;
	vm7 =	veq.s32 v2, $0x13;
	vm8 =	vgt.s32 v2, $0x13  }
0x32: {  	v19 =	vsel vm11, $0x3F800000, v1;
	v49 =	vsel vm12, $0x3F800000, v1;
	vm4 =	veq.f32 v4, $5.000000000e-01  }
0x33: {  	v20 =	vsel vm13, $0x3F800000, v1;
	vm6 =	vgt.f32 v4, $5.000000000e-01;
	v22 =	vnsel vm4, $0x0, v22  }
0x34: {  	v21 =	vsel vm14, $0x3F800000, v1;
	v50 =	vsel vm15, $0x3F800000, v1;
	v22 =	vsel vm6, $0x1, v22  }
0x35: {  	v23 =	vsel vm5, $0x3F800000, v1;
	v51 =	vsel vm7, $0x3F800000, v1;
	v2 =	vadd.s32 v13, v22  }
0x36: {  	v52 =	vsel vm8, $0x3F800000, v1;
	vm9 =	vlt.s32 v2, $0x1;
	vm10 =	veq.s32 v2, $0x1  }
0x37: {  	vm11 =	veq.s32 v2, $0x2;
	vm12 =	veq.s32 v2, $0x3;
	vm13 =	veq.s32 v2, $0x4  }
0x38: {  	vm14 =	veq.s32 v2, $0x5;
	vm15 =	veq.s32 v2, $0x6;
	vm4 =	veq.s32 v2, $0x7  }
0x39: {  	vm5 =	veq.s32 v2, $0x8;
	vm6 =	veq.s32 v2, $0x9;
	vm7 =	veq.s32 v2, $0xA  }
0x3a: {  	vm8 =	veq.s32 v2, $0xB;
	v24 =	vsel vm9, $0x3F800000, v1;
	v53 =	vsel vm10, $0x3F800000, v1  }
0x3b: {  	v25 =	vsel vm11, $0x3F800000, v1;
	v54 =	vsel vm12, $0x3F800000, v1;
	v55 =	vsel vm13, $0x3F800000, v1  }
0x3c: {  	v56 =	vsel vm14, $0x3F800000, v1;
	v57 =	vsel vm15, $0x3F800000, v1;
	v58 =	vsel vm4, $0x3F800000, v1  }
0x3d: {  	v59 =	vsel vm5, $0x3F800000, v1;
	v60 =	vsel vm6, $0x3F800000, v1;
	v62 =	vsel vm7, $0x3F800000, v1  }
0x3e: {  	v63 =	vsel vm8, $0x3F800000, v1;
	vm9 =	veq.s32 v2, $0xC;
	vm10 =	veq.s32 v2, $0xD  }
0x3f: {  	vm11 =	veq.s32 v2, $0xE;
	vm12 =	veq.s32 v2, $0xF;
	vm13 =	veq.s32 v2, $0x10  }
0x40: {  	vm14 =	veq.s32 v2, $0x11;
	vm15 =	veq.s32 v2, $0x12;
	v3 =	vadd.f32 v24, v3  }
0x41: {  	vm6 =	veq.s32 v2, $0x13;
	v5 =	vadd.f32 v53, v5;
	v6 =	vadd.f32 v25, v6  }
0x42: {  	v7 =	vadd.f32 v54, v7;
	v8 =	vadd.f32 v55, v8;
	v25 =	vmul.f32 $2.000000000e+01, v61  }
0x43: {  	vm7 =	vgt.s32 v2, $0x13;
	v9 =	vadd.f32 v56, v9;
	v10 =	vadd.f32 v57, v10  }
0x44: {  	v11 =	vadd.f32 v58, v11;
	v12 =	vadd.f32 v59, v12;
	v29 =	vtrunc.f32 v25  }
0x45: {  	v14 =	vadd.f32 v60, v14;
	v15 =	vadd.f32 v62, v15;
	v24 =	vcvt.f32.s32 v29  }
0x46: {  	v16 =	vadd.f32 v63, v16;
	v28 =	vsel vm9, $0x3F800000, v1;
	v30 =	vsel vm10, $0x3F800000, v1  }
0x47: {  	v31 =	vsel vm11, $0x3F800000, v1;
	v32 =	vsel vm12, $0x3F800000, v1;
	v27 =	vcvt.s32.f32 v24  }
0x48: {  	v46 =	vld [tilespmem:s15+$0x30];
	v33 =	vsel vm13, $0x3F800000, v1;
	v34 =	vsel vm14, $0x3F800000, v1;
	v35 =	vsel vm15, $0x3F800000, v1  }
0x49: {  	v2 =	vsel vm6, $0x3F800000, v1;
	v18 =	vadd.f32 v28, v18;
	v25 =	vsub.f32 v25, v27  }
0x4a: {  	v38 =	vsel vm7, $0x3F800000, v1;
	v19 =	vadd.f32 v30, v19;
	v17 =	vadd.f32 v31, v49  }
0x4b: {  	v20 =	vadd.f32 v32, v20;
	v36 =	vand.u32 $0x1, v24;
	vm4 =	veq.f32 v25, $5.000000000e-01  }
0x4c: {  	v21 =	vadd.f32 v33, v21;
	vm5 =	vgt.f32 v25, $5.000000000e-01;
	v37 =	vnsel vm4, $0x0, v36  }
0x4d: {  	v2 =	vadd.f32 v2, v51;
	v51 =	vmul.f32 v46, v0;
	v25 =	vsel vm5, $0x1, v37  }
0x4e: {  	v4 =	vadd.f32 v34, v50;
	v23 =	vadd.f32 v35, v23;
	v24 =	vadd.s32 v24, v25  }
0x4f: {  	v39 =	vadd.f32 v38, v52;
	v25 =	vmul.f32 $2.000000000e+01, v51;
	vm8 =	vlt.s32 v24, $0x1  }
0x50: {  	vm9 =	veq.s32 v24, $0x1;
	vm10 =	veq.s32 v24, $0x2;
	vm11 =	veq.s32 v24, $0x3  }
0x51: {  	vm12 =	veq.s32 v24, $0x4;
	vm13 =	veq.s32 v24, $0x5;
	vm14 =	veq.s32 v24, $0x6  }
0x52: {  	vm15 =	veq.s32 v24, $0x7;
	vm4 =	veq.s32 v24, $0x8;
	vm5 =	veq.s32 v24, $0x9  }
0x53: {  	vm6 =	veq.s32 v24, $0xA;
	vm7 =	veq.s32 v24, $0xB;
	v40 =	vsel vm8, $0x3F800000, v1  }
0x54: {  	v41 =	vsel vm9, $0x3F800000, v1;
	v42 =	vsel vm10, $0x3F800000, v1;
	v43 =	vsel vm11, $0x3F800000, v1  }
0x55: {  	v44 =	vsel vm12, $0x3F800000, v1;
	v45 =	vsel vm13, $0x3F800000, v1;
	v47 =	vsel vm14, $0x3F800000, v1  }
0x56: {  	v48 =	vsel vm15, $0x3F800000, v1;
	v49 =	vsel vm4, $0x3F800000, v1;
	v50 =	vsel vm5, $0x3F800000, v1  }
0x57: {  	v52 =	vsel vm6, $0x3F800000, v1;
	v53 =	vsel vm7, $0x3F800000, v1;
	vm8 =	veq.s32 v24, $0xC  }
0x58: {  	vm9 =	veq.s32 v24, $0xD;
	v55 =	vtrunc.f32 v25;
	vm10 =	veq.s32 v24, $0xE  }
0x59: {  	vm11 =	veq.s32 v24, $0xF;
	vm12 =	veq.s32 v24, $0x10;
	v3 =	vadd.f32 v40, v3  }
0x5a: {  	vm13 =	veq.s32 v24, $0x11;
	v5 =	vadd.f32 v41, v5;
	v6 =	vadd.f32 v42, v6  }
0x5b: {  	vm14 =	veq.s32 v24, $0x12;
	v7 =	vadd.f32 v43, v7;
	v8 =	vadd.f32 v44, v8  }
0x5c: {  	vm5 =	veq.s32 v24, $0x13;
	v9 =	vadd.f32 v45, v9;
	v10 =	vadd.f32 v47, v10  }
0x5d: {  	vm6 =	vgt.s32 v24, $0x13;
	v11 =	vadd.f32 v48, v11;
	v12 =	vadd.f32 v49, v12  }
0x5e: {  	v14 =	vadd.f32 v50, v14;
	v15 =	vadd.f32 v52, v15;
	v22 =	vcvt.f32.s32 v55  }
0x5f: {  	v16 =	vadd.f32 v53, v16;
	v54 =	vsel vm8, $0x3F800000, v1;
	v56 =	vsel vm9, $0x3F800000, v1  }
0x60: {  	v57 =	vsel vm10, $0x3F800000, v1;
	v58 =	vsel vm11, $0x3F800000, v1;
	v59 =	vcvt.s32.f32 v22  }
0x61: {  	v37 =	vld [tilespmem:s15+$0x40];
	v60 =	vsel vm12, $0x3F800000, v1;
	v61 =	vsel vm13, $0x3F800000, v1;
	v62 =	vsel vm14, $0x3F800000, v1  }
0x62: {  	v29 =	vsel vm5, $0x3F800000, v1;
	v18 =	vadd.f32 v54, v18;
	v25 =	vsub.f32 v25, v59  }
0x63: {  	v30 =	vsel vm6, $0x3F800000, v1;
	v19 =	vadd.f32 v56, v19;
	v17 =	vadd.f32 v57, v17  }
0x64: {  	v20 =	vadd.f32 v58, v20;
	v63 =	vand.u32 $0x1, v22;
	vm15 =	veq.f32 v25, $5.000000000e-01  }
0x65: {  	v21 =	vadd.f32 v60, v21;
	vm4 =	vgt.f32 v25, $5.000000000e-01;
	v28 =	vnsel vm15, $0x0, v63  }
0x66: {  	v4 =	vadd.f32 v61, v4;
	v42 =	vmul.f32 v37, v0;
	v25 =	vsel vm4, $0x1, v28  }
0x67: {  	v23 =	vadd.f32 v62, v23;
	v2 =	vadd.f32 v29, v2;
	v22 =	vadd.s32 v22, v25  }
0x68: {  	v13 =	vadd.f32 v30, v39;
	v25 =	vmul.f32 $2.000000000e+01, v42;
	vm7 =	vlt.s32 v22, $0x1  }
0x69: {  	vm8 =	veq.s32 v22, $0x1;
	vm9 =	veq.s32 v22, $0x2;
	vm10 =	veq.s32 v22, $0x3  }
0x6a: {  	vm11 =	veq.s32 v22, $0x4;
	vm12 =	veq.s32 v22, $0x5;
	vm13 =	veq.s32 v22, $0x6  }
0x6b: {  	vm14 =	veq.s32 v22, $0x7;
	vm15 =	veq.s32 v22, $0x8;
	vm4 =	veq.s32 v22, $0x9  }
0x6c: {  	vm5 =	veq.s32 v22, $0xA;
	vm6 =	veq.s32 v22, $0xB;
	v31 =	vsel vm7, $0x3F800000, v1  }
0x6d: {  	v32 =	vsel vm8, $0x3F800000, v1;
	v33 =	vsel vm9, $0x3F800000, v1;
	v34 =	vsel vm10, $0x3F800000, v1  }
0x6e: {  	v35 =	vsel vm11, $0x3F800000, v1;
	v36 =	vsel vm12, $0x3F800000, v1;
	v38 =	vsel vm13, $0x3F800000, v1  }
0x6f: {  	v39 =	vsel vm14, $0x3F800000, v1;
	v40 =	vsel vm15, $0x3F800000, v1;
	v41 =	vsel vm4, $0x3F800000, v1  }
0x70: {  	v43 =	vsel vm5, $0x3F800000, v1;
	v44 =	vsel vm6, $0x3F800000, v1;
	vm7 =	veq.s32 v22, $0xC  }
0x71: {  	vm8 =	veq.s32 v22, $0xD;
	v46 =	vtrunc.f32 v25;
	vm9 =	veq.s32 v22, $0xE  }
0x72: {  	vm10 =	veq.s32 v22, $0xF;
	vm11 =	veq.s32 v22, $0x10;
	v3 =	vadd.f32 v31, v3  }
0x73: {  	vm12 =	veq.s32 v22, $0x11;
	v5 =	vadd.f32 v32, v5;
	v6 =	vadd.f32 v33, v6  }
0x74: {  	vm13 =	veq.s32 v22, $0x12;
	v7 =	vadd.f32 v34, v7;
	v8 =	vadd.f32 v35, v8  }
0x75: {  	vm4 =	veq.s32 v22, $0x13;
	v9 =	vadd.f32 v36, v9;
	v10 =	vadd.f32 v38, v10  }
0x76: {  	vm5 =	vgt.s32 v22, $0x13;
	v11 =	vadd.f32 v39, v11;
	v12 =	vadd.f32 v40, v12  }
0x77: {  	v14 =	vadd.f32 v41, v14;
	v15 =	vadd.f32 v43, v15;
	v24 =	vcvt.f32.s32 v46  }
0x78: {  	v16 =	vadd.f32 v44, v16;
	v45 =	vsel vm7, $0x3F800000, v1;
	v47 =	vsel vm8, $0x3F800000, v1  }
0x79: {  	v48 =	vsel vm9, $0x3F800000, v1;
	v49 =	vsel vm10, $0x3F800000, v1;
	v50 =	vcvt.s32.f32 v24  }
0x7a: {  	v28 =	vld [tilespmem:s15+$0x50];
	v51 =	vsel vm11, $0x3F800000, v1;
	v52 =	vsel vm12, $0x3F800000, v1;
	v53 =	vsel vm13, $0x3F800000, v1  }
0x7b: {  	v56 =	vsel vm4, $0x3F800000, v1;
	v18 =	vadd.f32 v45, v18;
	v25 =	vsub.f32 v25, v50  }
0x7c: {  	v57 =	vsel vm5, $0x3F800000, v1;
	v19 =	vadd.f32 v47, v19;
	v17 =	vadd.f32 v48, v17  }
0x7d: {  	v20 =	vadd.f32 v49, v20;
	v54 =	vand.u32 $0x1, v24;
	vm14 =	veq.f32 v25, $5.000000000e-01  }
0x7e: {  	v21 =	vadd.f32 v51, v21;
	vm15 =	vgt.f32 v25, $5.000000000e-01;
	v55 =	vnsel vm14, $0x0, v54  }
0x7f: {  	v4 =	vadd.f32 v52, v4;
	v33 =	vmul.f32 v28, v0;
	v25 =	vsel vm15, $0x1, v55  }
0x80: {  	v23 =	vadd.f32 v53, v23;
	v2 =	vadd.f32 v56, v2;
	v24 =	vadd.s32 v24, v25  }
0x81: {  	v13 =	vadd.f32 v57, v13;
	v25 =	vmul.f32 $2.000000000e+01, v33;
	vm6 =	vlt.s32 v24, $0x1  }
0x82: {  	vm7 =	veq.s32 v24, $0x1;
	vm8 =	veq.s32 v24, $0x2;
	vm9 =	veq.s32 v24, $0x3  }
0x83: {  	vm10 =	veq.s32 v24, $0x4;
	vm11 =	veq.s32 v24, $0x5;
	vm12 =	veq.s32 v24, $0x6  }
0x84: {  	vm13 =	veq.s32 v24, $0x7;
	vm14 =	veq.s32 v24, $0x8;
	vm15 =	veq.s32 v24, $0x9  }
0x85: {  	vm4 =	veq.s32 v24, $0xA;
	vm5 =	veq.s32 v24, $0xB;
	v58 =	vsel vm6, $0x3F800000, v1  }
0x86: {  	v59 =	vsel vm7, $0x3F800000, v1;
	v60 =	vsel vm8, $0x3F800000, v1;
	v61 =	vsel vm9, $0x3F800000, v1  }
0x87: {  	v62 =	vsel vm10, $0x3F800000, v1;
	v63 =	vsel vm11, $0x3F800000, v1;
	v29 =	vsel vm12, $0x3F800000, v1  }
0x88: {  	v30 =	vsel vm13, $0x3F800000, v1;
	v31 =	vsel vm14, $0x3F800000, v1;
	v32 =	vsel vm15, $0x3F800000, v1  }
0x89: {  	v34 =	vsel vm4, $0x3F800000, v1;
	v35 =	vsel vm5, $0x3F800000, v1;
	vm6 =	veq.s32 v24, $0xC  }
0x8a: {  	vm7 =	veq.s32 v24, $0xD;
	v37 =	vtrunc.f32 v25;
	vm8 =	veq.s32 v24, $0xE  }
0x8b: {  	vm9 =	veq.s32 v24, $0xF;
	vm10 =	veq.s32 v24, $0x10;
	v3 =	vadd.f32 v58, v3  }
0x8c: {  	vm11 =	veq.s32 v24, $0x11;
	v5 =	vadd.f32 v59, v5;
	v6 =	vadd.f32 v60, v6  }
0x8d: {  	vm12 =	veq.s32 v24, $0x12;
	v7 =	vadd.f32 v61, v7;
	v8 =	vadd.f32 v62, v8  }
0x8e: {  	vm15 =	veq.s32 v24, $0x13;
	v9 =	vadd.f32 v63, v9;
	v10 =	vadd.f32 v29, v10  }
0x8f: {  	vm4 =	vgt.s32 v24, $0x13;
	v11 =	vadd.f32 v30, v11;
	v12 =	vadd.f32 v31, v12  }
0x90: {  	v14 =	vadd.f32 v32, v14;
	v15 =	vadd.f32 v34, v15;
	v22 =	vcvt.f32.s32 v37  }
0x91: {  	v16 =	vadd.f32 v35, v16;
	v36 =	vsel vm6, $0x3F800000, v1;
	v38 =	vsel vm7, $0x3F800000, v1  }
0x92: {  	v39 =	vsel vm8, $0x3F800000, v1;
	v40 =	vsel vm9, $0x3F800000, v1;
	v41 =	vcvt.s32.f32 v22  }
0x93: {  	v55 =	vld [tilespmem:s15+$0x60];
	v42 =	vsel vm10, $0x3F800000, v1;
	v43 =	vsel vm11, $0x3F800000, v1;
	v44 =	vsel vm12, $0x3F800000, v1  }
0x94: {  	v47 =	vsel vm15, $0x3F800000, v1;
	v18 =	vadd.f32 v36, v18;
	v25 =	vsub.f32 v25, v41  }
0x95: {  	v48 =	vsel vm4, $0x3F800000, v1;
	v19 =	vadd.f32 v38, v19;
	v17 =	vadd.f32 v39, v17  }
0x96: {  	v20 =	vadd.f32 v40, v20;
	v45 =	vand.u32 $0x1, v22;
	vm13 =	veq.f32 v25, $5.000000000e-01  }
0x97: {  	v21 =	vadd.f32 v42, v21;
	vm14 =	vgt.f32 v25, $5.000000000e-01;
	v46 =	vnsel vm13, $0x0, v45  }
0x98: {  	v4 =	vadd.f32 v43, v4;
	v60 =	vmul.f32 v55, v0;
	v25 =	vsel vm14, $0x1, v46  }
0x99: {  	v23 =	vadd.f32 v44, v23;
	v2 =	vadd.f32 v47, v2;
	v22 =	vadd.s32 v22, v25  }
0x9a: {  	v13 =	vadd.f32 v48, v13;
	v25 =	vmul.f32 $2.000000000e+01, v60;
	vm5 =	vlt.s32 v22, $0x1  }
0x9b: {  	vm6 =	veq.s32 v22, $0x1;
	vm7 =	veq.s32 v22, $0x2;
	vm8 =	veq.s32 v22, $0x3  }
0x9c: {  	vm9 =	veq.s32 v22, $0x4;
	vm10 =	veq.s32 v22, $0x5;
	vm11 =	veq.s32 v22, $0x6  }
0x9d: {  	vm12 =	veq.s32 v22, $0x7;
	vm13 =	veq.s32 v22, $0x8;
	vm14 =	veq.s32 v22, $0x9  }
0x9e: {  	vm15 =	veq.s32 v22, $0xA;
	vm4 =	veq.s32 v22, $0xB;
	v49 =	vsel vm5, $0x3F800000, v1  }
0x9f: {  	v50 =	vsel vm6, $0x3F800000, v1;
	v51 =	vsel vm7, $0x3F800000, v1;
	v52 =	vsel vm8, $0x3F800000, v1  }
0xa0: {  	v53 =	vsel vm9, $0x3F800000, v1;
	v54 =	vsel vm10, $0x3F800000, v1;
	v56 =	vsel vm11, $0x3F800000, v1  }
0xa1: {  	v57 =	vsel vm12, $0x3F800000, v1;
	v58 =	vsel vm13, $0x3F800000, v1;
	v59 =	vsel vm14, $0x3F800000, v1  }
0xa2: {  	v61 =	vsel vm15, $0x3F800000, v1;
	v62 =	vsel vm4, $0x3F800000, v1;
	vm5 =	veq.s32 v22, $0xC  }
0xa3: {  	vm6 =	veq.s32 v22, $0xD;
	v28 =	vtrunc.f32 v25;
	vm7 =	veq.s32 v22, $0xE  }
0xa4: {  	vm8 =	veq.s32 v22, $0xF;
	vm9 =	veq.s32 v22, $0x10;
	v3 =	vadd.f32 v49, v3  }
0xa5: {  	vm10 =	veq.s32 v22, $0x11;
	v5 =	vadd.f32 v50, v5;
	v6 =	vadd.f32 v51, v6  }
0xa6: {  	vm11 =	veq.s32 v22, $0x12;
	v7 =	vadd.f32 v52, v7;
	v8 =	vadd.f32 v53, v8  }
0xa7: {  	vm14 =	veq.s32 v22, $0x13;
	v9 =	vadd.f32 v54, v9;
	v10 =	vadd.f32 v56, v10  }
0xa8: {  	vm15 =	vgt.s32 v22, $0x13;
	v11 =	vadd.f32 v57, v11;
	v12 =	vadd.f32 v58, v12  }
0xa9: {  	v14 =	vadd.f32 v59, v14;
	v15 =	vadd.f32 v61, v15;
	v24 =	vcvt.f32.s32 v28  }
0xaa: {  	v16 =	vadd.f32 v62, v16;
	v63 =	vsel vm5, $0x3F800000, v1;
	v29 =	vsel vm6, $0x3F800000, v1  }
0xab: {  	v30 =	vsel vm7, $0x3F800000, v1;
	v31 =	vsel vm8, $0x3F800000, v1;
	v32 =	vcvt.s32.f32 v24  }
0xac: {  	v46 =	vld [tilespmem:s15+$0x70];
	v33 =	vsel vm9, $0x3F800000, v1;
	v34 =	vsel vm10, $0x3F800000, v1;
	v35 =	vsel vm11, $0x3F800000, v1  }
0xad: {  	v38 =	vsel vm14, $0x3F800000, v1;
	v18 =	vadd.f32 v63, v18;
	v25 =	vsub.f32 v25, v32  }
0xae: {  	v39 =	vsel vm15, $0x3F800000, v1;
	v19 =	vadd.f32 v29, v19;
	v17 =	vadd.f32 v30, v17  }
0xaf: {  	v20 =	vadd.f32 v31, v20;
	v36 =	vand.u32 $0x1, v24;
	vm12 =	veq.f32 v25, $5.000000000e-01  }
0xb0: {  	v21 =	vadd.f32 v33, v21;
	vm13 =	vgt.f32 v25, $5.000000000e-01;
	v37 =	vnsel vm12, $0x0, v36  }
0xb1: {  	v4 =	vadd.f32 v34, v4;
	v51 =	vmul.f32 v46, v0;
	v25 =	vsel vm13, $0x1, v37  }
0xb2: {  	v23 =	vadd.f32 v35, v23;
	v2 =	vadd.f32 v38, v2;
	v24 =	vadd.s32 v24, v25  }
0xb3: {  	v13 =	vadd.f32 v39, v13;
	v25 =	vmul.f32 $2.000000000e+01, v51;
	vm4 =	vlt.s32 v24, $0x1  }
0xb4: {  	vm5 =	veq.s32 v24, $0x1;
	vm6 =	veq.s32 v24, $0x2;
	vm7 =	veq.s32 v24, $0x3  }
0xb5: {  	vm8 =	veq.s32 v24, $0x4;
	vm9 =	veq.s32 v24, $0x5;
	vm10 =	veq.s32 v24, $0x6  }
0xb6: {  	vm11 =	veq.s32 v24, $0x7;
	vm12 =	veq.s32 v24, $0x8;
	vm13 =	veq.s32 v24, $0x9  }
0xb7: {  	vm14 =	veq.s32 v24, $0xA;
	vm15 =	veq.s32 v24, $0xB;
	v40 =	vsel vm4, $0x3F800000, v1  }
0xb8: {  	v41 =	vsel vm5, $0x3F800000, v1;
	v42 =	vsel vm6, $0x3F800000, v1;
	v43 =	vsel vm7, $0x3F800000, v1  }
0xb9: {  	v44 =	vsel vm8, $0x3F800000, v1;
	v45 =	vsel vm9, $0x3F800000, v1;
	v47 =	vsel vm10, $0x3F800000, v1  }
0xba: {  	v48 =	vsel vm11, $0x3F800000, v1;
	v49 =	vsel vm12, $0x3F800000, v1;
	v50 =	vsel vm13, $0x3F800000, v1  }
0xbb: {  	v52 =	vsel vm14, $0x3F800000, v1;
	v53 =	vsel vm15, $0x3F800000, v1;
	vm4 =	veq.s32 v24, $0xC  }
0xbc: {  	vm5 =	veq.s32 v24, $0xD;
	v55 =	vtrunc.f32 v25;
	vm6 =	veq.s32 v24, $0xE  }
0xbd: {  	vm7 =	veq.s32 v24, $0xF;
	vm8 =	veq.s32 v24, $0x10;
	v3 =	vadd.f32 v40, v3  }
0xbe: {  	vm9 =	veq.s32 v24, $0x11;
	v5 =	vadd.f32 v41, v5;
	v6 =	vadd.f32 v42, v6  }
0xbf: {  	vm10 =	veq.s32 v24, $0x12;
	v7 =	vadd.f32 v43, v7;
	v8 =	vadd.f32 v44, v8  }
0xc0: {  	vm13 =	veq.s32 v24, $0x13;
	v9 =	vadd.f32 v45, v9;
	v10 =	vadd.f32 v47, v10  }
0xc1: {  	vm14 =	vgt.s32 v24, $0x13;
	v11 =	vadd.f32 v48, v11;
	v12 =	vadd.f32 v49, v12  }
0xc2: {  	v38 =	vld [tilespmem:s15+$0x80];
	v14 =	vadd.f32 v50, v14;
	v15 =	vadd.f32 v52, v15;
	v22 =	vcvt.f32.s32 v55  }
0xc3: {  	v16 =	vadd.f32 v53, v16;
	v54 =	vsel vm4, $0x3F800000, v1;
	v56 =	vsel vm5, $0x3F800000, v1  }
0xc4: {  	v57 =	vsel vm6, $0x3F800000, v1;
	v58 =	vsel vm7, $0x3F800000, v1;
	v59 =	vcvt.s32.f32 v22  }
0xc5: {  	v60 =	vsel vm8, $0x3F800000, v1;
	v61 =	vsel vm9, $0x3F800000, v1;
	v62 =	vsel vm10, $0x3F800000, v1  }
0xc6: {  	v30 =	vsel vm13, $0x3F800000, v1;
	v31 =	vsel vm14, $0x3F800000, v1;
	v25 =	vsub.f32 v25, v59  }
0xc7: {  	v43 =	vmul.f32 v38, v0;
	v18 =	vadd.f32 v54, v18;
	v19 =	vadd.f32 v56, v19  }
0xc8: {  	v17 =	vadd.f32 v57, v17;
	v63 =	vand.u32 $0x1, v22;
	vm11 =	veq.f32 v25, $5.000000000e-01  }
0xc9: {  	v20 =	vadd.f32 v58, v20;
	vm12 =	vgt.f32 v25, $5.000000000e-01;
	v29 =	vnsel vm11, $0x0, v63  }
0xca: {  	v21 =	vadd.f32 v60, v21;
	v4 =	vadd.f32 v61, v4;
	v25 =	vsel vm12, $0x1, v29  }
0xcb: {  	v23 =	vadd.f32 v62, v23;
	v2 =	vadd.f32 v30, v2;
	v22 =	vadd.s32 v22, v25  }
0xcc: {  	v13 =	vadd.f32 v31, v13;
	v25 =	vmul.f32 $2.000000000e+01, v43;
	vm15 =	vlt.s32 v22, $0x1  }
0xcd: {  	vm4 =	veq.s32 v22, $0x1;
	vm5 =	veq.s32 v22, $0x2;
	vm6 =	veq.s32 v22, $0x3  }
0xce: {  	vm7 =	veq.s32 v22, $0x4;
	vm8 =	veq.s32 v22, $0x5;
	vm9 =	veq.s32 v22, $0x6  }
0xcf: {  	vm10 =	veq.s32 v22, $0x7;
	vm11 =	veq.s32 v22, $0x8;
	vm12 =	veq.s32 v22, $0x9  }
0xd0: {  	vm13 =	veq.s32 v22, $0xA;
	vm14 =	veq.s32 v22, $0xB;
	v32 =	vsel vm15, $0x3F800000, v1  }
0xd1: {  	v33 =	vsel vm4, $0x3F800000, v1;
	v34 =	vsel vm5, $0x3F800000, v1;
	v35 =	vsel vm6, $0x3F800000, v1  }
0xd2: {  	v36 =	vsel vm7, $0x3F800000, v1;
	v37 =	vsel vm8, $0x3F800000, v1;
	v39 =	vsel vm9, $0x3F800000, v1  }
0xd3: {  	v40 =	vsel vm10, $0x3F800000, v1;
	v41 =	vsel vm11, $0x3F800000, v1;
	v42 =	vsel vm12, $0x3F800000, v1  }
0xd4: {  	v44 =	vsel vm13, $0x3F800000, v1;
	v45 =	vsel vm14, $0x3F800000, v1;
	vm15 =	veq.s32 v22, $0xC  }
0xd5: {  	vm4 =	veq.s32 v22, $0xD;
	v47 =	vtrunc.f32 v25;
	vm5 =	veq.s32 v22, $0xE  }
0xd6: {  	vm6 =	veq.s32 v22, $0xF;
	vm7 =	veq.s32 v22, $0x10;
	v3 =	vadd.f32 v32, v3  }
0xd7: {  	vm8 =	veq.s32 v22, $0x11;
	v5 =	vadd.f32 v33, v5;
	v6 =	vadd.f32 v34, v6  }
0xd8: {  	vm9 =	veq.s32 v22, $0x12;
	v7 =	vadd.f32 v35, v7;
	v8 =	vadd.f32 v36, v8  }
0xd9: {  	vm12 =	veq.s32 v22, $0x13;
	v9 =	vadd.f32 v37, v9;
	v10 =	vadd.f32 v39, v10  }
0xda: {  	vm13 =	vgt.s32 v22, $0x13;
	v11 =	vadd.f32 v40, v11;
	v12 =	vadd.f32 v41, v12  }
0xdb: {  	v14 =	vadd.f32 v42, v14;
	v15 =	vadd.f32 v44, v15;
	v24 =	vcvt.f32.s32 v47  }
0xdc: {  	v16 =	vadd.f32 v45, v16;
	v46 =	vsel vm15, $0x3F800000, v1;
	v48 =	vsel vm4, $0x3F800000, v1  }
0xdd: {  	v49 =	vsel vm5, $0x3F800000, v1;
	v50 =	vsel vm6, $0x3F800000, v1;
	v51 =	vcvt.s32.f32 v24  }
0xde: {  	v29 =	vld [tilespmem:s15+$0x90];
	v52 =	vsel vm7, $0x3F800000, v1;
	v53 =	vsel vm8, $0x3F800000, v1;
	v54 =	vsel vm9, $0x3F800000, v1  }
0xdf: {  	v57 =	vsel vm12, $0x3F800000, v1;
	v18 =	vadd.f32 v46, v18;
	v25 =	vsub.f32 v25, v51  }
0xe0: {  	v58 =	vsel vm13, $0x3F800000, v1;
	v19 =	vadd.f32 v48, v19;
	v17 =	vadd.f32 v49, v17  }
0xe1: {  	v20 =	vadd.f32 v50, v20;
	v55 =	vand.u32 $0x1, v24;
	vm10 =	veq.f32 v25, $5.000000000e-01  }
0xe2: {  	v21 =	vadd.f32 v52, v21;
	vm11 =	vgt.f32 v25, $5.000000000e-01;
	v56 =	vnsel vm10, $0x0, v55  }
0xe3: {  	v4 =	vadd.f32 v53, v4;
	v34 =	vmul.f32 v29, v0;
	v25 =	vsel vm11, $0x1, v56  }
0xe4: {  	v23 =	vadd.f32 v54, v23;
	v2 =	vadd.f32 v57, v2;
	v24 =	vadd.s32 v24, v25  }
0xe5: {  	v13 =	vadd.f32 v58, v13;
	v25 =	vmul.f32 $2.000000000e+01, v34;
	vm14 =	vlt.s32 v24, $0x1  }
0xe6: {  	vm15 =	veq.s32 v24, $0x1;
	vm4 =	veq.s32 v24, $0x2;
	vm5 =	veq.s32 v24, $0x3  }
0xe7: {  	vm6 =	veq.s32 v24, $0x4;
	vm7 =	veq.s32 v24, $0x5;
	vm8 =	veq.s32 v24, $0x6  }
0xe8: {  	vm9 =	veq.s32 v24, $0x7;
	vm10 =	veq.s32 v24, $0x8;
	vm11 =	veq.s32 v24, $0x9  }
0xe9: {  	vm12 =	veq.s32 v24, $0xA;
	vm13 =	veq.s32 v24, $0xB;
	v59 =	vsel vm14, $0x3F800000, v1  }
0xea: {  	v60 =	vsel vm15, $0x3F800000, v1;
	v61 =	vsel vm4, $0x3F800000, v1;
	v62 =	vsel vm5, $0x3F800000, v1  }
0xeb: {  	v63 =	vsel vm6, $0x3F800000, v1;
	v28 =	vsel vm7, $0x3F800000, v1;
	v30 =	vsel vm8, $0x3F800000, v1  }
0xec: {  	v31 =	vsel vm9, $0x3F800000, v1;
	v32 =	vsel vm10, $0x3F800000, v1;
	v33 =	vsel vm11, $0x3F800000, v1  }
0xed: {  	v35 =	vsel vm12, $0x3F800000, v1;
	v36 =	vsel vm13, $0x3F800000, v1;
	vm14 =	veq.s32 v24, $0xC  }
0xee: {  	vm15 =	veq.s32 v24, $0xD;
	v38 =	vtrunc.f32 v25;
	vm4 =	veq.s32 v24, $0xE  }
0xef: {  	vm5 =	veq.s32 v24, $0xF;
	vm6 =	veq.s32 v24, $0x10;
	v3 =	vadd.f32 v59, v3  }
0xf0: {  	vm7 =	veq.s32 v24, $0x11;
	v5 =	vadd.f32 v60, v5;
	v6 =	vadd.f32 v61, v6  }
0xf1: {  	vm8 =	veq.s32 v24, $0x12;
	v7 =	vadd.f32 v62, v7;
	v8 =	vadd.f32 v63, v8  }
0xf2: {  	vm11 =	veq.s32 v24, $0x13;
	v9 =	vadd.f32 v28, v9;
	v10 =	vadd.f32 v30, v10  }
0xf3: {  	vm12 =	vgt.s32 v24, $0x13;
	v11 =	vadd.f32 v31, v11;
	v12 =	vadd.f32 v32, v12  }
0xf4: {  	v14 =	vadd.f32 v33, v14;
	v15 =	vadd.f32 v35, v15;
	v22 =	vcvt.f32.s32 v38  }
0xf5: {  	v16 =	vadd.f32 v36, v16;
	v37 =	vsel vm14, $0x3F800000, v1;
	v39 =	vsel vm15, $0x3F800000, v1  }
0xf6: {  	v40 =	vsel vm4, $0x3F800000, v1;
	v41 =	vsel vm5, $0x3F800000, v1;
	v42 =	vcvt.s32.f32 v22  }
0xf7: {  	v56 =	vld [tilespmem:s15+$0xA0];
	v43 =	vsel vm6, $0x3F800000, v1;
	v44 =	vsel vm7, $0x3F800000, v1;
	v45 =	vsel vm8, $0x3F800000, v1  }
0xf8: {  	v48 =	vsel vm11, $0x3F800000, v1;
	v18 =	vadd.f32 v37, v18;
	v25 =	vsub.f32 v25, v42  }
0xf9: {  	v49 =	vsel vm12, $0x3F800000, v1;
	v19 =	vadd.f32 v39, v19;
	v17 =	vadd.f32 v40, v17  }
0xfa: {  	v20 =	vadd.f32 v41, v20;
	v46 =	vand.u32 $0x1, v22;
	vm9 =	veq.f32 v25, $5.000000000e-01  }
0xfb: {  	v21 =	vadd.f32 v43, v21;
	vm10 =	vgt.f32 v25, $5.000000000e-01;
	v47 =	vnsel vm9, $0x0, v46  }
0xfc: {  	v4 =	vadd.f32 v44, v4;
	v61 =	vmul.f32 v56, v0;
	v25 =	vsel vm10, $0x1, v47  }
0xfd: {  	v23 =	vadd.f32 v45, v23;
	v2 =	vadd.f32 v48, v2;
	v22 =	vadd.s32 v22, v25  }
0xfe: {  	v13 =	vadd.f32 v49, v13;
	v25 =	vmul.f32 $2.000000000e+01, v61;
	vm13 =	vlt.s32 v22, $0x1  }
0xff: {  	vm14 =	veq.s32 v22, $0x1;
	vm15 =	veq.s32 v22, $0x2;
	vm4 =	veq.s32 v22, $0x3  }
0x100: {  	vm5 =	veq.s32 v22, $0x4;
	vm6 =	veq.s32 v22, $0x5;
	vm7 =	veq.s32 v22, $0x6  }
0x101: {  	vm8 =	veq.s32 v22, $0x7;
	vm9 =	veq.s32 v22, $0x8;
	vm10 =	veq.s32 v22, $0x9  }
0x102: {  	vm11 =	veq.s32 v22, $0xA;
	vm12 =	veq.s32 v22, $0xB;
	v50 =	vsel vm13, $0x3F800000, v1  }
0x103: {  	v51 =	vsel vm14, $0x3F800000, v1;
	v52 =	vsel vm15, $0x3F800000, v1;
	v53 =	vsel vm4, $0x3F800000, v1  }
0x104: {  	v54 =	vsel vm5, $0x3F800000, v1;
	v55 =	vsel vm6, $0x3F800000, v1;
	v57 =	vsel vm7, $0x3F800000, v1  }
0x105: {  	v58 =	vsel vm8, $0x3F800000, v1;
	v59 =	vsel vm9, $0x3F800000, v1;
	v60 =	vsel vm10, $0x3F800000, v1  }
0x106: {  	v62 =	vsel vm11, $0x3F800000, v1;
	v63 =	vsel vm12, $0x3F800000, v1;
	vm13 =	veq.s32 v22, $0xC  }
0x107: {  	vm14 =	veq.s32 v22, $0xD;
	v29 =	vtrunc.f32 v25;
	vm15 =	veq.s32 v22, $0xE  }
0x108: {  	vm4 =	veq.s32 v22, $0xF;
	vm5 =	veq.s32 v22, $0x10;
	v3 =	vadd.f32 v50, v3  }
0x109: {  	vm6 =	veq.s32 v22, $0x11;
	v5 =	vadd.f32 v51, v5;
	v6 =	vadd.f32 v52, v6  }
0x10a: {  	vm7 =	veq.s32 v22, $0x12;
	v7 =	vadd.f32 v53, v7;
	v8 =	vadd.f32 v54, v8  }
0x10b: {  	vm10 =	veq.s32 v22, $0x13;
	v9 =	vadd.f32 v55, v9;
	v10 =	vadd.f32 v57, v10  }
0x10c: {  	vm11 =	vgt.s32 v22, $0x13;
	v11 =	vadd.f32 v58, v11;
	v12 =	vadd.f32 v59, v12  }
0x10d: {  	v14 =	vadd.f32 v60, v14;
	v15 =	vadd.f32 v62, v15;
	v24 =	vcvt.f32.s32 v29  }
0x10e: {  	v16 =	vadd.f32 v63, v16;
	v28 =	vsel vm13, $0x3F800000, v1;
	v30 =	vsel vm14, $0x3F800000, v1  }
0x10f: {  	v31 =	vsel vm15, $0x3F800000, v1;
	v32 =	vsel vm4, $0x3F800000, v1;
	v33 =	vcvt.s32.f32 v24  }
0x110: {  	v47 =	vld [tilespmem:s15+$0xB0];
	v34 =	vsel vm5, $0x3F800000, v1;
	v35 =	vsel vm6, $0x3F800000, v1;
	v36 =	vsel vm7, $0x3F800000, v1  }
0x111: {  	v39 =	vsel vm10, $0x3F800000, v1;
	v18 =	vadd.f32 v28, v18;
	v25 =	vsub.f32 v25, v33  }
0x112: {  	v40 =	vsel vm11, $0x3F800000, v1;
	v19 =	vadd.f32 v30, v19;
	v17 =	vadd.f32 v31, v17  }
0x113: {  	v20 =	vadd.f32 v32, v20;
	v37 =	vand.u32 $0x1, v24;
	vm8 =	veq.f32 v25, $5.000000000e-01  }
0x114: {  	v21 =	vadd.f32 v34, v21;
	vm9 =	vgt.f32 v25, $5.000000000e-01;
	v38 =	vnsel vm8, $0x0, v37  }
0x115: {  	v4 =	vadd.f32 v35, v4;
	v52 =	vmul.f32 v47, v0;
	v25 =	vsel vm9, $0x1, v38  }
0x116: {  	v23 =	vadd.f32 v36, v23;
	v2 =	vadd.f32 v39, v2;
	v24 =	vadd.s32 v24, v25  }
0x117: {  	v13 =	vadd.f32 v40, v13;
	v25 =	vmul.f32 $2.000000000e+01, v52;
	vm12 =	vlt.s32 v24, $0x1  }
0x118: {  	vm13 =	veq.s32 v24, $0x1;
	vm14 =	veq.s32 v24, $0x2;
	vm15 =	veq.s32 v24, $0x3  }
0x119: {  	vm4 =	veq.s32 v24, $0x4;
	vm5 =	veq.s32 v24, $0x5;
	vm6 =	veq.s32 v24, $0x6  }
0x11a: {  	vm7 =	veq.s32 v24, $0x7;
	vm8 =	veq.s32 v24, $0x8;
	vm9 =	veq.s32 v24, $0x9  }
0x11b: {  	vm10 =	veq.s32 v24, $0xA;
	vm11 =	veq.s32 v24, $0xB;
	v41 =	vsel vm12, $0x3F800000, v1  }
0x11c: {  	v42 =	vsel vm13, $0x3F800000, v1;
	v43 =	vsel vm14, $0x3F800000, v1;
	v44 =	vsel vm15, $0x3F800000, v1  }
0x11d: {  	v45 =	vsel vm4, $0x3F800000, v1;
	v46 =	vsel vm5, $0x3F800000, v1;
	v48 =	vsel vm6, $0x3F800000, v1  }
0x11e: {  	v49 =	vsel vm7, $0x3F800000, v1;
	v50 =	vsel vm8, $0x3F800000, v1;
	v51 =	vsel vm9, $0x3F800000, v1  }
0x11f: {  	v53 =	vsel vm10, $0x3F800000, v1;
	v54 =	vsel vm11, $0x3F800000, v1;
	vm12 =	veq.s32 v24, $0xC  }
0x120: {  	vm13 =	veq.s32 v24, $0xD;
	v56 =	vtrunc.f32 v25;
	vm14 =	veq.s32 v24, $0xE  }
0x121: {  	vm15 =	veq.s32 v24, $0xF;
	vm4 =	veq.s32 v24, $0x10;
	v3 =	vadd.f32 v41, v3  }
0x122: {  	vm5 =	veq.s32 v24, $0x11;
	v5 =	vadd.f32 v42, v5;
	v6 =	vadd.f32 v43, v6  }
0x123: {  	vm6 =	veq.s32 v24, $0x12;
	v7 =	vadd.f32 v44, v7;
	v8 =	vadd.f32 v45, v8  }
0x124: {  	vm9 =	veq.s32 v24, $0x13;
	v9 =	vadd.f32 v46, v9;
	v10 =	vadd.f32 v48, v10  }
0x125: {  	vm10 =	vgt.s32 v24, $0x13;
	v11 =	vadd.f32 v49, v11;
	v12 =	vadd.f32 v50, v12  }
0x126: {  	v40 =	vld [tilespmem:s15+$0xC0];
	v14 =	vadd.f32 v51, v14;
	v15 =	vadd.f32 v53, v15;
	v22 =	vcvt.f32.s32 v56  }
0x127: {  	v16 =	vadd.f32 v54, v16;
	v55 =	vsel vm12, $0x3F800000, v1;
	v57 =	vsel vm13, $0x3F800000, v1  }
0x128: {  	v58 =	vsel vm14, $0x3F800000, v1;
	v59 =	vsel vm15, $0x3F800000, v1;
	v60 =	vcvt.s32.f32 v22  }
0x129: {  	v61 =	vsel vm4, $0x3F800000, v1;
	v62 =	vsel vm5, $0x3F800000, v1;
	v63 =	vsel vm6, $0x3F800000, v1  }
0x12a: {  	v32 =	vsel vm9, $0x3F800000, v1;
	v33 =	vsel vm10, $0x3F800000, v1;
	v25 =	vsub.f32 v25, v60  }
0x12b: {  	v45 =	vmul.f32 v40, v0;
	v18 =	vadd.f32 v55, v18;
	v19 =	vadd.f32 v57, v19  }
0x12c: {  	v17 =	vadd.f32 v58, v17;
	v30 =	vand.u32 $0x1, v22;
	vm7 =	veq.f32 v25, $5.000000000e-01  }
0x12d: {  	v20 =	vadd.f32 v59, v20;
	vm8 =	vgt.f32 v25, $5.000000000e-01;
	v31 =	vnsel vm7, $0x0, v30  }
0x12e: {  	v21 =	vadd.f32 v61, v21;
	v4 =	vadd.f32 v62, v4;
	v25 =	vsel vm8, $0x1, v31  }
0x12f: {  	v23 =	vadd.f32 v63, v23;
	v2 =	vadd.f32 v32, v2;
	v22 =	vadd.s32 v22, v25  }
0x130: {  	v13 =	vadd.f32 v33, v13;
	v25 =	vmul.f32 $2.000000000e+01, v45;
	vm11 =	vlt.s32 v22, $0x1  }
0x131: {  	vm12 =	veq.s32 v22, $0x1;
	vm13 =	veq.s32 v22, $0x2;
	vm14 =	veq.s32 v22, $0x3  }
0x132: {  	vm15 =	veq.s32 v22, $0x4;
	vm4 =	veq.s32 v22, $0x5;
	vm5 =	veq.s32 v22, $0x6  }
0x133: {  	vm6 =	veq.s32 v22, $0x7;
	vm7 =	veq.s32 v22, $0x8;
	vm8 =	veq.s32 v22, $0x9  }
0x134: {  	vm9 =	veq.s32 v22, $0xA;
	vm10 =	veq.s32 v22, $0xB;
	v34 =	vsel vm11, $0x3F800000, v1  }
0x135: {  	v35 =	vsel vm12, $0x3F800000, v1;
	v36 =	vsel vm13, $0x3F800000, v1;
	v37 =	vsel vm14, $0x3F800000, v1  }
0x136: {  	v38 =	vsel vm15, $0x3F800000, v1;
	v39 =	vsel vm4, $0x3F800000, v1;
	v41 =	vsel vm5, $0x3F800000, v1  }
0x137: {  	v42 =	vsel vm6, $0x3F800000, v1;
	v43 =	vsel vm7, $0x3F800000, v1;
	v44 =	vsel vm8, $0x3F800000, v1  }
0x138: {  	v46 =	vsel vm9, $0x3F800000, v1;
	v47 =	vsel vm10, $0x3F800000, v1;
	vm11 =	veq.s32 v22, $0xC  }
0x139: {  	vm12 =	veq.s32 v22, $0xD;
	v49 =	vtrunc.f32 v25;
	vm13 =	veq.s32 v22, $0xE  }
0x13a: {  	vm14 =	veq.s32 v22, $0xF;
	vm15 =	veq.s32 v22, $0x10;
	v3 =	vadd.f32 v34, v3  }
0x13b: {  	vm4 =	veq.s32 v22, $0x11;
	v5 =	vadd.f32 v35, v5;
	v6 =	vadd.f32 v36, v6  }
0x13c: {  	vm5 =	veq.s32 v22, $0x12;
	v7 =	vadd.f32 v37, v7;
	v8 =	vadd.f32 v38, v8  }
0x13d: {  	vm8 =	veq.s32 v22, $0x13;
	v9 =	vadd.f32 v39, v9;
	v10 =	vadd.f32 v41, v10  }
0x13e: {  	vm9 =	vgt.s32 v22, $0x13;
	v11 =	vadd.f32 v42, v11;
	v12 =	vadd.f32 v43, v12  }
0x13f: {  	v30 =	vld [tilespmem:s15+$0xD0];
	v14 =	vadd.f32 v44, v14;
	v15 =	vadd.f32 v46, v15;
	v24 =	vcvt.f32.s32 v49  }
0x140: {  	v16 =	vadd.f32 v47, v16;
	v48 =	vsel vm11, $0x3F800000, v1;
	v50 =	vsel vm12, $0x3F800000, v1  }
0x141: {  	v51 =	vsel vm13, $0x3F800000, v1;
	v52 =	vsel vm14, $0x3F800000, v1;
	v53 =	vcvt.s32.f32 v24  }
0x142: {  	v54 =	vsel vm15, $0x3F800000, v1;
	v55 =	vsel vm4, $0x3F800000, v1;
	v56 =	vsel vm5, $0x3F800000, v1  }
0x143: {  	v59 =	vsel vm8, $0x3F800000, v1;
	v60 =	vsel vm9, $0x3F800000, v1;
	v25 =	vsub.f32 v25, v53  }
0x144: {  	v35 =	vmul.f32 v30, v0;
	v18 =	vadd.f32 v48, v18;
	v19 =	vadd.f32 v50, v19  }
0x145: {  	v17 =	vadd.f32 v51, v17;
	v57 =	vand.u32 $0x1, v24;
	vm6 =	veq.f32 v25, $5.000000000e-01  }
0x146: {  	v20 =	vadd.f32 v52, v20;
	vm7 =	vgt.f32 v25, $5.000000000e-01;
	v58 =	vnsel vm6, $0x0, v57  }
0x147: {  	v21 =	vadd.f32 v54, v21;
	v4 =	vadd.f32 v55, v4;
	v25 =	vsel vm7, $0x1, v58  }
0x148: {  	v23 =	vadd.f32 v56, v23;
	v2 =	vadd.f32 v59, v2;
	v24 =	vadd.s32 v24, v25  }
0x149: {  	v13 =	vadd.f32 v60, v13;
	v25 =	vmul.f32 $2.000000000e+01, v35;
	vm10 =	vlt.s32 v24, $0x1  }
0x14a: {  	vm11 =	veq.s32 v24, $0x1;
	vm12 =	veq.s32 v24, $0x2;
	vm13 =	veq.s32 v24, $0x3  }
0x14b: {  	vm14 =	veq.s32 v24, $0x4;
	vm15 =	veq.s32 v24, $0x5;
	vm4 =	veq.s32 v24, $0x6  }
0x14c: {  	vm5 =	veq.s32 v24, $0x7;
	vm6 =	veq.s32 v24, $0x8;
	vm7 =	veq.s32 v24, $0x9  }
0x14d: {  	vm8 =	veq.s32 v24, $0xA;
	vm9 =	veq.s32 v24, $0xB;
	v61 =	vsel vm10, $0x3F800000, v1  }
0x14e: {  	v62 =	vsel vm11, $0x3F800000, v1;
	v63 =	vsel vm12, $0x3F800000, v1;
	v27 =	vsel vm13, $0x3F800000, v1  }
0x14f: {  	v28 =	vsel vm14, $0x3F800000, v1;
	v29 =	vsel vm15, $0x3F800000, v1;
	v31 =	vsel vm4, $0x3F800000, v1  }
0x150: {  	v32 =	vsel vm5, $0x3F800000, v1;
	v33 =	vsel vm6, $0x3F800000, v1;
	v34 =	vsel vm7, $0x3F800000, v1  }
0x151: {  	v36 =	vsel vm8, $0x3F800000, v1;
	v37 =	vsel vm9, $0x3F800000, v1;
	vm10 =	veq.s32 v24, $0xC  }
0x152: {  	vm11 =	veq.s32 v24, $0xD;
	v39 =	vtrunc.f32 v25;
	vm12 =	veq.s32 v24, $0xE  }
0x153: {  	vm13 =	veq.s32 v24, $0xF;
	vm14 =	veq.s32 v24, $0x10;
	v3 =	vadd.f32 v61, v3  }
0x154: {  	vm15 =	veq.s32 v24, $0x11;
	v5 =	vadd.f32 v62, v5;
	v6 =	vadd.f32 v63, v6  }
0x155: {  	vm4 =	veq.s32 v24, $0x12;
	v7 =	vadd.f32 v27, v7;
	v8 =	vadd.f32 v28, v8  }
0x156: {  	vm7 =	veq.s32 v24, $0x13;
	v9 =	vadd.f32 v29, v9;
	v10 =	vadd.f32 v31, v10  }
0x157: {  	vm8 =	vgt.s32 v24, $0x13;
	v11 =	vadd.f32 v32, v11;
	v12 =	vadd.f32 v33, v12  }
0x158: {  	v57 =	vld [tilespmem:s15+$0xE0];
	v14 =	vadd.f32 v34, v14;
	v15 =	vadd.f32 v36, v15;
	v22 =	vcvt.f32.s32 v39  }
0x159: {  	v16 =	vadd.f32 v37, v16;
	v38 =	vsel vm10, $0x3F800000, v1;
	v40 =	vsel vm11, $0x3F800000, v1  }
0x15a: {  	v41 =	vsel vm12, $0x3F800000, v1;
	v42 =	vsel vm13, $0x3F800000, v1;
	v43 =	vcvt.s32.f32 v22  }
0x15b: {  	v44 =	vsel vm14, $0x3F800000, v1;
	v45 =	vsel vm15, $0x3F800000, v1;
	v46 =	vsel vm4, $0x3F800000, v1  }
0x15c: {  	v49 =	vsel vm7, $0x3F800000, v1;
	v50 =	vsel vm8, $0x3F800000, v1;
	v25 =	vsub.f32 v25, v43  }
0x15d: {  	v62 =	vmul.f32 v57, v0;
	v18 =	vadd.f32 v38, v18;
	v19 =	vadd.f32 v40, v19  }
0x15e: {  	v17 =	vadd.f32 v41, v17;
	v47 =	vand.u32 $0x1, v22;
	vm5 =	veq.f32 v25, $5.000000000e-01  }
0x15f: {  	v20 =	vadd.f32 v42, v20;
	vm6 =	vgt.f32 v25, $5.000000000e-01;
	v48 =	vnsel vm5, $0x0, v47  }
0x160: {  	v21 =	vadd.f32 v44, v21;
	v4 =	vadd.f32 v45, v4;
	v25 =	vsel vm6, $0x1, v48  }
0x161: {  	v23 =	vadd.f32 v46, v23;
	v2 =	vadd.f32 v49, v2;
	v22 =	vadd.s32 v22, v25  }
0x162: {  	v13 =	vadd.f32 v50, v13;
	v25 =	vmul.f32 $2.000000000e+01, v62;
	vm9 =	vlt.s32 v22, $0x1  }
0x163: {  	vm10 =	veq.s32 v22, $0x1;
	vm11 =	veq.s32 v22, $0x2;
	vm12 =	veq.s32 v22, $0x3  }
0x164: {  	vm13 =	veq.s32 v22, $0x4;
	vm14 =	veq.s32 v22, $0x5;
	vm15 =	veq.s32 v22, $0x6  }
0x165: {  	vm4 =	veq.s32 v22, $0x7;
	vm5 =	veq.s32 v22, $0x8;
	vm6 =	veq.s32 v22, $0x9  }
0x166: {  	vm7 =	veq.s32 v22, $0xA;
	vm8 =	veq.s32 v22, $0xB;
	v51 =	vsel vm9, $0x3F800000, v1  }
0x167: {  	v52 =	vsel vm10, $0x3F800000, v1;
	v53 =	vsel vm11, $0x3F800000, v1;
	v54 =	vsel vm12, $0x3F800000, v1  }
0x168: {  	v55 =	vsel vm13, $0x3F800000, v1;
	v56 =	vsel vm14, $0x3F800000, v1;
	v58 =	vsel vm15, $0x3F800000, v1  }
0x169: {  	v59 =	vsel vm4, $0x3F800000, v1;
	v60 =	vsel vm5, $0x3F800000, v1;
	v61 =	vsel vm6, $0x3F800000, v1  }
0x16a: {  	v63 =	vsel vm7, $0x3F800000, v1;
	v28 =	vsel vm8, $0x3F800000, v1;
	vm9 =	veq.s32 v22, $0xC  }
0x16b: {  	vm10 =	veq.s32 v22, $0xD;
	v30 =	vtrunc.f32 v25;
	vm11 =	veq.s32 v22, $0xE  }
0x16c: {  	vm12 =	veq.s32 v22, $0xF;
	vm13 =	veq.s32 v22, $0x10;
	v3 =	vadd.f32 v51, v3  }
0x16d: {  	vm14 =	veq.s32 v22, $0x11;
	v5 =	vadd.f32 v52, v5;
	v6 =	vadd.f32 v53, v6  }
0x16e: {  	vm15 =	veq.s32 v22, $0x12;
	v7 =	vadd.f32 v54, v7;
	v8 =	vadd.f32 v55, v8  }
0x16f: {  	vm6 =	veq.s32 v22, $0x13;
	v9 =	vadd.f32 v56, v9;
	v10 =	vadd.f32 v58, v10  }
0x170: {  	vm7 =	vgt.s32 v22, $0x13;
	v11 =	vadd.f32 v59, v11;
	v12 =	vadd.f32 v60, v12  }
0x171: {  	v14 =	vadd.f32 v61, v14;
	v15 =	vadd.f32 v63, v15;
	v24 =	vcvt.f32.s32 v30  }
0x172: {  	v16 =	vadd.f32 v28, v16;
	v29 =	vsel vm9, $0x3F800000, v1;
	v31 =	vsel vm10, $0x3F800000, v1  }
0x173: {  	v32 =	vsel vm11, $0x3F800000, v1;
	v33 =	vsel vm12, $0x3F800000, v1;
	v34 =	vcvt.s32.f32 v24  }
0x174: {  	v48 =	vld [tilespmem:s15+$0xF0];
	v35 =	vsel vm13, $0x3F800000, v1;
	v36 =	vsel vm14, $0x3F800000, v1;
	v37 =	vsel vm15, $0x3F800000, v1  }
0x175: {  	v40 =	vsel vm6, $0x3F800000, v1;
	v18 =	vadd.f32 v29, v18;
	v25 =	vsub.f32 v25, v34  }
0x176: {  	v41 =	vsel vm7, $0x3F800000, v1;
	v19 =	vadd.f32 v31, v19;
	v17 =	vadd.f32 v32, v17  }
0x177: {  	v20 =	vadd.f32 v33, v20;
	v38 =	vand.u32 $0x1, v24;
	vm4 =	veq.f32 v25, $5.000000000e-01  }
0x178: {  	v21 =	vadd.f32 v35, v21;
	vm5 =	vgt.f32 v25, $5.000000000e-01;
	v39 =	vnsel vm4, $0x0, v38  }
0x179: {  	v4 =	vadd.f32 v36, v4;
	v53 =	vmul.f32 v48, v0;
	v25 =	vsel vm5, $0x1, v39  }
0x17a: {  	v23 =	vadd.f32 v37, v23;
	v2 =	vadd.f32 v40, v2;
	v24 =	vadd.s32 v24, v25  }
0x17b: {  	v13 =	vadd.f32 v41, v13;
	v25 =	vmul.f32 $2.000000000e+01, v53;
	vm8 =	vlt.s32 v24, $0x1  }
0x17c: {  	vm9 =	veq.s32 v24, $0x1;
	vm10 =	veq.s32 v24, $0x2;
	vm11 =	veq.s32 v24, $0x3  }
0x17d: {  	vm12 =	veq.s32 v24, $0x4;
	vm13 =	veq.s32 v24, $0x5;
	vm14 =	veq.s32 v24, $0x6  }
0x17e: {  	vm15 =	veq.s32 v24, $0x7;
	vm4 =	veq.s32 v24, $0x8;
	vm5 =	veq.s32 v24, $0x9  }
0x17f: {  	vm6 =	veq.s32 v24, $0xA;
	vm7 =	veq.s32 v24, $0xB;
	v42 =	vsel vm8, $0x3F800000, v1  }
0x180: {  	v43 =	vsel vm9, $0x3F800000, v1;
	v44 =	vsel vm10, $0x3F800000, v1;
	v45 =	vsel vm11, $0x3F800000, v1  }
0x181: {  	v46 =	vsel vm12, $0x3F800000, v1;
	v47 =	vsel vm13, $0x3F800000, v1;
	v49 =	vsel vm14, $0x3F800000, v1  }
0x182: {  	v50 =	vsel vm15, $0x3F800000, v1;
	v51 =	vsel vm4, $0x3F800000, v1;
	v52 =	vsel vm5, $0x3F800000, v1  }
0x183: {  	v54 =	vsel vm6, $0x3F800000, v1;
	v55 =	vsel vm7, $0x3F800000, v1;
	vm8 =	veq.s32 v24, $0xC  }
0x184: {  	vm9 =	veq.s32 v24, $0xD;
	v57 =	vtrunc.f32 v25;
	vm10 =	veq.s32 v24, $0xE  }
0x185: {  	vm11 =	veq.s32 v24, $0xF;
	vm12 =	veq.s32 v24, $0x10;
	v3 =	vadd.f32 v42, v3  }
0x186: {  	vm13 =	veq.s32 v24, $0x11;
	v5 =	vadd.f32 v43, v5;
	v6 =	vadd.f32 v44, v6  }
0x187: {  	vm14 =	veq.s32 v24, $0x12;
	v7 =	vadd.f32 v45, v7;
	v8 =	vadd.f32 v46, v8  }
0x188: {  	vm5 =	veq.s32 v24, $0x13;
	v9 =	vadd.f32 v47, v9;
	v10 =	vadd.f32 v49, v10  }
0x189: {  	v11 =	vadd.f32 v50, v11;
	v12 =	vadd.f32 v51, v12;
	v22 =	vcvt.f32.s32 v57  }
0x18a: {  	vm6 =	vgt.s32 v24, $0x13;
	v14 =	vadd.f32 v52, v14;
	v15 =	vadd.f32 v54, v15  }
0x18b: {  	v16 =	vadd.f32 v55, v16;
	v56 =	vsel vm8, $0x3F800000, v1;
	v61 =	vcvt.s32.f32 v22  }
0x18c: {  	v58 =	vsel vm9, $0x3F800000, v1;
	v59 =	vsel vm10, $0x3F800000, v1;
	v60 =	vsel vm11, $0x3F800000, v1  }
0x18d: {  	v62 =	vsel vm12, $0x3F800000, v1;
	v63 =	vsel vm13, $0x3F800000, v1;
	v25 =	vsub.f32 v25, v61  }
0x18e: {  	v29 =	vsel vm14, $0x3F800000, v1;
	v31 =	vsel vm5, $0x3F800000, v1;
	v32 =	vsel vm6, $0x3F800000, v1  }
0x18f: {  	v18 =	vadd.f32 v56, v18;
	v28 =	vand.u32 $0x1, v22;
	vm15 =	veq.f32 v25, $5.000000000e-01  }
0x190: {  	v19 =	vadd.f32 v58, v19;
	vm4 =	vgt.f32 v25, $5.000000000e-01;
	v26 =	vnsel vm15, $0x0, v28  }
0x191: {  	v17 =	vadd.f32 v59, v17;
	v20 =	vadd.f32 v60, v20;
	v30 =	vsel vm4, $0x1, v26  }
0x192: {  	v21 =	vadd.f32 v62, v21;
	v4 =	vadd.f32 v63, v4;
	v22 =	vadd.s32 v22, v30  }
0x193: {  	v23 =	vadd.f32 v29, v23;
	v2 =	vadd.f32 v31, v2;
	vm7 =	vlt.s32 v22, $0x1  }
0x194: {  	v13 =	vadd.f32 v32, v13;
	vm8 =	veq.s32 v22, $0x1;
	v33 =	vsel vm7, $0x3F800000, v1  }
0x195: {  	vm9 =	veq.s32 v22, $0x2;
	v34 =	vsel vm8, $0x3F800000, v1;
	v3 =	vadd.f32 v33, v3  }
0x196: {  	vm11 =	veq.s32 v22, $0x4;
	v35 =	vsel vm9, $0x3F800000, v1;
	v5 =	vadd.f32 v34, v5  }
0x197: {  	vm12 =	veq.s32 v22, $0x5;
	v37 =	vsel vm11, $0x3F800000, v1;
	v6 =	vadd.f32 v35, v6;
	[tilespmem:s14+$0xFFFFFB00] =	vst v3  }
0x198: {  	vm14 =	veq.s32 v22, $0x7;
	v39 =	vsel vm12, $0x3F800000, v1;
	v38 =	vadd.f32 v37, v8;
	[tilespmem:s14+$0xFFFFFB80] =	vst v5  }
0x199: {  	vm15 =	veq.s32 v22, $0x8;
	v42 =	vsel vm14, $0x3F800000, v1;
	v40 =	vadd.f32 v39, v9;
	[tilespmem:s14+$0xFFFFFC00] =	vst v6  }
0x19a: {  	vm5 =	veq.s32 v22, $0xA;
	v44 =	vsel vm15, $0x3F800000, v1;
	v43 =	vadd.f32 v42, v11;
	[tilespmem:s14+$0xFFFFFD00] =	vst v38  }
0x19b: {  	vm6 =	veq.s32 v22, $0xB;
	v47 =	vsel vm5, $0x3F800000, v1;
	v45 =	vadd.f32 v44, v12;
	[tilespmem:s14+$0xFFFFFD80] =	vst v40  }
0x19c: {  	v49 =	vsel vm6, $0x3F800000, v1;
	vm8 =	veq.s32 v22, $0xD;
	v48 =	vadd.f32 v47, v15;
	[tilespmem:s14+$0xFFFFFE80] =	vst v43  }
0x19d: {  	vm10 =	veq.s32 v22, $0x3;
	v50 =	vadd.f32 v49, v16;
	v52 =	vsel vm8, $0x3F800000, v1;
	[tilespmem:s14+$0xFFFFFF00] =	vst v45  }
0x19e: {  	v36 =	vsel vm10, $0x3F800000, v1;
	vm9 =	veq.s32 v22, $0xE;
	v53 =	vadd.f32 v52, v19;
	[tilespmem:s14+$0x0] =	vst v48  }
0x19f: {  	vm13 =	veq.s32 v22, $0x6;
	v54 =	vsel vm9, $0x3F800000, v1;
	v3 =	vadd.f32 v36, v7;
	[tilespmem:s14+$0x80] =	vst v50  }
0x1a0: {  	v41 =	vsel vm13, $0x3F800000, v1;
	vm11 =	veq.s32 v22, $0x10;
	v55 =	vadd.f32 v54, v17;
	[tilespmem:s14+$0x180] =	vst v53  }
0x1a1: {  	vm4 =	veq.s32 v22, $0x9;
	v57 =	vsel vm11, $0x3F800000, v1;
	[tilespmem:s14+$0xFFFFFC80] =	vst v3;
	v3 =	vadd.f32 v41, v10  }
0x1a2: {  	v46 =	vsel vm4, $0x3F800000, v1;
	vm12 =	veq.s32 v22, $0x11;
	v58 =	vadd.f32 v57, v21;
	[tilespmem:s14+$0x200] =	vst v55  }
0x1a3: {  	vm7 =	veq.s32 v22, $0xC;
	v59 =	vsel vm12, $0x3F800000, v1;
	[tilespmem:s14+$0xFFFFFE00] =	vst v3;
	v3 =	vadd.f32 v46, v14  }
0x1a4: {  	vm14 =	veq.s32 v22, $0x13;
	v51 =	vsel vm7, $0x3F800000, v1;
	v4 =	vadd.f32 v59, v4;
	[tilespmem:s14+$0x300] =	vst v58  }
0x1a5: {  	vm10 =	veq.s32 v22, $0xF;
	v61 =	vsel vm14, $0x3F800000, v1;
	[tilespmem:s14+$0xFFFFFF80] =	vst v3;
	v3 =	vadd.f32 v51, v18  }
0x1a6: {  	p0 =	sne.s32 s13, $0x1C00;
	vm15 =	vgt.s32 v22, $0x13;
	v56 =	vsel vm10, $0x3F800000, v1;
	v2 =	vadd.f32 v61, v2;
	[tilespmem:s14+$0x380] =	vst v4  }
.Ltmp1:
0x1a7: {  	vm13 =	veq.s32 v22, $0x12;
	v62 =	vsel vm15, $0x3F800000, v1;
	[tilespmem:s14+$0x100] =	vst v3;
	v3 =	vadd.f32 v56, v20;
	(pc) =	sbr.rel @p0 .LBB2_3-.Ltmp1, $4  }
0x1a8: {  	v60 =	vsel vm13, $0x3F800000, v1;
	v63 =	vadd.f32 v62, v13;
	[tilespmem:s14+$0x480] =	vst v2  }
0x1a9: {  	[tilespmem:s14+$0x280] =	vst v3;
	v3 =	vadd.f32 v60, v23  }
0x1aa: {  	[tilespmem:s14+$0x500] =	vst v63  }
0x1ab: {  	s13 =	sadd.s32 $0x400, s13;
	[tilespmem:s14+$0x400] =	vst v3;
	s14 =	sadd.s32 $0x10, s14  }
0x1ac: {  	[hbm4b:s3+s7] =	stream.strided.scatter [tilespmem:s9], [sflag:$0x1], $0x800, s8, s7, $0x38;
	[tilespmem:$0x1400] =	vst v63  }
0x1ad: {  	s12 =	sadd.s32 $0x1, s12  }
0x1ae: {  	p0 =	sne.s32 s12, s5  }
.Ltmp2:
0x1af: {  	_ = 	snop;
	(pc) =	sbr.rel @p0 .LBB2_2-.Ltmp2, $4  }
0x1b0: {  	[hbm4b:s10+s1] =	stream.linear.scatter [tilespmem:s11], [sflag:$0x1], $0x280, $0x38;
	[tilespmem:$0x1400] =	vst v63  }
0x1b1: {  	_ =	swait.ge [sflag:s6], $0xA80  }
0x1b2: {  	[sflag:s6] =	ssyncset.done $0x0  }
0x1b3: {  	[sflag:s6] =	ssyncadd.s32 $0xFFFFF580  }
.LBB2_5:
0x1b4: {  	_ =	sfence.sel $0x180000  }
0x1b5: {  	[bflag:$0x0] =	sbarrier.arrive $0xFFFF  }
0x1b6: {  	p0 =	sne.s32 s2, $0x0;
	_ =	strace $0x90000047  }
0x1b7: {  	s0 =	sadd.s32 @!p0 $0x100000, s0;
	[bflag:$0x2] =	sbarrier.arrive $0xFFFF  }
0x1b8: {  	[sflag:s0] =	ssyncadd.tile.s32 @!p0 $0x1;
	_ =	shalt  }
.Lfunc_end2:
_tile_overlayer_lowered:
.L_overlay_start_2:
0x1b9: {  	(tag) =	ssettag $0x2  }
0x1ba: {  	s0 =	rddreg [dreg:$0x0];
	s2 =	stileid.u32  }
0x1bb: {  	s1 =	rddreg [dreg:$0x1];
	p0 =	sne.s32 s2, $0x0  }
0x1bc: {  	s3 =	rddreg [dreg:$0x2];
	[bflag:$0x3] =	sbarrier.arrive $0xFFFF;
	s2 =	simm.s32 @!p0 $0x1C01  }
0x1bd: {  	[timem:s3], [sflag:s2] =	dma.local @!p0 [hbm:s0], s1  }
0x1be: {  	s0 =	simm.s32 @!p0 $0x1  }
0x1bf: {  	_ =	swait.ge @!p0 [sflag:s0], s1  }
0x1c0: {  	s1 =	ssub.s32 @!p0 $0x0, s1;
	[sflag:s0] =	ssyncset.done @!p0 $0x0  }
0x1c1: {  	[sflag:s0] =	ssyncadd.s32 @!p0 s1  }
0x1c2: {  	[bflag:$0x3] =	sbarrier.arrive $0xFFFF  }
0x1c3: {  	_ =	shalt  }

</sc_bundles>
